<compile_context>
chip_gen: v7x
topology: tpu7x:2x2x1
jax: 0.10.2.dev20260603
libtpu: 0.0.44.dev20260713+nightly
codegen_flags: <defaults>
</compile_context>

<pallas_src>
import functools

import jax
import jax.numpy as jnp
from jax import lax
from jax.experimental import pallas as pl
from jax.experimental.pallas import tpu as pltpu
from jax.experimental.pallas import tpu_sc as plsc

B = 4096
L = 200
V = 128
D = 32
NC = 2
NS = 16
LANES = 16
NW = NC * NS
BPW = B // NW
G = BPW // LANES
ROT = 13


def _sc_body(x_hbm, tab_hbm, w_hbm, b_hbm, out_hbm,
             x_vm, tab_vm, w_vm, b_vm, vrep_vm, out_vm):
    cid = lax.axis_index("c")
    sid = lax.axis_index("s")
    wid = sid * NC + cid

    pltpu.sync_copy(x_hbm.at[pl.ds(wid * BPW, BPW)], x_vm)
    pltpu.sync_copy(tab_hbm, tab_vm)
    pltpu.sync_copy(w_hbm, w_vm)
    pltpu.sync_copy(b_hbm, b_vm)

    lanes = lax.iota(jnp.int32, LANES)

    w0 = w_vm[pl.ds(0, LANES)]
    w1 = w_vm[pl.ds(LANES, LANES)]
    for r in range(V):
        prod = tab_vm[pl.ds(r * D, LANES)] * w0 + \
            tab_vm[pl.ds(r * D + LANES, LANES)] * w1
        s = jnp.sum(prod, axis=0)
        vrep_vm[pl.ds(r * LANES, LANES)] = jnp.broadcast_to(s, (LANES,))

    rows = [lanes + g * LANES for g in range(G)]
    coloff = lanes * ROT
    zero16 = jnp.zeros((LANES,), jnp.int32)

    UNROLL = 8

    def body(jb, accs):
        j0 = jb * UNROLL
        accs = list(accs)
        for u in range(UNROLL):
            col = coloff + (j0 + u)
            col = jnp.where(col >= L, col - L, col)
            for g in range(G):
                xv = plsc.load_gather(x_vm, [rows[g], col])
                vidx = (xv << 4) + lanes
                accs[g] = accs[g] + plsc.load_gather(vrep_vm, [vidx])
        return tuple(accs)

    zero = jnp.zeros((LANES,), jnp.float32)
    accs = lax.fori_loop(0, L // UNROLL, body, tuple(zero for _ in range(G)))

    bvec = b_vm[...]
    for g in range(G):
        z = accs[g] * (1.0 / L) + bvec
        out_vm[pl.ds(g * LANES, LANES)] = 1.0 / (1.0 + jnp.exp(-z))

    pltpu.sync_copy(out_vm, out_hbm.at[pl.ds(wid * BPW, BPW)])


_tt_call = functools.partial(
    pl.kernel,
    out_type=jax.ShapeDtypeStruct((B,), jnp.float32),
    mesh=plsc.VectorSubcoreMesh(core_axis_name="c", subcore_axis_name="s"),
    compiler_params=pltpu.CompilerParams(needs_layout_passes=False),
    scratch_types=[
        pltpu.VMEM((BPW, L), jnp.int32),
        pltpu.VMEM((V * D,), jnp.float32),
        pltpu.VMEM((D,), jnp.float32),
        pltpu.VMEM((LANES,), jnp.float32),
        pltpu.VMEM((V * LANES,), jnp.float32),
        pltpu.VMEM((BPW,), jnp.float32),
    ],
)(_sc_body)


def kernel(x, table, W, b):
    out = _tt_call(x.astype(jnp.int32), table.reshape(V * D), W.reshape(D),
                   jnp.broadcast_to(b, (LANES,)))
    return out.reshape(B, 1)

# --- scband reference (transcript-rebuilt; emitter-appended) ---
"""Pipeline reference for scband-tiny-transformer-31817117729214 (READ-ONLY COPY).

The authoritative reference and input builder live on the scoring server;
editing this copy changes nothing except your own understanding.
"""

import jax, jax.numpy as jnp
import numpy as np

def setup_inputs(seed: int = 0) -> dict:
    key = jax.random.key(seed)
    k1, k2, k3, k4 = jax.random.split(key, 4)
    x = jax.random.randint(k1, (4096, 200), 0, 128, dtype=jnp.int64)
    table = jax.random.normal(k2, (128, 32), dtype=jnp.float32)
    W = jax.random.normal(k3, (1, 32), dtype=jnp.float32) * (1.0 / np.sqrt(32.0))
    b = jax.random.normal(k4, (1,), dtype=jnp.float32) * 0.01
    return {"x": x, "table": table, "W": W, "b": b}

def reference(x, table, W, b):
    emb = jnp.take(table, x, axis=0)          # [B, L, 32] gather
    pooled = jnp.mean(emb, axis=1)            # [B, 32]
    logits = pooled @ W.T + b                 # [B, 1]
    return jax.nn.sigmoid(logits)

if __name__ == "__main__":
    import jax
    _d = setup_inputs()
    print(jax.jit(kernel)(*tuple(_d.values())))

</pallas_src>

<mosaic_0001>
#map = affine_map<(d0, d1) -> (0, 0)>
#map1 = affine_map<(d0, d1) -> (0)>
module attributes {stable_mosaic.version = 14 : i64} {
  func.func @_sc_body(%arg0: i32, %arg1: i32, %arg2: memref<4096x200xi32, #tpu.memory_space<hbm>>, %arg3: memref<4096xf32, #tpu.memory_space<hbm>>, %arg4: memref<32xf32, #tpu.memory_space<hbm>>, %arg5: memref<16xf32, #tpu.memory_space<hbm>>, %arg6: memref<4096xf32, #tpu.memory_space<hbm>>, %arg7: memref<128x200xi32, #tpu.memory_space<vmem>>, %arg8: memref<4096xf32, #tpu.memory_space<vmem>>, %arg9: memref<32xf32, #tpu.memory_space<vmem>>, %arg10: memref<16xf32, #tpu.memory_space<vmem>>, %arg11: memref<2048xf32, #tpu.memory_space<vmem>>, %arg12: memref<128xf32, #tpu.memory_space<vmem>>) attributes {dimension_semantics = [#tpu.dimension_semantics<core_parallel>, #tpu.dimension_semantics<subcore_parallel>], iteration_bounds = array<i64: 2, 16>, scalar_prefetch = 0 : i64, scratch_operands = 6 : i64, tpu.core_type = #tpu.core_type<sc_vector_subcore>, window_params = [{transform_indices = #map}, {transform_indices = #map1}, {transform_indices = #map1}, {transform_indices = #map1}, {transform_indices = #map1}]} {
    %mul3A = arith.constant 2 : i32
    %mul3A_0 = arith.muli %arg1, %mul3A : i32
    %add3A = arith.addi %mul3A_0, %arg0 : i32
    %mul3A_1 = arith.constant 128 : i32
    %mul3A_2 = arith.muli %add3A, %mul3A_1 : i32
    "tpu.region"() ({
      %run_scoped3A = tpu.sem_alloc : memref<!tpu.dma_semaphore, #tpu.memory_space<semaphore_mem>>
      %dma_start3A = arith.constant 0 : i32
      %dma_start3A_1960 = tpu.memref_slice %arg2[%mul3A_2, %dma_start3A] : memref<4096x200xi32, #tpu.memory_space<hbm>> -> memref<128x200xi32, #tpu.memory_space<hbm>>
      %dma_start3A_1961 = arith.constant 0 : i32
      %dma_start3A_1962 = tpu.memref_slice %arg2[%mul3A_2, %dma_start3A_1961] : memref<4096x200xi32, #tpu.memory_space<hbm>> -> memref<128x200xi32, #tpu.memory_space<hbm>>
      tpu.enqueue_dma source(%dma_start3A_1962 : memref<128x200xi32, #tpu.memory_space<hbm>>) target(%arg7 : memref<128x200xi32, #tpu.memory_space<vmem>>) target_semaphore(%run_scoped3A : memref<!tpu.dma_semaphore, #tpu.memory_space<semaphore_mem>>)
      %dma_wait3A = arith.constant 0 : i32
      %dma_wait3A_1963 = tpu.memref_slice %arg2[%mul3A_2, %dma_wait3A] : memref<4096x200xi32, #tpu.memory_space<hbm>> -> memref<128x200xi32, #tpu.memory_space<hbm>>
      %dma_wait3A_1964 = arith.constant 0 : i32
      %dma_wait3A_1965 = tpu.memref_slice %arg2[%mul3A_2, %dma_wait3A_1964] : memref<4096x200xi32, #tpu.memory_space<hbm>> -> memref<128x200xi32, #tpu.memory_space<hbm>>
      tpu.wait_dma2 semaphore(%run_scoped3A : memref<!tpu.dma_semaphore, #tpu.memory_space<semaphore_mem>>) src(%dma_wait3A_1965 : memref<128x200xi32, #tpu.memory_space<hbm>>) dst(%arg7 : memref<128x200xi32, #tpu.memory_space<vmem>>)
      tpu.yield
    }) : () -> ()
    "tpu.region"() ({
      %run_scoped3A = tpu.sem_alloc : memref<!tpu.dma_semaphore, #tpu.memory_space<semaphore_mem>>
      tpu.enqueue_dma source(%arg3 : memref<4096xf32, #tpu.memory_space<hbm>>) target(%arg8 : memref<4096xf32, #tpu.memory_space<vmem>>) target_semaphore(%run_scoped3A : memref<!tpu.dma_semaphore, #tpu.memory_space<semaphore_mem>>)
      tpu.wait_dma2 semaphore(%run_scoped3A : memref<!tpu.dma_semaphore, #tpu.memory_space<semaphore_mem>>) src(%arg3 : memref<4096xf32, #tpu.memory_space<hbm>>) dst(%arg8 : memref<4096xf32, #tpu.memory_space<vmem>>)
      tpu.yield
    }) : () -> ()
    "tpu.region"() ({
      %run_scoped3A = tpu.sem_alloc : memref<!tpu.dma_semaphore, #tpu.memory_space<semaphore_mem>>
      tpu.enqueue_dma source(%arg4 : memref<32xf32, #tpu.memory_space<hbm>>) target(%arg9 : memref<32xf32, #tpu.memory_space<vmem>>) target_semaphore(%run_scoped3A : memref<!tpu.dma_semaphore, #tpu.memory_space<semaphore_mem>>)
      tpu.wait_dma2 semaphore(%run_scoped3A : memref<!tpu.dma_semaphore, #tpu.memory_space<semaphore_mem>>) src(%arg4 : memref<32xf32, #tpu.memory_space<hbm>>) dst(%arg9 : memref<32xf32, #tpu.memory_space<vmem>>)
      tpu.yield
    }) : () -> ()
    "tpu.region"() ({
      %run_scoped3A = tpu.sem_alloc : memref<!tpu.dma_semaphore, #tpu.memory_space<semaphore_mem>>
      tpu.enqueue_dma source(%arg5 : memref<16xf32, #tpu.memory_space<hbm>>) target(%arg10 : memref<16xf32, #tpu.memory_space<vmem>>) target_semaphore(%run_scoped3A : memref<!tpu.dma_semaphore, #tpu.memory_space<semaphore_mem>>)
      tpu.wait_dma2 semaphore(%run_scoped3A : memref<!tpu.dma_semaphore, #tpu.memory_space<semaphore_mem>>) src(%arg5 : memref<16xf32, #tpu.memory_space<hbm>>) dst(%arg10 : memref<16xf32, #tpu.memory_space<vmem>>)
      tpu.yield
    }) : () -> ()
    %iota3A = tpu.iota {dimensions = array<i32: 0>} : vector<16xi32>
    %get3A = arith.constant 0 : index
    %get3A_3 = tpu.vector_load %arg9[%get3A] {strides = array<i32>} : memref<32xf32, #tpu.memory_space<vmem>>, vector<16xf32>,
    %get3A_4 = arith.constant 16 : index
    %get3A_5 = tpu.vector_load %arg9[%get3A_4] {strides = array<i32>} : memref<32xf32, #tpu.memory_space<vmem>>, vector<16xf32>,
    %get3A_6 = arith.constant 0 : index
    %get3A_7 = tpu.vector_load %arg8[%get3A_6] {strides = array<i32>} : memref<4096xf32, #tpu.memory_space<vmem>>, vector<16xf32>,
    %mul3A_8 = arith.mulf %get3A_7, %get3A_3 : vector<16xf32>
    %get3A_9 = arith.constant 16 : index
    %get3A_10 = tpu.vector_load %arg8[%get3A_9] {strides = array<i32>} : memref<4096xf32, #tpu.memory_space<vmem>>, vector<16xf32>,
    %mul3A_11 = arith.mulf %get3A_10, %get3A_5 : vector<16xf32>
    %add3A_12 = arith.addf %mul3A_8, %mul3A_11 : vector<16xf32>
    %reduce_sum3A = arith.constant true
    %reduce_sum3A_13 = vector.broadcast %reduce_sum3A : i1 to vector<16xi1>
    %reduce_sum3A_14 = tpu.scan <sum>, %add3A_12 masked %reduce_sum3A_13 : vector<16xf32>, vector<16xi1> -> vector<16xf32>
    %reduce_sum3A_15 = vector.extract %reduce_sum3A_14[15] : f32 from vector<16xf32>
    %broadcast_in_dim3A = vector.broadcast %reduce_sum3A_15 : f32 to vector<16xf32>
    %swap3A = arith.constant 0 : index
    %swap3A_16 = tpu.vector_load %arg11[%swap3A] {strides = array<i32>} : memref<2048xf32, #tpu.memory_space<vmem>>, vector<16xf32>,
    tpu.vector_store %arg11[%swap3A], %broadcast_in_dim3A {strides = array<i32>} : memref<2048xf32, #tpu.memory_space<vmem>>, vector<16xf32>,
    %get3A_17 = arith.constant 32 : index
    %get3A_18 = tpu.vector_load %arg8[%get3A_17] {strides = array<i32>} : memref<4096xf32, #tpu.memory_space<vmem>>, vector<16xf32>,
    %mul3A_19 = arith.mulf %get3A_18, %get3A_3 : vector<16xf32>
    %get3A_20 = arith.constant 48 : index
    %get3A_21 = tpu.vector_load %arg8[%get3A_20] {strides = array<i32>} : memref<4096xf32, #tpu.memory_space<vmem>>, vector<16xf32>,
    %mul3A_22 = arith.mulf %get3A_21, %get3A_5 : vector<16xf32>
    %add3A_23 = arith.addf %mul3A_19, %mul3A_22 : vector<16xf32>
    %reduce_sum3A_24 = arith.constant true
    %reduce_sum3A_25 = vector.broadcast %reduce_sum3A_24 : i1 to vector<16xi1>
    %reduce_sum3A_26 = tpu.scan <sum>, %add3A_23 masked %reduce_sum3A_25 : vector<16xf32>, vector<16xi1> -> vector<16xf32>
    %reduce_sum3A_27 = vector.extract %reduce_sum3A_26[15] : f32 from vector<16xf32>
    %broadcast_in_dim3A_28 = vector.broadcast %reduce_sum3A_27 : f32 to vector<16xf32>
    %swap3A_29 = arith.constant 16 : index
    %swap3A_30 = tpu.vector_load %arg11[%swap3A_29] {strides = array<i32>} : memref<2048xf32, #tpu.memory_space<vmem>>, vector<16xf32>,
    tpu.vector_store %arg11[%swap3A_29], %broadcast_in_dim3A_28 {strides = array<i32>} : memref<2048xf32, #tpu.memory_space<vmem>>, vector<16xf32>,
    %get3A_31 = arith.constant 64 : index
    %get3A_32 = tpu.vector_load %arg8[%get3A_31] {strides = array<i32>} : memref<4096xf32, #tpu.memory_space<vmem>>, vector<16xf32>,
    %mul3A_33 = arith.mulf %get3A_32, %get3A_3 : vector<16xf32>
    %get3A_34 = arith.constant 80 : index
    %get3A_35 = tpu.vector_load %arg8[%get3A_34] {strides = array<i32>} : memref<4096xf32, #tpu.memory_space<vmem>>, vector<16xf32>,
    %mul3A_36 = arith.mulf %get3A_35, %get3A_5 : vector<16xf32>
    %add3A_37 = arith.addf %mul3A_33, %mul3A_36 : vector<16xf32>
    %reduce_sum3A_38 = arith.constant true
    %reduce_sum3A_39 = vector.broadcast %reduce_sum3A_38 : i1 to vector<16xi1>
    %reduce_sum3A_40 = tpu.scan <sum>, %add3A_37 masked %reduce_sum3A_39 : vector<16xf32>, vector<16xi1> -> vector<16xf32>
    %reduce_sum3A_41 = vector.extract %reduce_sum3A_40[15] : f32 from vector<16xf32>
    %broadcast_in_dim3A_42 = vector.broadcast %reduce_sum3A_41 : f32 to vector<16xf32>
    %swap3A_43 = arith.constant 32 : index
    %swap3A_44 = tpu.vector_load %arg11[%swap3A_43] {strides = array<i32>} : memref<2048xf32, #tpu.memory_space<vmem>>, vector<16xf32>,
    tpu.vector_store %arg11[%swap3A_43], %broadcast_in_dim3A_42 {strides = array<i32>} : memref<2048xf32, #tpu.memory_space<vmem>>, vector<16xf32>,
    %get3A_45 = arith.constant 96 : index
    %get3A_46 = tpu.vector_load %arg8[%get3A_45] {strides = array<i32>} : memref<4096xf32, #tpu.memory_space<vmem>>, vector<16xf32>,
    %mul3A_47 = arith.mulf %get3A_46, %get3A_3 : vector<16xf32>
    %get3A_48 = arith.constant 112 : index
    %get3A_49 = tpu.vector_load %arg8[%get3A_48] {strides = array<i32>} : memref<4096xf32, #tpu.memory_space<vmem>>, vector<16xf32>,
    %mul3A_50 = arith.mulf %get3A_49, %get3A_5 : vector<16xf32>
    %add3A_51 = arith.addf %mul3A_47, %mul3A_50 : vector<16xf32>
    %reduce_sum3A_52 = arith.constant true
    %reduce_sum3A_53 = vector.broadcast %reduce_sum3A_52 : i1 to vector<16xi1>
    %reduce_sum3A_54 = tpu.scan <sum>, %add3A_51 masked %reduce_sum3A_53 : vector<16xf32>, vector<16xi1> -> vector<16xf32>
    %reduce_sum3A_55 = vector.extract %reduce_sum3A_54[15] : f32 from vector<16xf32>
    %broadcast_in_dim3A_56 = vector.broadcast %reduce_sum3A_55 : f32 to vector<16xf32>
    %swap3A_57 = arith.constant 48 : index
    %swap3A_58 = tpu.vector_load %arg11[%swap3A_57] {strides = array<i32>} : memref<2048xf32, #tpu.memory_space<vmem>>, vector<16xf32>,
    tpu.vector_store %arg11[%swap3A_57], %broadcast_in_dim3A_56 {strides = array<i32>} : memref<2048xf32, #tpu.memory_space<vmem>>, vector<16xf32>,
    %get3A_59 = arith.constant 128 : index
    %get3A_60 = tpu.vector_load %arg8[%get3A_59] {strides = array<i32>} : memref<4096xf32, #tpu.memory_space<vmem>>, vector<16xf32>,
    %mul3A_61 = arith.mulf %get3A_60, %get3A_3 : vector<16xf32>
    %get3A_62 = arith.constant 144 : index
    %get3A_63 = tpu.vector_load %arg8[%get3A_62] {strides = array<i32>} : memref<4096xf32, #tpu.memory_space<vmem>>, vector<16xf32>,
    %mul3A_64 = arith.mulf %get3A_63, %get3A_5 : vector<16xf32>
    %add3A_65 = arith.addf %mul3A_61, %mul3A_64 : vector<16xf32>
    %reduce_sum3A_66 = arith.constant true
    %reduce_sum3A_67 = vector.broadcast %reduce_sum3A_66 : i1 to vector<16xi1>
    %reduce_sum3A_68 = tpu.scan <sum>, %add3A_65 masked %reduce_sum3A_67 : vector<16xf32>, vector<16xi1> -> vector<16xf32>
    %reduce_sum3A_69 = vector.extract %reduce_sum3A_68[15] : f32 from vector<16xf32>
    %broadcast_in_dim3A_70 = vector.broadcast %reduce_sum3A_69 : f32 to vector<16xf32>
    %swap3A_71 = arith.constant 64 : index
    %swap3A_72 = tpu.vector_load %arg11[%swap3A_71] {strides = array<i32>} : memref<2048xf32, #tpu.memory_space<vmem>>, vector<16xf32>,
    tpu.vector_store %arg11[%swap3A_71], %broadcast_in_dim3A_70 {strides = array<i32>} : memref<2048xf32, #tpu.memory_space<vmem>>, vector<16xf32>,
    %get3A_73 = arith.constant 160 : index
    %get3A_74 = tpu.vector_load %arg8[%get3A_73] {strides = array<i32>} : memref<4096xf32, #tpu.memory_space<vmem>>, vector<16xf32>,
    %mul3A_75 = arith.mulf %get3A_74, %get3A_3 : vector<16xf32>
    %get3A_76 = arith.constant 176 : index
    %get3A_77 = tpu.vector_load %arg8[%get3A_76] {strides = array<i32>} : memref<4096xf32, #tpu.memory_space<vmem>>, vector<16xf32>,
    %mul3A_78 = arith.mulf %get3A_77, %get3A_5 : vector<16xf32>
    %add3A_79 = arith.addf %mul3A_75, %mul3A_78 : vector<16xf32>
    %reduce_sum3A_80 = arith.constant true
    %reduce_sum3A_81 = vector.broadcast %reduce_sum3A_80 : i1 to vector<16xi1>
    %reduce_sum3A_82 = tpu.scan <sum>, %add3A_79 masked %reduce_sum3A_81 : vector<16xf32>, vector<16xi1> -> vector<16xf32>
    %reduce_sum3A_83 = vector.extract %reduce_sum3A_82[15] : f32 from vector<16xf32>
    %broadcast_in_dim3A_84 = vector.broadcast %reduce_sum3A_83 : f32 to vector<16xf32>
    %swap3A_85 = arith.constant 80 : index
    %swap3A_86 = tpu.vector_load %arg11[%swap3A_85] {strides = array<i32>} : memref<2048xf32, #tpu.memory_space<vmem>>, vector<16xf32>,
    tpu.vector_store %arg11[%swap3A_85], %broadcast_in_dim3A_84 {strides = array<i32>} : memref<2048xf32, #tpu.memory_space<vmem>>, vector<16xf32>,
    %get3A_87 = arith.constant 192 : index
    %get3A_88 = tpu.vector_load %arg8[%get3A_87] {strides = array<i32>} : memref<4096xf32, #tpu.memory_space<vmem>>, vector<16xf32>,
    %mul3A_89 = arith.mulf %get3A_88, %get3A_3 : vector<16xf32>
    %get3A_90 = arith.constant 208 : index
    %get3A_91 = tpu.vector_load %arg8[%get3A_90] {strides = array<i32>} : memref<4096xf32, #tpu.memory_space<vmem>>, vector<16xf32>,
    %mul3A_92 = arith.mulf %get3A_91, %get3A_5 : vector<16xf32>
    %add3A_93 = arith.addf %mul3A_89, %mul3A_92 : vector<16xf32>
    %reduce_sum3A_94 = arith.constant true
    %reduce_sum3A_95 = vector.broadcast %reduce_sum3A_94 : i1 to vector<16xi1>
    %reduce_sum3A_96 = tpu.scan <sum>, %add3A_93 masked %reduce_sum3A_95 : vector<16xf32>, vector<16xi1> -> vector<16xf32>
    %reduce_sum3A_97 = vector.extract %reduce_sum3A_96[15] : f32 from vector<16xf32>
    %broadcast_in_dim3A_98 = vector.broadcast %reduce_sum3A_97 : f32 to vector<16xf32>
    %swap3A_99 = arith.constant 96 : index
    %swap3A_100 = tpu.vector_load %arg11[%swap3A_99] {strides = array<i32>} : memref<2048xf32, #tpu.memory_space<vmem>>, vector<16xf32>,
    tpu.vector_store %arg11[%swap3A_99], %broadcast_in_dim3A_98 {strides = array<i32>} : memref<2048xf32, #tpu.memory_space<vmem>>, vector<16xf32>,
    %get3A_101 = arith.constant 224 : index
    %get3A_102 = tpu.vector_load %arg8[%get3A_101] {strides = array<i32>} : memref<4096xf32, #tpu.memory_space<vmem>>, vector<16xf32>,
    %mul3A_103 = arith.mulf %get3A_102, %get3A_3 : vector<16xf32>
    %get3A_104 = arith.constant 240 : index
    %get3A_105 = tpu.vector_load %arg8[%get3A_104] {strides = array<i32>} : memref<4096xf32, #tpu.memory_space<vmem>>, vector<16xf32>,
    %mul3A_106 = arith.mulf %get3A_105, %get3A_5 : vector<16xf32>
    %add3A_107 = arith.addf %mul3A_103, %mul3A_106 : vector<16xf32>
    %reduce_sum3A_108 = arith.constant true
    %reduce_sum3A_109 = vector.broadcast %reduce_sum3A_108 : i1 to vector<16xi1>
    %reduce_sum3A_110 = tpu.scan <sum>, %add3A_107 masked %reduce_sum3A_109 : vector<16xf32>, vector<16xi1> -> vector<16xf32>
    %reduce_sum3A_111 = vector.extract %reduce_sum3A_110[15] : f32 from vector<16xf32>
    %broadcast_in_dim3A_112 = vector.broadcast %reduce_sum3A_111 : f32 to vector<16xf32>
    %swap3A_113 = arith.constant 112 : index
    %swap3A_114 = tpu.vector_load %arg11[%swap3A_113] {strides = array<i32>} : memref<2048xf32, #tpu.memory_space<vmem>>, vector<16xf32>,
    tpu.vector_store %arg11[%swap3A_113], %broadcast_in_dim3A_112 {strides = array<i32>} : memref<2048xf32, #tpu.memory_space<vmem>>, vector<16xf32>,
    %get3A_115 = arith.constant 256 : index
    %get3A_116 = tpu.vector_load %arg8[%get3A_115] {strides = array<i32>} : memref<4096xf32, #tpu.memory_space<vmem>>, vector<16xf32>,
    %mul3A_117 = arith.mulf %get3A_116, %get3A_3 : vector<16xf32>
    %get3A_118 = arith.constant 272 : index
    %get3A_119 = tpu.vector_load %arg8[%get3A_118] {strides = array<i32>} : memref<4096xf32, #tpu.memory_space<vmem>>, vector<16xf32>,
    %mul3A_120 = arith.mulf %get3A_119, %get3A_5 : vector<16xf32>
    %add3A_121 = arith.addf %mul3A_117, %mul3A_120 : vector<16xf32>
    %reduce_sum3A_122 = arith.constant true
    %reduce_sum3A_123 = vector.broadcast %reduce_sum3A_122 : i1 to vector<16xi1>
    %reduce_sum3A_124 = tpu.scan <sum>, %add3A_121 masked %reduce_sum3A_123 : vector<16xf32>, vector<16xi1> -> vector<16xf32>
    %reduce_sum3A_125 = vector.extract %reduce_sum3A_124[15] : f32 from vector<16xf32>
    %broadcast_in_dim3A_126 = vector.broadcast %reduce_sum3A_125 : f32 to vector<16xf32>
    %swap3A_127 = arith.constant 128 : index
    %swap3A_128 = tpu.vector_load %arg11[%swap3A_127] {strides = array<i32>} : memref<2048xf32, #tpu.memory_space<vmem>>, vector<16xf32>,
    tpu.vector_store %arg11[%swap3A_127], %broadcast_in_dim3A_126 {strides = array<i32>} : memref<2048xf32, #tpu.memory_space<vmem>>, vector<16xf32>,
    %get3A_129 = arith.constant 288 : index
    %get3A_130 = tpu.vector_load %arg8[%get3A_129] {strides = array<i32>} : memref<4096xf32, #tpu.memory_space<vmem>>, vector<16xf32>,
    %mul3A_131 = arith.mulf %get3A_130, %get3A_3 : vector<16xf32>
    %get3A_132 = arith.constant 304 : index
    %get3A_133 = tpu.vector_load %arg8[%get3A_132] {strides = array<i32>} : memref<4096xf32, #tpu.memory_space<vmem>>, vector<16xf32>,
    %mul3A_134 = arith.mulf %get3A_133, %get3A_5 : vector<16xf32>
    %add3A_135 = arith.addf %mul3A_131, %mul3A_134 : vector<16xf32>
    %reduce_sum3A_136 = arith.constant true
    %reduce_sum3A_137 = vector.broadcast %reduce_sum3A_136 : i1 to vector<16xi1>
    %reduce_sum3A_138 = tpu.scan <sum>, %add3A_135 masked %reduce_sum3A_137 : vector<16xf32>, vector<16xi1> -> vector<16xf32>
    %reduce_sum3A_139 = vector.extract %reduce_sum3A_138[15] : f32 from vector<16xf32>
    %broadcast_in_dim3A_140 = vector.broadcast %reduce_sum3A_139 : f32 to vector<16xf32>
    %swap3A_141 = arith.constant 144 : index
    %swap3A_142 = tpu.vector_load %arg11[%swap3A_141] {strides = array<i32>} : memref<2048xf32, #tpu.memory_space<vmem>>, vector<16xf32>,
    tpu.vector_store %arg11[%swap3A_141], %broadcast_in_dim3A_140 {strides = array<i32>} : memref<2048xf32, #tpu.memory_space<vmem>>, vector<16xf32>,
    %get3A_143 = arith.constant 320 : index
    %get3A_144 = tpu.vector_load %arg8[%get3A_143] {strides = array<i32>} : memref<4096xf32, #tpu.memory_space<vmem>>, vector<16xf32>,
    %mul3A_145 = arith.mulf %get3A_144, %get3A_3 : vector<16xf32>
    %get3A_146 = arith.constant 336 : index
    %get3A_147 = tpu.vector_load %arg8[%get3A_146] {strides = array<i32>} : memref<4096xf32, #tpu.memory_space<vmem>>, vector<16xf32>,
    %mul3A_148 = arith.mulf %get3A_147, %get3A_5 : vector<16xf32>
    %add3A_149 = arith.addf %mul3A_145, %mul3A_148 : vector<16xf32>
    %reduce_sum3A_150 = arith.constant true
    %reduce_sum3A_151 = vector.broadcast %reduce_sum3A_150 : i1 to vector<16xi1>
    %reduce_sum3A_152 = tpu.scan <sum>, %add3A_149 masked %reduce_sum3A_151 : vector<16xf32>, vector<16xi1> -> vector<16xf32>
    %reduce_sum3A_153 = vector.extract %reduce_sum3A_152[15] : f32 from vector<16xf32>
    %broadcast_in_dim3A_154 = vector.broadcast %reduce_sum3A_153 : f32 to vector<16xf32>
    %swap3A_155 = arith.constant 160 : index
    %swap3A_156 = tpu.vector_load %arg11[%swap3A_155] {strides = array<i32>} : memref<2048xf32, #tpu.memory_space<vmem>>, vector<16xf32>,
    tpu.vector_store %arg11[%swap3A_155], %broadcast_in_dim3A_154 {strides = array<i32>} : memref<2048xf32, #tpu.memory_space<vmem>>, vector<16xf32>,
    %get3A_157 = arith.constant 352 : index
    %get3A_158 = tpu.vector_load %arg8[%get3A_157] {strides = array<i32>} : memref<4096xf32, #tpu.memory_space<vmem>>, vector<16xf32>,
    %mul3A_159 = arith.mulf %get3A_158, %get3A_3 : vector<16xf32>
    %get3A_160 = arith.constant 368 : index
    %get3A_161 = tpu.vector_load %arg8[%get3A_160] {strides = array<i32>} : memref<4096xf32, #tpu.memory_space<vmem>>, vector<16xf32>,
    %mul3A_162 = arith.mulf %get3A_161, %get3A_5 : vector<16xf32>
    %add3A_163 = arith.addf %mul3A_159, %mul3A_162 : vector<16xf32>
    %reduce_sum3A_164 = arith.constant true
    %reduce_sum3A_165 = vector.broadcast %reduce_sum3A_164 : i1 to vector<16xi1>
    %reduce_sum3A_166 = tpu.scan <sum>, %add3A_163 masked %reduce_sum3A_165 : vector<16xf32>, vector<16xi1> -> vector<16xf32>
    %reduce_sum3A_167 = vector.extract %reduce_sum3A_166[15] : f32 from vector<16xf32>
    %broadcast_in_dim3A_168 = vector.broadcast %reduce_sum3A_167 : f32 to vector<16xf32>
    %swap3A_169 = arith.constant 176 : index
    %swap3A_170 = tpu.vector_load %arg11[%swap3A_169] {strides = array<i32>} : memref<2048xf32, #tpu.memory_space<vmem>>, vector<16xf32>,
    tpu.vector_store %arg11[%swap3A_169], %broadcast_in_dim3A_168 {strides = array<i32>} : memref<2048xf32, #tpu.memory_space<vmem>>, vector<16xf32>,
    %get3A_171 = arith.constant 384 : index
    %get3A_172 = tpu.vector_load %arg8[%get3A_171] {strides = array<i32>} : memref<4096xf32, #tpu.memory_space<vmem>>, vector<16xf32>,
    %mul3A_173 = arith.mulf %get3A_172, %get3A_3 : vector<16xf32>
    %get3A_174 = arith.constant 400 : index
    %get3A_175 = tpu.vector_load %arg8[%get3A_174] {strides = array<i32>} : memref<4096xf32, #tpu.memory_space<vmem>>, vector<16xf32>,
    %mul3A_176 = arith.mulf %get3A_175, %get3A_5 : vector<16xf32>
    %add3A_177 = arith.addf %mul3A_173, %mul3A_176 : vector<16xf32>
    %reduce_sum3A_178 = arith.constant true
    %reduce_sum3A_179 = vector.broadcast %reduce_sum3A_178 : i1 to vector<16xi1>
    %reduce_sum3A_180 = tpu.scan <sum>, %add3A_177 masked %reduce_sum3A_179 : vector<16xf32>, vector<16xi1> -> vector<16xf32>
    %reduce_sum3A_181 = vector.extract %reduce_sum3A_180[15] : f32 from vector<16xf32>
    %broadcast_in_dim3A_182 = vector.broadcast %reduce_sum3A_181 : f32 to vector<16xf32>
    %swap3A_183 = arith.constant 192 : index
    %swap3A_184 = tpu.vector_load %arg11[%swap3A_183] {strides = array<i32>} : memref<2048xf32, #tpu.memory_space<vmem>>, vector<16xf32>,
    tpu.vector_store %arg11[%swap3A_183], %broadcast_in_dim3A_182 {strides = array<i32>} : memref<2048xf32, #tpu.memory_space<vmem>>, vector<16xf32>,
    %get3A_185 = arith.constant 416 : index
    %get3A_186 = tpu.vector_load %arg8[%get3A_185] {strides = array<i32>} : memref<4096xf32, #tpu.memory_space<vmem>>, vector<16xf32>,
    %mul3A_187 = arith.mulf %get3A_186, %get3A_3 : vector<16xf32>
    %get3A_188 = arith.constant 432 : index
    %get3A_189 = tpu.vector_load %arg8[%get3A_188] {strides = array<i32>} : memref<4096xf32, #tpu.memory_space<vmem>>, vector<16xf32>,
    %mul3A_190 = arith.mulf %get3A_189, %get3A_5 : vector<16xf32>
    %add3A_191 = arith.addf %mul3A_187, %mul3A_190 : vector<16xf32>
    %reduce_sum3A_192 = arith.constant true
    %reduce_sum3A_193 = vector.broadcast %reduce_sum3A_192 : i1 to vector<16xi1>
    %reduce_sum3A_194 = tpu.scan <sum>, %add3A_191 masked %reduce_sum3A_193 : vector<16xf32>, vector<16xi1> -> vector<16xf32>
    %reduce_sum3A_195 = vector.extract %reduce_sum3A_194[15] : f32 from vector<16xf32>
    %broadcast_in_dim3A_196 = vector.broadcast %reduce_sum3A_195 : f32 to vector<16xf32>
    %swap3A_197 = arith.constant 208 : index
    %swap3A_198 = tpu.vector_load %arg11[%swap3A_197] {strides = array<i32>} : memref<2048xf32, #tpu.memory_space<vmem>>, vector<16xf32>,
    tpu.vector_store %arg11[%swap3A_197], %broadcast_in_dim3A_196 {strides = array<i32>} : memref<2048xf32, #tpu.memory_space<vmem>>, vector<16xf32>,
    %get3A_199 = arith.constant 448 : index
    %get3A_200 = tpu.vector_load %arg8[%get3A_199] {strides = array<i32>} : memref<4096xf32, #tpu.memory_space<vmem>>, vector<16xf32>,
    %mul3A_201 = arith.mulf %get3A_200, %get3A_3 : vector<16xf32>
    %get3A_202 = arith.constant 464 : index
    %get3A_203 = tpu.vector_load %arg8[%get3A_202] {strides = array<i32>} : memref<4096xf32, #tpu.memory_space<vmem>>, vector<16xf32>,
    %mul3A_204 = arith.mulf %get3A_203, %get3A_5 : vector<16xf32>
    %add3A_205 = arith.addf %mul3A_201, %mul3A_204 : vector<16xf32>
    %reduce_sum3A_206 = arith.constant true
    %reduce_sum3A_207 = vector.broadcast %reduce_sum3A_206 : i1 to vector<16xi1>
    %reduce_sum3A_208 = tpu.scan <sum>, %add3A_205 masked %reduce_sum3A_207 : vector<16xf32>, vector<16xi1> -> vector<16xf32>
    %reduce_sum3A_209 = vector.extract %reduce_sum3A_208[15] : f32 from vector<16xf32>
    %broadcast_in_dim3A_210 = vector.broadcast %reduce_sum3A_209 : f32 to vector<16xf32>
    %swap3A_211 = arith.constant 224 : index
    %swap3A_212 = tpu.vector_load %arg11[%swap3A_211] {strides = array<i32>} : memref<2048xf32, #tpu.memory_space<vmem>>, vector<16xf32>,
    tpu.vector_store %arg11[%swap3A_211], %broadcast_in_dim3A_210 {strides = array<i32>} : memref<2048xf32, #tpu.memory_space<vmem>>, vector<16xf32>,
    %get3A_213 = arith.constant 480 : index
    %get3A_214 = tpu.vector_load %arg8[%get3A_213] {strides = array<i32>} : memref<4096xf32, #tpu.memory_space<vmem>>, vector<16xf32>,
    %mul3A_215 = arith.mulf %get3A_214, %get3A_3 : vector<16xf32>
    %get3A_216 = arith.constant 496 : index
    %get3A_217 = tpu.vector_load %arg8[%get3A_216] {strides = array<i32>} : memref<4096xf32, #tpu.memory_space<vmem>>, vector<16xf32>,
    %mul3A_218 = arith.mulf %get3A_217, %get3A_5 : vector<16xf32>
    %add3A_219 = arith.addf %mul3A_215, %mul3A_218 : vector<16xf32>
    %reduce_sum3A_220 = arith.constant true
    %reduce_sum3A_221 = vector.broadcast %reduce_sum3A_220 : i1 to vector<16xi1>
    %reduce_sum3A_222 = tpu.scan <sum>, %add3A_219 masked %reduce_sum3A_221 : vector<16xf32>, vector<16xi1> -> vector<16xf32>
    %reduce_sum3A_223 = vector.extract %reduce_sum3A_222[15] : f32 from vector<16xf32>
    %broadcast_in_dim3A_224 = vector.broadcast %reduce_sum3A_223 : f32 to vector<16xf32>
    %swap3A_225 = arith.constant 240 : index
    %swap3A_226 = tpu.vector_load %arg11[%swap3A_225] {strides = array<i32>} : memref<2048xf32, #tpu.memory_space<vmem>>, vector<16xf32>,
    tpu.vector_store %arg11[%swap3A_225], %broadcast_in_dim3A_224 {strides = array<i32>} : memref<2048xf32, #tpu.memory_space<vmem>>, vector<16xf32>,
    %get3A_227 = arith.constant 512 : index
    %get3A_228 = tpu.vector_load %arg8[%get3A_227] {strides = array<i32>} : memref<4096xf32, #tpu.memory_space<vmem>>, vector<16xf32>,
    %mul3A_229 = arith.mulf %get3A_228, %get3A_3 : vector<16xf32>
    %get3A_230 = arith.constant 528 : index
    %get3A_231 = tpu.vector_load %arg8[%get3A_230] {strides = array<i32>} : memref<4096xf32, #tpu.memory_space<vmem>>, vector<16xf32>,
    %mul3A_232 = arith.mulf %get3A_231, %get3A_5 : vector<16xf32>
    %add3A_233 = arith.addf %mul3A_229, %mul3A_232 : vector<16xf32>
    %reduce_sum3A_234 = arith.constant true
    %reduce_sum3A_235 = vector.broadcast %reduce_sum3A_234 : i1 to vector<16xi1>
    %reduce_sum3A_236 = tpu.scan <sum>, %add3A_233 masked %reduce_sum3A_235 : vector<16xf32>, vector<16xi1> -> vector<16xf32>
    %reduce_sum3A_237 = vector.extract %reduce_sum3A_236[15] : f32 from vector<16xf32>
    %broadcast_in_dim3A_238 = vector.broadcast %reduce_sum3A_237 : f32 to vector<16xf32>
    %swap3A_239 = arith.constant 256 : index
    %swap3A_240 = tpu.vector_load %arg11[%swap3A_239] {strides = array<i32>} : memref<2048xf32, #tpu.memory_space<vmem>>, vector<16xf32>,
    tpu.vector_store %arg11[%swap3A_239], %broadcast_in_dim3A_238 {strides = array<i32>} : memref<2048xf32, #tpu.memory_space<vmem>>, vector<16xf32>,
    %get3A_241 = arith.constant 544 : index
    %get3A_242 = tpu.vector_load %arg8[%get3A_241] {strides = array<i32>} : memref<4096xf32, #tpu.memory_space<vmem>>, vector<16xf32>,
    %mul3A_243 = arith.mulf %get3A_242, %get3A_3 : vector<16xf32>
    %get3A_244 = arith.constant 560 : index
    %get3A_245 = tpu.vector_load %arg8[%get3A_244] {strides = array<i32>} : memref<4096xf32, #tpu.memory_space<vmem>>, vector<16xf32>,
    %mul3A_246 = arith.mulf %get3A_245, %get3A_5 : vector<16xf32>
    %add3A_247 = arith.addf %mul3A_243, %mul3A_246 : vector<16xf32>
    %reduce_sum3A_248 = arith.constant true
    %reduce_sum3A_249 = vector.broadcast %reduce_sum3A_248 : i1 to vector<16xi1>
    %reduce_sum3A_250 = tpu.scan <sum>, %add3A_247 masked %reduce_sum3A_249 : vector<16xf32>, vector<16xi1> -> vector<16xf32>
    %reduce_sum3A_251 = vector.extract %reduce_sum3A_250[15] : f32 from vector<16xf32>
    %broadcast_in_dim3A_252 = vector.broadcast %reduce_sum3A_251 : f32 to vector<16xf32>
    %swap3A_253 = arith.constant 272 : index
    %swap3A_254 = tpu.vector_load %arg11[%swap3A_253] {strides = array<i32>} : memref<2048xf32, #tpu.memory_space<vmem>>, vector<16xf32>,
    tpu.vector_store %arg11[%swap3A_253], %broadcast_in_dim3A_252 {strides = array<i32>} : memref<2048xf32, #tpu.memory_space<vmem>>, vector<16xf32>,
    %get3A_255 = arith.constant 576 : index
    %get3A_256 = tpu.vector_load %arg8[%get3A_255] {strides = array<i32>} : memref<4096xf32, #tpu.memory_space<vmem>>, vector<16xf32>,
    %mul3A_257 = arith.mulf %get3A_256, %get3A_3 : vector<16xf32>
    %get3A_258 = arith.constant 592 : index
    %get3A_259 = tpu.vector_load %arg8[%get3A_258] {strides = array<i32>} : memref<4096xf32, #tpu.memory_space<vmem>>, vector<16xf32>,
    %mul3A_260 = arith.mulf %get3A_259, %get3A_5 : vector<16xf32>
    %add3A_261 = arith.addf %mul3A_257, %mul3A_260 : vector<16xf32>
    %reduce_sum3A_262 = arith.constant true
    %reduce_sum3A_263 = vector.broadcast %reduce_sum3A_262 : i1 to vector<16xi1>
    %reduce_sum3A_264 = tpu.scan <sum>, %add3A_261 masked %reduce_sum3A_263 : vector<16xf32>, vector<16xi1> -> vector<16xf32>
    %reduce_sum3A_265 = vector.extract %reduce_sum3A_264[15] : f32 from vector<16xf32>
    %broadcast_in_dim3A_266 = vector.broadcast %reduce_sum3A_265 : f32 to vector<16xf32>
    %swap3A_267 = arith.constant 288 : index
    %swap3A_268 = tpu.vector_load %arg11[%swap3A_267] {strides = array<i32>} : memref<2048xf32, #tpu.memory_space<vmem>>, vector<16xf32>,
    tpu.vector_store %arg11[%swap3A_267], %broadcast_in_dim3A_266 {strides = array<i32>} : memref<2048xf32, #tpu.memory_space<vmem>>, vector<16xf32>,
    %get3A_269 = arith.constant 608 : index
    %get3A_270 = tpu.vector_load %arg8[%get3A_269] {strides = array<i32>} : memref<4096xf32, #tpu.memory_space<vmem>>, vector<16xf32>,
    %mul3A_271 = arith.mulf %get3A_270, %get3A_3 : vector<16xf32>
    %get3A_272 = arith.constant 624 : index
    %get3A_273 = tpu.vector_load %arg8[%get3A_272] {strides = array<i32>} : memref<4096xf32, #tpu.memory_space<vmem>>, vector<16xf32>,
    %mul3A_274 = arith.mulf %get3A_273, %get3A_5 : vector<16xf32>
    %add3A_275 = arith.addf %mul3A_271, %mul3A_274 : vector<16xf32>
    %reduce_sum3A_276 = arith.constant true
    %reduce_sum3A_277 = vector.broadcast %reduce_sum3A_276 : i1 to vector<16xi1>
    %reduce_sum3A_278 = tpu.scan <sum>, %add3A_275 masked %reduce_sum3A_277 : vector<16xf32>, vector<16xi1> -> vector<16xf32>
    %reduce_sum3A_279 = vector.extract %reduce_sum3A_278[15] : f32 from vector<16xf32>
    %broadcast_in_dim3A_280 = vector.broadcast %reduce_sum3A_279 : f32 to vector<16xf32>
    %swap3A_281 = arith.constant 304 : index
    %swap3A_282 = tpu.vector_load %arg11[%swap3A_281] {strides = array<i32>} : memref<2048xf32, #tpu.memory_space<vmem>>, vector<16xf32>,
    tpu.vector_store %arg11[%swap3A_281], %broadcast_in_dim3A_280 {strides = array<i32>} : memref<2048xf32, #tpu.memory_space<vmem>>, vector<16xf32>,
    %get3A_283 = arith.constant 640 : index
    %get3A_284 = tpu.vector_load %arg8[%get3A_283] {strides = array<i32>} : memref<4096xf32, #tpu.memory_space<vmem>>, vector<16xf32>,
    %mul3A_285 = arith.mulf %get3A_284, %get3A_3 : vector<16xf32>
    %get3A_286 = arith.constant 656 : index
    %get3A_287 = tpu.vector_load %arg8[%get3A_286] {strides = array<i32>} : memref<4096xf32, #tpu.memory_space<vmem>>, vector<16xf32>,
    %mul3A_288 = arith.mulf %get3A_287, %get3A_5 : vector<16xf32>
    %add3A_289 = arith.addf %mul3A_285, %mul3A_288 : vector<16xf32>
    %reduce_sum3A_290 = arith.constant true
    %reduce_sum3A_291 = vector.broadcast %reduce_sum3A_290 : i1 to vector<16xi1>
    %reduce_sum3A_292 = tpu.scan <sum>, %add3A_289 masked %reduce_sum3A_291 : vector<16xf32>, vector<16xi1> -> vector<16xf32>
    %reduce_sum3A_293 = vector.extract %reduce_sum3A_292[15] : f32 from vector<16xf32>
    %broadcast_in_dim3A_294 = vector.broadcast %reduce_sum3A_293 : f32 to vector<16xf32>
    %swap3A_295 = arith.constant 320 : index
    %swap3A_296 = tpu.vector_load %arg11[%swap3A_295] {strides = array<i32>} : memref<2048xf32, #tpu.memory_space<vmem>>, vector<16xf32>,
    tpu.vector_store %arg11[%swap3A_295], %broadcast_in_dim3A_294 {strides = array<i32>} : memref<2048xf32, #tpu.memory_space<vmem>>, vector<16xf32>,
    %get3A_297 = arith.constant 672 : index
    %get3A_298 = tpu.vector_load %arg8[%get3A_297] {strides = array<i32>} : memref<4096xf32, #tpu.memory_space<vmem>>, vector<16xf32>,
    %mul3A_299 = arith.mulf %get3A_298, %get3A_3 : vector<16xf32>
    %get3A_300 = arith.constant 688 : index
    %get3A_301 = tpu.vector_load %arg8[%get3A_300] {strides = array<i32>} : memref<4096xf32, #tpu.memory_space<vmem>>, vector<16xf32>,
    %mul3A_302 = arith.mulf %get3A_301, %get3A_5 : vector<16xf32>
    %add3A_303 = arith.addf %mul3A_299, %mul3A_302 : vector<16xf32>
    %reduce_sum3A_304 = arith.constant true
    %reduce_sum3A_305 = vector.broadcast %reduce_sum3A_304 : i1 to vector<16xi1>
    %reduce_sum3A_306 = tpu.scan <sum>, %add3A_303 masked %reduce_sum3A_305 : vector<16xf32>, vector<16xi1> -> vector<16xf32>
    %reduce_sum3A_307 = vector.extract %reduce_sum3A_306[15] : f32 from vector<16xf32>
    %broadcast_in_dim3A_308 = vector.broadcast %reduce_sum3A_307 : f32 to vector<16xf32>
    %swap3A_309 = arith.constant 336 : index
    %swap3A_310 = tpu.vector_load %arg11[%swap3A_309] {strides = array<i32>} : memref<2048xf32, #tpu.memory_space<vmem>>, vector<16xf32>,
    tpu.vector_store %arg11[%swap3A_309], %broadcast_in_dim3A_308 {strides = array<i32>} : memref<2048xf32, #tpu.memory_space<vmem>>, vector<16xf32>,
    %get3A_311 = arith.constant 704 : index
    %get3A_312 = tpu.vector_load %arg8[%get3A_311] {strides = array<i32>} : memref<4096xf32, #tpu.memory_space<vmem>>, vector<16xf32>,
    %mul3A_313 = arith.mulf %get3A_312, %get3A_3 : vector<16xf32>
    %get3A_314 = arith.constant 720 : index
    %get3A_315 = tpu.vector_load %arg8[%get3A_314] {strides = array<i32>} : memref<4096xf32, #tpu.memory_space<vmem>>, vector<16xf32>,
    %mul3A_316 = arith.mulf %get3A_315, %get3A_5 : vector<16xf32>
    %add3A_317 = arith.addf %mul3A_313, %mul3A_316 : vector<16xf32>
    %reduce_sum3A_318 = arith.constant true
    %reduce_sum3A_319 = vector.broadcast %reduce_sum3A_318 : i1 to vector<16xi1>
    %reduce_sum3A_320 = tpu.scan <sum>, %add3A_317 masked %reduce_sum3A_319 : vector<16xf32>, vector<16xi1> -> vector<16xf32>
    %reduce_sum3A_321 = vector.extract %reduce_sum3A_320[15] : f32 from vector<16xf32>
    %broadcast_in_dim3A_322 = vector.broadcast %reduce_sum3A_321 : f32 to vector<16xf32>
    %swap3A_323 = arith.constant 352 : index
    %swap3A_324 = tpu.vector_load %arg11[%swap3A_323] {strides = array<i32>} : memref<2048xf32, #tpu.memory_space<vmem>>, vector<16xf32>,
    tpu.vector_store %arg11[%swap3A_323], %broadcast_in_dim3A_322 {strides = array<i32>} : memref<2048xf32, #tpu.memory_space<vmem>>, vector<16xf32>,
    %get3A_325 = arith.constant 736 : index
    %get3A_326 = tpu.vector_load %arg8[%get3A_325] {strides = array<i32>} : memref<4096xf32, #tpu.memory_space<vmem>>, vector<16xf32>,
    %mul3A_327 = arith.mulf %get3A_326, %get3A_3 : vector<16xf32>
    %get3A_328 = arith.constant 752 : index
    %get3A_329 = tpu.vector_load %arg8[%get3A_328] {strides = array<i32>} : memref<4096xf32, #tpu.memory_space<vmem>>, vector<16xf32>,
    %mul3A_330 = arith.mulf %get3A_329, %get3A_5 : vector<16xf32>
    %add3A_331 = arith.addf %mul3A_327, %mul3A_330 : vector<16xf32>
    %reduce_sum3A_332 = arith.constant true
    %reduce_sum3A_333 = vector.broadcast %reduce_sum3A_332 : i1 to vector<16xi1>
    %reduce_sum3A_334 = tpu.scan <sum>, %add3A_331 masked %reduce_sum3A_333 : vector<16xf32>, vector<16xi1> -> vector<16xf32>
    %reduce_sum3A_335 = vector.extract %reduce_sum3A_334[15] : f32 from vector<16xf32>
    %broadcast_in_dim3A_336 = vector.broadcast %reduce_sum3A_335 : f32 to vector<16xf32>
    %swap3A_337 = arith.constant 368 : index
    %swap3A_338 = tpu.vector_load %arg11[%swap3A_337] {strides = array<i32>} : memref<2048xf32, #tpu.memory_space<vmem>>, vector<16xf32>,
    tpu.vector_store %arg11[%swap3A_337], %broadcast_in_dim3A_336 {strides = array<i32>} : memref<2048xf32, #tpu.memory_space<vmem>>, vector<16xf32>,
    %get3A_339 = arith.constant 768 : index
    %get3A_340 = tpu.vector_load %arg8[%get3A_339] {strides = array<i32>} : memref<4096xf32, #tpu.memory_space<vmem>>, vector<16xf32>,
    %mul3A_341 = arith.mulf %get3A_340, %get3A_3 : vector<16xf32>
    %get3A_342 = arith.constant 784 : index
    %get3A_343 = tpu.vector_load %arg8[%get3A_342] {strides = array<i32>} : memref<4096xf32, #tpu.memory_space<vmem>>, vector<16xf32>,
    %mul3A_344 = arith.mulf %get3A_343, %get3A_5 : vector<16xf32>
    %add3A_345 = arith.addf %mul3A_341, %mul3A_344 : vector<16xf32>
    %reduce_sum3A_346 = arith.constant true
    %reduce_sum3A_347 = vector.broadcast %reduce_sum3A_346 : i1 to vector<16xi1>
    %reduce_sum3A_348 = tpu.scan <sum>, %add3A_345 masked %reduce_sum3A_347 : vector<16xf32>, vector<16xi1> -> vector<16xf32>
    %reduce_sum3A_349 = vector.extract %reduce_sum3A_348[15] : f32 from vector<16xf32>
    %broadcast_in_dim3A_350 = vector.broadcast %reduce_sum3A_349 : f32 to vector<16xf32>
    %swap3A_351 = arith.constant 384 : index
    %swap3A_352 = tpu.vector_load %arg11[%swap3A_351] {strides = array<i32>} : memref<2048xf32, #tpu.memory_space<vmem>>, vector<16xf32>,
    tpu.vector_store %arg11[%swap3A_351], %broadcast_in_dim3A_350 {strides = array<i32>} : memref<2048xf32, #tpu.memory_space<vmem>>, vector<16xf32>,
    %get3A_353 = arith.constant 800 : index
    %get3A_354 = tpu.vector_load %arg8[%get3A_353] {strides = array<i32>} : memref<4096xf32, #tpu.memory_space<vmem>>, vector<16xf32>,
    %mul3A_355 = arith.mulf %get3A_354, %get3A_3 : vector<16xf32>
    %get3A_356 = arith.constant 816 : index
    %get3A_357 = tpu.vector_load %arg8[%get3A_356] {strides = array<i32>} : memref<4096xf32, #tpu.memory_space<vmem>>, vector<16xf32>,
    %mul3A_358 = arith.mulf %get3A_357, %get3A_5 : vector<16xf32>
    %add3A_359 = arith.addf %mul3A_355, %mul3A_358 : vector<16xf32>
    %reduce_sum3A_360 = arith.constant true
    %reduce_sum3A_361 = vector.broadcast %reduce_sum3A_360 : i1 to vector<16xi1>
    %reduce_sum3A_362 = tpu.scan <sum>, %add3A_359 masked %reduce_sum3A_361 : vector<16xf32>, vector<16xi1> -> vector<16xf32>
    %reduce_sum3A_363 = vector.extract %reduce_sum3A_362[15] : f32 from vector<16xf32>
    %broadcast_in_dim3A_364 = vector.broadcast %reduce_sum3A_363 : f32 to vector<16xf32>
    %swap3A_365 = arith.constant 400 : index
    %swap3A_366 = tpu.vector_load %arg11[%swap3A_365] {strides = array<i32>} : memref<2048xf32, #tpu.memory_space<vmem>>, vector<16xf32>,
    tpu.vector_store %arg11[%swap3A_365], %broadcast_in_dim3A_364 {strides = array<i32>} : memref<2048xf32, #tpu.memory_space<vmem>>, vector<16xf32>,
    %get3A_367 = arith.constant 832 : index
    %get3A_368 = tpu.vector_load %arg8[%get3A_367] {strides = array<i32>} : memref<4096xf32, #tpu.memory_space<vmem>>, vector<16xf32>,
    %mul3A_369 = arith.mulf %get3A_368, %get3A_3 : vector<16xf32>
    %get3A_370 = arith.constant 848 : index
    %get3A_371 = tpu.vector_load %arg8[%get3A_370] {strides = array<i32>} : memref<4096xf32, #tpu.memory_space<vmem>>, vector<16xf32>,
    %mul3A_372 = arith.mulf %get3A_371, %get3A_5 : vector<16xf32>
    %add3A_373 = arith.addf %mul3A_369, %mul3A_372 : vector<16xf32>
    %reduce_sum3A_374 = arith.constant true
    %reduce_sum3A_375 = vector.broadcast %reduce_sum3A_374 : i1 to vector<16xi1>
    %reduce_sum3A_376 = tpu.scan <sum>, %add3A_373 masked %reduce_sum3A_375 : vector<16xf32>, vector<16xi1> -> vector<16xf32>
    %reduce_sum3A_377 = vector.extract %reduce_sum3A_376[15] : f32 from vector<16xf32>
    %broadcast_in_dim3A_378 = vector.broadcast %reduce_sum3A_377 : f32 to vector<16xf32>
    %swap3A_379 = arith.constant 416 : index
    %swap3A_380 = tpu.vector_load %arg11[%swap3A_379] {strides = array<i32>} : memref<2048xf32, #tpu.memory_space<vmem>>, vector<16xf32>,
    tpu.vector_store %arg11[%swap3A_379], %broadcast_in_dim3A_378 {strides = array<i32>} : memref<2048xf32, #tpu.memory_space<vmem>>, vector<16xf32>,
    %get3A_381 = arith.constant 864 : index
    %get3A_382 = tpu.vector_load %arg8[%get3A_381] {strides = array<i32>} : memref<4096xf32, #tpu.memory_space<vmem>>, vector<16xf32>,
    %mul3A_383 = arith.mulf %get3A_382, %get3A_3 : vector<16xf32>
    %get3A_384 = arith.constant 880 : index
    %get3A_385 = tpu.vector_load %arg8[%get3A_384] {strides = array<i32>} : memref<4096xf32, #tpu.memory_space<vmem>>, vector<16xf32>,
    %mul3A_386 = arith.mulf %get3A_385, %get3A_5 : vector<16xf32>
    %add3A_387 = arith.addf %mul3A_383, %mul3A_386 : vector<16xf32>
    %reduce_sum3A_388 = arith.constant true
    %reduce_sum3A_389 = vector.broadcast %reduce_sum3A_388 : i1 to vector<16xi1>
    %reduce_sum3A_390 = tpu.scan <sum>, %add3A_387 masked %reduce_sum3A_389 : vector<16xf32>, vector<16xi1> -> vector<16xf32>
    %reduce_sum3A_391 = vector.extract %reduce_sum3A_390[15] : f32 from vector<16xf32>
    %broadcast_in_dim3A_392 = vector.broadcast %reduce_sum3A_391 : f32 to vector<16xf32>
    %swap3A_393 = arith.constant 432 : index
    %swap3A_394 = tpu.vector_load %arg11[%swap3A_393] {strides = array<i32>} : memref<2048xf32, #tpu.memory_space<vmem>>, vector<16xf32>,
    tpu.vector_store %arg11[%swap3A_393], %broadcast_in_dim3A_392 {strides = array<i32>} : memref<2048xf32, #tpu.memory_space<vmem>>, vector<16xf32>,
    %get3A_395 = arith.constant 896 : index
    %get3A_396 = tpu.vector_load %arg8[%get3A_395] {strides = array<i32>} : memref<4096xf32, #tpu.memory_space<vmem>>, vector<16xf32>,
    %mul3A_397 = arith.mulf %get3A_396, %get3A_3 : vector<16xf32>
    %get3A_398 = arith.constant 912 : index
    %get3A_399 = tpu.vector_load %arg8[%get3A_398] {strides = array<i32>} : memref<4096xf32, #tpu.memory_space<vmem>>, vector<16xf32>,
    %mul3A_400 = arith.mulf %get3A_399, %get3A_5 : vector<16xf32>
    %add3A_401 = arith.addf %mul3A_397, %mul3A_400 : vector<16xf32>
    %reduce_sum3A_402 = arith.constant true
    %reduce_sum3A_403 = vector.broadcast %reduce_sum3A_402 : i1 to vector<16xi1>
    %reduce_sum3A_404 = tpu.scan <sum>, %add3A_401 masked %reduce_sum3A_403 : vector<16xf32>, vector<16xi1> -> vector<16xf32>
    %reduce_sum3A_405 = vector.extract %reduce_sum3A_404[15] : f32 from vector<16xf32>
    %broadcast_in_dim3A_406 = vector.broadcast %reduce_sum3A_405 : f32 to vector<16xf32>
    %swap3A_407 = arith.constant 448 : index
    %swap3A_408 = tpu.vector_load %arg11[%swap3A_407] {strides = array<i32>} : memref<2048xf32, #tpu.memory_space<vmem>>, vector<16xf32>,
    tpu.vector_store %arg11[%swap3A_407], %broadcast_in_dim3A_406 {strides = array<i32>} : memref<2048xf32, #tpu.memory_space<vmem>>, vector<16xf32>,
    %get3A_409 = arith.constant 928 : index
    %get3A_410 = tpu.vector_load %arg8[%get3A_409] {strides = array<i32>} : memref<4096xf32, #tpu.memory_space<vmem>>, vector<16xf32>,
    %mul3A_411 = arith.mulf %get3A_410, %get3A_3 : vector<16xf32>
    %get3A_412 = arith.constant 944 : index
    %get3A_413 = tpu.vector_load %arg8[%get3A_412] {strides = array<i32>} : memref<4096xf32, #tpu.memory_space<vmem>>, vector<16xf32>,
    %mul3A_414 = arith.mulf %get3A_413, %get3A_5 : vector<16xf32>
    %add3A_415 = arith.addf %mul3A_411, %mul3A_414 : vector<16xf32>
    %reduce_sum3A_416 = arith.constant true
    %reduce_sum3A_417 = vector.broadcast %reduce_sum3A_416 : i1 to vector<16xi1>
    %reduce_sum3A_418 = tpu.scan <sum>, %add3A_415 masked %reduce_sum3A_417 : vector<16xf32>, vector<16xi1> -> vector<16xf32>
    %reduce_sum3A_419 = vector.extract %reduce_sum3A_418[15] : f32 from vector<16xf32>
    %broadcast_in_dim3A_420 = vector.broadcast %reduce_sum3A_419 : f32 to vector<16xf32>
    %swap3A_421 = arith.constant 464 : index
    %swap3A_422 = tpu.vector_load %arg11[%swap3A_421] {strides = array<i32>} : memref<2048xf32, #tpu.memory_space<vmem>>, vector<16xf32>,
    tpu.vector_store %arg11[%swap3A_421], %broadcast_in_dim3A_420 {strides = array<i32>} : memref<2048xf32, #tpu.memory_space<vmem>>, vector<16xf32>,
    %get3A_423 = arith.constant 960 : index
    %get3A_424 = tpu.vector_load %arg8[%get3A_423] {strides = array<i32>} : memref<4096xf32, #tpu.memory_space<vmem>>, vector<16xf32>,
    %mul3A_425 = arith.mulf %get3A_424, %get3A_3 : vector<16xf32>
    %get3A_426 = arith.constant 976 : index
    %get3A_427 = tpu.vector_load %arg8[%get3A_426] {strides = array<i32>} : memref<4096xf32, #tpu.memory_space<vmem>>, vector<16xf32>,
    %mul3A_428 = arith.mulf %get3A_427, %get3A_5 : vector<16xf32>
    %add3A_429 = arith.addf %mul3A_425, %mul3A_428 : vector<16xf32>
    %reduce_sum3A_430 = arith.constant true
    %reduce_sum3A_431 = vector.broadcast %reduce_sum3A_430 : i1 to vector<16xi1>
    %reduce_sum3A_432 = tpu.scan <sum>, %add3A_429 masked %reduce_sum3A_431 : vector<16xf32>, vector<16xi1> -> vector<16xf32>
    %reduce_sum3A_433 = vector.extract %reduce_sum3A_432[15] : f32 from vector<16xf32>
    %broadcast_in_dim3A_434 = vector.broadcast %reduce_sum3A_433 : f32 to vector<16xf32>
    %swap3A_435 = arith.constant 480 : index
    %swap3A_436 = tpu.vector_load %arg11[%swap3A_435] {strides = array<i32>} : memref<2048xf32, #tpu.memory_space<vmem>>, vector<16xf32>,
    tpu.vector_store %arg11[%swap3A_435], %broadcast_in_dim3A_434 {strides = array<i32>} : memref<2048xf32, #tpu.memory_space<vmem>>, vector<16xf32>,
    %get3A_437 = arith.constant 992 : index
    %get3A_438 = tpu.vector_load %arg8[%get3A_437] {strides = array<i32>} : memref<4096xf32, #tpu.memory_space<vmem>>, vector<16xf32>,
    %mul3A_439 = arith.mulf %get3A_438, %get3A_3 : vector<16xf32>
    %get3A_440 = arith.constant 1008 : index
    %get3A_441 = tpu.vector_load %arg8[%get3A_440] {strides = array<i32>} : memref<4096xf32, #tpu.memory_space<vmem>>, vector<16xf32>,
    %mul3A_442 = arith.mulf %get3A_441, %get3A_5 : vector<16xf32>
    %add3A_443 = arith.addf %mul3A_439, %mul3A_442 : vector<16xf32>
    %reduce_sum3A_444 = arith.constant true
    %reduce_sum3A_445 = vector.broadcast %reduce_sum3A_444 : i1 to vector<16xi1>
    %reduce_sum3A_446 = tpu.scan <sum>, %add3A_443 masked %reduce_sum3A_445 : vector<16xf32>, vector<16xi1> -> vector<16xf32>
    %reduce_sum3A_447 = vector.extract %reduce_sum3A_446[15] : f32 from vector<16xf32>
    %broadcast_in_dim3A_448 = vector.broadcast %reduce_sum3A_447 : f32 to vector<16xf32>
    %swap3A_449 = arith.constant 496 : index
    %swap3A_450 = tpu.vector_load %arg11[%swap3A_449] {strides = array<i32>} : memref<2048xf32, #tpu.memory_space<vmem>>, vector<16xf32>,
    tpu.vector_store %arg11[%swap3A_449], %broadcast_in_dim3A_448 {strides = array<i32>} : memref<2048xf32, #tpu.memory_space<vmem>>, vector<16xf32>,
    %get3A_451 = arith.constant 1024 : index
    %get3A_452 = tpu.vector_load %arg8[%get3A_451] {strides = array<i32>} : memref<4096xf32, #tpu.memory_space<vmem>>, vector<16xf32>,
    %mul3A_453 = arith.mulf %get3A_452, %get3A_3 : vector<16xf32>
    %get3A_454 = arith.constant 1040 : index
    %get3A_455 = tpu.vector_load %arg8[%get3A_454] {strides = array<i32>} : memref<4096xf32, #tpu.memory_space<vmem>>, vector<16xf32>,
    %mul3A_456 = arith.mulf %get3A_455, %get3A_5 : vector<16xf32>
    %add3A_457 = arith.addf %mul3A_453, %mul3A_456 : vector<16xf32>
    %reduce_sum3A_458 = arith.constant true
    %reduce_sum3A_459 = vector.broadcast %reduce_sum3A_458 : i1 to vector<16xi1>
    %reduce_sum3A_460 = tpu.scan <sum>, %add3A_457 masked %reduce_sum3A_459 : vector<16xf32>, vector<16xi1> -> vector<16xf32>
    %reduce_sum3A_461 = vector.extract %reduce_sum3A_460[15] : f32 from vector<16xf32>
    %broadcast_in_dim3A_462 = vector.broadcast %reduce_sum3A_461 : f32 to vector<16xf32>
    %swap3A_463 = arith.constant 512 : index
    %swap3A_464 = tpu.vector_load %arg11[%swap3A_463] {strides = array<i32>} : memref<2048xf32, #tpu.memory_space<vmem>>, vector<16xf32>,
    tpu.vector_store %arg11[%swap3A_463], %broadcast_in_dim3A_462 {strides = array<i32>} : memref<2048xf32, #tpu.memory_space<vmem>>, vector<16xf32>,
    %get3A_465 = arith.constant 1056 : index
    %get3A_466 = tpu.vector_load %arg8[%get3A_465] {strides = array<i32>} : memref<4096xf32, #tpu.memory_space<vmem>>, vector<16xf32>,
    %mul3A_467 = arith.mulf %get3A_466, %get3A_3 : vector<16xf32>
    %get3A_468 = arith.constant 1072 : index
    %get3A_469 = tpu.vector_load %arg8[%get3A_468] {strides = array<i32>} : memref<4096xf32, #tpu.memory_space<vmem>>, vector<16xf32>,
    %mul3A_470 = arith.mulf %get3A_469, %get3A_5 : vector<16xf32>
    %add3A_471 = arith.addf %mul3A_467, %mul3A_470 : vector<16xf32>
    %reduce_sum3A_472 = arith.constant true
    %reduce_sum3A_473 = vector.broadcast %reduce_sum3A_472 : i1 to vector<16xi1>
    %reduce_sum3A_474 = tpu.scan <sum>, %add3A_471 masked %reduce_sum3A_473 : vector<16xf32>, vector<16xi1> -> vector<16xf32>
    %reduce_sum3A_475 = vector.extract %reduce_sum3A_474[15] : f32 from vector<16xf32>
    %broadcast_in_dim3A_476 = vector.broadcast %reduce_sum3A_475 : f32 to vector<16xf32>
    %swap3A_477 = arith.constant 528 : index
    %swap3A_478 = tpu.vector_load %arg11[%swap3A_477] {strides = array<i32>} : memref<2048xf32, #tpu.memory_space<vmem>>, vector<16xf32>,
    tpu.vector_store %arg11[%swap3A_477], %broadcast_in_dim3A_476 {strides = array<i32>} : memref<2048xf32, #tpu.memory_space<vmem>>, vector<16xf32>,
    %get3A_479 = arith.constant 1088 : index
    %get3A_480 = tpu.vector_load %arg8[%get3A_479] {strides = array<i32>} : memref<4096xf32, #tpu.memory_space<vmem>>, vector<16xf32>,
    %mul3A_481 = arith.mulf %get3A_480, %get3A_3 : vector<16xf32>
    %get3A_482 = arith.constant 1104 : index
    %get3A_483 = tpu.vector_load %arg8[%get3A_482] {strides = array<i32>} : memref<4096xf32, #tpu.memory_space<vmem>>, vector<16xf32>,
    %mul3A_484 = arith.mulf %get3A_483, %get3A_5 : vector<16xf32>
    %add3A_485 = arith.addf %mul3A_481, %mul3A_484 : vector<16xf32>
    %reduce_sum3A_486 = arith.constant true
    %reduce_sum3A_487 = vector.broadcast %reduce_sum3A_486 : i1 to vector<16xi1>
    %reduce_sum3A_488 = tpu.scan <sum>, %add3A_485 masked %reduce_sum3A_487 : vector<16xf32>, vector<16xi1> -> vector<16xf32>
    %reduce_sum3A_489 = vector.extract %reduce_sum3A_488[15] : f32 from vector<16xf32>
    %broadcast_in_dim3A_490 = vector.broadcast %reduce_sum3A_489 : f32 to vector<16xf32>
    %swap3A_491 = arith.constant 544 : index
    %swap3A_492 = tpu.vector_load %arg11[%swap3A_491] {strides = array<i32>} : memref<2048xf32, #tpu.memory_space<vmem>>, vector<16xf32>,
    tpu.vector_store %arg11[%swap3A_491], %broadcast_in_dim3A_490 {strides = array<i32>} : memref<2048xf32, #tpu.memory_space<vmem>>, vector<16xf32>,
    %get3A_493 = arith.constant 1120 : index
    %get3A_494 = tpu.vector_load %arg8[%get3A_493] {strides = array<i32>} : memref<4096xf32, #tpu.memory_space<vmem>>, vector<16xf32>,
    %mul3A_495 = arith.mulf %get3A_494, %get3A_3 : vector<16xf32>
    %get3A_496 = arith.constant 1136 : index
    %get3A_497 = tpu.vector_load %arg8[%get3A_496] {strides = array<i32>} : memref<4096xf32, #tpu.memory_space<vmem>>, vector<16xf32>,
    %mul3A_498 = arith.mulf %get3A_497, %get3A_5 : vector<16xf32>
    %add3A_499 = arith.addf %mul3A_495, %mul3A_498 : vector<16xf32>
    %reduce_sum3A_500 = arith.constant true
    %reduce_sum3A_501 = vector.broadcast %reduce_sum3A_500 : i1 to vector<16xi1>
    %reduce_sum3A_502 = tpu.scan <sum>, %add3A_499 masked %reduce_sum3A_501 : vector<16xf32>, vector<16xi1> -> vector<16xf32>
    %reduce_sum3A_503 = vector.extract %reduce_sum3A_502[15] : f32 from vector<16xf32>
    %broadcast_in_dim3A_504 = vector.broadcast %reduce_sum3A_503 : f32 to vector<16xf32>
    %swap3A_505 = arith.constant 560 : index
    %swap3A_506 = tpu.vector_load %arg11[%swap3A_505] {strides = array<i32>} : memref<2048xf32, #tpu.memory_space<vmem>>, vector<16xf32>,
    tpu.vector_store %arg11[%swap3A_505], %broadcast_in_dim3A_504 {strides = array<i32>} : memref<2048xf32, #tpu.memory_space<vmem>>, vector<16xf32>,
    %get3A_507 = arith.constant 1152 : index
    %get3A_508 = tpu.vector_load %arg8[%get3A_507] {strides = array<i32>} : memref<4096xf32, #tpu.memory_space<vmem>>, vector<16xf32>,
    %mul3A_509 = arith.mulf %get3A_508, %get3A_3 : vector<16xf32>
    %get3A_510 = arith.constant 1168 : index
    %get3A_511 = tpu.vector_load %arg8[%get3A_510] {strides = array<i32>} : memref<4096xf32, #tpu.memory_space<vmem>>, vector<16xf32>,
    %mul3A_512 = arith.mulf %get3A_511, %get3A_5 : vector<16xf32>
    %add3A_513 = arith.addf %mul3A_509, %mul3A_512 : vector<16xf32>
    %reduce_sum3A_514 = arith.constant true
    %reduce_sum3A_515 = vector.broadcast %reduce_sum3A_514 : i1 to vector<16xi1>
    %reduce_sum3A_516 = tpu.scan <sum>, %add3A_513 masked %reduce_sum3A_515 : vector<16xf32>, vector<16xi1> -> vector<16xf32>
    %reduce_sum3A_517 = vector.extract %reduce_sum3A_516[15] : f32 from vector<16xf32>
    %broadcast_in_dim3A_518 = vector.broadcast %reduce_sum3A_517 : f32 to vector<16xf32>
    %swap3A_519 = arith.constant 576 : index
    %swap3A_520 = tpu.vector_load %arg11[%swap3A_519] {strides = array<i32>} : memref<2048xf32, #tpu.memory_space<vmem>>, vector<16xf32>,
    tpu.vector_store %arg11[%swap3A_519], %broadcast_in_dim3A_518 {strides = array<i32>} : memref<2048xf32, #tpu.memory_space<vmem>>, vector<16xf32>,
    %get3A_521 = arith.constant 1184 : index
    %get3A_522 = tpu.vector_load %arg8[%get3A_521] {strides = array<i32>} : memref<4096xf32, #tpu.memory_space<vmem>>, vector<16xf32>,
    %mul3A_523 = arith.mulf %get3A_522, %get3A_3 : vector<16xf32>
    %get3A_524 = arith.constant 1200 : index
    %get3A_525 = tpu.vector_load %arg8[%get3A_524] {strides = array<i32>} : memref<4096xf32, #tpu.memory_space<vmem>>, vector<16xf32>,
    %mul3A_526 = arith.mulf %get3A_525, %get3A_5 : vector<16xf32>
    %add3A_527 = arith.addf %mul3A_523, %mul3A_526 : vector<16xf32>
    %reduce_sum3A_528 = arith.constant true
    %reduce_sum3A_529 = vector.broadcast %reduce_sum3A_528 : i1 to vector<16xi1>
    %reduce_sum3A_530 = tpu.scan <sum>, %add3A_527 masked %reduce_sum3A_529 : vector<16xf32>, vector<16xi1> -> vector<16xf32>
    %reduce_sum3A_531 = vector.extract %reduce_sum3A_530[15] : f32 from vector<16xf32>
    %broadcast_in_dim3A_532 = vector.broadcast %reduce_sum3A_531 : f32 to vector<16xf32>
    %swap3A_533 = arith.constant 592 : index
    %swap3A_534 = tpu.vector_load %arg11[%swap3A_533] {strides = array<i32>} : memref<2048xf32, #tpu.memory_space<vmem>>, vector<16xf32>,
    tpu.vector_store %arg11[%swap3A_533], %broadcast_in_dim3A_532 {strides = array<i32>} : memref<2048xf32, #tpu.memory_space<vmem>>, vector<16xf32>,
    %get3A_535 = arith.constant 1216 : index
    %get3A_536 = tpu.vector_load %arg8[%get3A_535] {strides = array<i32>} : memref<4096xf32, #tpu.memory_space<vmem>>, vector<16xf32>,
    %mul3A_537 = arith.mulf %get3A_536, %get3A_3 : vector<16xf32>
    %get3A_538 = arith.constant 1232 : index
    %get3A_539 = tpu.vector_load %arg8[%get3A_538] {strides = array<i32>} : memref<4096xf32, #tpu.memory_space<vmem>>, vector<16xf32>,
    %mul3A_540 = arith.mulf %get3A_539, %get3A_5 : vector<16xf32>
    %add3A_541 = arith.addf %mul3A_537, %mul3A_540 : vector<16xf32>
    %reduce_sum3A_542 = arith.constant true
    %reduce_sum3A_543 = vector.broadcast %reduce_sum3A_542 : i1 to vector<16xi1>
    %reduce_sum3A_544 = tpu.scan <sum>, %add3A_541 masked %reduce_sum3A_543 : vector<16xf32>, vector<16xi1> -> vector<16xf32>
    %reduce_sum3A_545 = vector.extract %reduce_sum3A_544[15] : f32 from vector<16xf32>
    %broadcast_in_dim3A_546 = vector.broadcast %reduce_sum3A_545 : f32 to vector<16xf32>
    %swap3A_547 = arith.constant 608 : index
    %swap3A_548 = tpu.vector_load %arg11[%swap3A_547] {strides = array<i32>} : memref<2048xf32, #tpu.memory_space<vmem>>, vector<16xf32>,
    tpu.vector_store %arg11[%swap3A_547], %broadcast_in_dim3A_546 {strides = array<i32>} : memref<2048xf32, #tpu.memory_space<vmem>>, vector<16xf32>,
    %get3A_549 = arith.constant 1248 : index
    %get3A_550 = tpu.vector_load %arg8[%get3A_549] {strides = array<i32>} : memref<4096xf32, #tpu.memory_space<vmem>>, vector<16xf32>,
    %mul3A_551 = arith.mulf %get3A_550, %get3A_3 : vector<16xf32>
    %get3A_552 = arith.constant 1264 : index
    %get3A_553 = tpu.vector_load %arg8[%get3A_552] {strides = array<i32>} : memref<4096xf32, #tpu.memory_space<vmem>>, vector<16xf32>,
    %mul3A_554 = arith.mulf %get3A_553, %get3A_5 : vector<16xf32>
    %add3A_555 = arith.addf %mul3A_551, %mul3A_554 : vector<16xf32>
    %reduce_sum3A_556 = arith.constant true
    %reduce_sum3A_557 = vector.broadcast %reduce_sum3A_556 : i1 to vector<16xi1>
    %reduce_sum3A_558 = tpu.scan <sum>, %add3A_555 masked %reduce_sum3A_557 : vector<16xf32>, vector<16xi1> -> vector<16xf32>
    %reduce_sum3A_559 = vector.extract %reduce_sum3A_558[15] : f32 from vector<16xf32>
    %broadcast_in_dim3A_560 = vector.broadcast %reduce_sum3A_559 : f32 to vector<16xf32>
    %swap3A_561 = arith.constant 624 : index
    %swap3A_562 = tpu.vector_load %arg11[%swap3A_561] {strides = array<i32>} : memref<2048xf32, #tpu.memory_space<vmem>>, vector<16xf32>,
    tpu.vector_store %arg11[%swap3A_561], %broadcast_in_dim3A_560 {strides = array<i32>} : memref<2048xf32, #tpu.memory_space<vmem>>, vector<16xf32>,
    %get3A_563 = arith.constant 1280 : index
    %get3A_564 = tpu.vector_load %arg8[%get3A_563] {strides = array<i32>} : memref<4096xf32, #tpu.memory_space<vmem>>, vector<16xf32>,
    %mul3A_565 = arith.mulf %get3A_564, %get3A_3 : vector<16xf32>
    %get3A_566 = arith.constant 1296 : index
    %get3A_567 = tpu.vector_load %arg8[%get3A_566] {strides = array<i32>} : memref<4096xf32, #tpu.memory_space<vmem>>, vector<16xf32>,
    %mul3A_568 = arith.mulf %get3A_567, %get3A_5 : vector<16xf32>
    %add3A_569 = arith.addf %mul3A_565, %mul3A_568 : vector<16xf32>
    %reduce_sum3A_570 = arith.constant true
    %reduce_sum3A_571 = vector.broadcast %reduce_sum3A_570 : i1 to vector<16xi1>
    %reduce_sum3A_572 = tpu.scan <sum>, %add3A_569 masked %reduce_sum3A_571 : vector<16xf32>, vector<16xi1> -> vector<16xf32>
    %reduce_sum3A_573 = vector.extract %reduce_sum3A_572[15] : f32 from vector<16xf32>
    %broadcast_in_dim3A_574 = vector.broadcast %reduce_sum3A_573 : f32 to vector<16xf32>
    %swap3A_575 = arith.constant 640 : index
    %swap3A_576 = tpu.vector_load %arg11[%swap3A_575] {strides = array<i32>} : memref<2048xf32, #tpu.memory_space<vmem>>, vector<16xf32>,
    tpu.vector_store %arg11[%swap3A_575], %broadcast_in_dim3A_574 {strides = array<i32>} : memref<2048xf32, #tpu.memory_space<vmem>>, vector<16xf32>,
    %get3A_577 = arith.constant 1312 : index
    %get3A_578 = tpu.vector_load %arg8[%get3A_577] {strides = array<i32>} : memref<4096xf32, #tpu.memory_space<vmem>>, vector<16xf32>,
    %mul3A_579 = arith.mulf %get3A_578, %get3A_3 : vector<16xf32>
    %get3A_580 = arith.constant 1328 : index
    %get3A_581 = tpu.vector_load %arg8[%get3A_580] {strides = array<i32>} : memref<4096xf32, #tpu.memory_space<vmem>>, vector<16xf32>,
    %mul3A_582 = arith.mulf %get3A_581, %get3A_5 : vector<16xf32>
    %add3A_583 = arith.addf %mul3A_579, %mul3A_582 : vector<16xf32>
    %reduce_sum3A_584 = arith.constant true
    %reduce_sum3A_585 = vector.broadcast %reduce_sum3A_584 : i1 to vector<16xi1>
    %reduce_sum3A_586 = tpu.scan <sum>, %add3A_583 masked %reduce_sum3A_585 : vector<16xf32>, vector<16xi1> -> vector<16xf32>
    %reduce_sum3A_587 = vector.extract %reduce_sum3A_586[15] : f32 from vector<16xf32>
    %broadcast_in_dim3A_588 = vector.broadcast %reduce_sum3A_587 : f32 to vector<16xf32>
    %swap3A_589 = arith.constant 656 : index
    %swap3A_590 = tpu.vector_load %arg11[%swap3A_589] {strides = array<i32>} : memref<2048xf32, #tpu.memory_space<vmem>>, vector<16xf32>,
    tpu.vector_store %arg11[%swap3A_589], %broadcast_in_dim3A_588 {strides = array<i32>} : memref<2048xf32, #tpu.memory_space<vmem>>, vector<16xf32>,
    %get3A_591 = arith.constant 1344 : index
    %get3A_592 = tpu.vector_load %arg8[%get3A_591] {strides = array<i32>} : memref<4096xf32, #tpu.memory_space<vmem>>, vector<16xf32>,
    %mul3A_593 = arith.mulf %get3A_592, %get3A_3 : vector<16xf32>
    %get3A_594 = arith.constant 1360 : index
    %get3A_595 = tpu.vector_load %arg8[%get3A_594] {strides = array<i32>} : memref<4096xf32, #tpu.memory_space<vmem>>, vector<16xf32>,
    %mul3A_596 = arith.mulf %get3A_595, %get3A_5 : vector<16xf32>
    %add3A_597 = arith.addf %mul3A_593, %mul3A_596 : vector<16xf32>
    %reduce_sum3A_598 = arith.constant true
    %reduce_sum3A_599 = vector.broadcast %reduce_sum3A_598 : i1 to vector<16xi1>
    %reduce_sum3A_600 = tpu.scan <sum>, %add3A_597 masked %reduce_sum3A_599 : vector<16xf32>, vector<16xi1> -> vector<16xf32>
    %reduce_sum3A_601 = vector.extract %reduce_sum3A_600[15] : f32 from vector<16xf32>
    %broadcast_in_dim3A_602 = vector.broadcast %reduce_sum3A_601 : f32 to vector<16xf32>
    %swap3A_603 = arith.constant 672 : index
    %swap3A_604 = tpu.vector_load %arg11[%swap3A_603] {strides = array<i32>} : memref<2048xf32, #tpu.memory_space<vmem>>, vector<16xf32>,
    tpu.vector_store %arg11[%swap3A_603], %broadcast_in_dim3A_602 {strides = array<i32>} : memref<2048xf32, #tpu.memory_space<vmem>>, vector<16xf32>,
    %get3A_605 = arith.constant 1376 : index
    %get3A_606 = tpu.vector_load %arg8[%get3A_605] {strides = array<i32>} : memref<4096xf32, #tpu.memory_space<vmem>>, vector<16xf32>,
    %mul3A_607 = arith.mulf %get3A_606, %get3A_3 : vector<16xf32>
    %get3A_608 = arith.constant 1392 : index
    %get3A_609 = tpu.vector_load %arg8[%get3A_608] {strides = array<i32>} : memref<4096xf32, #tpu.memory_space<vmem>>, vector<16xf32>,
    %mul3A_610 = arith.mulf %get3A_609, %get3A_5 : vector<16xf32>
    %add3A_611 = arith.addf %mul3A_607, %mul3A_610 : vector<16xf32>
    %reduce_sum3A_612 = arith.constant true
    %reduce_sum3A_613 = vector.broadcast %reduce_sum3A_612 : i1 to vector<16xi1>
    %reduce_sum3A_614 = tpu.scan <sum>, %add3A_611 masked %reduce_sum3A_613 : vector<16xf32>, vector<16xi1> -> vector<16xf32>
    %reduce_sum3A_615 = vector.extract %reduce_sum3A_614[15] : f32 from vector<16xf32>
    %broadcast_in_dim3A_616 = vector.broadcast %reduce_sum3A_615 : f32 to vector<16xf32>
    %swap3A_617 = arith.constant 688 : index
    %swap3A_618 = tpu.vector_load %arg11[%swap3A_617] {strides = array<i32>} : memref<2048xf32, #tpu.memory_space<vmem>>, vector<16xf32>,
    tpu.vector_store %arg11[%swap3A_617], %broadcast_in_dim3A_616 {strides = array<i32>} : memref<2048xf32, #tpu.memory_space<vmem>>, vector<16xf32>,
    %get3A_619 = arith.constant 1408 : index
    %get3A_620 = tpu.vector_load %arg8[%get3A_619] {strides = array<i32>} : memref<4096xf32, #tpu.memory_space<vmem>>, vector<16xf32>,
    %mul3A_621 = arith.mulf %get3A_620, %get3A_3 : vector<16xf32>
    %get3A_622 = arith.constant 1424 : index
    %get3A_623 = tpu.vector_load %arg8[%get3A_622] {strides = array<i32>} : memref<4096xf32, #tpu.memory_space<vmem>>, vector<16xf32>,
    %mul3A_624 = arith.mulf %get3A_623, %get3A_5 : vector<16xf32>
    %add3A_625 = arith.addf %mul3A_621, %mul3A_624 : vector<16xf32>
    %reduce_sum3A_626 = arith.constant true
    %reduce_sum3A_627 = vector.broadcast %reduce_sum3A_626 : i1 to vector<16xi1>
    %reduce_sum3A_628 = tpu.scan <sum>, %add3A_625 masked %reduce_sum3A_627 : vector<16xf32>, vector<16xi1> -> vector<16xf32>
    %reduce_sum3A_629 = vector.extract %reduce_sum3A_628[15] : f32 from vector<16xf32>
    %broadcast_in_dim3A_630 = vector.broadcast %reduce_sum3A_629 : f32 to vector<16xf32>
    %swap3A_631 = arith.constant 704 : index
    %swap3A_632 = tpu.vector_load %arg11[%swap3A_631] {strides = array<i32>} : memref<2048xf32, #tpu.memory_space<vmem>>, vector<16xf32>,
    tpu.vector_store %arg11[%swap3A_631], %broadcast_in_dim3A_630 {strides = array<i32>} : memref<2048xf32, #tpu.memory_space<vmem>>, vector<16xf32>,
    %get3A_633 = arith.constant 1440 : index
    %get3A_634 = tpu.vector_load %arg8[%get3A_633] {strides = array<i32>} : memref<4096xf32, #tpu.memory_space<vmem>>, vector<16xf32>,
    %mul3A_635 = arith.mulf %get3A_634, %get3A_3 : vector<16xf32>
    %get3A_636 = arith.constant 1456 : index
    %get3A_637 = tpu.vector_load %arg8[%get3A_636] {strides = array<i32>} : memref<4096xf32, #tpu.memory_space<vmem>>, vector<16xf32>,
    %mul3A_638 = arith.mulf %get3A_637, %get3A_5 : vector<16xf32>
    %add3A_639 = arith.addf %mul3A_635, %mul3A_638 : vector<16xf32>
    %reduce_sum3A_640 = arith.constant true
    %reduce_sum3A_641 = vector.broadcast %reduce_sum3A_640 : i1 to vector<16xi1>
    %reduce_sum3A_642 = tpu.scan <sum>, %add3A_639 masked %reduce_sum3A_641 : vector<16xf32>, vector<16xi1> -> vector<16xf32>
    %reduce_sum3A_643 = vector.extract %reduce_sum3A_642[15] : f32 from vector<16xf32>
    %broadcast_in_dim3A_644 = vector.broadcast %reduce_sum3A_643 : f32 to vector<16xf32>
    %swap3A_645 = arith.constant 720 : index
    %swap3A_646 = tpu.vector_load %arg11[%swap3A_645] {strides = array<i32>} : memref<2048xf32, #tpu.memory_space<vmem>>, vector<16xf32>,
    tpu.vector_store %arg11[%swap3A_645], %broadcast_in_dim3A_644 {strides = array<i32>} : memref<2048xf32, #tpu.memory_space<vmem>>, vector<16xf32>,
    %get3A_647 = arith.constant 1472 : index
    %get3A_648 = tpu.vector_load %arg8[%get3A_647] {strides = array<i32>} : memref<4096xf32, #tpu.memory_space<vmem>>, vector<16xf32>,
    %mul3A_649 = arith.mulf %get3A_648, %get3A_3 : vector<16xf32>
    %get3A_650 = arith.constant 1488 : index
    %get3A_651 = tpu.vector_load %arg8[%get3A_650] {strides = array<i32>} : memref<4096xf32, #tpu.memory_space<vmem>>, vector<16xf32>,
    %mul3A_652 = arith.mulf %get3A_651, %get3A_5 : vector<16xf32>
    %add3A_653 = arith.addf %mul3A_649, %mul3A_652 : vector<16xf32>
    %reduce_sum3A_654 = arith.constant true
    %reduce_sum3A_655 = vector.broadcast %reduce_sum3A_654 : i1 to vector<16xi1>
    %reduce_sum3A_656 = tpu.scan <sum>, %add3A_653 masked %reduce_sum3A_655 : vector<16xf32>, vector<16xi1> -> vector<16xf32>
    %reduce_sum3A_657 = vector.extract %reduce_sum3A_656[15] : f32 from vector<16xf32>
    %broadcast_in_dim3A_658 = vector.broadcast %reduce_sum3A_657 : f32 to vector<16xf32>
    %swap3A_659 = arith.constant 736 : index
    %swap3A_660 = tpu.vector_load %arg11[%swap3A_659] {strides = array<i32>} : memref<2048xf32, #tpu.memory_space<vmem>>, vector<16xf32>,
    tpu.vector_store %arg11[%swap3A_659], %broadcast_in_dim3A_658 {strides = array<i32>} : memref<2048xf32, #tpu.memory_space<vmem>>, vector<16xf32>,
    %get3A_661 = arith.constant 1504 : index
    %get3A_662 = tpu.vector_load %arg8[%get3A_661] {strides = array<i32>} : memref<4096xf32, #tpu.memory_space<vmem>>, vector<16xf32>,
    %mul3A_663 = arith.mulf %get3A_662, %get3A_3 : vector<16xf32>
    %get3A_664 = arith.constant 1520 : index
    %get3A_665 = tpu.vector_load %arg8[%get3A_664] {strides = array<i32>} : memref<4096xf32, #tpu.memory_space<vmem>>, vector<16xf32>,
    %mul3A_666 = arith.mulf %get3A_665, %get3A_5 : vector<16xf32>
    %add3A_667 = arith.addf %mul3A_663, %mul3A_666 : vector<16xf32>
    %reduce_sum3A_668 = arith.constant true
    %reduce_sum3A_669 = vector.broadcast %reduce_sum3A_668 : i1 to vector<16xi1>
    %reduce_sum3A_670 = tpu.scan <sum>, %add3A_667 masked %reduce_sum3A_669 : vector<16xf32>, vector<16xi1> -> vector<16xf32>
    %reduce_sum3A_671 = vector.extract %reduce_sum3A_670[15] : f32 from vector<16xf32>
    %broadcast_in_dim3A_672 = vector.broadcast %reduce_sum3A_671 : f32 to vector<16xf32>
    %swap3A_673 = arith.constant 752 : index
    %swap3A_674 = tpu.vector_load %arg11[%swap3A_673] {strides = array<i32>} : memref<2048xf32, #tpu.memory_space<vmem>>, vector<16xf32>,
    tpu.vector_store %arg11[%swap3A_673], %broadcast_in_dim3A_672 {strides = array<i32>} : memref<2048xf32, #tpu.memory_space<vmem>>, vector<16xf32>,
    %get3A_675 = arith.constant 1536 : index
    %get3A_676 = tpu.vector_load %arg8[%get3A_675] {strides = array<i32>} : memref<4096xf32, #tpu.memory_space<vmem>>, vector<16xf32>,
    %mul3A_677 = arith.mulf %get3A_676, %get3A_3 : vector<16xf32>
    %get3A_678 = arith.constant 1552 : index
    %get3A_679 = tpu.vector_load %arg8[%get3A_678] {strides = array<i32>} : memref<4096xf32, #tpu.memory_space<vmem>>, vector<16xf32>,
    %mul3A_680 = arith.mulf %get3A_679, %get3A_5 : vector<16xf32>
    %add3A_681 = arith.addf %mul3A_677, %mul3A_680 : vector<16xf32>
    %reduce_sum3A_682 = arith.constant true
    %reduce_sum3A_683 = vector.broadcast %reduce_sum3A_682 : i1 to vector<16xi1>
    %reduce_sum3A_684 = tpu.scan <sum>, %add3A_681 masked %reduce_sum3A_683 : vector<16xf32>, vector<16xi1> -> vector<16xf32>
    %reduce_sum3A_685 = vector.extract %reduce_sum3A_684[15] : f32 from vector<16xf32>
    %broadcast_in_dim3A_686 = vector.broadcast %reduce_sum3A_685 : f32 to vector<16xf32>
    %swap3A_687 = arith.constant 768 : index
    %swap3A_688 = tpu.vector_load %arg11[%swap3A_687] {strides = array<i32>} : memref<2048xf32, #tpu.memory_space<vmem>>, vector<16xf32>,
    tpu.vector_store %arg11[%swap3A_687], %broadcast_in_dim3A_686 {strides = array<i32>} : memref<2048xf32, #tpu.memory_space<vmem>>, vector<16xf32>,
    %get3A_689 = arith.constant 1568 : index
    %get3A_690 = tpu.vector_load %arg8[%get3A_689] {strides = array<i32>} : memref<4096xf32, #tpu.memory_space<vmem>>, vector<16xf32>,
    %mul3A_691 = arith.mulf %get3A_690, %get3A_3 : vector<16xf32>
    %get3A_692 = arith.constant 1584 : index
    %get3A_693 = tpu.vector_load %arg8[%get3A_692] {strides = array<i32>} : memref<4096xf32, #tpu.memory_space<vmem>>, vector<16xf32>,
    %mul3A_694 = arith.mulf %get3A_693, %get3A_5 : vector<16xf32>
    %add3A_695 = arith.addf %mul3A_691, %mul3A_694 : vector<16xf32>
    %reduce_sum3A_696 = arith.constant true
    %reduce_sum3A_697 = vector.broadcast %reduce_sum3A_696 : i1 to vector<16xi1>
    %reduce_sum3A_698 = tpu.scan <sum>, %add3A_695 masked %reduce_sum3A_697 : vector<16xf32>, vector<16xi1> -> vector<16xf32>
    %reduce_sum3A_699 = vector.extract %reduce_sum3A_698[15] : f32 from vector<16xf32>
    %broadcast_in_dim3A_700 = vector.broadcast %reduce_sum3A_699 : f32 to vector<16xf32>
    %swap3A_701 = arith.constant 784 : index
    %swap3A_702 = tpu.vector_load %arg11[%swap3A_701] {strides = array<i32>} : memref<2048xf32, #tpu.memory_space<vmem>>, vector<16xf32>,
    tpu.vector_store %arg11[%swap3A_701], %broadcast_in_dim3A_700 {strides = array<i32>} : memref<2048xf32, #tpu.memory_space<vmem>>, vector<16xf32>,
    %get3A_703 = arith.constant 1600 : index
    %get3A_704 = tpu.vector_load %arg8[%get3A_703] {strides = array<i32>} : memref<4096xf32, #tpu.memory_space<vmem>>, vector<16xf32>,
    %mul3A_705 = arith.mulf %get3A_704, %get3A_3 : vector<16xf32>
    %get3A_706 = arith.constant 1616 : index
    %get3A_707 = tpu.vector_load %arg8[%get3A_706] {strides = array<i32>} : memref<4096xf32, #tpu.memory_space<vmem>>, vector<16xf32>,
    %mul3A_708 = arith.mulf %get3A_707, %get3A_5 : vector<16xf32>
    %add3A_709 = arith.addf %mul3A_705, %mul3A_708 : vector<16xf32>
    %reduce_sum3A_710 = arith.constant true
    %reduce_sum3A_711 = vector.broadcast %reduce_sum3A_710 : i1 to vector<16xi1>
    %reduce_sum3A_712 = tpu.scan <sum>, %add3A_709 masked %reduce_sum3A_711 : vector<16xf32>, vector<16xi1> -> vector<16xf32>
    %reduce_sum3A_713 = vector.extract %reduce_sum3A_712[15] : f32 from vector<16xf32>
    %broadcast_in_dim3A_714 = vector.broadcast %reduce_sum3A_713 : f32 to vector<16xf32>
    %swap3A_715 = arith.constant 800 : index
    %swap3A_716 = tpu.vector_load %arg11[%swap3A_715] {strides = array<i32>} : memref<2048xf32, #tpu.memory_space<vmem>>, vector<16xf32>,
    tpu.vector_store %arg11[%swap3A_715], %broadcast_in_dim3A_714 {strides = array<i32>} : memref<2048xf32, #tpu.memory_space<vmem>>, vector<16xf32>,
    %get3A_717 = arith.constant 1632 : index
    %get3A_718 = tpu.vector_load %arg8[%get3A_717] {strides = array<i32>} : memref<4096xf32, #tpu.memory_space<vmem>>, vector<16xf32>,
    %mul3A_719 = arith.mulf %get3A_718, %get3A_3 : vector<16xf32>
    %get3A_720 = arith.constant 1648 : index
    %get3A_721 = tpu.vector_load %arg8[%get3A_720] {strides = array<i32>} : memref<4096xf32, #tpu.memory_space<vmem>>, vector<16xf32>,
    %mul3A_722 = arith.mulf %get3A_721, %get3A_5 : vector<16xf32>
    %add3A_723 = arith.addf %mul3A_719, %mul3A_722 : vector<16xf32>
    %reduce_sum3A_724 = arith.constant true
    %reduce_sum3A_725 = vector.broadcast %reduce_sum3A_724 : i1 to vector<16xi1>
    %reduce_sum3A_726 = tpu.scan <sum>, %add3A_723 masked %reduce_sum3A_725 : vector<16xf32>, vector<16xi1> -> vector<16xf32>
    %reduce_sum3A_727 = vector.extract %reduce_sum3A_726[15] : f32 from vector<16xf32>
    %broadcast_in_dim3A_728 = vector.broadcast %reduce_sum3A_727 : f32 to vector<16xf32>
    %swap3A_729 = arith.constant 816 : index
    %swap3A_730 = tpu.vector_load %arg11[%swap3A_729] {strides = array<i32>} : memref<2048xf32, #tpu.memory_space<vmem>>, vector<16xf32>,
    tpu.vector_store %arg11[%swap3A_729], %broadcast_in_dim3A_728 {strides = array<i32>} : memref<2048xf32, #tpu.memory_space<vmem>>, vector<16xf32>,
    %get3A_731 = arith.constant 1664 : index
    %get3A_732 = tpu.vector_load %arg8[%get3A_731] {strides = array<i32>} : memref<4096xf32, #tpu.memory_space<vmem>>, vector<16xf32>,
    %mul3A_733 = arith.mulf %get3A_732, %get3A_3 : vector<16xf32>
    %get3A_734 = arith.constant 1680 : index
    %get3A_735 = tpu.vector_load %arg8[%get3A_734] {strides = array<i32>} : memref<4096xf32, #tpu.memory_space<vmem>>, vector<16xf32>,
    %mul3A_736 = arith.mulf %get3A_735, %get3A_5 : vector<16xf32>
    %add3A_737 = arith.addf %mul3A_733, %mul3A_736 : vector<16xf32>
    %reduce_sum3A_738 = arith.constant true
    %reduce_sum3A_739 = vector.broadcast %reduce_sum3A_738 : i1 to vector<16xi1>
    %reduce_sum3A_740 = tpu.scan <sum>, %add3A_737 masked %reduce_sum3A_739 : vector<16xf32>, vector<16xi1> -> vector<16xf32>
    %reduce_sum3A_741 = vector.extract %reduce_sum3A_740[15] : f32 from vector<16xf32>
    %broadcast_in_dim3A_742 = vector.broadcast %reduce_sum3A_741 : f32 to vector<16xf32>
    %swap3A_743 = arith.constant 832 : index
    %swap3A_744 = tpu.vector_load %arg11[%swap3A_743] {strides = array<i32>} : memref<2048xf32, #tpu.memory_space<vmem>>, vector<16xf32>,
    tpu.vector_store %arg11[%swap3A_743], %broadcast_in_dim3A_742 {strides = array<i32>} : memref<2048xf32, #tpu.memory_space<vmem>>, vector<16xf32>,
    %get3A_745 = arith.constant 1696 : index
    %get3A_746 = tpu.vector_load %arg8[%get3A_745] {strides = array<i32>} : memref<4096xf32, #tpu.memory_space<vmem>>, vector<16xf32>,
    %mul3A_747 = arith.mulf %get3A_746, %get3A_3 : vector<16xf32>
    %get3A_748 = arith.constant 1712 : index
    %get3A_749 = tpu.vector_load %arg8[%get3A_748] {strides = array<i32>} : memref<4096xf32, #tpu.memory_space<vmem>>, vector<16xf32>,
    %mul3A_750 = arith.mulf %get3A_749, %get3A_5 : vector<16xf32>
    %add3A_751 = arith.addf %mul3A_747, %mul3A_750 : vector<16xf32>
    %reduce_sum3A_752 = arith.constant true
    %reduce_sum3A_753 = vector.broadcast %reduce_sum3A_752 : i1 to vector<16xi1>
    %reduce_sum3A_754 = tpu.scan <sum>, %add3A_751 masked %reduce_sum3A_753 : vector<16xf32>, vector<16xi1> -> vector<16xf32>
    %reduce_sum3A_755 = vector.extract %reduce_sum3A_754[15] : f32 from vector<16xf32>
    %broadcast_in_dim3A_756 = vector.broadcast %reduce_sum3A_755 : f32 to vector<16xf32>
    %swap3A_757 = arith.constant 848 : index
    %swap3A_758 = tpu.vector_load %arg11[%swap3A_757] {strides = array<i32>} : memref<2048xf32, #tpu.memory_space<vmem>>, vector<16xf32>,
    tpu.vector_store %arg11[%swap3A_757], %broadcast_in_dim3A_756 {strides = array<i32>} : memref<2048xf32, #tpu.memory_space<vmem>>, vector<16xf32>,
    %get3A_759 = arith.constant 1728 : index
    %get3A_760 = tpu.vector_load %arg8[%get3A_759] {strides = array<i32>} : memref<4096xf32, #tpu.memory_space<vmem>>, vector<16xf32>,
    %mul3A_761 = arith.mulf %get3A_760, %get3A_3 : vector<16xf32>
    %get3A_762 = arith.constant 1744 : index
    %get3A_763 = tpu.vector_load %arg8[%get3A_762] {strides = array<i32>} : memref<4096xf32, #tpu.memory_space<vmem>>, vector<16xf32>,
    %mul3A_764 = arith.mulf %get3A_763, %get3A_5 : vector<16xf32>
    %add3A_765 = arith.addf %mul3A_761, %mul3A_764 : vector<16xf32>
    %reduce_sum3A_766 = arith.constant true
    %reduce_sum3A_767 = vector.broadcast %reduce_sum3A_766 : i1 to vector<16xi1>
    %reduce_sum3A_768 = tpu.scan <sum>, %add3A_765 masked %reduce_sum3A_767 : vector<16xf32>, vector<16xi1> -> vector<16xf32>
    %reduce_sum3A_769 = vector.extract %reduce_sum3A_768[15] : f32 from vector<16xf32>
    %broadcast_in_dim3A_770 = vector.broadcast %reduce_sum3A_769 : f32 to vector<16xf32>
    %swap3A_771 = arith.constant 864 : index
    %swap3A_772 = tpu.vector_load %arg11[%swap3A_771] {strides = array<i32>} : memref<2048xf32, #tpu.memory_space<vmem>>, vector<16xf32>,
    tpu.vector_store %arg11[%swap3A_771], %broadcast_in_dim3A_770 {strides = array<i32>} : memref<2048xf32, #tpu.memory_space<vmem>>, vector<16xf32>,
    %get3A_773 = arith.constant 1760 : index
    %get3A_774 = tpu.vector_load %arg8[%get3A_773] {strides = array<i32>} : memref<4096xf32, #tpu.memory_space<vmem>>, vector<16xf32>,
    %mul3A_775 = arith.mulf %get3A_774, %get3A_3 : vector<16xf32>
    %get3A_776 = arith.constant 1776 : index
    %get3A_777 = tpu.vector_load %arg8[%get3A_776] {strides = array<i32>} : memref<4096xf32, #tpu.memory_space<vmem>>, vector<16xf32>,
    %mul3A_778 = arith.mulf %get3A_777, %get3A_5 : vector<16xf32>
    %add3A_779 = arith.addf %mul3A_775, %mul3A_778 : vector<16xf32>
    %reduce_sum3A_780 = arith.constant true
    %reduce_sum3A_781 = vector.broadcast %reduce_sum3A_780 : i1 to vector<16xi1>
    %reduce_sum3A_782 = tpu.scan <sum>, %add3A_779 masked %reduce_sum3A_781 : vector<16xf32>, vector<16xi1> -> vector<16xf32>
    %reduce_sum3A_783 = vector.extract %reduce_sum3A_782[15] : f32 from vector<16xf32>
    %broadcast_in_dim3A_784 = vector.broadcast %reduce_sum3A_783 : f32 to vector<16xf32>
    %swap3A_785 = arith.constant 880 : index
    %swap3A_786 = tpu.vector_load %arg11[%swap3A_785] {strides = array<i32>} : memref<2048xf32, #tpu.memory_space<vmem>>, vector<16xf32>,
    tpu.vector_store %arg11[%swap3A_785], %broadcast_in_dim3A_784 {strides = array<i32>} : memref<2048xf32, #tpu.memory_space<vmem>>, vector<16xf32>,
    %get3A_787 = arith.constant 1792 : index
    %get3A_788 = tpu.vector_load %arg8[%get3A_787] {strides = array<i32>} : memref<4096xf32, #tpu.memory_space<vmem>>, vector<16xf32>,
    %mul3A_789 = arith.mulf %get3A_788, %get3A_3 : vector<16xf32>
    %get3A_790 = arith.constant 1808 : index
    %get3A_791 = tpu.vector_load %arg8[%get3A_790] {strides = array<i32>} : memref<4096xf32, #tpu.memory_space<vmem>>, vector<16xf32>,
    %mul3A_792 = arith.mulf %get3A_791, %get3A_5 : vector<16xf32>
    %add3A_793 = arith.addf %mul3A_789, %mul3A_792 : vector<16xf32>
    %reduce_sum3A_794 = arith.constant true
    %reduce_sum3A_795 = vector.broadcast %reduce_sum3A_794 : i1 to vector<16xi1>
    %reduce_sum3A_796 = tpu.scan <sum>, %add3A_793 masked %reduce_sum3A_795 : vector<16xf32>, vector<16xi1> -> vector<16xf32>
    %reduce_sum3A_797 = vector.extract %reduce_sum3A_796[15] : f32 from vector<16xf32>
    %broadcast_in_dim3A_798 = vector.broadcast %reduce_sum3A_797 : f32 to vector<16xf32>
    %swap3A_799 = arith.constant 896 : index
    %swap3A_800 = tpu.vector_load %arg11[%swap3A_799] {strides = array<i32>} : memref<2048xf32, #tpu.memory_space<vmem>>, vector<16xf32>,
    tpu.vector_store %arg11[%swap3A_799], %broadcast_in_dim3A_798 {strides = array<i32>} : memref<2048xf32, #tpu.memory_space<vmem>>, vector<16xf32>,
    %get3A_801 = arith.constant 1824 : index
    %get3A_802 = tpu.vector_load %arg8[%get3A_801] {strides = array<i32>} : memref<4096xf32, #tpu.memory_space<vmem>>, vector<16xf32>,
    %mul3A_803 = arith.mulf %get3A_802, %get3A_3 : vector<16xf32>
    %get3A_804 = arith.constant 1840 : index
    %get3A_805 = tpu.vector_load %arg8[%get3A_804] {strides = array<i32>} : memref<4096xf32, #tpu.memory_space<vmem>>, vector<16xf32>,
    %mul3A_806 = arith.mulf %get3A_805, %get3A_5 : vector<16xf32>
    %add3A_807 = arith.addf %mul3A_803, %mul3A_806 : vector<16xf32>
    %reduce_sum3A_808 = arith.constant true
    %reduce_sum3A_809 = vector.broadcast %reduce_sum3A_808 : i1 to vector<16xi1>
    %reduce_sum3A_810 = tpu.scan <sum>, %add3A_807 masked %reduce_sum3A_809 : vector<16xf32>, vector<16xi1> -> vector<16xf32>
    %reduce_sum3A_811 = vector.extract %reduce_sum3A_810[15] : f32 from vector<16xf32>
    %broadcast_in_dim3A_812 = vector.broadcast %reduce_sum3A_811 : f32 to vector<16xf32>
    %swap3A_813 = arith.constant 912 : index
    %swap3A_814 = tpu.vector_load %arg11[%swap3A_813] {strides = array<i32>} : memref<2048xf32, #tpu.memory_space<vmem>>, vector<16xf32>,
    tpu.vector_store %arg11[%swap3A_813], %broadcast_in_dim3A_812 {strides = array<i32>} : memref<2048xf32, #tpu.memory_space<vmem>>, vector<16xf32>,
    %get3A_815 = arith.constant 1856 : index
    %get3A_816 = tpu.vector_load %arg8[%get3A_815] {strides = array<i32>} : memref<4096xf32, #tpu.memory_space<vmem>>, vector<16xf32>,
    %mul3A_817 = arith.mulf %get3A_816, %get3A_3 : vector<16xf32>
    %get3A_818 = arith.constant 1872 : index
    %get3A_819 = tpu.vector_load %arg8[%get3A_818] {strides = array<i32>} : memref<4096xf32, #tpu.memory_space<vmem>>, vector<16xf32>,
    %mul3A_820 = arith.mulf %get3A_819, %get3A_5 : vector<16xf32>
    %add3A_821 = arith.addf %mul3A_817, %mul3A_820 : vector<16xf32>
    %reduce_sum3A_822 = arith.constant true
    %reduce_sum3A_823 = vector.broadcast %reduce_sum3A_822 : i1 to vector<16xi1>
    %reduce_sum3A_824 = tpu.scan <sum>, %add3A_821 masked %reduce_sum3A_823 : vector<16xf32>, vector<16xi1> -> vector<16xf32>
    %reduce_sum3A_825 = vector.extract %reduce_sum3A_824[15] : f32 from vector<16xf32>
    %broadcast_in_dim3A_826 = vector.broadcast %reduce_sum3A_825 : f32 to vector<16xf32>
    %swap3A_827 = arith.constant 928 : index
    %swap3A_828 = tpu.vector_load %arg11[%swap3A_827] {strides = array<i32>} : memref<2048xf32, #tpu.memory_space<vmem>>, vector<16xf32>,
    tpu.vector_store %arg11[%swap3A_827], %broadcast_in_dim3A_826 {strides = array<i32>} : memref<2048xf32, #tpu.memory_space<vmem>>, vector<16xf32>,
    %get3A_829 = arith.constant 1888 : index
    %get3A_830 = tpu.vector_load %arg8[%get3A_829] {strides = array<i32>} : memref<4096xf32, #tpu.memory_space<vmem>>, vector<16xf32>,
    %mul3A_831 = arith.mulf %get3A_830, %get3A_3 : vector<16xf32>
    %get3A_832 = arith.constant 1904 : index
    %get3A_833 = tpu.vector_load %arg8[%get3A_832] {strides = array<i32>} : memref<4096xf32, #tpu.memory_space<vmem>>, vector<16xf32>,
    %mul3A_834 = arith.mulf %get3A_833, %get3A_5 : vector<16xf32>
    %add3A_835 = arith.addf %mul3A_831, %mul3A_834 : vector<16xf32>
    %reduce_sum3A_836 = arith.constant true
    %reduce_sum3A_837 = vector.broadcast %reduce_sum3A_836 : i1 to vector<16xi1>
    %reduce_sum3A_838 = tpu.scan <sum>, %add3A_835 masked %reduce_sum3A_837 : vector<16xf32>, vector<16xi1> -> vector<16xf32>
    %reduce_sum3A_839 = vector.extract %reduce_sum3A_838[15] : f32 from vector<16xf32>
    %broadcast_in_dim3A_840 = vector.broadcast %reduce_sum3A_839 : f32 to vector<16xf32>
    %swap3A_841 = arith.constant 944 : index
    %swap3A_842 = tpu.vector_load %arg11[%swap3A_841] {strides = array<i32>} : memref<2048xf32, #tpu.memory_space<vmem>>, vector<16xf32>,
    tpu.vector_store %arg11[%swap3A_841], %broadcast_in_dim3A_840 {strides = array<i32>} : memref<2048xf32, #tpu.memory_space<vmem>>, vector<16xf32>,
    %get3A_843 = arith.constant 1920 : index
    %get3A_844 = tpu.vector_load %arg8[%get3A_843] {strides = array<i32>} : memref<4096xf32, #tpu.memory_space<vmem>>, vector<16xf32>,
    %mul3A_845 = arith.mulf %get3A_844, %get3A_3 : vector<16xf32>
    %get3A_846 = arith.constant 1936 : index
    %get3A_847 = tpu.vector_load %arg8[%get3A_846] {strides = array<i32>} : memref<4096xf32, #tpu.memory_space<vmem>>, vector<16xf32>,
    %mul3A_848 = arith.mulf %get3A_847, %get3A_5 : vector<16xf32>
    %add3A_849 = arith.addf %mul3A_845, %mul3A_848 : vector<16xf32>
    %reduce_sum3A_850 = arith.constant true
    %reduce_sum3A_851 = vector.broadcast %reduce_sum3A_850 : i1 to vector<16xi1>
    %reduce_sum3A_852 = tpu.scan <sum>, %add3A_849 masked %reduce_sum3A_851 : vector<16xf32>, vector<16xi1> -> vector<16xf32>
    %reduce_sum3A_853 = vector.extract %reduce_sum3A_852[15] : f32 from vector<16xf32>
    %broadcast_in_dim3A_854 = vector.broadcast %reduce_sum3A_853 : f32 to vector<16xf32>
    %swap3A_855 = arith.constant 960 : index
    %swap3A_856 = tpu.vector_load %arg11[%swap3A_855] {strides = array<i32>} : memref<2048xf32, #tpu.memory_space<vmem>>, vector<16xf32>,
    tpu.vector_store %arg11[%swap3A_855], %broadcast_in_dim3A_854 {strides = array<i32>} : memref<2048xf32, #tpu.memory_space<vmem>>, vector<16xf32>,
    %get3A_857 = arith.constant 1952 : index
    %get3A_858 = tpu.vector_load %arg8[%get3A_857] {strides = array<i32>} : memref<4096xf32, #tpu.memory_space<vmem>>, vector<16xf32>,
    %mul3A_859 = arith.mulf %get3A_858, %get3A_3 : vector<16xf32>
    %get3A_860 = arith.constant 1968 : index
    %get3A_861 = tpu.vector_load %arg8[%get3A_860] {strides = array<i32>} : memref<4096xf32, #tpu.memory_space<vmem>>, vector<16xf32>,
    %mul3A_862 = arith.mulf %get3A_861, %get3A_5 : vector<16xf32>
    %add3A_863 = arith.addf %mul3A_859, %mul3A_862 : vector<16xf32>
    %reduce_sum3A_864 = arith.constant true
    %reduce_sum3A_865 = vector.broadcast %reduce_sum3A_864 : i1 to vector<16xi1>
    %reduce_sum3A_866 = tpu.scan <sum>, %add3A_863 masked %reduce_sum3A_865 : vector<16xf32>, vector<16xi1> -> vector<16xf32>
    %reduce_sum3A_867 = vector.extract %reduce_sum3A_866[15] : f32 from vector<16xf32>
    %broadcast_in_dim3A_868 = vector.broadcast %reduce_sum3A_867 : f32 to vector<16xf32>
    %swap3A_869 = arith.constant 976 : index
    %swap3A_870 = tpu.vector_load %arg11[%swap3A_869] {strides = array<i32>} : memref<2048xf32, #tpu.memory_space<vmem>>, vector<16xf32>,
    tpu.vector_store %arg11[%swap3A_869], %broadcast_in_dim3A_868 {strides = array<i32>} : memref<2048xf32, #tpu.memory_space<vmem>>, vector<16xf32>,
    %get3A_871 = arith.constant 1984 : index
    %get3A_872 = tpu.vector_load %arg8[%get3A_871] {strides = array<i32>} : memref<4096xf32, #tpu.memory_space<vmem>>, vector<16xf32>,
    %mul3A_873 = arith.mulf %get3A_872, %get3A_3 : vector<16xf32>
    %get3A_874 = arith.constant 2000 : index
    %get3A_875 = tpu.vector_load %arg8[%get3A_874] {strides = array<i32>} : memref<4096xf32, #tpu.memory_space<vmem>>, vector<16xf32>,
    %mul3A_876 = arith.mulf %get3A_875, %get3A_5 : vector<16xf32>
    %add3A_877 = arith.addf %mul3A_873, %mul3A_876 : vector<16xf32>
    %reduce_sum3A_878 = arith.constant true
    %reduce_sum3A_879 = vector.broadcast %reduce_sum3A_878 : i1 to vector<16xi1>
    %reduce_sum3A_880 = tpu.scan <sum>, %add3A_877 masked %reduce_sum3A_879 : vector<16xf32>, vector<16xi1> -> vector<16xf32>
    %reduce_sum3A_881 = vector.extract %reduce_sum3A_880[15] : f32 from vector<16xf32>
    %broadcast_in_dim3A_882 = vector.broadcast %reduce_sum3A_881 : f32 to vector<16xf32>
    %swap3A_883 = arith.constant 992 : index
    %swap3A_884 = tpu.vector_load %arg11[%swap3A_883] {strides = array<i32>} : memref<2048xf32, #tpu.memory_space<vmem>>, vector<16xf32>,
    tpu.vector_store %arg11[%swap3A_883], %broadcast_in_dim3A_882 {strides = array<i32>} : memref<2048xf32, #tpu.memory_space<vmem>>, vector<16xf32>,
    %get3A_885 = arith.constant 2016 : index
    %get3A_886 = tpu.vector_load %arg8[%get3A_885] {strides = array<i32>} : memref<4096xf32, #tpu.memory_space<vmem>>, vector<16xf32>,
    %mul3A_887 = arith.mulf %get3A_886, %get3A_3 : vector<16xf32>
    %get3A_888 = arith.constant 2032 : index
    %get3A_889 = tpu.vector_load %arg8[%get3A_888] {strides = array<i32>} : memref<4096xf32, #tpu.memory_space<vmem>>, vector<16xf32>,
    %mul3A_890 = arith.mulf %get3A_889, %get3A_5 : vector<16xf32>
    %add3A_891 = arith.addf %mul3A_887, %mul3A_890 : vector<16xf32>
    %reduce_sum3A_892 = arith.constant true
    %reduce_sum3A_893 = vector.broadcast %reduce_sum3A_892 : i1 to vector<16xi1>
    %reduce_sum3A_894 = tpu.scan <sum>, %add3A_891 masked %reduce_sum3A_893 : vector<16xf32>, vector<16xi1> -> vector<16xf32>
    %reduce_sum3A_895 = vector.extract %reduce_sum3A_894[15] : f32 from vector<16xf32>
    %broadcast_in_dim3A_896 = vector.broadcast %reduce_sum3A_895 : f32 to vector<16xf32>
    %swap3A_897 = arith.constant 1008 : index
    %swap3A_898 = tpu.vector_load %arg11[%swap3A_897] {strides = array<i32>} : memref<2048xf32, #tpu.memory_space<vmem>>, vector<16xf32>,
    tpu.vector_store %arg11[%swap3A_897], %broadcast_in_dim3A_896 {strides = array<i32>} : memref<2048xf32, #tpu.memory_space<vmem>>, vector<16xf32>,
    %get3A_899 = arith.constant 2048 : index
    %get3A_900 = tpu.vector_load %arg8[%get3A_899] {strides = array<i32>} : memref<4096xf32, #tpu.memory_space<vmem>>, vector<16xf32>,
    %mul3A_901 = arith.mulf %get3A_900, %get3A_3 : vector<16xf32>
    %get3A_902 = arith.constant 2064 : index
    %get3A_903 = tpu.vector_load %arg8[%get3A_902] {strides = array<i32>} : memref<4096xf32, #tpu.memory_space<vmem>>, vector<16xf32>,
    %mul3A_904 = arith.mulf %get3A_903, %get3A_5 : vector<16xf32>
    %add3A_905 = arith.addf %mul3A_901, %mul3A_904 : vector<16xf32>
    %reduce_sum3A_906 = arith.constant true
    %reduce_sum3A_907 = vector.broadcast %reduce_sum3A_906 : i1 to vector<16xi1>
    %reduce_sum3A_908 = tpu.scan <sum>, %add3A_905 masked %reduce_sum3A_907 : vector<16xf32>, vector<16xi1> -> vector<16xf32>
    %reduce_sum3A_909 = vector.extract %reduce_sum3A_908[15] : f32 from vector<16xf32>
    %broadcast_in_dim3A_910 = vector.broadcast %reduce_sum3A_909 : f32 to vector<16xf32>
    %swap3A_911 = arith.constant 1024 : index
    %swap3A_912 = tpu.vector_load %arg11[%swap3A_911] {strides = array<i32>} : memref<2048xf32, #tpu.memory_space<vmem>>, vector<16xf32>,
    tpu.vector_store %arg11[%swap3A_911], %broadcast_in_dim3A_910 {strides = array<i32>} : memref<2048xf32, #tpu.memory_space<vmem>>, vector<16xf32>,
    %get3A_913 = arith.constant 2080 : index
    %get3A_914 = tpu.vector_load %arg8[%get3A_913] {strides = array<i32>} : memref<4096xf32, #tpu.memory_space<vmem>>, vector<16xf32>,
    %mul3A_915 = arith.mulf %get3A_914, %get3A_3 : vector<16xf32>
    %get3A_916 = arith.constant 2096 : index
    %get3A_917 = tpu.vector_load %arg8[%get3A_916] {strides = array<i32>} : memref<4096xf32, #tpu.memory_space<vmem>>, vector<16xf32>,
    %mul3A_918 = arith.mulf %get3A_917, %get3A_5 : vector<16xf32>
    %add3A_919 = arith.addf %mul3A_915, %mul3A_918 : vector<16xf32>
    %reduce_sum3A_920 = arith.constant true
    %reduce_sum3A_921 = vector.broadcast %reduce_sum3A_920 : i1 to vector<16xi1>
    %reduce_sum3A_922 = tpu.scan <sum>, %add3A_919 masked %reduce_sum3A_921 : vector<16xf32>, vector<16xi1> -> vector<16xf32>
    %reduce_sum3A_923 = vector.extract %reduce_sum3A_922[15] : f32 from vector<16xf32>
    %broadcast_in_dim3A_924 = vector.broadcast %reduce_sum3A_923 : f32 to vector<16xf32>
    %swap3A_925 = arith.constant 1040 : index
    %swap3A_926 = tpu.vector_load %arg11[%swap3A_925] {strides = array<i32>} : memref<2048xf32, #tpu.memory_space<vmem>>, vector<16xf32>,
    tpu.vector_store %arg11[%swap3A_925], %broadcast_in_dim3A_924 {strides = array<i32>} : memref<2048xf32, #tpu.memory_space<vmem>>, vector<16xf32>,
    %get3A_927 = arith.constant 2112 : index
    %get3A_928 = tpu.vector_load %arg8[%get3A_927] {strides = array<i32>} : memref<4096xf32, #tpu.memory_space<vmem>>, vector<16xf32>,
    %mul3A_929 = arith.mulf %get3A_928, %get3A_3 : vector<16xf32>
    %get3A_930 = arith.constant 2128 : index
    %get3A_931 = tpu.vector_load %arg8[%get3A_930] {strides = array<i32>} : memref<4096xf32, #tpu.memory_space<vmem>>, vector<16xf32>,
    %mul3A_932 = arith.mulf %get3A_931, %get3A_5 : vector<16xf32>
    %add3A_933 = arith.addf %mul3A_929, %mul3A_932 : vector<16xf32>
    %reduce_sum3A_934 = arith.constant true
    %reduce_sum3A_935 = vector.broadcast %reduce_sum3A_934 : i1 to vector<16xi1>
    %reduce_sum3A_936 = tpu.scan <sum>, %add3A_933 masked %reduce_sum3A_935 : vector<16xf32>, vector<16xi1> -> vector<16xf32>
    %reduce_sum3A_937 = vector.extract %reduce_sum3A_936[15] : f32 from vector<16xf32>
    %broadcast_in_dim3A_938 = vector.broadcast %reduce_sum3A_937 : f32 to vector<16xf32>
    %swap3A_939 = arith.constant 1056 : index
    %swap3A_940 = tpu.vector_load %arg11[%swap3A_939] {strides = array<i32>} : memref<2048xf32, #tpu.memory_space<vmem>>, vector<16xf32>,
    tpu.vector_store %arg11[%swap3A_939], %broadcast_in_dim3A_938 {strides = array<i32>} : memref<2048xf32, #tpu.memory_space<vmem>>, vector<16xf32>,
    %get3A_941 = arith.constant 2144 : index
    %get3A_942 = tpu.vector_load %arg8[%get3A_941] {strides = array<i32>} : memref<4096xf32, #tpu.memory_space<vmem>>, vector<16xf32>,
    %mul3A_943 = arith.mulf %get3A_942, %get3A_3 : vector<16xf32>
    %get3A_944 = arith.constant 2160 : index
    %get3A_945 = tpu.vector_load %arg8[%get3A_944] {strides = array<i32>} : memref<4096xf32, #tpu.memory_space<vmem>>, vector<16xf32>,
    %mul3A_946 = arith.mulf %get3A_945, %get3A_5 : vector<16xf32>
    %add3A_947 = arith.addf %mul3A_943, %mul3A_946 : vector<16xf32>
    %reduce_sum3A_948 = arith.constant true
    %reduce_sum3A_949 = vector.broadcast %reduce_sum3A_948 : i1 to vector<16xi1>
    %reduce_sum3A_950 = tpu.scan <sum>, %add3A_947 masked %reduce_sum3A_949 : vector<16xf32>, vector<16xi1> -> vector<16xf32>
    %reduce_sum3A_951 = vector.extract %reduce_sum3A_950[15] : f32 from vector<16xf32>
    %broadcast_in_dim3A_952 = vector.broadcast %reduce_sum3A_951 : f32 to vector<16xf32>
    %swap3A_953 = arith.constant 1072 : index
    %swap3A_954 = tpu.vector_load %arg11[%swap3A_953] {strides = array<i32>} : memref<2048xf32, #tpu.memory_space<vmem>>, vector<16xf32>,
    tpu.vector_store %arg11[%swap3A_953], %broadcast_in_dim3A_952 {strides = array<i32>} : memref<2048xf32, #tpu.memory_space<vmem>>, vector<16xf32>,
    %get3A_955 = arith.constant 2176 : index
    %get3A_956 = tpu.vector_load %arg8[%get3A_955] {strides = array<i32>} : memref<4096xf32, #tpu.memory_space<vmem>>, vector<16xf32>,
    %mul3A_957 = arith.mulf %get3A_956, %get3A_3 : vector<16xf32>
    %get3A_958 = arith.constant 2192 : index
    %get3A_959 = tpu.vector_load %arg8[%get3A_958] {strides = array<i32>} : memref<4096xf32, #tpu.memory_space<vmem>>, vector<16xf32>,
    %mul3A_960 = arith.mulf %get3A_959, %get3A_5 : vector<16xf32>
    %add3A_961 = arith.addf %mul3A_957, %mul3A_960 : vector<16xf32>
    %reduce_sum3A_962 = arith.constant true
    %reduce_sum3A_963 = vector.broadcast %reduce_sum3A_962 : i1 to vector<16xi1>
    %reduce_sum3A_964 = tpu.scan <sum>, %add3A_961 masked %reduce_sum3A_963 : vector<16xf32>, vector<16xi1> -> vector<16xf32>
    %reduce_sum3A_965 = vector.extract %reduce_sum3A_964[15] : f32 from vector<16xf32>
    %broadcast_in_dim3A_966 = vector.broadcast %reduce_sum3A_965 : f32 to vector<16xf32>
    %swap3A_967 = arith.constant 1088 : index
    %swap3A_968 = tpu.vector_load %arg11[%swap3A_967] {strides = array<i32>} : memref<2048xf32, #tpu.memory_space<vmem>>, vector<16xf32>,
    tpu.vector_store %arg11[%swap3A_967], %broadcast_in_dim3A_966 {strides = array<i32>} : memref<2048xf32, #tpu.memory_space<vmem>>, vector<16xf32>,
    %get3A_969 = arith.constant 2208 : index
    %get3A_970 = tpu.vector_load %arg8[%get3A_969] {strides = array<i32>} : memref<4096xf32, #tpu.memory_space<vmem>>, vector<16xf32>,
    %mul3A_971 = arith.mulf %get3A_970, %get3A_3 : vector<16xf32>
    %get3A_972 = arith.constant 2224 : index
    %get3A_973 = tpu.vector_load %arg8[%get3A_972] {strides = array<i32>} : memref<4096xf32, #tpu.memory_space<vmem>>, vector<16xf32>,
    %mul3A_974 = arith.mulf %get3A_973, %get3A_5 : vector<16xf32>
    %add3A_975 = arith.addf %mul3A_971, %mul3A_974 : vector<16xf32>
    %reduce_sum3A_976 = arith.constant true
    %reduce_sum3A_977 = vector.broadcast %reduce_sum3A_976 : i1 to vector<16xi1>
    %reduce_sum3A_978 = tpu.scan <sum>, %add3A_975 masked %reduce_sum3A_977 : vector<16xf32>, vector<16xi1> -> vector<16xf32>
    %reduce_sum3A_979 = vector.extract %reduce_sum3A_978[15] : f32 from vector<16xf32>
    %broadcast_in_dim3A_980 = vector.broadcast %reduce_sum3A_979 : f32 to vector<16xf32>
    %swap3A_981 = arith.constant 1104 : index
    %swap3A_982 = tpu.vector_load %arg11[%swap3A_981] {strides = array<i32>} : memref<2048xf32, #tpu.memory_space<vmem>>, vector<16xf32>,
    tpu.vector_store %arg11[%swap3A_981], %broadcast_in_dim3A_980 {strides = array<i32>} : memref<2048xf32, #tpu.memory_space<vmem>>, vector<16xf32>,
    %get3A_983 = arith.constant 2240 : index
    %get3A_984 = tpu.vector_load %arg8[%get3A_983] {strides = array<i32>} : memref<4096xf32, #tpu.memory_space<vmem>>, vector<16xf32>,
    %mul3A_985 = arith.mulf %get3A_984, %get3A_3 : vector<16xf32>
    %get3A_986 = arith.constant 2256 : index
    %get3A_987 = tpu.vector_load %arg8[%get3A_986] {strides = array<i32>} : memref<4096xf32, #tpu.memory_space<vmem>>, vector<16xf32>,
    %mul3A_988 = arith.mulf %get3A_987, %get3A_5 : vector<16xf32>
    %add3A_989 = arith.addf %mul3A_985, %mul3A_988 : vector<16xf32>
    %reduce_sum3A_990 = arith.constant true
    %reduce_sum3A_991 = vector.broadcast %reduce_sum3A_990 : i1 to vector<16xi1>
    %reduce_sum3A_992 = tpu.scan <sum>, %add3A_989 masked %reduce_sum3A_991 : vector<16xf32>, vector<16xi1> -> vector<16xf32>
    %reduce_sum3A_993 = vector.extract %reduce_sum3A_992[15] : f32 from vector<16xf32>
    %broadcast_in_dim3A_994 = vector.broadcast %reduce_sum3A_993 : f32 to vector<16xf32>
    %swap3A_995 = arith.constant 1120 : index
    %swap3A_996 = tpu.vector_load %arg11[%swap3A_995] {strides = array<i32>} : memref<2048xf32, #tpu.memory_space<vmem>>, vector<16xf32>,
    tpu.vector_store %arg11[%swap3A_995], %broadcast_in_dim3A_994 {strides = array<i32>} : memref<2048xf32, #tpu.memory_space<vmem>>, vector<16xf32>,
    %get3A_997 = arith.constant 2272 : index
    %get3A_998 = tpu.vector_load %arg8[%get3A_997] {strides = array<i32>} : memref<4096xf32, #tpu.memory_space<vmem>>, vector<16xf32>,
    %mul3A_999 = arith.mulf %get3A_998, %get3A_3 : vector<16xf32>
    %get3A_1000 = arith.constant 2288 : index
    %get3A_1001 = tpu.vector_load %arg8[%get3A_1000] {strides = array<i32>} : memref<4096xf32, #tpu.memory_space<vmem>>, vector<16xf32>,
    %mul3A_1002 = arith.mulf %get3A_1001, %get3A_5 : vector<16xf32>
    %add3A_1003 = arith.addf %mul3A_999, %mul3A_1002 : vector<16xf32>
    %reduce_sum3A_1004 = arith.constant true
    %reduce_sum3A_1005 = vector.broadcast %reduce_sum3A_1004 : i1 to vector<16xi1>
    %reduce_sum3A_1006 = tpu.scan <sum>, %add3A_1003 masked %reduce_sum3A_1005 : vector<16xf32>, vector<16xi1> -> vector<16xf32>
    %reduce_sum3A_1007 = vector.extract %reduce_sum3A_1006[15] : f32 from vector<16xf32>
    %broadcast_in_dim3A_1008 = vector.broadcast %reduce_sum3A_1007 : f32 to vector<16xf32>
    %swap3A_1009 = arith.constant 1136 : index
    %swap3A_1010 = tpu.vector_load %arg11[%swap3A_1009] {strides = array<i32>} : memref<2048xf32, #tpu.memory_space<vmem>>, vector<16xf32>,
    tpu.vector_store %arg11[%swap3A_1009], %broadcast_in_dim3A_1008 {strides = array<i32>} : memref<2048xf32, #tpu.memory_space<vmem>>, vector<16xf32>,
    %get3A_1011 = arith.constant 2304 : index
    %get3A_1012 = tpu.vector_load %arg8[%get3A_1011] {strides = array<i32>} : memref<4096xf32, #tpu.memory_space<vmem>>, vector<16xf32>,
    %mul3A_1013 = arith.mulf %get3A_1012, %get3A_3 : vector<16xf32>
    %get3A_1014 = arith.constant 2320 : index
    %get3A_1015 = tpu.vector_load %arg8[%get3A_1014] {strides = array<i32>} : memref<4096xf32, #tpu.memory_space<vmem>>, vector<16xf32>,
    %mul3A_1016 = arith.mulf %get3A_1015, %get3A_5 : vector<16xf32>
    %add3A_1017 = arith.addf %mul3A_1013, %mul3A_1016 : vector<16xf32>
    %reduce_sum3A_1018 = arith.constant true
    %reduce_sum3A_1019 = vector.broadcast %reduce_sum3A_1018 : i1 to vector<16xi1>
    %reduce_sum3A_1020 = tpu.scan <sum>, %add3A_1017 masked %reduce_sum3A_1019 : vector<16xf32>, vector<16xi1> -> vector<16xf32>
    %reduce_sum3A_1021 = vector.extract %reduce_sum3A_1020[15] : f32 from vector<16xf32>
    %broadcast_in_dim3A_1022 = vector.broadcast %reduce_sum3A_1021 : f32 to vector<16xf32>
    %swap3A_1023 = arith.constant 1152 : index
    %swap3A_1024 = tpu.vector_load %arg11[%swap3A_1023] {strides = array<i32>} : memref<2048xf32, #tpu.memory_space<vmem>>, vector<16xf32>,
    tpu.vector_store %arg11[%swap3A_1023], %broadcast_in_dim3A_1022 {strides = array<i32>} : memref<2048xf32, #tpu.memory_space<vmem>>, vector<16xf32>,
    %get3A_1025 = arith.constant 2336 : index
    %get3A_1026 = tpu.vector_load %arg8[%get3A_1025] {strides = array<i32>} : memref<4096xf32, #tpu.memory_space<vmem>>, vector<16xf32>,
    %mul3A_1027 = arith.mulf %get3A_1026, %get3A_3 : vector<16xf32>
    %get3A_1028 = arith.constant 2352 : index
    %get3A_1029 = tpu.vector_load %arg8[%get3A_1028] {strides = array<i32>} : memref<4096xf32, #tpu.memory_space<vmem>>, vector<16xf32>,
    %mul3A_1030 = arith.mulf %get3A_1029, %get3A_5 : vector<16xf32>
    %add3A_1031 = arith.addf %mul3A_1027, %mul3A_1030 : vector<16xf32>
    %reduce_sum3A_1032 = arith.constant true
    %reduce_sum3A_1033 = vector.broadcast %reduce_sum3A_1032 : i1 to vector<16xi1>
    %reduce_sum3A_1034 = tpu.scan <sum>, %add3A_1031 masked %reduce_sum3A_1033 : vector<16xf32>, vector<16xi1> -> vector<16xf32>
    %reduce_sum3A_1035 = vector.extract %reduce_sum3A_1034[15] : f32 from vector<16xf32>
    %broadcast_in_dim3A_1036 = vector.broadcast %reduce_sum3A_1035 : f32 to vector<16xf32>
    %swap3A_1037 = arith.constant 1168 : index
    %swap3A_1038 = tpu.vector_load %arg11[%swap3A_1037] {strides = array<i32>} : memref<2048xf32, #tpu.memory_space<vmem>>, vector<16xf32>,
    tpu.vector_store %arg11[%swap3A_1037], %broadcast_in_dim3A_1036 {strides = array<i32>} : memref<2048xf32, #tpu.memory_space<vmem>>, vector<16xf32>,
    %get3A_1039 = arith.constant 2368 : index
    %get3A_1040 = tpu.vector_load %arg8[%get3A_1039] {strides = array<i32>} : memref<4096xf32, #tpu.memory_space<vmem>>, vector<16xf32>,
    %mul3A_1041 = arith.mulf %get3A_1040, %get3A_3 : vector<16xf32>
    %get3A_1042 = arith.constant 2384 : index
    %get3A_1043 = tpu.vector_load %arg8[%get3A_1042] {strides = array<i32>} : memref<4096xf32, #tpu.memory_space<vmem>>, vector<16xf32>,
    %mul3A_1044 = arith.mulf %get3A_1043, %get3A_5 : vector<16xf32>
    %add3A_1045 = arith.addf %mul3A_1041, %mul3A_1044 : vector<16xf32>
    %reduce_sum3A_1046 = arith.constant true
    %reduce_sum3A_1047 = vector.broadcast %reduce_sum3A_1046 : i1 to vector<16xi1>
    %reduce_sum3A_1048 = tpu.scan <sum>, %add3A_1045 masked %reduce_sum3A_1047 : vector<16xf32>, vector<16xi1> -> vector<16xf32>
    %reduce_sum3A_1049 = vector.extract %reduce_sum3A_1048[15] : f32 from vector<16xf32>
    %broadcast_in_dim3A_1050 = vector.broadcast %reduce_sum3A_1049 : f32 to vector<16xf32>
    %swap3A_1051 = arith.constant 1184 : index
    %swap3A_1052 = tpu.vector_load %arg11[%swap3A_1051] {strides = array<i32>} : memref<2048xf32, #tpu.memory_space<vmem>>, vector<16xf32>,
    tpu.vector_store %arg11[%swap3A_1051], %broadcast_in_dim3A_1050 {strides = array<i32>} : memref<2048xf32, #tpu.memory_space<vmem>>, vector<16xf32>,
    %get3A_1053 = arith.constant 2400 : index
    %get3A_1054 = tpu.vector_load %arg8[%get3A_1053] {strides = array<i32>} : memref<4096xf32, #tpu.memory_space<vmem>>, vector<16xf32>,
    %mul3A_1055 = arith.mulf %get3A_1054, %get3A_3 : vector<16xf32>
    %get3A_1056 = arith.constant 2416 : index
    %get3A_1057 = tpu.vector_load %arg8[%get3A_1056] {strides = array<i32>} : memref<4096xf32, #tpu.memory_space<vmem>>, vector<16xf32>,
    %mul3A_1058 = arith.mulf %get3A_1057, %get3A_5 : vector<16xf32>
    %add3A_1059 = arith.addf %mul3A_1055, %mul3A_1058 : vector<16xf32>
    %reduce_sum3A_1060 = arith.constant true
    %reduce_sum3A_1061 = vector.broadcast %reduce_sum3A_1060 : i1 to vector<16xi1>
    %reduce_sum3A_1062 = tpu.scan <sum>, %add3A_1059 masked %reduce_sum3A_1061 : vector<16xf32>, vector<16xi1> -> vector<16xf32>
    %reduce_sum3A_1063 = vector.extract %reduce_sum3A_1062[15] : f32 from vector<16xf32>
    %broadcast_in_dim3A_1064 = vector.broadcast %reduce_sum3A_1063 : f32 to vector<16xf32>
    %swap3A_1065 = arith.constant 1200 : index
    %swap3A_1066 = tpu.vector_load %arg11[%swap3A_1065] {strides = array<i32>} : memref<2048xf32, #tpu.memory_space<vmem>>, vector<16xf32>,
    tpu.vector_store %arg11[%swap3A_1065], %broadcast_in_dim3A_1064 {strides = array<i32>} : memref<2048xf32, #tpu.memory_space<vmem>>, vector<16xf32>,
    %get3A_1067 = arith.constant 2432 : index
    %get3A_1068 = tpu.vector_load %arg8[%get3A_1067] {strides = array<i32>} : memref<4096xf32, #tpu.memory_space<vmem>>, vector<16xf32>,
    %mul3A_1069 = arith.mulf %get3A_1068, %get3A_3 : vector<16xf32>
    %get3A_1070 = arith.constant 2448 : index
    %get3A_1071 = tpu.vector_load %arg8[%get3A_1070] {strides = array<i32>} : memref<4096xf32, #tpu.memory_space<vmem>>, vector<16xf32>,
    %mul3A_1072 = arith.mulf %get3A_1071, %get3A_5 : vector<16xf32>
    %add3A_1073 = arith.addf %mul3A_1069, %mul3A_1072 : vector<16xf32>
    %reduce_sum3A_1074 = arith.constant true
    %reduce_sum3A_1075 = vector.broadcast %reduce_sum3A_1074 : i1 to vector<16xi1>
    %reduce_sum3A_1076 = tpu.scan <sum>, %add3A_1073 masked %reduce_sum3A_1075 : vector<16xf32>, vector<16xi1> -> vector<16xf32>
    %reduce_sum3A_1077 = vector.extract %reduce_sum3A_1076[15] : f32 from vector<16xf32>
    %broadcast_in_dim3A_1078 = vector.broadcast %reduce_sum3A_1077 : f32 to vector<16xf32>
    %swap3A_1079 = arith.constant 1216 : index
    %swap3A_1080 = tpu.vector_load %arg11[%swap3A_1079] {strides = array<i32>} : memref<2048xf32, #tpu.memory_space<vmem>>, vector<16xf32>,
    tpu.vector_store %arg11[%swap3A_1079], %broadcast_in_dim3A_1078 {strides = array<i32>} : memref<2048xf32, #tpu.memory_space<vmem>>, vector<16xf32>,
    %get3A_1081 = arith.constant 2464 : index
    %get3A_1082 = tpu.vector_load %arg8[%get3A_1081] {strides = array<i32>} : memref<4096xf32, #tpu.memory_space<vmem>>, vector<16xf32>,
    %mul3A_1083 = arith.mulf %get3A_1082, %get3A_3 : vector<16xf32>
    %get3A_1084 = arith.constant 2480 : index
    %get3A_1085 = tpu.vector_load %arg8[%get3A_1084] {strides = array<i32>} : memref<4096xf32, #tpu.memory_space<vmem>>, vector<16xf32>,
    %mul3A_1086 = arith.mulf %get3A_1085, %get3A_5 : vector<16xf32>
    %add3A_1087 = arith.addf %mul3A_1083, %mul3A_1086 : vector<16xf32>
    %reduce_sum3A_1088 = arith.constant true
    %reduce_sum3A_1089 = vector.broadcast %reduce_sum3A_1088 : i1 to vector<16xi1>
    %reduce_sum3A_1090 = tpu.scan <sum>, %add3A_1087 masked %reduce_sum3A_1089 : vector<16xf32>, vector<16xi1> -> vector<16xf32>
    %reduce_sum3A_1091 = vector.extract %reduce_sum3A_1090[15] : f32 from vector<16xf32>
    %broadcast_in_dim3A_1092 = vector.broadcast %reduce_sum3A_1091 : f32 to vector<16xf32>
    %swap3A_1093 = arith.constant 1232 : index
    %swap3A_1094 = tpu.vector_load %arg11[%swap3A_1093] {strides = array<i32>} : memref<2048xf32, #tpu.memory_space<vmem>>, vector<16xf32>,
    tpu.vector_store %arg11[%swap3A_1093], %broadcast_in_dim3A_1092 {strides = array<i32>} : memref<2048xf32, #tpu.memory_space<vmem>>, vector<16xf32>,
    %get3A_1095 = arith.constant 2496 : index
    %get3A_1096 = tpu.vector_load %arg8[%get3A_1095] {strides = array<i32>} : memref<4096xf32, #tpu.memory_space<vmem>>, vector<16xf32>,
    %mul3A_1097 = arith.mulf %get3A_1096, %get3A_3 : vector<16xf32>
    %get3A_1098 = arith.constant 2512 : index
    %get3A_1099 = tpu.vector_load %arg8[%get3A_1098] {strides = array<i32>} : memref<4096xf32, #tpu.memory_space<vmem>>, vector<16xf32>,
    %mul3A_1100 = arith.mulf %get3A_1099, %get3A_5 : vector<16xf32>
    %add3A_1101 = arith.addf %mul3A_1097, %mul3A_1100 : vector<16xf32>
    %reduce_sum3A_1102 = arith.constant true
    %reduce_sum3A_1103 = vector.broadcast %reduce_sum3A_1102 : i1 to vector<16xi1>
    %reduce_sum3A_1104 = tpu.scan <sum>, %add3A_1101 masked %reduce_sum3A_1103 : vector<16xf32>, vector<16xi1> -> vector<16xf32>
    %reduce_sum3A_1105 = vector.extract %reduce_sum3A_1104[15] : f32 from vector<16xf32>
    %broadcast_in_dim3A_1106 = vector.broadcast %reduce_sum3A_1105 : f32 to vector<16xf32>
    %swap3A_1107 = arith.constant 1248 : index
    %swap3A_1108 = tpu.vector_load %arg11[%swap3A_1107] {strides = array<i32>} : memref<2048xf32, #tpu.memory_space<vmem>>, vector<16xf32>,
    tpu.vector_store %arg11[%swap3A_1107], %broadcast_in_dim3A_1106 {strides = array<i32>} : memref<2048xf32, #tpu.memory_space<vmem>>, vector<16xf32>,
    %get3A_1109 = arith.constant 2528 : index
    %get3A_1110 = tpu.vector_load %arg8[%get3A_1109] {strides = array<i32>} : memref<4096xf32, #tpu.memory_space<vmem>>, vector<16xf32>,
    %mul3A_1111 = arith.mulf %get3A_1110, %get3A_3 : vector<16xf32>
    %get3A_1112 = arith.constant 2544 : index
    %get3A_1113 = tpu.vector_load %arg8[%get3A_1112] {strides = array<i32>} : memref<4096xf32, #tpu.memory_space<vmem>>, vector<16xf32>,
    %mul3A_1114 = arith.mulf %get3A_1113, %get3A_5 : vector<16xf32>
    %add3A_1115 = arith.addf %mul3A_1111, %mul3A_1114 : vector<16xf32>
    %reduce_sum3A_1116 = arith.constant true
    %reduce_sum3A_1117 = vector.broadcast %reduce_sum3A_1116 : i1 to vector<16xi1>
    %reduce_sum3A_1118 = tpu.scan <sum>, %add3A_1115 masked %reduce_sum3A_1117 : vector<16xf32>, vector<16xi1> -> vector<16xf32>
    %reduce_sum3A_1119 = vector.extract %reduce_sum3A_1118[15] : f32 from vector<16xf32>
    %broadcast_in_dim3A_1120 = vector.broadcast %reduce_sum3A_1119 : f32 to vector<16xf32>
    %swap3A_1121 = arith.constant 1264 : index
    %swap3A_1122 = tpu.vector_load %arg11[%swap3A_1121] {strides = array<i32>} : memref<2048xf32, #tpu.memory_space<vmem>>, vector<16xf32>,
    tpu.vector_store %arg11[%swap3A_1121], %broadcast_in_dim3A_1120 {strides = array<i32>} : memref<2048xf32, #tpu.memory_space<vmem>>, vector<16xf32>,
    %get3A_1123 = arith.constant 2560 : index
    %get3A_1124 = tpu.vector_load %arg8[%get3A_1123] {strides = array<i32>} : memref<4096xf32, #tpu.memory_space<vmem>>, vector<16xf32>,
    %mul3A_1125 = arith.mulf %get3A_1124, %get3A_3 : vector<16xf32>
    %get3A_1126 = arith.constant 2576 : index
    %get3A_1127 = tpu.vector_load %arg8[%get3A_1126] {strides = array<i32>} : memref<4096xf32, #tpu.memory_space<vmem>>, vector<16xf32>,
    %mul3A_1128 = arith.mulf %get3A_1127, %get3A_5 : vector<16xf32>
    %add3A_1129 = arith.addf %mul3A_1125, %mul3A_1128 : vector<16xf32>
    %reduce_sum3A_1130 = arith.constant true
    %reduce_sum3A_1131 = vector.broadcast %reduce_sum3A_1130 : i1 to vector<16xi1>
    %reduce_sum3A_1132 = tpu.scan <sum>, %add3A_1129 masked %reduce_sum3A_1131 : vector<16xf32>, vector<16xi1> -> vector<16xf32>
    %reduce_sum3A_1133 = vector.extract %reduce_sum3A_1132[15] : f32 from vector<16xf32>
    %broadcast_in_dim3A_1134 = vector.broadcast %reduce_sum3A_1133 : f32 to vector<16xf32>
    %swap3A_1135 = arith.constant 1280 : index
    %swap3A_1136 = tpu.vector_load %arg11[%swap3A_1135] {strides = array<i32>} : memref<2048xf32, #tpu.memory_space<vmem>>, vector<16xf32>,
    tpu.vector_store %arg11[%swap3A_1135], %broadcast_in_dim3A_1134 {strides = array<i32>} : memref<2048xf32, #tpu.memory_space<vmem>>, vector<16xf32>,
    %get3A_1137 = arith.constant 2592 : index
    %get3A_1138 = tpu.vector_load %arg8[%get3A_1137] {strides = array<i32>} : memref<4096xf32, #tpu.memory_space<vmem>>, vector<16xf32>,
    %mul3A_1139 = arith.mulf %get3A_1138, %get3A_3 : vector<16xf32>
    %get3A_1140 = arith.constant 2608 : index
    %get3A_1141 = tpu.vector_load %arg8[%get3A_1140] {strides = array<i32>} : memref<4096xf32, #tpu.memory_space<vmem>>, vector<16xf32>,
    %mul3A_1142 = arith.mulf %get3A_1141, %get3A_5 : vector<16xf32>
    %add3A_1143 = arith.addf %mul3A_1139, %mul3A_1142 : vector<16xf32>
    %reduce_sum3A_1144 = arith.constant true
    %reduce_sum3A_1145 = vector.broadcast %reduce_sum3A_1144 : i1 to vector<16xi1>
    %reduce_sum3A_1146 = tpu.scan <sum>, %add3A_1143 masked %reduce_sum3A_1145 : vector<16xf32>, vector<16xi1> -> vector<16xf32>
    %reduce_sum3A_1147 = vector.extract %reduce_sum3A_1146[15] : f32 from vector<16xf32>
    %broadcast_in_dim3A_1148 = vector.broadcast %reduce_sum3A_1147 : f32 to vector<16xf32>
    %swap3A_1149 = arith.constant 1296 : index
    %swap3A_1150 = tpu.vector_load %arg11[%swap3A_1149] {strides = array<i32>} : memref<2048xf32, #tpu.memory_space<vmem>>, vector<16xf32>,
    tpu.vector_store %arg11[%swap3A_1149], %broadcast_in_dim3A_1148 {strides = array<i32>} : memref<2048xf32, #tpu.memory_space<vmem>>, vector<16xf32>,
    %get3A_1151 = arith.constant 2624 : index
    %get3A_1152 = tpu.vector_load %arg8[%get3A_1151] {strides = array<i32>} : memref<4096xf32, #tpu.memory_space<vmem>>, vector<16xf32>,
    %mul3A_1153 = arith.mulf %get3A_1152, %get3A_3 : vector<16xf32>
    %get3A_1154 = arith.constant 2640 : index
    %get3A_1155 = tpu.vector_load %arg8[%get3A_1154] {strides = array<i32>} : memref<4096xf32, #tpu.memory_space<vmem>>, vector<16xf32>,
    %mul3A_1156 = arith.mulf %get3A_1155, %get3A_5 : vector<16xf32>
    %add3A_1157 = arith.addf %mul3A_1153, %mul3A_1156 : vector<16xf32>
    %reduce_sum3A_1158 = arith.constant true
    %reduce_sum3A_1159 = vector.broadcast %reduce_sum3A_1158 : i1 to vector<16xi1>
    %reduce_sum3A_1160 = tpu.scan <sum>, %add3A_1157 masked %reduce_sum3A_1159 : vector<16xf32>, vector<16xi1> -> vector<16xf32>
    %reduce_sum3A_1161 = vector.extract %reduce_sum3A_1160[15] : f32 from vector<16xf32>
    %broadcast_in_dim3A_1162 = vector.broadcast %reduce_sum3A_1161 : f32 to vector<16xf32>
    %swap3A_1163 = arith.constant 1312 : index
    %swap3A_1164 = tpu.vector_load %arg11[%swap3A_1163] {strides = array<i32>} : memref<2048xf32, #tpu.memory_space<vmem>>, vector<16xf32>,
    tpu.vector_store %arg11[%swap3A_1163], %broadcast_in_dim3A_1162 {strides = array<i32>} : memref<2048xf32, #tpu.memory_space<vmem>>, vector<16xf32>,
    %get3A_1165 = arith.constant 2656 : index
    %get3A_1166 = tpu.vector_load %arg8[%get3A_1165] {strides = array<i32>} : memref<4096xf32, #tpu.memory_space<vmem>>, vector<16xf32>,
    %mul3A_1167 = arith.mulf %get3A_1166, %get3A_3 : vector<16xf32>
    %get3A_1168 = arith.constant 2672 : index
    %get3A_1169 = tpu.vector_load %arg8[%get3A_1168] {strides = array<i32>} : memref<4096xf32, #tpu.memory_space<vmem>>, vector<16xf32>,
    %mul3A_1170 = arith.mulf %get3A_1169, %get3A_5 : vector<16xf32>
    %add3A_1171 = arith.addf %mul3A_1167, %mul3A_1170 : vector<16xf32>
    %reduce_sum3A_1172 = arith.constant true
    %reduce_sum3A_1173 = vector.broadcast %reduce_sum3A_1172 : i1 to vector<16xi1>
    %reduce_sum3A_1174 = tpu.scan <sum>, %add3A_1171 masked %reduce_sum3A_1173 : vector<16xf32>, vector<16xi1> -> vector<16xf32>
    %reduce_sum3A_1175 = vector.extract %reduce_sum3A_1174[15] : f32 from vector<16xf32>
    %broadcast_in_dim3A_1176 = vector.broadcast %reduce_sum3A_1175 : f32 to vector<16xf32>
    %swap3A_1177 = arith.constant 1328 : index
    %swap3A_1178 = tpu.vector_load %arg11[%swap3A_1177] {strides = array<i32>} : memref<2048xf32, #tpu.memory_space<vmem>>, vector<16xf32>,
    tpu.vector_store %arg11[%swap3A_1177], %broadcast_in_dim3A_1176 {strides = array<i32>} : memref<2048xf32, #tpu.memory_space<vmem>>, vector<16xf32>,
    %get3A_1179 = arith.constant 2688 : index
    %get3A_1180 = tpu.vector_load %arg8[%get3A_1179] {strides = array<i32>} : memref<4096xf32, #tpu.memory_space<vmem>>, vector<16xf32>,
    %mul3A_1181 = arith.mulf %get3A_1180, %get3A_3 : vector<16xf32>
    %get3A_1182 = arith.constant 2704 : index
    %get3A_1183 = tpu.vector_load %arg8[%get3A_1182] {strides = array<i32>} : memref<4096xf32, #tpu.memory_space<vmem>>, vector<16xf32>,
    %mul3A_1184 = arith.mulf %get3A_1183, %get3A_5 : vector<16xf32>
    %add3A_1185 = arith.addf %mul3A_1181, %mul3A_1184 : vector<16xf32>
    %reduce_sum3A_1186 = arith.constant true
    %reduce_sum3A_1187 = vector.broadcast %reduce_sum3A_1186 : i1 to vector<16xi1>
    %reduce_sum3A_1188 = tpu.scan <sum>, %add3A_1185 masked %reduce_sum3A_1187 : vector<16xf32>, vector<16xi1> -> vector<16xf32>
    %reduce_sum3A_1189 = vector.extract %reduce_sum3A_1188[15] : f32 from vector<16xf32>
    %broadcast_in_dim3A_1190 = vector.broadcast %reduce_sum3A_1189 : f32 to vector<16xf32>
    %swap3A_1191 = arith.constant 1344 : index
    %swap3A_1192 = tpu.vector_load %arg11[%swap3A_1191] {strides = array<i32>} : memref<2048xf32, #tpu.memory_space<vmem>>, vector<16xf32>,
    tpu.vector_store %arg11[%swap3A_1191], %broadcast_in_dim3A_1190 {strides = array<i32>} : memref<2048xf32, #tpu.memory_space<vmem>>, vector<16xf32>,
    %get3A_1193 = arith.constant 2720 : index
    %get3A_1194 = tpu.vector_load %arg8[%get3A_1193] {strides = array<i32>} : memref<4096xf32, #tpu.memory_space<vmem>>, vector<16xf32>,
    %mul3A_1195 = arith.mulf %get3A_1194, %get3A_3 : vector<16xf32>
    %get3A_1196 = arith.constant 2736 : index
    %get3A_1197 = tpu.vector_load %arg8[%get3A_1196] {strides = array<i32>} : memref<4096xf32, #tpu.memory_space<vmem>>, vector<16xf32>,
    %mul3A_1198 = arith.mulf %get3A_1197, %get3A_5 : vector<16xf32>
    %add3A_1199 = arith.addf %mul3A_1195, %mul3A_1198 : vector<16xf32>
    %reduce_sum3A_1200 = arith.constant true
    %reduce_sum3A_1201 = vector.broadcast %reduce_sum3A_1200 : i1 to vector<16xi1>
    %reduce_sum3A_1202 = tpu.scan <sum>, %add3A_1199 masked %reduce_sum3A_1201 : vector<16xf32>, vector<16xi1> -> vector<16xf32>
    %reduce_sum3A_1203 = vector.extract %reduce_sum3A_1202[15] : f32 from vector<16xf32>
    %broadcast_in_dim3A_1204 = vector.broadcast %reduce_sum3A_1203 : f32 to vector<16xf32>
    %swap3A_1205 = arith.constant 1360 : index
    %swap3A_1206 = tpu.vector_load %arg11[%swap3A_1205] {strides = array<i32>} : memref<2048xf32, #tpu.memory_space<vmem>>, vector<16xf32>,
    tpu.vector_store %arg11[%swap3A_1205], %broadcast_in_dim3A_1204 {strides = array<i32>} : memref<2048xf32, #tpu.memory_space<vmem>>, vector<16xf32>,
    %get3A_1207 = arith.constant 2752 : index
    %get3A_1208 = tpu.vector_load %arg8[%get3A_1207] {strides = array<i32>} : memref<4096xf32, #tpu.memory_space<vmem>>, vector<16xf32>,
    %mul3A_1209 = arith.mulf %get3A_1208, %get3A_3 : vector<16xf32>
    %get3A_1210 = arith.constant 2768 : index
    %get3A_1211 = tpu.vector_load %arg8[%get3A_1210] {strides = array<i32>} : memref<4096xf32, #tpu.memory_space<vmem>>, vector<16xf32>,
    %mul3A_1212 = arith.mulf %get3A_1211, %get3A_5 : vector<16xf32>
    %add3A_1213 = arith.addf %mul3A_1209, %mul3A_1212 : vector<16xf32>
    %reduce_sum3A_1214 = arith.constant true
    %reduce_sum3A_1215 = vector.broadcast %reduce_sum3A_1214 : i1 to vector<16xi1>
    %reduce_sum3A_1216 = tpu.scan <sum>, %add3A_1213 masked %reduce_sum3A_1215 : vector<16xf32>, vector<16xi1> -> vector<16xf32>
    %reduce_sum3A_1217 = vector.extract %reduce_sum3A_1216[15] : f32 from vector<16xf32>
    %broadcast_in_dim3A_1218 = vector.broadcast %reduce_sum3A_1217 : f32 to vector<16xf32>
    %swap3A_1219 = arith.constant 1376 : index
    %swap3A_1220 = tpu.vector_load %arg11[%swap3A_1219] {strides = array<i32>} : memref<2048xf32, #tpu.memory_space<vmem>>, vector<16xf32>,
    tpu.vector_store %arg11[%swap3A_1219], %broadcast_in_dim3A_1218 {strides = array<i32>} : memref<2048xf32, #tpu.memory_space<vmem>>, vector<16xf32>,
    %get3A_1221 = arith.constant 2784 : index
    %get3A_1222 = tpu.vector_load %arg8[%get3A_1221] {strides = array<i32>} : memref<4096xf32, #tpu.memory_space<vmem>>, vector<16xf32>,
    %mul3A_1223 = arith.mulf %get3A_1222, %get3A_3 : vector<16xf32>
    %get3A_1224 = arith.constant 2800 : index
    %get3A_1225 = tpu.vector_load %arg8[%get3A_1224] {strides = array<i32>} : memref<4096xf32, #tpu.memory_space<vmem>>, vector<16xf32>,
    %mul3A_1226 = arith.mulf %get3A_1225, %get3A_5 : vector<16xf32>
    %add3A_1227 = arith.addf %mul3A_1223, %mul3A_1226 : vector<16xf32>
    %reduce_sum3A_1228 = arith.constant true
    %reduce_sum3A_1229 = vector.broadcast %reduce_sum3A_1228 : i1 to vector<16xi1>
    %reduce_sum3A_1230 = tpu.scan <sum>, %add3A_1227 masked %reduce_sum3A_1229 : vector<16xf32>, vector<16xi1> -> vector<16xf32>
    %reduce_sum3A_1231 = vector.extract %reduce_sum3A_1230[15] : f32 from vector<16xf32>
    %broadcast_in_dim3A_1232 = vector.broadcast %reduce_sum3A_1231 : f32 to vector<16xf32>
    %swap3A_1233 = arith.constant 1392 : index
    %swap3A_1234 = tpu.vector_load %arg11[%swap3A_1233] {strides = array<i32>} : memref<2048xf32, #tpu.memory_space<vmem>>, vector<16xf32>,
    tpu.vector_store %arg11[%swap3A_1233], %broadcast_in_dim3A_1232 {strides = array<i32>} : memref<2048xf32, #tpu.memory_space<vmem>>, vector<16xf32>,
    %get3A_1235 = arith.constant 2816 : index
    %get3A_1236 = tpu.vector_load %arg8[%get3A_1235] {strides = array<i32>} : memref<4096xf32, #tpu.memory_space<vmem>>, vector<16xf32>,
    %mul3A_1237 = arith.mulf %get3A_1236, %get3A_3 : vector<16xf32>
    %get3A_1238 = arith.constant 2832 : index
    %get3A_1239 = tpu.vector_load %arg8[%get3A_1238] {strides = array<i32>} : memref<4096xf32, #tpu.memory_space<vmem>>, vector<16xf32>,
    %mul3A_1240 = arith.mulf %get3A_1239, %get3A_5 : vector<16xf32>
    %add3A_1241 = arith.addf %mul3A_1237, %mul3A_1240 : vector<16xf32>
    %reduce_sum3A_1242 = arith.constant true
    %reduce_sum3A_1243 = vector.broadcast %reduce_sum3A_1242 : i1 to vector<16xi1>
    %reduce_sum3A_1244 = tpu.scan <sum>, %add3A_1241 masked %reduce_sum3A_1243 : vector<16xf32>, vector<16xi1> -> vector<16xf32>
    %reduce_sum3A_1245 = vector.extract %reduce_sum3A_1244[15] : f32 from vector<16xf32>
    %broadcast_in_dim3A_1246 = vector.broadcast %reduce_sum3A_1245 : f32 to vector<16xf32>
    %swap3A_1247 = arith.constant 1408 : index
    %swap3A_1248 = tpu.vector_load %arg11[%swap3A_1247] {strides = array<i32>} : memref<2048xf32, #tpu.memory_space<vmem>>, vector<16xf32>,
    tpu.vector_store %arg11[%swap3A_1247], %broadcast_in_dim3A_1246 {strides = array<i32>} : memref<2048xf32, #tpu.memory_space<vmem>>, vector<16xf32>,
    %get3A_1249 = arith.constant 2848 : index
    %get3A_1250 = tpu.vector_load %arg8[%get3A_1249] {strides = array<i32>} : memref<4096xf32, #tpu.memory_space<vmem>>, vector<16xf32>,
    %mul3A_1251 = arith.mulf %get3A_1250, %get3A_3 : vector<16xf32>
    %get3A_1252 = arith.constant 2864 : index
    %get3A_1253 = tpu.vector_load %arg8[%get3A_1252] {strides = array<i32>} : memref<4096xf32, #tpu.memory_space<vmem>>, vector<16xf32>,
    %mul3A_1254 = arith.mulf %get3A_1253, %get3A_5 : vector<16xf32>
    %add3A_1255 = arith.addf %mul3A_1251, %mul3A_1254 : vector<16xf32>
    %reduce_sum3A_1256 = arith.constant true
    %reduce_sum3A_1257 = vector.broadcast %reduce_sum3A_1256 : i1 to vector<16xi1>
    %reduce_sum3A_1258 = tpu.scan <sum>, %add3A_1255 masked %reduce_sum3A_1257 : vector<16xf32>, vector<16xi1> -> vector<16xf32>
    %reduce_sum3A_1259 = vector.extract %reduce_sum3A_1258[15] : f32 from vector<16xf32>
    %broadcast_in_dim3A_1260 = vector.broadcast %reduce_sum3A_1259 : f32 to vector<16xf32>
    %swap3A_1261 = arith.constant 1424 : index
    %swap3A_1262 = tpu.vector_load %arg11[%swap3A_1261] {strides = array<i32>} : memref<2048xf32, #tpu.memory_space<vmem>>, vector<16xf32>,
    tpu.vector_store %arg11[%swap3A_1261], %broadcast_in_dim3A_1260 {strides = array<i32>} : memref<2048xf32, #tpu.memory_space<vmem>>, vector<16xf32>,
    %get3A_1263 = arith.constant 2880 : index
    %get3A_1264 = tpu.vector_load %arg8[%get3A_1263] {strides = array<i32>} : memref<4096xf32, #tpu.memory_space<vmem>>, vector<16xf32>,
    %mul3A_1265 = arith.mulf %get3A_1264, %get3A_3 : vector<16xf32>
    %get3A_1266 = arith.constant 2896 : index
    %get3A_1267 = tpu.vector_load %arg8[%get3A_1266] {strides = array<i32>} : memref<4096xf32, #tpu.memory_space<vmem>>, vector<16xf32>,
    %mul3A_1268 = arith.mulf %get3A_1267, %get3A_5 : vector<16xf32>
    %add3A_1269 = arith.addf %mul3A_1265, %mul3A_1268 : vector<16xf32>
    %reduce_sum3A_1270 = arith.constant true
    %reduce_sum3A_1271 = vector.broadcast %reduce_sum3A_1270 : i1 to vector<16xi1>
    %reduce_sum3A_1272 = tpu.scan <sum>, %add3A_1269 masked %reduce_sum3A_1271 : vector<16xf32>, vector<16xi1> -> vector<16xf32>
    %reduce_sum3A_1273 = vector.extract %reduce_sum3A_1272[15] : f32 from vector<16xf32>
    %broadcast_in_dim3A_1274 = vector.broadcast %reduce_sum3A_1273 : f32 to vector<16xf32>
    %swap3A_1275 = arith.constant 1440 : index
    %swap3A_1276 = tpu.vector_load %arg11[%swap3A_1275] {strides = array<i32>} : memref<2048xf32, #tpu.memory_space<vmem>>, vector<16xf32>,
    tpu.vector_store %arg11[%swap3A_1275], %broadcast_in_dim3A_1274 {strides = array<i32>} : memref<2048xf32, #tpu.memory_space<vmem>>, vector<16xf32>,
    %get3A_1277 = arith.constant 2912 : index
    %get3A_1278 = tpu.vector_load %arg8[%get3A_1277] {strides = array<i32>} : memref<4096xf32, #tpu.memory_space<vmem>>, vector<16xf32>,
    %mul3A_1279 = arith.mulf %get3A_1278, %get3A_3 : vector<16xf32>
    %get3A_1280 = arith.constant 2928 : index
    %get3A_1281 = tpu.vector_load %arg8[%get3A_1280] {strides = array<i32>} : memref<4096xf32, #tpu.memory_space<vmem>>, vector<16xf32>,
    %mul3A_1282 = arith.mulf %get3A_1281, %get3A_5 : vector<16xf32>
    %add3A_1283 = arith.addf %mul3A_1279, %mul3A_1282 : vector<16xf32>
    %reduce_sum3A_1284 = arith.constant true
    %reduce_sum3A_1285 = vector.broadcast %reduce_sum3A_1284 : i1 to vector<16xi1>
    %reduce_sum3A_1286 = tpu.scan <sum>, %add3A_1283 masked %reduce_sum3A_1285 : vector<16xf32>, vector<16xi1> -> vector<16xf32>
    %reduce_sum3A_1287 = vector.extract %reduce_sum3A_1286[15] : f32 from vector<16xf32>
    %broadcast_in_dim3A_1288 = vector.broadcast %reduce_sum3A_1287 : f32 to vector<16xf32>
    %swap3A_1289 = arith.constant 1456 : index
    %swap3A_1290 = tpu.vector_load %arg11[%swap3A_1289] {strides = array<i32>} : memref<2048xf32, #tpu.memory_space<vmem>>, vector<16xf32>,
    tpu.vector_store %arg11[%swap3A_1289], %broadcast_in_dim3A_1288 {strides = array<i32>} : memref<2048xf32, #tpu.memory_space<vmem>>, vector<16xf32>,
    %get3A_1291 = arith.constant 2944 : index
    %get3A_1292 = tpu.vector_load %arg8[%get3A_1291] {strides = array<i32>} : memref<4096xf32, #tpu.memory_space<vmem>>, vector<16xf32>,
    %mul3A_1293 = arith.mulf %get3A_1292, %get3A_3 : vector<16xf32>
    %get3A_1294 = arith.constant 2960 : index
    %get3A_1295 = tpu.vector_load %arg8[%get3A_1294] {strides = array<i32>} : memref<4096xf32, #tpu.memory_space<vmem>>, vector<16xf32>,
    %mul3A_1296 = arith.mulf %get3A_1295, %get3A_5 : vector<16xf32>
    %add3A_1297 = arith.addf %mul3A_1293, %mul3A_1296 : vector<16xf32>
    %reduce_sum3A_1298 = arith.constant true
    %reduce_sum3A_1299 = vector.broadcast %reduce_sum3A_1298 : i1 to vector<16xi1>
    %reduce_sum3A_1300 = tpu.scan <sum>, %add3A_1297 masked %reduce_sum3A_1299 : vector<16xf32>, vector<16xi1> -> vector<16xf32>
    %reduce_sum3A_1301 = vector.extract %reduce_sum3A_1300[15] : f32 from vector<16xf32>
    %broadcast_in_dim3A_1302 = vector.broadcast %reduce_sum3A_1301 : f32 to vector<16xf32>
    %swap3A_1303 = arith.constant 1472 : index
    %swap3A_1304 = tpu.vector_load %arg11[%swap3A_1303] {strides = array<i32>} : memref<2048xf32, #tpu.memory_space<vmem>>, vector<16xf32>,
    tpu.vector_store %arg11[%swap3A_1303], %broadcast_in_dim3A_1302 {strides = array<i32>} : memref<2048xf32, #tpu.memory_space<vmem>>, vector<16xf32>,
    %get3A_1305 = arith.constant 2976 : index
    %get3A_1306 = tpu.vector_load %arg8[%get3A_1305] {strides = array<i32>} : memref<4096xf32, #tpu.memory_space<vmem>>, vector<16xf32>,
    %mul3A_1307 = arith.mulf %get3A_1306, %get3A_3 : vector<16xf32>
    %get3A_1308 = arith.constant 2992 : index
    %get3A_1309 = tpu.vector_load %arg8[%get3A_1308] {strides = array<i32>} : memref<4096xf32, #tpu.memory_space<vmem>>, vector<16xf32>,
    %mul3A_1310 = arith.mulf %get3A_1309, %get3A_5 : vector<16xf32>
    %add3A_1311 = arith.addf %mul3A_1307, %mul3A_1310 : vector<16xf32>
    %reduce_sum3A_1312 = arith.constant true
    %reduce_sum3A_1313 = vector.broadcast %reduce_sum3A_1312 : i1 to vector<16xi1>
    %reduce_sum3A_1314 = tpu.scan <sum>, %add3A_1311 masked %reduce_sum3A_1313 : vector<16xf32>, vector<16xi1> -> vector<16xf32>
    %reduce_sum3A_1315 = vector.extract %reduce_sum3A_1314[15] : f32 from vector<16xf32>
    %broadcast_in_dim3A_1316 = vector.broadcast %reduce_sum3A_1315 : f32 to vector<16xf32>
    %swap3A_1317 = arith.constant 1488 : index
    %swap3A_1318 = tpu.vector_load %arg11[%swap3A_1317] {strides = array<i32>} : memref<2048xf32, #tpu.memory_space<vmem>>, vector<16xf32>,
    tpu.vector_store %arg11[%swap3A_1317], %broadcast_in_dim3A_1316 {strides = array<i32>} : memref<2048xf32, #tpu.memory_space<vmem>>, vector<16xf32>,
    %get3A_1319 = arith.constant 3008 : index
    %get3A_1320 = tpu.vector_load %arg8[%get3A_1319] {strides = array<i32>} : memref<4096xf32, #tpu.memory_space<vmem>>, vector<16xf32>,
    %mul3A_1321 = arith.mulf %get3A_1320, %get3A_3 : vector<16xf32>
    %get3A_1322 = arith.constant 3024 : index
    %get3A_1323 = tpu.vector_load %arg8[%get3A_1322] {strides = array<i32>} : memref<4096xf32, #tpu.memory_space<vmem>>, vector<16xf32>,
    %mul3A_1324 = arith.mulf %get3A_1323, %get3A_5 : vector<16xf32>
    %add3A_1325 = arith.addf %mul3A_1321, %mul3A_1324 : vector<16xf32>
    %reduce_sum3A_1326 = arith.constant true
    %reduce_sum3A_1327 = vector.broadcast %reduce_sum3A_1326 : i1 to vector<16xi1>
    %reduce_sum3A_1328 = tpu.scan <sum>, %add3A_1325 masked %reduce_sum3A_1327 : vector<16xf32>, vector<16xi1> -> vector<16xf32>
    %reduce_sum3A_1329 = vector.extract %reduce_sum3A_1328[15] : f32 from vector<16xf32>
    %broadcast_in_dim3A_1330 = vector.broadcast %reduce_sum3A_1329 : f32 to vector<16xf32>
    %swap3A_1331 = arith.constant 1504 : index
    %swap3A_1332 = tpu.vector_load %arg11[%swap3A_1331] {strides = array<i32>} : memref<2048xf32, #tpu.memory_space<vmem>>, vector<16xf32>,
    tpu.vector_store %arg11[%swap3A_1331], %broadcast_in_dim3A_1330 {strides = array<i32>} : memref<2048xf32, #tpu.memory_space<vmem>>, vector<16xf32>,
    %get3A_1333 = arith.constant 3040 : index
    %get3A_1334 = tpu.vector_load %arg8[%get3A_1333] {strides = array<i32>} : memref<4096xf32, #tpu.memory_space<vmem>>, vector<16xf32>,
    %mul3A_1335 = arith.mulf %get3A_1334, %get3A_3 : vector<16xf32>
    %get3A_1336 = arith.constant 3056 : index
    %get3A_1337 = tpu.vector_load %arg8[%get3A_1336] {strides = array<i32>} : memref<4096xf32, #tpu.memory_space<vmem>>, vector<16xf32>,
    %mul3A_1338 = arith.mulf %get3A_1337, %get3A_5 : vector<16xf32>
    %add3A_1339 = arith.addf %mul3A_1335, %mul3A_1338 : vector<16xf32>
    %reduce_sum3A_1340 = arith.constant true
    %reduce_sum3A_1341 = vector.broadcast %reduce_sum3A_1340 : i1 to vector<16xi1>
    %reduce_sum3A_1342 = tpu.scan <sum>, %add3A_1339 masked %reduce_sum3A_1341 : vector<16xf32>, vector<16xi1> -> vector<16xf32>
    %reduce_sum3A_1343 = vector.extract %reduce_sum3A_1342[15] : f32 from vector<16xf32>
    %broadcast_in_dim3A_1344 = vector.broadcast %reduce_sum3A_1343 : f32 to vector<16xf32>
    %swap3A_1345 = arith.constant 1520 : index
    %swap3A_1346 = tpu.vector_load %arg11[%swap3A_1345] {strides = array<i32>} : memref<2048xf32, #tpu.memory_space<vmem>>, vector<16xf32>,
    tpu.vector_store %arg11[%swap3A_1345], %broadcast_in_dim3A_1344 {strides = array<i32>} : memref<2048xf32, #tpu.memory_space<vmem>>, vector<16xf32>,
    %get3A_1347 = arith.constant 3072 : index
    %get3A_1348 = tpu.vector_load %arg8[%get3A_1347] {strides = array<i32>} : memref<4096xf32, #tpu.memory_space<vmem>>, vector<16xf32>,
    %mul3A_1349 = arith.mulf %get3A_1348, %get3A_3 : vector<16xf32>
    %get3A_1350 = arith.constant 3088 : index
    %get3A_1351 = tpu.vector_load %arg8[%get3A_1350] {strides = array<i32>} : memref<4096xf32, #tpu.memory_space<vmem>>, vector<16xf32>,
    %mul3A_1352 = arith.mulf %get3A_1351, %get3A_5 : vector<16xf32>
    %add3A_1353 = arith.addf %mul3A_1349, %mul3A_1352 : vector<16xf32>
    %reduce_sum3A_1354 = arith.constant true
    %reduce_sum3A_1355 = vector.broadcast %reduce_sum3A_1354 : i1 to vector<16xi1>
    %reduce_sum3A_1356 = tpu.scan <sum>, %add3A_1353 masked %reduce_sum3A_1355 : vector<16xf32>, vector<16xi1> -> vector<16xf32>
    %reduce_sum3A_1357 = vector.extract %reduce_sum3A_1356[15] : f32 from vector<16xf32>
    %broadcast_in_dim3A_1358 = vector.broadcast %reduce_sum3A_1357 : f32 to vector<16xf32>
    %swap3A_1359 = arith.constant 1536 : index
    %swap3A_1360 = tpu.vector_load %arg11[%swap3A_1359] {strides = array<i32>} : memref<2048xf32, #tpu.memory_space<vmem>>, vector<16xf32>,
    tpu.vector_store %arg11[%swap3A_1359], %broadcast_in_dim3A_1358 {strides = array<i32>} : memref<2048xf32, #tpu.memory_space<vmem>>, vector<16xf32>,
    %get3A_1361 = arith.constant 3104 : index
    %get3A_1362 = tpu.vector_load %arg8[%get3A_1361] {strides = array<i32>} : memref<4096xf32, #tpu.memory_space<vmem>>, vector<16xf32>,
    %mul3A_1363 = arith.mulf %get3A_1362, %get3A_3 : vector<16xf32>
    %get3A_1364 = arith.constant 3120 : index
    %get3A_1365 = tpu.vector_load %arg8[%get3A_1364] {strides = array<i32>} : memref<4096xf32, #tpu.memory_space<vmem>>, vector<16xf32>,
    %mul3A_1366 = arith.mulf %get3A_1365, %get3A_5 : vector<16xf32>
    %add3A_1367 = arith.addf %mul3A_1363, %mul3A_1366 : vector<16xf32>
    %reduce_sum3A_1368 = arith.constant true
    %reduce_sum3A_1369 = vector.broadcast %reduce_sum3A_1368 : i1 to vector<16xi1>
    %reduce_sum3A_1370 = tpu.scan <sum>, %add3A_1367 masked %reduce_sum3A_1369 : vector<16xf32>, vector<16xi1> -> vector<16xf32>
    %reduce_sum3A_1371 = vector.extract %reduce_sum3A_1370[15] : f32 from vector<16xf32>
    %broadcast_in_dim3A_1372 = vector.broadcast %reduce_sum3A_1371 : f32 to vector<16xf32>
    %swap3A_1373 = arith.constant 1552 : index
    %swap3A_1374 = tpu.vector_load %arg11[%swap3A_1373] {strides = array<i32>} : memref<2048xf32, #tpu.memory_space<vmem>>, vector<16xf32>,
    tpu.vector_store %arg11[%swap3A_1373], %broadcast_in_dim3A_1372 {strides = array<i32>} : memref<2048xf32, #tpu.memory_space<vmem>>, vector<16xf32>,
    %get3A_1375 = arith.constant 3136 : index
    %get3A_1376 = tpu.vector_load %arg8[%get3A_1375] {strides = array<i32>} : memref<4096xf32, #tpu.memory_space<vmem>>, vector<16xf32>,
    %mul3A_1377 = arith.mulf %get3A_1376, %get3A_3 : vector<16xf32>
    %get3A_1378 = arith.constant 3152 : index
    %get3A_1379 = tpu.vector_load %arg8[%get3A_1378] {strides = array<i32>} : memref<4096xf32, #tpu.memory_space<vmem>>, vector<16xf32>,
    %mul3A_1380 = arith.mulf %get3A_1379, %get3A_5 : vector<16xf32>
    %add3A_1381 = arith.addf %mul3A_1377, %mul3A_1380 : vector<16xf32>
    %reduce_sum3A_1382 = arith.constant true
    %reduce_sum3A_1383 = vector.broadcast %reduce_sum3A_1382 : i1 to vector<16xi1>
    %reduce_sum3A_1384 = tpu.scan <sum>, %add3A_1381 masked %reduce_sum3A_1383 : vector<16xf32>, vector<16xi1> -> vector<16xf32>
    %reduce_sum3A_1385 = vector.extract %reduce_sum3A_1384[15] : f32 from vector<16xf32>
    %broadcast_in_dim3A_1386 = vector.broadcast %reduce_sum3A_1385 : f32 to vector<16xf32>
    %swap3A_1387 = arith.constant 1568 : index
    %swap3A_1388 = tpu.vector_load %arg11[%swap3A_1387] {strides = array<i32>} : memref<2048xf32, #tpu.memory_space<vmem>>, vector<16xf32>,
    tpu.vector_store %arg11[%swap3A_1387], %broadcast_in_dim3A_1386 {strides = array<i32>} : memref<2048xf32, #tpu.memory_space<vmem>>, vector<16xf32>,
    %get3A_1389 = arith.constant 3168 : index
    %get3A_1390 = tpu.vector_load %arg8[%get3A_1389] {strides = array<i32>} : memref<4096xf32, #tpu.memory_space<vmem>>, vector<16xf32>,
    %mul3A_1391 = arith.mulf %get3A_1390, %get3A_3 : vector<16xf32>
    %get3A_1392 = arith.constant 3184 : index
    %get3A_1393 = tpu.vector_load %arg8[%get3A_1392] {strides = array<i32>} : memref<4096xf32, #tpu.memory_space<vmem>>, vector<16xf32>,
    %mul3A_1394 = arith.mulf %get3A_1393, %get3A_5 : vector<16xf32>
    %add3A_1395 = arith.addf %mul3A_1391, %mul3A_1394 : vector<16xf32>
    %reduce_sum3A_1396 = arith.constant true
    %reduce_sum3A_1397 = vector.broadcast %reduce_sum3A_1396 : i1 to vector<16xi1>
    %reduce_sum3A_1398 = tpu.scan <sum>, %add3A_1395 masked %reduce_sum3A_1397 : vector<16xf32>, vector<16xi1> -> vector<16xf32>
    %reduce_sum3A_1399 = vector.extract %reduce_sum3A_1398[15] : f32 from vector<16xf32>
    %broadcast_in_dim3A_1400 = vector.broadcast %reduce_sum3A_1399 : f32 to vector<16xf32>
    %swap3A_1401 = arith.constant 1584 : index
    %swap3A_1402 = tpu.vector_load %arg11[%swap3A_1401] {strides = array<i32>} : memref<2048xf32, #tpu.memory_space<vmem>>, vector<16xf32>,
    tpu.vector_store %arg11[%swap3A_1401], %broadcast_in_dim3A_1400 {strides = array<i32>} : memref<2048xf32, #tpu.memory_space<vmem>>, vector<16xf32>,
    %get3A_1403 = arith.constant 3200 : index
    %get3A_1404 = tpu.vector_load %arg8[%get3A_1403] {strides = array<i32>} : memref<4096xf32, #tpu.memory_space<vmem>>, vector<16xf32>,
    %mul3A_1405 = arith.mulf %get3A_1404, %get3A_3 : vector<16xf32>
    %get3A_1406 = arith.constant 3216 : index
    %get3A_1407 = tpu.vector_load %arg8[%get3A_1406] {strides = array<i32>} : memref<4096xf32, #tpu.memory_space<vmem>>, vector<16xf32>,
    %mul3A_1408 = arith.mulf %get3A_1407, %get3A_5 : vector<16xf32>
    %add3A_1409 = arith.addf %mul3A_1405, %mul3A_1408 : vector<16xf32>
    %reduce_sum3A_1410 = arith.constant true
    %reduce_sum3A_1411 = vector.broadcast %reduce_sum3A_1410 : i1 to vector<16xi1>
    %reduce_sum3A_1412 = tpu.scan <sum>, %add3A_1409 masked %reduce_sum3A_1411 : vector<16xf32>, vector<16xi1> -> vector<16xf32>
    %reduce_sum3A_1413 = vector.extract %reduce_sum3A_1412[15] : f32 from vector<16xf32>
    %broadcast_in_dim3A_1414 = vector.broadcast %reduce_sum3A_1413 : f32 to vector<16xf32>
    %swap3A_1415 = arith.constant 1600 : index
    %swap3A_1416 = tpu.vector_load %arg11[%swap3A_1415] {strides = array<i32>} : memref<2048xf32, #tpu.memory_space<vmem>>, vector<16xf32>,
    tpu.vector_store %arg11[%swap3A_1415], %broadcast_in_dim3A_1414 {strides = array<i32>} : memref<2048xf32, #tpu.memory_space<vmem>>, vector<16xf32>,
    %get3A_1417 = arith.constant 3232 : index
    %get3A_1418 = tpu.vector_load %arg8[%get3A_1417] {strides = array<i32>} : memref<4096xf32, #tpu.memory_space<vmem>>, vector<16xf32>,
    %mul3A_1419 = arith.mulf %get3A_1418, %get3A_3 : vector<16xf32>
    %get3A_1420 = arith.constant 3248 : index
    %get3A_1421 = tpu.vector_load %arg8[%get3A_1420] {strides = array<i32>} : memref<4096xf32, #tpu.memory_space<vmem>>, vector<16xf32>,
    %mul3A_1422 = arith.mulf %get3A_1421, %get3A_5 : vector<16xf32>
    %add3A_1423 = arith.addf %mul3A_1419, %mul3A_1422 : vector<16xf32>
    %reduce_sum3A_1424 = arith.constant true
    %reduce_sum3A_1425 = vector.broadcast %reduce_sum3A_1424 : i1 to vector<16xi1>
    %reduce_sum3A_1426 = tpu.scan <sum>, %add3A_1423 masked %reduce_sum3A_1425 : vector<16xf32>, vector<16xi1> -> vector<16xf32>
    %reduce_sum3A_1427 = vector.extract %reduce_sum3A_1426[15] : f32 from vector<16xf32>
    %broadcast_in_dim3A_1428 = vector.broadcast %reduce_sum3A_1427 : f32 to vector<16xf32>
    %swap3A_1429 = arith.constant 1616 : index
    %swap3A_1430 = tpu.vector_load %arg11[%swap3A_1429] {strides = array<i32>} : memref<2048xf32, #tpu.memory_space<vmem>>, vector<16xf32>,
    tpu.vector_store %arg11[%swap3A_1429], %broadcast_in_dim3A_1428 {strides = array<i32>} : memref<2048xf32, #tpu.memory_space<vmem>>, vector<16xf32>,
    %get3A_1431 = arith.constant 3264 : index
    %get3A_1432 = tpu.vector_load %arg8[%get3A_1431] {strides = array<i32>} : memref<4096xf32, #tpu.memory_space<vmem>>, vector<16xf32>,
    %mul3A_1433 = arith.mulf %get3A_1432, %get3A_3 : vector<16xf32>
    %get3A_1434 = arith.constant 3280 : index
    %get3A_1435 = tpu.vector_load %arg8[%get3A_1434] {strides = array<i32>} : memref<4096xf32, #tpu.memory_space<vmem>>, vector<16xf32>,
    %mul3A_1436 = arith.mulf %get3A_1435, %get3A_5 : vector<16xf32>
    %add3A_1437 = arith.addf %mul3A_1433, %mul3A_1436 : vector<16xf32>
    %reduce_sum3A_1438 = arith.constant true
    %reduce_sum3A_1439 = vector.broadcast %reduce_sum3A_1438 : i1 to vector<16xi1>
    %reduce_sum3A_1440 = tpu.scan <sum>, %add3A_1437 masked %reduce_sum3A_1439 : vector<16xf32>, vector<16xi1> -> vector<16xf32>
    %reduce_sum3A_1441 = vector.extract %reduce_sum3A_1440[15] : f32 from vector<16xf32>
    %broadcast_in_dim3A_1442 = vector.broadcast %reduce_sum3A_1441 : f32 to vector<16xf32>
    %swap3A_1443 = arith.constant 1632 : index
    %swap3A_1444 = tpu.vector_load %arg11[%swap3A_1443] {strides = array<i32>} : memref<2048xf32, #tpu.memory_space<vmem>>, vector<16xf32>,
    tpu.vector_store %arg11[%swap3A_1443], %broadcast_in_dim3A_1442 {strides = array<i32>} : memref<2048xf32, #tpu.memory_space<vmem>>, vector<16xf32>,
    %get3A_1445 = arith.constant 3296 : index
    %get3A_1446 = tpu.vector_load %arg8[%get3A_1445] {strides = array<i32>} : memref<4096xf32, #tpu.memory_space<vmem>>, vector<16xf32>,
    %mul3A_1447 = arith.mulf %get3A_1446, %get3A_3 : vector<16xf32>
    %get3A_1448 = arith.constant 3312 : index
    %get3A_1449 = tpu.vector_load %arg8[%get3A_1448] {strides = array<i32>} : memref<4096xf32, #tpu.memory_space<vmem>>, vector<16xf32>,
    %mul3A_1450 = arith.mulf %get3A_1449, %get3A_5 : vector<16xf32>
    %add3A_1451 = arith.addf %mul3A_1447, %mul3A_1450 : vector<16xf32>
    %reduce_sum3A_1452 = arith.constant true
    %reduce_sum3A_1453 = vector.broadcast %reduce_sum3A_1452 : i1 to vector<16xi1>
    %reduce_sum3A_1454 = tpu.scan <sum>, %add3A_1451 masked %reduce_sum3A_1453 : vector<16xf32>, vector<16xi1> -> vector<16xf32>
    %reduce_sum3A_1455 = vector.extract %reduce_sum3A_1454[15] : f32 from vector<16xf32>
    %broadcast_in_dim3A_1456 = vector.broadcast %reduce_sum3A_1455 : f32 to vector<16xf32>
    %swap3A_1457 = arith.constant 1648 : index
    %swap3A_1458 = tpu.vector_load %arg11[%swap3A_1457] {strides = array<i32>} : memref<2048xf32, #tpu.memory_space<vmem>>, vector<16xf32>,
    tpu.vector_store %arg11[%swap3A_1457], %broadcast_in_dim3A_1456 {strides = array<i32>} : memref<2048xf32, #tpu.memory_space<vmem>>, vector<16xf32>,
    %get3A_1459 = arith.constant 3328 : index
    %get3A_1460 = tpu.vector_load %arg8[%get3A_1459] {strides = array<i32>} : memref<4096xf32, #tpu.memory_space<vmem>>, vector<16xf32>,
    %mul3A_1461 = arith.mulf %get3A_1460, %get3A_3 : vector<16xf32>
    %get3A_1462 = arith.constant 3344 : index
    %get3A_1463 = tpu.vector_load %arg8[%get3A_1462] {strides = array<i32>} : memref<4096xf32, #tpu.memory_space<vmem>>, vector<16xf32>,
    %mul3A_1464 = arith.mulf %get3A_1463, %get3A_5 : vector<16xf32>
    %add3A_1465 = arith.addf %mul3A_1461, %mul3A_1464 : vector<16xf32>
    %reduce_sum3A_1466 = arith.constant true
    %reduce_sum3A_1467 = vector.broadcast %reduce_sum3A_1466 : i1 to vector<16xi1>
    %reduce_sum3A_1468 = tpu.scan <sum>, %add3A_1465 masked %reduce_sum3A_1467 : vector<16xf32>, vector<16xi1> -> vector<16xf32>
    %reduce_sum3A_1469 = vector.extract %reduce_sum3A_1468[15] : f32 from vector<16xf32>
    %broadcast_in_dim3A_1470 = vector.broadcast %reduce_sum3A_1469 : f32 to vector<16xf32>
    %swap3A_1471 = arith.constant 1664 : index
    %swap3A_1472 = tpu.vector_load %arg11[%swap3A_1471] {strides = array<i32>} : memref<2048xf32, #tpu.memory_space<vmem>>, vector<16xf32>,
    tpu.vector_store %arg11[%swap3A_1471], %broadcast_in_dim3A_1470 {strides = array<i32>} : memref<2048xf32, #tpu.memory_space<vmem>>, vector<16xf32>,
    %get3A_1473 = arith.constant 3360 : index
    %get3A_1474 = tpu.vector_load %arg8[%get3A_1473] {strides = array<i32>} : memref<4096xf32, #tpu.memory_space<vmem>>, vector<16xf32>,
    %mul3A_1475 = arith.mulf %get3A_1474, %get3A_3 : vector<16xf32>
    %get3A_1476 = arith.constant 3376 : index
    %get3A_1477 = tpu.vector_load %arg8[%get3A_1476] {strides = array<i32>} : memref<4096xf32, #tpu.memory_space<vmem>>, vector<16xf32>,
    %mul3A_1478 = arith.mulf %get3A_1477, %get3A_5 : vector<16xf32>
    %add3A_1479 = arith.addf %mul3A_1475, %mul3A_1478 : vector<16xf32>
    %reduce_sum3A_1480 = arith.constant true
    %reduce_sum3A_1481 = vector.broadcast %reduce_sum3A_1480 : i1 to vector<16xi1>
    %reduce_sum3A_1482 = tpu.scan <sum>, %add3A_1479 masked %reduce_sum3A_1481 : vector<16xf32>, vector<16xi1> -> vector<16xf32>
    %reduce_sum3A_1483 = vector.extract %reduce_sum3A_1482[15] : f32 from vector<16xf32>
    %broadcast_in_dim3A_1484 = vector.broadcast %reduce_sum3A_1483 : f32 to vector<16xf32>
    %swap3A_1485 = arith.constant 1680 : index
    %swap3A_1486 = tpu.vector_load %arg11[%swap3A_1485] {strides = array<i32>} : memref<2048xf32, #tpu.memory_space<vmem>>, vector<16xf32>,
    tpu.vector_store %arg11[%swap3A_1485], %broadcast_in_dim3A_1484 {strides = array<i32>} : memref<2048xf32, #tpu.memory_space<vmem>>, vector<16xf32>,
    %get3A_1487 = arith.constant 3392 : index
    %get3A_1488 = tpu.vector_load %arg8[%get3A_1487] {strides = array<i32>} : memref<4096xf32, #tpu.memory_space<vmem>>, vector<16xf32>,
    %mul3A_1489 = arith.mulf %get3A_1488, %get3A_3 : vector<16xf32>
    %get3A_1490 = arith.constant 3408 : index
    %get3A_1491 = tpu.vector_load %arg8[%get3A_1490] {strides = array<i32>} : memref<4096xf32, #tpu.memory_space<vmem>>, vector<16xf32>,
    %mul3A_1492 = arith.mulf %get3A_1491, %get3A_5 : vector<16xf32>
    %add3A_1493 = arith.addf %mul3A_1489, %mul3A_1492 : vector<16xf32>
    %reduce_sum3A_1494 = arith.constant true
    %reduce_sum3A_1495 = vector.broadcast %reduce_sum3A_1494 : i1 to vector<16xi1>
    %reduce_sum3A_1496 = tpu.scan <sum>, %add3A_1493 masked %reduce_sum3A_1495 : vector<16xf32>, vector<16xi1> -> vector<16xf32>
    %reduce_sum3A_1497 = vector.extract %reduce_sum3A_1496[15] : f32 from vector<16xf32>
    %broadcast_in_dim3A_1498 = vector.broadcast %reduce_sum3A_1497 : f32 to vector<16xf32>
    %swap3A_1499 = arith.constant 1696 : index
    %swap3A_1500 = tpu.vector_load %arg11[%swap3A_1499] {strides = array<i32>} : memref<2048xf32, #tpu.memory_space<vmem>>, vector<16xf32>,
    tpu.vector_store %arg11[%swap3A_1499], %broadcast_in_dim3A_1498 {strides = array<i32>} : memref<2048xf32, #tpu.memory_space<vmem>>, vector<16xf32>,
    %get3A_1501 = arith.constant 3424 : index
    %get3A_1502 = tpu.vector_load %arg8[%get3A_1501] {strides = array<i32>} : memref<4096xf32, #tpu.memory_space<vmem>>, vector<16xf32>,
    %mul3A_1503 = arith.mulf %get3A_1502, %get3A_3 : vector<16xf32>
    %get3A_1504 = arith.constant 3440 : index
    %get3A_1505 = tpu.vector_load %arg8[%get3A_1504] {strides = array<i32>} : memref<4096xf32, #tpu.memory_space<vmem>>, vector<16xf32>,
    %mul3A_1506 = arith.mulf %get3A_1505, %get3A_5 : vector<16xf32>
    %add3A_1507 = arith.addf %mul3A_1503, %mul3A_1506 : vector<16xf32>
    %reduce_sum3A_1508 = arith.constant true
    %reduce_sum3A_1509 = vector.broadcast %reduce_sum3A_1508 : i1 to vector<16xi1>
    %reduce_sum3A_1510 = tpu.scan <sum>, %add3A_1507 masked %reduce_sum3A_1509 : vector<16xf32>, vector<16xi1> -> vector<16xf32>
    %reduce_sum3A_1511 = vector.extract %reduce_sum3A_1510[15] : f32 from vector<16xf32>
    %broadcast_in_dim3A_1512 = vector.broadcast %reduce_sum3A_1511 : f32 to vector<16xf32>
    %swap3A_1513 = arith.constant 1712 : index
    %swap3A_1514 = tpu.vector_load %arg11[%swap3A_1513] {strides = array<i32>} : memref<2048xf32, #tpu.memory_space<vmem>>, vector<16xf32>,
    tpu.vector_store %arg11[%swap3A_1513], %broadcast_in_dim3A_1512 {strides = array<i32>} : memref<2048xf32, #tpu.memory_space<vmem>>, vector<16xf32>,
    %get3A_1515 = arith.constant 3456 : index
    %get3A_1516 = tpu.vector_load %arg8[%get3A_1515] {strides = array<i32>} : memref<4096xf32, #tpu.memory_space<vmem>>, vector<16xf32>,
    %mul3A_1517 = arith.mulf %get3A_1516, %get3A_3 : vector<16xf32>
    %get3A_1518 = arith.constant 3472 : index
    %get3A_1519 = tpu.vector_load %arg8[%get3A_1518] {strides = array<i32>} : memref<4096xf32, #tpu.memory_space<vmem>>, vector<16xf32>,
    %mul3A_1520 = arith.mulf %get3A_1519, %get3A_5 : vector<16xf32>
    %add3A_1521 = arith.addf %mul3A_1517, %mul3A_1520 : vector<16xf32>
    %reduce_sum3A_1522 = arith.constant true
    %reduce_sum3A_1523 = vector.broadcast %reduce_sum3A_1522 : i1 to vector<16xi1>
    %reduce_sum3A_1524 = tpu.scan <sum>, %add3A_1521 masked %reduce_sum3A_1523 : vector<16xf32>, vector<16xi1> -> vector<16xf32>
    %reduce_sum3A_1525 = vector.extract %reduce_sum3A_1524[15] : f32 from vector<16xf32>
    %broadcast_in_dim3A_1526 = vector.broadcast %reduce_sum3A_1525 : f32 to vector<16xf32>
    %swap3A_1527 = arith.constant 1728 : index
    %swap3A_1528 = tpu.vector_load %arg11[%swap3A_1527] {strides = array<i32>} : memref<2048xf32, #tpu.memory_space<vmem>>, vector<16xf32>,
    tpu.vector_store %arg11[%swap3A_1527], %broadcast_in_dim3A_1526 {strides = array<i32>} : memref<2048xf32, #tpu.memory_space<vmem>>, vector<16xf32>,
    %get3A_1529 = arith.constant 3488 : index
    %get3A_1530 = tpu.vector_load %arg8[%get3A_1529] {strides = array<i32>} : memref<4096xf32, #tpu.memory_space<vmem>>, vector<16xf32>,
    %mul3A_1531 = arith.mulf %get3A_1530, %get3A_3 : vector<16xf32>
    %get3A_1532 = arith.constant 3504 : index
    %get3A_1533 = tpu.vector_load %arg8[%get3A_1532] {strides = array<i32>} : memref<4096xf32, #tpu.memory_space<vmem>>, vector<16xf32>,
    %mul3A_1534 = arith.mulf %get3A_1533, %get3A_5 : vector<16xf32>
    %add3A_1535 = arith.addf %mul3A_1531, %mul3A_1534 : vector<16xf32>
    %reduce_sum3A_1536 = arith.constant true
    %reduce_sum3A_1537 = vector.broadcast %reduce_sum3A_1536 : i1 to vector<16xi1>
    %reduce_sum3A_1538 = tpu.scan <sum>, %add3A_1535 masked %reduce_sum3A_1537 : vector<16xf32>, vector<16xi1> -> vector<16xf32>
    %reduce_sum3A_1539 = vector.extract %reduce_sum3A_1538[15] : f32 from vector<16xf32>
    %broadcast_in_dim3A_1540 = vector.broadcast %reduce_sum3A_1539 : f32 to vector<16xf32>
    %swap3A_1541 = arith.constant 1744 : index
    %swap3A_1542 = tpu.vector_load %arg11[%swap3A_1541] {strides = array<i32>} : memref<2048xf32, #tpu.memory_space<vmem>>, vector<16xf32>,
    tpu.vector_store %arg11[%swap3A_1541], %broadcast_in_dim3A_1540 {strides = array<i32>} : memref<2048xf32, #tpu.memory_space<vmem>>, vector<16xf32>,
    %get3A_1543 = arith.constant 3520 : index
    %get3A_1544 = tpu.vector_load %arg8[%get3A_1543] {strides = array<i32>} : memref<4096xf32, #tpu.memory_space<vmem>>, vector<16xf32>,
    %mul3A_1545 = arith.mulf %get3A_1544, %get3A_3 : vector<16xf32>
    %get3A_1546 = arith.constant 3536 : index
    %get3A_1547 = tpu.vector_load %arg8[%get3A_1546] {strides = array<i32>} : memref<4096xf32, #tpu.memory_space<vmem>>, vector<16xf32>,
    %mul3A_1548 = arith.mulf %get3A_1547, %get3A_5 : vector<16xf32>
    %add3A_1549 = arith.addf %mul3A_1545, %mul3A_1548 : vector<16xf32>
    %reduce_sum3A_1550 = arith.constant true
    %reduce_sum3A_1551 = vector.broadcast %reduce_sum3A_1550 : i1 to vector<16xi1>
    %reduce_sum3A_1552 = tpu.scan <sum>, %add3A_1549 masked %reduce_sum3A_1551 : vector<16xf32>, vector<16xi1> -> vector<16xf32>
    %reduce_sum3A_1553 = vector.extract %reduce_sum3A_1552[15] : f32 from vector<16xf32>
    %broadcast_in_dim3A_1554 = vector.broadcast %reduce_sum3A_1553 : f32 to vector<16xf32>
    %swap3A_1555 = arith.constant 1760 : index
    %swap3A_1556 = tpu.vector_load %arg11[%swap3A_1555] {strides = array<i32>} : memref<2048xf32, #tpu.memory_space<vmem>>, vector<16xf32>,
    tpu.vector_store %arg11[%swap3A_1555], %broadcast_in_dim3A_1554 {strides = array<i32>} : memref<2048xf32, #tpu.memory_space<vmem>>, vector<16xf32>,
    %get3A_1557 = arith.constant 3552 : index
    %get3A_1558 = tpu.vector_load %arg8[%get3A_1557] {strides = array<i32>} : memref<4096xf32, #tpu.memory_space<vmem>>, vector<16xf32>,
    %mul3A_1559 = arith.mulf %get3A_1558, %get3A_3 : vector<16xf32>
    %get3A_1560 = arith.constant 3568 : index
    %get3A_1561 = tpu.vector_load %arg8[%get3A_1560] {strides = array<i32>} : memref<4096xf32, #tpu.memory_space<vmem>>, vector<16xf32>,
    %mul3A_1562 = arith.mulf %get3A_1561, %get3A_5 : vector<16xf32>
    %add3A_1563 = arith.addf %mul3A_1559, %mul3A_1562 : vector<16xf32>
    %reduce_sum3A_1564 = arith.constant true
    %reduce_sum3A_1565 = vector.broadcast %reduce_sum3A_1564 : i1 to vector<16xi1>
    %reduce_sum3A_1566 = tpu.scan <sum>, %add3A_1563 masked %reduce_sum3A_1565 : vector<16xf32>, vector<16xi1> -> vector<16xf32>
    %reduce_sum3A_1567 = vector.extract %reduce_sum3A_1566[15] : f32 from vector<16xf32>
    %broadcast_in_dim3A_1568 = vector.broadcast %reduce_sum3A_1567 : f32 to vector<16xf32>
    %swap3A_1569 = arith.constant 1776 : index
    %swap3A_1570 = tpu.vector_load %arg11[%swap3A_1569] {strides = array<i32>} : memref<2048xf32, #tpu.memory_space<vmem>>, vector<16xf32>,
    tpu.vector_store %arg11[%swap3A_1569], %broadcast_in_dim3A_1568 {strides = array<i32>} : memref<2048xf32, #tpu.memory_space<vmem>>, vector<16xf32>,
    %get3A_1571 = arith.constant 3584 : index
    %get3A_1572 = tpu.vector_load %arg8[%get3A_1571] {strides = array<i32>} : memref<4096xf32, #tpu.memory_space<vmem>>, vector<16xf32>,
    %mul3A_1573 = arith.mulf %get3A_1572, %get3A_3 : vector<16xf32>
    %get3A_1574 = arith.constant 3600 : index
    %get3A_1575 = tpu.vector_load %arg8[%get3A_1574] {strides = array<i32>} : memref<4096xf32, #tpu.memory_space<vmem>>, vector<16xf32>,
    %mul3A_1576 = arith.mulf %get3A_1575, %get3A_5 : vector<16xf32>
    %add3A_1577 = arith.addf %mul3A_1573, %mul3A_1576 : vector<16xf32>
    %reduce_sum3A_1578 = arith.constant true
    %reduce_sum3A_1579 = vector.broadcast %reduce_sum3A_1578 : i1 to vector<16xi1>
    %reduce_sum3A_1580 = tpu.scan <sum>, %add3A_1577 masked %reduce_sum3A_1579 : vector<16xf32>, vector<16xi1> -> vector<16xf32>
    %reduce_sum3A_1581 = vector.extract %reduce_sum3A_1580[15] : f32 from vector<16xf32>
    %broadcast_in_dim3A_1582 = vector.broadcast %reduce_sum3A_1581 : f32 to vector<16xf32>
    %swap3A_1583 = arith.constant 1792 : index
    %swap3A_1584 = tpu.vector_load %arg11[%swap3A_1583] {strides = array<i32>} : memref<2048xf32, #tpu.memory_space<vmem>>, vector<16xf32>,
    tpu.vector_store %arg11[%swap3A_1583], %broadcast_in_dim3A_1582 {strides = array<i32>} : memref<2048xf32, #tpu.memory_space<vmem>>, vector<16xf32>,
    %get3A_1585 = arith.constant 3616 : index
    %get3A_1586 = tpu.vector_load %arg8[%get3A_1585] {strides = array<i32>} : memref<4096xf32, #tpu.memory_space<vmem>>, vector<16xf32>,
    %mul3A_1587 = arith.mulf %get3A_1586, %get3A_3 : vector<16xf32>
    %get3A_1588 = arith.constant 3632 : index
    %get3A_1589 = tpu.vector_load %arg8[%get3A_1588] {strides = array<i32>} : memref<4096xf32, #tpu.memory_space<vmem>>, vector<16xf32>,
    %mul3A_1590 = arith.mulf %get3A_1589, %get3A_5 : vector<16xf32>
    %add3A_1591 = arith.addf %mul3A_1587, %mul3A_1590 : vector<16xf32>
    %reduce_sum3A_1592 = arith.constant true
    %reduce_sum3A_1593 = vector.broadcast %reduce_sum3A_1592 : i1 to vector<16xi1>
    %reduce_sum3A_1594 = tpu.scan <sum>, %add3A_1591 masked %reduce_sum3A_1593 : vector<16xf32>, vector<16xi1> -> vector<16xf32>
    %reduce_sum3A_1595 = vector.extract %reduce_sum3A_1594[15] : f32 from vector<16xf32>
    %broadcast_in_dim3A_1596 = vector.broadcast %reduce_sum3A_1595 : f32 to vector<16xf32>
    %swap3A_1597 = arith.constant 1808 : index
    %swap3A_1598 = tpu.vector_load %arg11[%swap3A_1597] {strides = array<i32>} : memref<2048xf32, #tpu.memory_space<vmem>>, vector<16xf32>,
    tpu.vector_store %arg11[%swap3A_1597], %broadcast_in_dim3A_1596 {strides = array<i32>} : memref<2048xf32, #tpu.memory_space<vmem>>, vector<16xf32>,
    %get3A_1599 = arith.constant 3648 : index
    %get3A_1600 = tpu.vector_load %arg8[%get3A_1599] {strides = array<i32>} : memref<4096xf32, #tpu.memory_space<vmem>>, vector<16xf32>,
    %mul3A_1601 = arith.mulf %get3A_1600, %get3A_3 : vector<16xf32>
    %get3A_1602 = arith.constant 3664 : index
    %get3A_1603 = tpu.vector_load %arg8[%get3A_1602] {strides = array<i32>} : memref<4096xf32, #tpu.memory_space<vmem>>, vector<16xf32>,
    %mul3A_1604 = arith.mulf %get3A_1603, %get3A_5 : vector<16xf32>
    %add3A_1605 = arith.addf %mul3A_1601, %mul3A_1604 : vector<16xf32>
    %reduce_sum3A_1606 = arith.constant true
    %reduce_sum3A_1607 = vector.broadcast %reduce_sum3A_1606 : i1 to vector<16xi1>
    %reduce_sum3A_1608 = tpu.scan <sum>, %add3A_1605 masked %reduce_sum3A_1607 : vector<16xf32>, vector<16xi1> -> vector<16xf32>
    %reduce_sum3A_1609 = vector.extract %reduce_sum3A_1608[15] : f32 from vector<16xf32>
    %broadcast_in_dim3A_1610 = vector.broadcast %reduce_sum3A_1609 : f32 to vector<16xf32>
    %swap3A_1611 = arith.constant 1824 : index
    %swap3A_1612 = tpu.vector_load %arg11[%swap3A_1611] {strides = array<i32>} : memref<2048xf32, #tpu.memory_space<vmem>>, vector<16xf32>,
    tpu.vector_store %arg11[%swap3A_1611], %broadcast_in_dim3A_1610 {strides = array<i32>} : memref<2048xf32, #tpu.memory_space<vmem>>, vector<16xf32>,
    %get3A_1613 = arith.constant 3680 : index
    %get3A_1614 = tpu.vector_load %arg8[%get3A_1613] {strides = array<i32>} : memref<4096xf32, #tpu.memory_space<vmem>>, vector<16xf32>,
    %mul3A_1615 = arith.mulf %get3A_1614, %get3A_3 : vector<16xf32>
    %get3A_1616 = arith.constant 3696 : index
    %get3A_1617 = tpu.vector_load %arg8[%get3A_1616] {strides = array<i32>} : memref<4096xf32, #tpu.memory_space<vmem>>, vector<16xf32>,
    %mul3A_1618 = arith.mulf %get3A_1617, %get3A_5 : vector<16xf32>
    %add3A_1619 = arith.addf %mul3A_1615, %mul3A_1618 : vector<16xf32>
    %reduce_sum3A_1620 = arith.constant true
    %reduce_sum3A_1621 = vector.broadcast %reduce_sum3A_1620 : i1 to vector<16xi1>
    %reduce_sum3A_1622 = tpu.scan <sum>, %add3A_1619 masked %reduce_sum3A_1621 : vector<16xf32>, vector<16xi1> -> vector<16xf32>
    %reduce_sum3A_1623 = vector.extract %reduce_sum3A_1622[15] : f32 from vector<16xf32>
    %broadcast_in_dim3A_1624 = vector.broadcast %reduce_sum3A_1623 : f32 to vector<16xf32>
    %swap3A_1625 = arith.constant 1840 : index
    %swap3A_1626 = tpu.vector_load %arg11[%swap3A_1625] {strides = array<i32>} : memref<2048xf32, #tpu.memory_space<vmem>>, vector<16xf32>,
    tpu.vector_store %arg11[%swap3A_1625], %broadcast_in_dim3A_1624 {strides = array<i32>} : memref<2048xf32, #tpu.memory_space<vmem>>, vector<16xf32>,
    %get3A_1627 = arith.constant 3712 : index
    %get3A_1628 = tpu.vector_load %arg8[%get3A_1627] {strides = array<i32>} : memref<4096xf32, #tpu.memory_space<vmem>>, vector<16xf32>,
    %mul3A_1629 = arith.mulf %get3A_1628, %get3A_3 : vector<16xf32>
    %get3A_1630 = arith.constant 3728 : index
    %get3A_1631 = tpu.vector_load %arg8[%get3A_1630] {strides = array<i32>} : memref<4096xf32, #tpu.memory_space<vmem>>, vector<16xf32>,
    %mul3A_1632 = arith.mulf %get3A_1631, %get3A_5 : vector<16xf32>
    %add3A_1633 = arith.addf %mul3A_1629, %mul3A_1632 : vector<16xf32>
    %reduce_sum3A_1634 = arith.constant true
    %reduce_sum3A_1635 = vector.broadcast %reduce_sum3A_1634 : i1 to vector<16xi1>
    %reduce_sum3A_1636 = tpu.scan <sum>, %add3A_1633 masked %reduce_sum3A_1635 : vector<16xf32>, vector<16xi1> -> vector<16xf32>
    %reduce_sum3A_1637 = vector.extract %reduce_sum3A_1636[15] : f32 from vector<16xf32>
    %broadcast_in_dim3A_1638 = vector.broadcast %reduce_sum3A_1637 : f32 to vector<16xf32>
    %swap3A_1639 = arith.constant 1856 : index
    %swap3A_1640 = tpu.vector_load %arg11[%swap3A_1639] {strides = array<i32>} : memref<2048xf32, #tpu.memory_space<vmem>>, vector<16xf32>,
    tpu.vector_store %arg11[%swap3A_1639], %broadcast_in_dim3A_1638 {strides = array<i32>} : memref<2048xf32, #tpu.memory_space<vmem>>, vector<16xf32>,
    %get3A_1641 = arith.constant 3744 : index
    %get3A_1642 = tpu.vector_load %arg8[%get3A_1641] {strides = array<i32>} : memref<4096xf32, #tpu.memory_space<vmem>>, vector<16xf32>,
    %mul3A_1643 = arith.mulf %get3A_1642, %get3A_3 : vector<16xf32>
    %get3A_1644 = arith.constant 3760 : index
    %get3A_1645 = tpu.vector_load %arg8[%get3A_1644] {strides = array<i32>} : memref<4096xf32, #tpu.memory_space<vmem>>, vector<16xf32>,
    %mul3A_1646 = arith.mulf %get3A_1645, %get3A_5 : vector<16xf32>
    %add3A_1647 = arith.addf %mul3A_1643, %mul3A_1646 : vector<16xf32>
    %reduce_sum3A_1648 = arith.constant true
    %reduce_sum3A_1649 = vector.broadcast %reduce_sum3A_1648 : i1 to vector<16xi1>
    %reduce_sum3A_1650 = tpu.scan <sum>, %add3A_1647 masked %reduce_sum3A_1649 : vector<16xf32>, vector<16xi1> -> vector<16xf32>
    %reduce_sum3A_1651 = vector.extract %reduce_sum3A_1650[15] : f32 from vector<16xf32>
    %broadcast_in_dim3A_1652 = vector.broadcast %reduce_sum3A_1651 : f32 to vector<16xf32>
    %swap3A_1653 = arith.constant 1872 : index
    %swap3A_1654 = tpu.vector_load %arg11[%swap3A_1653] {strides = array<i32>} : memref<2048xf32, #tpu.memory_space<vmem>>, vector<16xf32>,
    tpu.vector_store %arg11[%swap3A_1653], %broadcast_in_dim3A_1652 {strides = array<i32>} : memref<2048xf32, #tpu.memory_space<vmem>>, vector<16xf32>,
    %get3A_1655 = arith.constant 3776 : index
    %get3A_1656 = tpu.vector_load %arg8[%get3A_1655] {strides = array<i32>} : memref<4096xf32, #tpu.memory_space<vmem>>, vector<16xf32>,
    %mul3A_1657 = arith.mulf %get3A_1656, %get3A_3 : vector<16xf32>
    %get3A_1658 = arith.constant 3792 : index
    %get3A_1659 = tpu.vector_load %arg8[%get3A_1658] {strides = array<i32>} : memref<4096xf32, #tpu.memory_space<vmem>>, vector<16xf32>,
    %mul3A_1660 = arith.mulf %get3A_1659, %get3A_5 : vector<16xf32>
    %add3A_1661 = arith.addf %mul3A_1657, %mul3A_1660 : vector<16xf32>
    %reduce_sum3A_1662 = arith.constant true
    %reduce_sum3A_1663 = vector.broadcast %reduce_sum3A_1662 : i1 to vector<16xi1>
    %reduce_sum3A_1664 = tpu.scan <sum>, %add3A_1661 masked %reduce_sum3A_1663 : vector<16xf32>, vector<16xi1> -> vector<16xf32>
    %reduce_sum3A_1665 = vector.extract %reduce_sum3A_1664[15] : f32 from vector<16xf32>
    %broadcast_in_dim3A_1666 = vector.broadcast %reduce_sum3A_1665 : f32 to vector<16xf32>
    %swap3A_1667 = arith.constant 1888 : index
    %swap3A_1668 = tpu.vector_load %arg11[%swap3A_1667] {strides = array<i32>} : memref<2048xf32, #tpu.memory_space<vmem>>, vector<16xf32>,
    tpu.vector_store %arg11[%swap3A_1667], %broadcast_in_dim3A_1666 {strides = array<i32>} : memref<2048xf32, #tpu.memory_space<vmem>>, vector<16xf32>,
    %get3A_1669 = arith.constant 3808 : index
    %get3A_1670 = tpu.vector_load %arg8[%get3A_1669] {strides = array<i32>} : memref<4096xf32, #tpu.memory_space<vmem>>, vector<16xf32>,
    %mul3A_1671 = arith.mulf %get3A_1670, %get3A_3 : vector<16xf32>
    %get3A_1672 = arith.constant 3824 : index
    %get3A_1673 = tpu.vector_load %arg8[%get3A_1672] {strides = array<i32>} : memref<4096xf32, #tpu.memory_space<vmem>>, vector<16xf32>,
    %mul3A_1674 = arith.mulf %get3A_1673, %get3A_5 : vector<16xf32>
    %add3A_1675 = arith.addf %mul3A_1671, %mul3A_1674 : vector<16xf32>
    %reduce_sum3A_1676 = arith.constant true
    %reduce_sum3A_1677 = vector.broadcast %reduce_sum3A_1676 : i1 to vector<16xi1>
    %reduce_sum3A_1678 = tpu.scan <sum>, %add3A_1675 masked %reduce_sum3A_1677 : vector<16xf32>, vector<16xi1> -> vector<16xf32>
    %reduce_sum3A_1679 = vector.extract %reduce_sum3A_1678[15] : f32 from vector<16xf32>
    %broadcast_in_dim3A_1680 = vector.broadcast %reduce_sum3A_1679 : f32 to vector<16xf32>
    %swap3A_1681 = arith.constant 1904 : index
    %swap3A_1682 = tpu.vector_load %arg11[%swap3A_1681] {strides = array<i32>} : memref<2048xf32, #tpu.memory_space<vmem>>, vector<16xf32>,
    tpu.vector_store %arg11[%swap3A_1681], %broadcast_in_dim3A_1680 {strides = array<i32>} : memref<2048xf32, #tpu.memory_space<vmem>>, vector<16xf32>,
    %get3A_1683 = arith.constant 3840 : index
    %get3A_1684 = tpu.vector_load %arg8[%get3A_1683] {strides = array<i32>} : memref<4096xf32, #tpu.memory_space<vmem>>, vector<16xf32>,
    %mul3A_1685 = arith.mulf %get3A_1684, %get3A_3 : vector<16xf32>
    %get3A_1686 = arith.constant 3856 : index
    %get3A_1687 = tpu.vector_load %arg8[%get3A_1686] {strides = array<i32>} : memref<4096xf32, #tpu.memory_space<vmem>>, vector<16xf32>,
    %mul3A_1688 = arith.mulf %get3A_1687, %get3A_5 : vector<16xf32>
    %add3A_1689 = arith.addf %mul3A_1685, %mul3A_1688 : vector<16xf32>
    %reduce_sum3A_1690 = arith.constant true
    %reduce_sum3A_1691 = vector.broadcast %reduce_sum3A_1690 : i1 to vector<16xi1>
    %reduce_sum3A_1692 = tpu.scan <sum>, %add3A_1689 masked %reduce_sum3A_1691 : vector<16xf32>, vector<16xi1> -> vector<16xf32>
    %reduce_sum3A_1693 = vector.extract %reduce_sum3A_1692[15] : f32 from vector<16xf32>
    %broadcast_in_dim3A_1694 = vector.broadcast %reduce_sum3A_1693 : f32 to vector<16xf32>
    %swap3A_1695 = arith.constant 1920 : index
    %swap3A_1696 = tpu.vector_load %arg11[%swap3A_1695] {strides = array<i32>} : memref<2048xf32, #tpu.memory_space<vmem>>, vector<16xf32>,
    tpu.vector_store %arg11[%swap3A_1695], %broadcast_in_dim3A_1694 {strides = array<i32>} : memref<2048xf32, #tpu.memory_space<vmem>>, vector<16xf32>,
    %get3A_1697 = arith.constant 3872 : index
    %get3A_1698 = tpu.vector_load %arg8[%get3A_1697] {strides = array<i32>} : memref<4096xf32, #tpu.memory_space<vmem>>, vector<16xf32>,
    %mul3A_1699 = arith.mulf %get3A_1698, %get3A_3 : vector<16xf32>
    %get3A_1700 = arith.constant 3888 : index
    %get3A_1701 = tpu.vector_load %arg8[%get3A_1700] {strides = array<i32>} : memref<4096xf32, #tpu.memory_space<vmem>>, vector<16xf32>,
    %mul3A_1702 = arith.mulf %get3A_1701, %get3A_5 : vector<16xf32>
    %add3A_1703 = arith.addf %mul3A_1699, %mul3A_1702 : vector<16xf32>
    %reduce_sum3A_1704 = arith.constant true
    %reduce_sum3A_1705 = vector.broadcast %reduce_sum3A_1704 : i1 to vector<16xi1>
    %reduce_sum3A_1706 = tpu.scan <sum>, %add3A_1703 masked %reduce_sum3A_1705 : vector<16xf32>, vector<16xi1> -> vector<16xf32>
    %reduce_sum3A_1707 = vector.extract %reduce_sum3A_1706[15] : f32 from vector<16xf32>
    %broadcast_in_dim3A_1708 = vector.broadcast %reduce_sum3A_1707 : f32 to vector<16xf32>
    %swap3A_1709 = arith.constant 1936 : index
    %swap3A_1710 = tpu.vector_load %arg11[%swap3A_1709] {strides = array<i32>} : memref<2048xf32, #tpu.memory_space<vmem>>, vector<16xf32>,
    tpu.vector_store %arg11[%swap3A_1709], %broadcast_in_dim3A_1708 {strides = array<i32>} : memref<2048xf32, #tpu.memory_space<vmem>>, vector<16xf32>,
    %get3A_1711 = arith.constant 3904 : index
    %get3A_1712 = tpu.vector_load %arg8[%get3A_1711] {strides = array<i32>} : memref<4096xf32, #tpu.memory_space<vmem>>, vector<16xf32>,
    %mul3A_1713 = arith.mulf %get3A_1712, %get3A_3 : vector<16xf32>
    %get3A_1714 = arith.constant 3920 : index
    %get3A_1715 = tpu.vector_load %arg8[%get3A_1714] {strides = array<i32>} : memref<4096xf32, #tpu.memory_space<vmem>>, vector<16xf32>,
    %mul3A_1716 = arith.mulf %get3A_1715, %get3A_5 : vector<16xf32>
    %add3A_1717 = arith.addf %mul3A_1713, %mul3A_1716 : vector<16xf32>
    %reduce_sum3A_1718 = arith.constant true
    %reduce_sum3A_1719 = vector.broadcast %reduce_sum3A_1718 : i1 to vector<16xi1>
    %reduce_sum3A_1720 = tpu.scan <sum>, %add3A_1717 masked %reduce_sum3A_1719 : vector<16xf32>, vector<16xi1> -> vector<16xf32>
    %reduce_sum3A_1721 = vector.extract %reduce_sum3A_1720[15] : f32 from vector<16xf32>
    %broadcast_in_dim3A_1722 = vector.broadcast %reduce_sum3A_1721 : f32 to vector<16xf32>
    %swap3A_1723 = arith.constant 1952 : index
    %swap3A_1724 = tpu.vector_load %arg11[%swap3A_1723] {strides = array<i32>} : memref<2048xf32, #tpu.memory_space<vmem>>, vector<16xf32>,
    tpu.vector_store %arg11[%swap3A_1723], %broadcast_in_dim3A_1722 {strides = array<i32>} : memref<2048xf32, #tpu.memory_space<vmem>>, vector<16xf32>,
    %get3A_1725 = arith.constant 3936 : index
    %get3A_1726 = tpu.vector_load %arg8[%get3A_1725] {strides = array<i32>} : memref<4096xf32, #tpu.memory_space<vmem>>, vector<16xf32>,
    %mul3A_1727 = arith.mulf %get3A_1726, %get3A_3 : vector<16xf32>
    %get3A_1728 = arith.constant 3952 : index
    %get3A_1729 = tpu.vector_load %arg8[%get3A_1728] {strides = array<i32>} : memref<4096xf32, #tpu.memory_space<vmem>>, vector<16xf32>,
    %mul3A_1730 = arith.mulf %get3A_1729, %get3A_5 : vector<16xf32>
    %add3A_1731 = arith.addf %mul3A_1727, %mul3A_1730 : vector<16xf32>
    %reduce_sum3A_1732 = arith.constant true
    %reduce_sum3A_1733 = vector.broadcast %reduce_sum3A_1732 : i1 to vector<16xi1>
    %reduce_sum3A_1734 = tpu.scan <sum>, %add3A_1731 masked %reduce_sum3A_1733 : vector<16xf32>, vector<16xi1> -> vector<16xf32>
    %reduce_sum3A_1735 = vector.extract %reduce_sum3A_1734[15] : f32 from vector<16xf32>
    %broadcast_in_dim3A_1736 = vector.broadcast %reduce_sum3A_1735 : f32 to vector<16xf32>
    %swap3A_1737 = arith.constant 1968 : index
    %swap3A_1738 = tpu.vector_load %arg11[%swap3A_1737] {strides = array<i32>} : memref<2048xf32, #tpu.memory_space<vmem>>, vector<16xf32>,
    tpu.vector_store %arg11[%swap3A_1737], %broadcast_in_dim3A_1736 {strides = array<i32>} : memref<2048xf32, #tpu.memory_space<vmem>>, vector<16xf32>,
    %get3A_1739 = arith.constant 3968 : index
    %get3A_1740 = tpu.vector_load %arg8[%get3A_1739] {strides = array<i32>} : memref<4096xf32, #tpu.memory_space<vmem>>, vector<16xf32>,
    %mul3A_1741 = arith.mulf %get3A_1740, %get3A_3 : vector<16xf32>
    %get3A_1742 = arith.constant 3984 : index
    %get3A_1743 = tpu.vector_load %arg8[%get3A_1742] {strides = array<i32>} : memref<4096xf32, #tpu.memory_space<vmem>>, vector<16xf32>,
    %mul3A_1744 = arith.mulf %get3A_1743, %get3A_5 : vector<16xf32>
    %add3A_1745 = arith.addf %mul3A_1741, %mul3A_1744 : vector<16xf32>
    %reduce_sum3A_1746 = arith.constant true
    %reduce_sum3A_1747 = vector.broadcast %reduce_sum3A_1746 : i1 to vector<16xi1>
    %reduce_sum3A_1748 = tpu.scan <sum>, %add3A_1745 masked %reduce_sum3A_1747 : vector<16xf32>, vector<16xi1> -> vector<16xf32>
    %reduce_sum3A_1749 = vector.extract %reduce_sum3A_1748[15] : f32 from vector<16xf32>
    %broadcast_in_dim3A_1750 = vector.broadcast %reduce_sum3A_1749 : f32 to vector<16xf32>
    %swap3A_1751 = arith.constant 1984 : index
    %swap3A_1752 = tpu.vector_load %arg11[%swap3A_1751] {strides = array<i32>} : memref<2048xf32, #tpu.memory_space<vmem>>, vector<16xf32>,
    tpu.vector_store %arg11[%swap3A_1751], %broadcast_in_dim3A_1750 {strides = array<i32>} : memref<2048xf32, #tpu.memory_space<vmem>>, vector<16xf32>,
    %get3A_1753 = arith.constant 4000 : index
    %get3A_1754 = tpu.vector_load %arg8[%get3A_1753] {strides = array<i32>} : memref<4096xf32, #tpu.memory_space<vmem>>, vector<16xf32>,
    %mul3A_1755 = arith.mulf %get3A_1754, %get3A_3 : vector<16xf32>
    %get3A_1756 = arith.constant 4016 : index
    %get3A_1757 = tpu.vector_load %arg8[%get3A_1756] {strides = array<i32>} : memref<4096xf32, #tpu.memory_space<vmem>>, vector<16xf32>,
    %mul3A_1758 = arith.mulf %get3A_1757, %get3A_5 : vector<16xf32>
    %add3A_1759 = arith.addf %mul3A_1755, %mul3A_1758 : vector<16xf32>
    %reduce_sum3A_1760 = arith.constant true
    %reduce_sum3A_1761 = vector.broadcast %reduce_sum3A_1760 : i1 to vector<16xi1>
    %reduce_sum3A_1762 = tpu.scan <sum>, %add3A_1759 masked %reduce_sum3A_1761 : vector<16xf32>, vector<16xi1> -> vector<16xf32>
    %reduce_sum3A_1763 = vector.extract %reduce_sum3A_1762[15] : f32 from vector<16xf32>
    %broadcast_in_dim3A_1764 = vector.broadcast %reduce_sum3A_1763 : f32 to vector<16xf32>
    %swap3A_1765 = arith.constant 2000 : index
    %swap3A_1766 = tpu.vector_load %arg11[%swap3A_1765] {strides = array<i32>} : memref<2048xf32, #tpu.memory_space<vmem>>, vector<16xf32>,
    tpu.vector_store %arg11[%swap3A_1765], %broadcast_in_dim3A_1764 {strides = array<i32>} : memref<2048xf32, #tpu.memory_space<vmem>>, vector<16xf32>,
    %get3A_1767 = arith.constant 4032 : index
    %get3A_1768 = tpu.vector_load %arg8[%get3A_1767] {strides = array<i32>} : memref<4096xf32, #tpu.memory_space<vmem>>, vector<16xf32>,
    %mul3A_1769 = arith.mulf %get3A_1768, %get3A_3 : vector<16xf32>
    %get3A_1770 = arith.constant 4048 : index
    %get3A_1771 = tpu.vector_load %arg8[%get3A_1770] {strides = array<i32>} : memref<4096xf32, #tpu.memory_space<vmem>>, vector<16xf32>,
    %mul3A_1772 = arith.mulf %get3A_1771, %get3A_5 : vector<16xf32>
    %add3A_1773 = arith.addf %mul3A_1769, %mul3A_1772 : vector<16xf32>
    %reduce_sum3A_1774 = arith.constant true
    %reduce_sum3A_1775 = vector.broadcast %reduce_sum3A_1774 : i1 to vector<16xi1>
    %reduce_sum3A_1776 = tpu.scan <sum>, %add3A_1773 masked %reduce_sum3A_1775 : vector<16xf32>, vector<16xi1> -> vector<16xf32>
    %reduce_sum3A_1777 = vector.extract %reduce_sum3A_1776[15] : f32 from vector<16xf32>
    %broadcast_in_dim3A_1778 = vector.broadcast %reduce_sum3A_1777 : f32 to vector<16xf32>
    %swap3A_1779 = arith.constant 2016 : index
    %swap3A_1780 = tpu.vector_load %arg11[%swap3A_1779] {strides = array<i32>} : memref<2048xf32, #tpu.memory_space<vmem>>, vector<16xf32>,
    tpu.vector_store %arg11[%swap3A_1779], %broadcast_in_dim3A_1778 {strides = array<i32>} : memref<2048xf32, #tpu.memory_space<vmem>>, vector<16xf32>,
    %get3A_1781 = arith.constant 4064 : index
    %get3A_1782 = tpu.vector_load %arg8[%get3A_1781] {strides = array<i32>} : memref<4096xf32, #tpu.memory_space<vmem>>, vector<16xf32>,
    %mul3A_1783 = arith.mulf %get3A_1782, %get3A_3 : vector<16xf32>
    %get3A_1784 = arith.constant 4080 : index
    %get3A_1785 = tpu.vector_load %arg8[%get3A_1784] {strides = array<i32>} : memref<4096xf32, #tpu.memory_space<vmem>>, vector<16xf32>,
    %mul3A_1786 = arith.mulf %get3A_1785, %get3A_5 : vector<16xf32>
    %add3A_1787 = arith.addf %mul3A_1783, %mul3A_1786 : vector<16xf32>
    %reduce_sum3A_1788 = arith.constant true
    %reduce_sum3A_1789 = vector.broadcast %reduce_sum3A_1788 : i1 to vector<16xi1>
    %reduce_sum3A_1790 = tpu.scan <sum>, %add3A_1787 masked %reduce_sum3A_1789 : vector<16xf32>, vector<16xi1> -> vector<16xf32>
    %reduce_sum3A_1791 = vector.extract %reduce_sum3A_1790[15] : f32 from vector<16xf32>
    %broadcast_in_dim3A_1792 = vector.broadcast %reduce_sum3A_1791 : f32 to vector<16xf32>
    %swap3A_1793 = arith.constant 2032 : index
    %swap3A_1794 = tpu.vector_load %arg11[%swap3A_1793] {strides = array<i32>} : memref<2048xf32, #tpu.memory_space<vmem>>, vector<16xf32>,
    tpu.vector_store %arg11[%swap3A_1793], %broadcast_in_dim3A_1792 {strides = array<i32>} : memref<2048xf32, #tpu.memory_space<vmem>>, vector<16xf32>,
    %add3A_1795 = arith.constant 0 : i32
    %add3A_1796 = vector.broadcast %add3A_1795 : i32 to vector<16xi32>
    %add3A_1797 = arith.addi %iota3A, %add3A_1796 : vector<16xi32>
    %add3A_1798 = arith.constant 16 : i32
    %add3A_1799 = vector.broadcast %add3A_1798 : i32 to vector<16xi32>
    %add3A_1800 = arith.addi %iota3A, %add3A_1799 : vector<16xi32>
    %add3A_1801 = arith.constant 32 : i32
    %add3A_1802 = vector.broadcast %add3A_1801 : i32 to vector<16xi32>
    %add3A_1803 = arith.addi %iota3A, %add3A_1802 : vector<16xi32>
    %add3A_1804 = arith.constant 48 : i32
    %add3A_1805 = vector.broadcast %add3A_1804 : i32 to vector<16xi32>
    %add3A_1806 = arith.addi %iota3A, %add3A_1805 : vector<16xi32>
    %add3A_1807 = arith.constant 64 : i32
    %add3A_1808 = vector.broadcast %add3A_1807 : i32 to vector<16xi32>
    %add3A_1809 = arith.addi %iota3A, %add3A_1808 : vector<16xi32>
    %add3A_1810 = arith.constant 80 : i32
    %add3A_1811 = vector.broadcast %add3A_1810 : i32 to vector<16xi32>
    %add3A_1812 = arith.addi %iota3A, %add3A_1811 : vector<16xi32>
    %add3A_1813 = arith.constant 96 : i32
    %add3A_1814 = vector.broadcast %add3A_1813 : i32 to vector<16xi32>
    %add3A_1815 = arith.addi %iota3A, %add3A_1814 : vector<16xi32>
    %add3A_1816 = arith.constant 112 : i32
    %add3A_1817 = vector.broadcast %add3A_1816 : i32 to vector<16xi32>
    %add3A_1818 = arith.addi %iota3A, %add3A_1817 : vector<16xi32>
    %mul3A_1819 = arith.constant 13 : i32
    %mul3A_1820 = vector.broadcast %mul3A_1819 : i32 to vector<16xi32>
    %mul3A_1821 = arith.muli %iota3A, %mul3A_1820 : vector<16xi32>
    %broadcast_in_dim3A_1822 = arith.constant 0 : i32
    %broadcast_in_dim3A_1823 = vector.broadcast %broadcast_in_dim3A_1822 : i32 to vector<16xi32>
    %broadcast_in_dim3A_1824 = arith.constant 0.000000e+00 : f32
    %broadcast_in_dim3A_1825 = vector.broadcast %broadcast_in_dim3A_1824 : f32 to vector<16xf32>
    %scan3A = arith.constant 0 : i32
    %scan3A_1826 = arith.constant 25 : i32
    %scan3A_1827 = arith.addi %scan3A, %scan3A_1826 : i32
    %scan3A_1828 = arith.constant 1 : i32
    %scan3A_1829:8 = scf.for %scan3A_1960 = %scan3A to %scan3A_1827 step %scan3A_1828 iter_args(%scan3A_1961 = %broadcast_in_dim3A_1825, %scan3A_1962 = %broadcast_in_dim3A_1825, %scan3A_1963 = %broadcast_in_dim3A_1825, %scan3A_1964 = %broadcast_in_dim3A_1825, %scan3A_1965 = %broadcast_in_dim3A_1825, %scan3A_1966 = %broadcast_in_dim3A_1825, %scan3A_1967 = %broadcast_in_dim3A_1825, %scan3A_1968 = %broadcast_in_dim3A_1825) -> (vector<16xf32>, vector<16xf32>, vector<16xf32>, vector<16xf32>, vector<16xf32>, vector<16xf32>, vector<16xf32>, vector<16xf32>)  : i32 {
      %mul3A_1969 = arith.constant 8 : i32
      %mul3A_1970 = arith.muli %scan3A_1960, %mul3A_1969 : i32
      %add3A_1971 = arith.constant 0 : i32
      %add3A_1972 = arith.addi %mul3A_1970, %add3A_1971 : i32
      %add3A_1973 = vector.broadcast %add3A_1972 : i32 to vector<16xi32>
      %add3A_1974 = arith.addi %mul3A_1821, %add3A_1973 : vector<16xi32>
      %ge3A = arith.constant 200 : i32
      %ge3A_1975 = vector.broadcast %ge3A : i32 to vector<16xi32>
      %ge3A_1976 = arith.cmpi sge, %add3A_1974, %ge3A_1975 : vector<16xi32>
      %sub3A = arith.constant 200 : i32
      %sub3A_1977 = vector.broadcast %sub3A : i32 to vector<16xi32>
      %sub3A_1978 = arith.subi %add3A_1974, %sub3A_1977 : vector<16xi32>
      %select_n3A = arith.select %ge3A_1976, %sub3A_1978, %add3A_1974 : vector<16xi1>, vector<16xi32>
      %gather3A = tpu.vector_load_idx %arg7[%add3A_1797, %select_n3A] : memref<128x200xi32, #tpu.memory_space<vmem>>[vector<16xi32>, vector<16xi32>], vector<16xi32>,
      %shift_left3A = arith.constant 4 : i32
      %shift_left3A_1979 = vector.broadcast %shift_left3A : i32 to vector<16xi32>
      %shift_left3A_1980 = arith.shli %gather3A, %shift_left3A_1979 : vector<16xi32>
      %add3A_1981 = arith.addi %shift_left3A_1980, %iota3A : vector<16xi32>
      %gather3A_1982 = tpu.vector_load_idx %arg11[%add3A_1981] : memref<2048xf32, #tpu.memory_space<vmem>>[vector<16xi32>], vector<16xf32>,
      %add3A_1983 = arith.addf %scan3A_1961, %gather3A_1982 : vector<16xf32>
      %gather3A_1984 = tpu.vector_load_idx %arg7[%add3A_1800, %select_n3A] : memref<128x200xi32, #tpu.memory_space<vmem>>[vector<16xi32>, vector<16xi32>], vector<16xi32>,
      %shift_left3A_1985 = arith.constant 4 : i32
      %shift_left3A_1986 = vector.broadcast %shift_left3A_1985 : i32 to vector<16xi32>
      %shift_left3A_1987 = arith.shli %gather3A_1984, %shift_left3A_1986 : vector<16xi32>
      %add3A_1988 = arith.addi %shift_left3A_1987, %iota3A : vector<16xi32>
      %gather3A_1989 = tpu.vector_load_idx %arg11[%add3A_1988] : memref<2048xf32, #tpu.memory_space<vmem>>[vector<16xi32>], vector<16xf32>,
      %add3A_1990 = arith.addf %scan3A_1962, %gather3A_1989 : vector<16xf32>
      %gather3A_1991 = tpu.vector_load_idx %arg7[%add3A_1803, %select_n3A] : memref<128x200xi32, #tpu.memory_space<vmem>>[vector<16xi32>, vector<16xi32>], vector<16xi32>,
      %shift_left3A_1992 = arith.constant 4 : i32
      %shift_left3A_1993 = vector.broadcast %shift_left3A_1992 : i32 to vector<16xi32>
      %shift_left3A_1994 = arith.shli %gather3A_1991, %shift_left3A_1993 : vector<16xi32>
      %add3A_1995 = arith.addi %shift_left3A_1994, %iota3A : vector<16xi32>
      %gather3A_1996 = tpu.vector_load_idx %arg11[%add3A_1995] : memref<2048xf32, #tpu.memory_space<vmem>>[vector<16xi32>], vector<16xf32>,
      %add3A_1997 = arith.addf %scan3A_1963, %gather3A_1996 : vector<16xf32>
      %gather3A_1998 = tpu.vector_load_idx %arg7[%add3A_1806, %select_n3A] : memref<128x200xi32, #tpu.memory_space<vmem>>[vector<16xi32>, vector<16xi32>], vector<16xi32>,
      %shift_left3A_1999 = arith.constant 4 : i32
      %shift_left3A_2000 = vector.broadcast %shift_left3A_1999 : i32 to vector<16xi32>
      %shift_left3A_2001 = arith.shli %gather3A_1998, %shift_left3A_2000 : vector<16xi32>
      %add3A_2002 = arith.addi %shift_left3A_2001, %iota3A : vector<16xi32>
      %gather3A_2003 = tpu.vector_load_idx %arg11[%add3A_2002] : memref<2048xf32, #tpu.memory_space<vmem>>[vector<16xi32>], vector<16xf32>,
      %add3A_2004 = arith.addf %scan3A_1964, %gather3A_2003 : vector<16xf32>
      %gather3A_2005 = tpu.vector_load_idx %arg7[%add3A_1809, %select_n3A] : memref<128x200xi32, #tpu.memory_space<vmem>>[vector<16xi32>, vector<16xi32>], vector<16xi32>,
      %shift_left3A_2006 = arith.constant 4 : i32
      %shift_left3A_2007 = vector.broadcast %shift_left3A_2006 : i32 to vector<16xi32>
      %shift_left3A_2008 = arith.shli %gather3A_2005, %shift_left3A_2007 : vector<16xi32>
      %add3A_2009 = arith.addi %shift_left3A_2008, %iota3A : vector<16xi32>
      %gather3A_2010 = tpu.vector_load_idx %arg11[%add3A_2009] : memref<2048xf32, #tpu.memory_space<vmem>>[vector<16xi32>], vector<16xf32>,
      %add3A_2011 = arith.addf %scan3A_1965, %gather3A_2010 : vector<16xf32>
      %gather3A_2012 = tpu.vector_load_idx %arg7[%add3A_1812, %select_n3A] : memref<128x200xi32, #tpu.memory_space<vmem>>[vector<16xi32>, vector<16xi32>], vector<16xi32>,
      %shift_left3A_2013 = arith.constant 4 : i32
      %shift_left3A_2014 = vector.broadcast %shift_left3A_2013 : i32 to vector<16xi32>
      %shift_left3A_2015 = arith.shli %gather3A_2012, %shift_left3A_2014 : vector<16xi32>
      %add3A_2016 = arith.addi %shift_left3A_2015, %iota3A : vector<16xi32>
      %gather3A_2017 = tpu.vector_load_idx %arg11[%add3A_2016] : memref<2048xf32, #tpu.memory_space<vmem>>[vector<16xi32>], vector<16xf32>,
      %add3A_2018 = arith.addf %scan3A_1966, %gather3A_2017 : vector<16xf32>
      %gather3A_2019 = tpu.vector_load_idx %arg7[%add3A_1815, %select_n3A] : memref<128x200xi32, #tpu.memory_space<vmem>>[vector<16xi32>, vector<16xi32>], vector<16xi32>,
      %shift_left3A_2020 = arith.constant 4 : i32
      %shift_left3A_2021 = vector.broadcast %shift_left3A_2020 : i32 to vector<16xi32>
      %shift_left3A_2022 = arith.shli %gather3A_2019, %shift_left3A_2021 : vector<16xi32>
      %add3A_2023 = arith.addi %shift_left3A_2022, %iota3A : vector<16xi32>
      %gather3A_2024 = tpu.vector_load_idx %arg11[%add3A_2023] : memref<2048xf32, #tpu.memory_space<vmem>>[vector<16xi32>], vector<16xf32>,
      %add3A_2025 = arith.addf %scan3A_1967, %gather3A_2024 : vector<16xf32>
      %gather3A_2026 = tpu.vector_load_idx %arg7[%add3A_1818, %select_n3A] : memref<128x200xi32, #tpu.memory_space<vmem>>[vector<16xi32>, vector<16xi32>], vector<16xi32>,
      %shift_left3A_2027 = arith.constant 4 : i32
      %shift_left3A_2028 = vector.broadcast %shift_left3A_2027 : i32 to vector<16xi32>
      %shift_left3A_2029 = arith.shli %gather3A_2026, %shift_left3A_2028 : vector<16xi32>
      %add3A_2030 = arith.addi %shift_left3A_2029, %iota3A : vector<16xi32>
      %gather3A_2031 = tpu.vector_load_idx %arg11[%add3A_2030] : memref<2048xf32, #tpu.memory_space<vmem>>[vector<16xi32>], vector<16xf32>,
      %add3A_2032 = arith.addf %scan3A_1968, %gather3A_2031 : vector<16xf32>
      %add3A_2033 = arith.constant 1 : i32
      %add3A_2034 = arith.addi %mul3A_1970, %add3A_2033 : i32
      %add3A_2035 = vector.broadcast %add3A_2034 : i32 to vector<16xi32>
      %add3A_2036 = arith.addi %mul3A_1821, %add3A_2035 : vector<16xi32>
      %ge3A_2037 = arith.constant 200 : i32
      %ge3A_2038 = vector.broadcast %ge3A_2037 : i32 to vector<16xi32>
      %ge3A_2039 = arith.cmpi sge, %add3A_2036, %ge3A_2038 : vector<16xi32>
      %sub3A_2040 = arith.constant 200 : i32
      %sub3A_2041 = vector.broadcast %sub3A_2040 : i32 to vector<16xi32>
      %sub3A_2042 = arith.subi %add3A_2036, %sub3A_2041 : vector<16xi32>
      %select_n3A_2043 = arith.select %ge3A_2039, %sub3A_2042, %add3A_2036 : vector<16xi1>, vector<16xi32>
      %gather3A_2044 = tpu.vector_load_idx %arg7[%add3A_1797, %select_n3A_2043] : memref<128x200xi32, #tpu.memory_space<vmem>>[vector<16xi32>, vector<16xi32>], vector<16xi32>,
      %shift_left3A_2045 = arith.constant 4 : i32
      %shift_left3A_2046 = vector.broadcast %shift_left3A_2045 : i32 to vector<16xi32>
      %shift_left3A_2047 = arith.shli %gather3A_2044, %shift_left3A_2046 : vector<16xi32>
      %add3A_2048 = arith.addi %shift_left3A_2047, %iota3A : vector<16xi32>
      %gather3A_2049 = tpu.vector_load_idx %arg11[%add3A_2048] : memref<2048xf32, #tpu.memory_space<vmem>>[vector<16xi32>], vector<16xf32>,
      %add3A_2050 = arith.addf %add3A_1983, %gather3A_2049 : vector<16xf32>
      %gather3A_2051 = tpu.vector_load_idx %arg7[%add3A_1800, %select_n3A_2043] : memref<128x200xi32, #tpu.memory_space<vmem>>[vector<16xi32>, vector<16xi32>], vector<16xi32>,
      %shift_left3A_2052 = arith.constant 4 : i32
      %shift_left3A_2053 = vector.broadcast %shift_left3A_2052 : i32 to vector<16xi32>
      %shift_left3A_2054 = arith.shli %gather3A_2051, %shift_left3A_2053 : vector<16xi32>
      %add3A_2055 = arith.addi %shift_left3A_2054, %iota3A : vector<16xi32>
      %gather3A_2056 = tpu.vector_load_idx %arg11[%add3A_2055] : memref<2048xf32, #tpu.memory_space<vmem>>[vector<16xi32>], vector<16xf32>,
      %add3A_2057 = arith.addf %add3A_1990, %gather3A_2056 : vector<16xf32>
      %gather3A_2058 = tpu.vector_load_idx %arg7[%add3A_1803, %select_n3A_2043] : memref<128x200xi32, #tpu.memory_space<vmem>>[vector<16xi32>, vector<16xi32>], vector<16xi32>,
      %shift_left3A_2059 = arith.constant 4 : i32
      %shift_left3A_2060 = vector.broadcast %shift_left3A_2059 : i32 to vector<16xi32>
      %shift_left3A_2061 = arith.shli %gather3A_2058, %shift_left3A_2060 : vector<16xi32>
      %add3A_2062 = arith.addi %shift_left3A_2061, %iota3A : vector<16xi32>
      %gather3A_2063 = tpu.vector_load_idx %arg11[%add3A_2062] : memref<2048xf32, #tpu.memory_space<vmem>>[vector<16xi32>], vector<16xf32>,
      %add3A_2064 = arith.addf %add3A_1997, %gather3A_2063 : vector<16xf32>
      %gather3A_2065 = tpu.vector_load_idx %arg7[%add3A_1806, %select_n3A_2043] : memref<128x200xi32, #tpu.memory_space<vmem>>[vector<16xi32>, vector<16xi32>], vector<16xi32>,
      %shift_left3A_2066 = arith.constant 4 : i32
      %shift_left3A_2067 = vector.broadcast %shift_left3A_2066 : i32 to vector<16xi32>
      %shift_left3A_2068 = arith.shli %gather3A_2065, %shift_left3A_2067 : vector<16xi32>
      %add3A_2069 = arith.addi %shift_left3A_2068, %iota3A : vector<16xi32>
      %gather3A_2070 = tpu.vector_load_idx %arg11[%add3A_2069] : memref<2048xf32, #tpu.memory_space<vmem>>[vector<16xi32>], vector<16xf32>,
      %add3A_2071 = arith.addf %add3A_2004, %gather3A_2070 : vector<16xf32>
      %gather3A_2072 = tpu.vector_load_idx %arg7[%add3A_1809, %select_n3A_2043] : memref<128x200xi32, #tpu.memory_space<vmem>>[vector<16xi32>, vector<16xi32>], vector<16xi32>,
      %shift_left3A_2073 = arith.constant 4 : i32
      %shift_left3A_2074 = vector.broadcast %shift_left3A_2073 : i32 to vector<16xi32>
      %shift_left3A_2075 = arith.shli %gather3A_2072, %shift_left3A_2074 : vector<16xi32>
      %add3A_2076 = arith.addi %shift_left3A_2075, %iota3A : vector<16xi32>
      %gather3A_2077 = tpu.vector_load_idx %arg11[%add3A_2076] : memref<2048xf32, #tpu.memory_space<vmem>>[vector<16xi32>], vector<16xf32>,
      %add3A_2078 = arith.addf %add3A_2011, %gather3A_2077 : vector<16xf32>
      %gather3A_2079 = tpu.vector_load_idx %arg7[%add3A_1812, %select_n3A_2043] : memref<128x200xi32, #tpu.memory_space<vmem>>[vector<16xi32>, vector<16xi32>], vector<16xi32>,
      %shift_left3A_2080 = arith.constant 4 : i32
      %shift_left3A_2081 = vector.broadcast %shift_left3A_2080 : i32 to vector<16xi32>
      %shift_left3A_2082 = arith.shli %gather3A_2079, %shift_left3A_2081 : vector<16xi32>
      %add3A_2083 = arith.addi %shift_left3A_2082, %iota3A : vector<16xi32>
      %gather3A_2084 = tpu.vector_load_idx %arg11[%add3A_2083] : memref<2048xf32, #tpu.memory_space<vmem>>[vector<16xi32>], vector<16xf32>,
      %add3A_2085 = arith.addf %add3A_2018, %gather3A_2084 : vector<16xf32>
      %gather3A_2086 = tpu.vector_load_idx %arg7[%add3A_1815, %select_n3A_2043] : memref<128x200xi32, #tpu.memory_space<vmem>>[vector<16xi32>, vector<16xi32>], vector<16xi32>,
      %shift_left3A_2087 = arith.constant 4 : i32
      %shift_left3A_2088 = vector.broadcast %shift_left3A_2087 : i32 to vector<16xi32>
      %shift_left3A_2089 = arith.shli %gather3A_2086, %shift_left3A_2088 : vector<16xi32>
      %add3A_2090 = arith.addi %shift_left3A_2089, %iota3A : vector<16xi32>
      %gather3A_2091 = tpu.vector_load_idx %arg11[%add3A_2090] : memref<2048xf32, #tpu.memory_space<vmem>>[vector<16xi32>], vector<16xf32>,
      %add3A_2092 = arith.addf %add3A_2025, %gather3A_2091 : vector<16xf32>
      %gather3A_2093 = tpu.vector_load_idx %arg7[%add3A_1818, %select_n3A_2043] : memref<128x200xi32, #tpu.memory_space<vmem>>[vector<16xi32>, vector<16xi32>], vector<16xi32>,
      %shift_left3A_2094 = arith.constant 4 : i32
      %shift_left3A_2095 = vector.broadcast %shift_left3A_2094 : i32 to vector<16xi32>
      %shift_left3A_2096 = arith.shli %gather3A_2093, %shift_left3A_2095 : vector<16xi32>
      %add3A_2097 = arith.addi %shift_left3A_2096, %iota3A : vector<16xi32>
      %gather3A_2098 = tpu.vector_load_idx %arg11[%add3A_2097] : memref<2048xf32, #tpu.memory_space<vmem>>[vector<16xi32>], vector<16xf32>,
      %add3A_2099 = arith.addf %add3A_2032, %gather3A_2098 : vector<16xf32>
      %add3A_2100 = arith.constant 2 : i32
      %add3A_2101 = arith.addi %mul3A_1970, %add3A_2100 : i32
      %add3A_2102 = vector.broadcast %add3A_2101 : i32 to vector<16xi32>
      %add3A_2103 = arith.addi %mul3A_1821, %add3A_2102 : vector<16xi32>
      %ge3A_2104 = arith.constant 200 : i32
      %ge3A_2105 = vector.broadcast %ge3A_2104 : i32 to vector<16xi32>
      %ge3A_2106 = arith.cmpi sge, %add3A_2103, %ge3A_2105 : vector<16xi32>
      %sub3A_2107 = arith.constant 200 : i32
      %sub3A_2108 = vector.broadcast %sub3A_2107 : i32 to vector<16xi32>
      %sub3A_2109 = arith.subi %add3A_2103, %sub3A_2108 : vector<16xi32>
      %select_n3A_2110 = arith.select %ge3A_2106, %sub3A_2109, %add3A_2103 : vector<16xi1>, vector<16xi32>
      %gather3A_2111 = tpu.vector_load_idx %arg7[%add3A_1797, %select_n3A_2110] : memref<128x200xi32, #tpu.memory_space<vmem>>[vector<16xi32>, vector<16xi32>], vector<16xi32>,
      %shift_left3A_2112 = arith.constant 4 : i32
      %shift_left3A_2113 = vector.broadcast %shift_left3A_2112 : i32 to vector<16xi32>
      %shift_left3A_2114 = arith.shli %gather3A_2111, %shift_left3A_2113 : vector<16xi32>
      %add3A_2115 = arith.addi %shift_left3A_2114, %iota3A : vector<16xi32>
      %gather3A_2116 = tpu.vector_load_idx %arg11[%add3A_2115] : memref<2048xf32, #tpu.memory_space<vmem>>[vector<16xi32>], vector<16xf32>,
      %add3A_2117 = arith.addf %add3A_2050, %gather3A_2116 : vector<16xf32>
      %gather3A_2118 = tpu.vector_load_idx %arg7[%add3A_1800, %select_n3A_2110] : memref<128x200xi32, #tpu.memory_space<vmem>>[vector<16xi32>, vector<16xi32>], vector<16xi32>,
      %shift_left3A_2119 = arith.constant 4 : i32
      %shift_left3A_2120 = vector.broadcast %shift_left3A_2119 : i32 to vector<16xi32>
      %shift_left3A_2121 = arith.shli %gather3A_2118, %shift_left3A_2120 : vector<16xi32>
      %add3A_2122 = arith.addi %shift_left3A_2121, %iota3A : vector<16xi32>
      %gather3A_2123 = tpu.vector_load_idx %arg11[%add3A_2122] : memref<2048xf32, #tpu.memory_space<vmem>>[vector<16xi32>], vector<16xf32>,
      %add3A_2124 = arith.addf %add3A_2057, %gather3A_2123 : vector<16xf32>
      %gather3A_2125 = tpu.vector_load_idx %arg7[%add3A_1803, %select_n3A_2110] : memref<128x200xi32, #tpu.memory_space<vmem>>[vector<16xi32>, vector<16xi32>], vector<16xi32>,
      %shift_left3A_2126 = arith.constant 4 : i32
      %shift_left3A_2127 = vector.broadcast %shift_left3A_2126 : i32 to vector<16xi32>
      %shift_left3A_2128 = arith.shli %gather3A_2125, %shift_left3A_2127 : vector<16xi32>
      %add3A_2129 = arith.addi %shift_left3A_2128, %iota3A : vector<16xi32>
      %gather3A_2130 = tpu.vector_load_idx %arg11[%add3A_2129] : memref<2048xf32, #tpu.memory_space<vmem>>[vector<16xi32>], vector<16xf32>,
      %add3A_2131 = arith.addf %add3A_2064, %gather3A_2130 : vector<16xf32>
      %gather3A_2132 = tpu.vector_load_idx %arg7[%add3A_1806, %select_n3A_2110] : memref<128x200xi32, #tpu.memory_space<vmem>>[vector<16xi32>, vector<16xi32>], vector<16xi32>,
      %shift_left3A_2133 = arith.constant 4 : i32
      %shift_left3A_2134 = vector.broadcast %shift_left3A_2133 : i32 to vector<16xi32>
      %shift_left3A_2135 = arith.shli %gather3A_2132, %shift_left3A_2134 : vector<16xi32>
      %add3A_2136 = arith.addi %shift_left3A_2135, %iota3A : vector<16xi32>
      %gather3A_2137 = tpu.vector_load_idx %arg11[%add3A_2136] : memref<2048xf32, #tpu.memory_space<vmem>>[vector<16xi32>], vector<16xf32>,
      %add3A_2138 = arith.addf %add3A_2071, %gather3A_2137 : vector<16xf32>
      %gather3A_2139 = tpu.vector_load_idx %arg7[%add3A_1809, %select_n3A_2110] : memref<128x200xi32, #tpu.memory_space<vmem>>[vector<16xi32>, vector<16xi32>], vector<16xi32>,
      %shift_left3A_2140 = arith.constant 4 : i32
      %shift_left3A_2141 = vector.broadcast %shift_left3A_2140 : i32 to vector<16xi32>
      %shift_left3A_2142 = arith.shli %gather3A_2139, %shift_left3A_2141 : vector<16xi32>
      %add3A_2143 = arith.addi %shift_left3A_2142, %iota3A : vector<16xi32>
      %gather3A_2144 = tpu.vector_load_idx %arg11[%add3A_2143] : memref<2048xf32, #tpu.memory_space<vmem>>[vector<16xi32>], vector<16xf32>,
      %add3A_2145 = arith.addf %add3A_2078, %gather3A_2144 : vector<16xf32>
      %gather3A_2146 = tpu.vector_load_idx %arg7[%add3A_1812, %select_n3A_2110] : memref<128x200xi32, #tpu.memory_space<vmem>>[vector<16xi32>, vector<16xi32>], vector<16xi32>,
      %shift_left3A_2147 = arith.constant 4 : i32
      %shift_left3A_2148 = vector.broadcast %shift_left3A_2147 : i32 to vector<16xi32>
      %shift_left3A_2149 = arith.shli %gather3A_2146, %shift_left3A_2148 : vector<16xi32>
      %add3A_2150 = arith.addi %shift_left3A_2149, %iota3A : vector<16xi32>
      %gather3A_2151 = tpu.vector_load_idx %arg11[%add3A_2150] : memref<2048xf32, #tpu.memory_space<vmem>>[vector<16xi32>], vector<16xf32>,
      %add3A_2152 = arith.addf %add3A_2085, %gather3A_2151 : vector<16xf32>
      %gather3A_2153 = tpu.vector_load_idx %arg7[%add3A_1815, %select_n3A_2110] : memref<128x200xi32, #tpu.memory_space<vmem>>[vector<16xi32>, vector<16xi32>], vector<16xi32>,
      %shift_left3A_2154 = arith.constant 4 : i32
      %shift_left3A_2155 = vector.broadcast %shift_left3A_2154 : i32 to vector<16xi32>
      %shift_left3A_2156 = arith.shli %gather3A_2153, %shift_left3A_2155 : vector<16xi32>
      %add3A_2157 = arith.addi %shift_left3A_2156, %iota3A : vector<16xi32>
      %gather3A_2158 = tpu.vector_load_idx %arg11[%add3A_2157] : memref<2048xf32, #tpu.memory_space<vmem>>[vector<16xi32>], vector<16xf32>,
      %add3A_2159 = arith.addf %add3A_2092, %gather3A_2158 : vector<16xf32>
      %gather3A_2160 = tpu.vector_load_idx %arg7[%add3A_1818, %select_n3A_2110] : memref<128x200xi32, #tpu.memory_space<vmem>>[vector<16xi32>, vector<16xi32>], vector<16xi32>,
      %shift_left3A_2161 = arith.constant 4 : i32
      %shift_left3A_2162 = vector.broadcast %shift_left3A_2161 : i32 to vector<16xi32>
      %shift_left3A_2163 = arith.shli %gather3A_2160, %shift_left3A_2162 : vector<16xi32>
      %add3A_2164 = arith.addi %shift_left3A_2163, %iota3A : vector<16xi32>
      %gather3A_2165 = tpu.vector_load_idx %arg11[%add3A_2164] : memref<2048xf32, #tpu.memory_space<vmem>>[vector<16xi32>], vector<16xf32>,
      %add3A_2166 = arith.addf %add3A_2099, %gather3A_2165 : vector<16xf32>
      %add3A_2167 = arith.constant 3 : i32
      %add3A_2168 = arith.addi %mul3A_1970, %add3A_2167 : i32
      %add3A_2169 = vector.broadcast %add3A_2168 : i32 to vector<16xi32>
      %add3A_2170 = arith.addi %mul3A_1821, %add3A_2169 : vector<16xi32>
      %ge3A_2171 = arith.constant 200 : i32
      %ge3A_2172 = vector.broadcast %ge3A_2171 : i32 to vector<16xi32>
      %ge3A_2173 = arith.cmpi sge, %add3A_2170, %ge3A_2172 : vector<16xi32>
      %sub3A_2174 = arith.constant 200 : i32
      %sub3A_2175 = vector.broadcast %sub3A_2174 : i32 to vector<16xi32>
      %sub3A_2176 = arith.subi %add3A_2170, %sub3A_2175 : vector<16xi32>
      %select_n3A_2177 = arith.select %ge3A_2173, %sub3A_2176, %add3A_2170 : vector<16xi1>, vector<16xi32>
      %gather3A_2178 = tpu.vector_load_idx %arg7[%add3A_1797, %select_n3A_2177] : memref<128x200xi32, #tpu.memory_space<vmem>>[vector<16xi32>, vector<16xi32>], vector<16xi32>,
      %shift_left3A_2179 = arith.constant 4 : i32
      %shift_left3A_2180 = vector.broadcast %shift_left3A_2179 : i32 to vector<16xi32>
      %shift_left3A_2181 = arith.shli %gather3A_2178, %shift_left3A_2180 : vector<16xi32>
      %add3A_2182 = arith.addi %shift_left3A_2181, %iota3A : vector<16xi32>
      %gather3A_2183 = tpu.vector_load_idx %arg11[%add3A_2182] : memref<2048xf32, #tpu.memory_space<vmem>>[vector<16xi32>], vector<16xf32>,
      %add3A_2184 = arith.addf %add3A_2117, %gather3A_2183 : vector<16xf32>
      %gather3A_2185 = tpu.vector_load_idx %arg7[%add3A_1800, %select_n3A_2177] : memref<128x200xi32, #tpu.memory_space<vmem>>[vector<16xi32>, vector<16xi32>], vector<16xi32>,
      %shift_left3A_2186 = arith.constant 4 : i32
      %shift_left3A_2187 = vector.broadcast %shift_left3A_2186 : i32 to vector<16xi32>
      %shift_left3A_2188 = arith.shli %gather3A_2185, %shift_left3A_2187 : vector<16xi32>
      %add3A_2189 = arith.addi %shift_left3A_2188, %iota3A : vector<16xi32>
      %gather3A_2190 = tpu.vector_load_idx %arg11[%add3A_2189] : memref<2048xf32, #tpu.memory_space<vmem>>[vector<16xi32>], vector<16xf32>,
      %add3A_2191 = arith.addf %add3A_2124, %gather3A_2190 : vector<16xf32>
      %gather3A_2192 = tpu.vector_load_idx %arg7[%add3A_1803, %select_n3A_2177] : memref<128x200xi32, #tpu.memory_space<vmem>>[vector<16xi32>, vector<16xi32>], vector<16xi32>,
      %shift_left3A_2193 = arith.constant 4 : i32
      %shift_left3A_2194 = vector.broadcast %shift_left3A_2193 : i32 to vector<16xi32>
      %shift_left3A_2195 = arith.shli %gather3A_2192, %shift_left3A_2194 : vector<16xi32>
      %add3A_2196 = arith.addi %shift_left3A_2195, %iota3A : vector<16xi32>
      %gather3A_2197 = tpu.vector_load_idx %arg11[%add3A_2196] : memref<2048xf32, #tpu.memory_space<vmem>>[vector<16xi32>], vector<16xf32>,
      %add3A_2198 = arith.addf %add3A_2131, %gather3A_2197 : vector<16xf32>
      %gather3A_2199 = tpu.vector_load_idx %arg7[%add3A_1806, %select_n3A_2177] : memref<128x200xi32, #tpu.memory_space<vmem>>[vector<16xi32>, vector<16xi32>], vector<16xi32>,
      %shift_left3A_2200 = arith.constant 4 : i32
      %shift_left3A_2201 = vector.broadcast %shift_left3A_2200 : i32 to vector<16xi32>
      %shift_left3A_2202 = arith.shli %gather3A_2199, %shift_left3A_2201 : vector<16xi32>
      %add3A_2203 = arith.addi %shift_left3A_2202, %iota3A : vector<16xi32>
      %gather3A_2204 = tpu.vector_load_idx %arg11[%add3A_2203] : memref<2048xf32, #tpu.memory_space<vmem>>[vector<16xi32>], vector<16xf32>,
      %add3A_2205 = arith.addf %add3A_2138, %gather3A_2204 : vector<16xf32>
      %gather3A_2206 = tpu.vector_load_idx %arg7[%add3A_1809, %select_n3A_2177] : memref<128x200xi32, #tpu.memory_space<vmem>>[vector<16xi32>, vector<16xi32>], vector<16xi32>,
      %shift_left3A_2207 = arith.constant 4 : i32
      %shift_left3A_2208 = vector.broadcast %shift_left3A_2207 : i32 to vector<16xi32>
      %shift_left3A_2209 = arith.shli %gather3A_2206, %shift_left3A_2208 : vector<16xi32>
      %add3A_2210 = arith.addi %shift_left3A_2209, %iota3A : vector<16xi32>
      %gather3A_2211 = tpu.vector_load_idx %arg11[%add3A_2210] : memref<2048xf32, #tpu.memory_space<vmem>>[vector<16xi32>], vector<16xf32>,
      %add3A_2212 = arith.addf %add3A_2145, %gather3A_2211 : vector<16xf32>
      %gather3A_2213 = tpu.vector_load_idx %arg7[%add3A_1812, %select_n3A_2177] : memref<128x200xi32, #tpu.memory_space<vmem>>[vector<16xi32>, vector<16xi32>], vector<16xi32>,
      %shift_left3A_2214 = arith.constant 4 : i32
      %shift_left3A_2215 = vector.broadcast %shift_left3A_2214 : i32 to vector<16xi32>
      %shift_left3A_2216 = arith.shli %gather3A_2213, %shift_left3A_2215 : vector<16xi32>
      %add3A_2217 = arith.addi %shift_left3A_2216, %iota3A : vector<16xi32>
      %gather3A_2218 = tpu.vector_load_idx %arg11[%add3A_2217] : memref<2048xf32, #tpu.memory_space<vmem>>[vector<16xi32>], vector<16xf32>,
      %add3A_2219 = arith.addf %add3A_2152, %gather3A_2218 : vector<16xf32>
      %gather3A_2220 = tpu.vector_load_idx %arg7[%add3A_1815, %select_n3A_2177] : memref<128x200xi32, #tpu.memory_space<vmem>>[vector<16xi32>, vector<16xi32>], vector<16xi32>,
      %shift_left3A_2221 = arith.constant 4 : i32
      %shift_left3A_2222 = vector.broadcast %shift_left3A_2221 : i32 to vector<16xi32>
      %shift_left3A_2223 = arith.shli %gather3A_2220, %shift_left3A_2222 : vector<16xi32>
      %add3A_2224 = arith.addi %shift_left3A_2223, %iota3A : vector<16xi32>
      %gather3A_2225 = tpu.vector_load_idx %arg11[%add3A_2224] : memref<2048xf32, #tpu.memory_space<vmem>>[vector<16xi32>], vector<16xf32>,
      %add3A_2226 = arith.addf %add3A_2159, %gather3A_2225 : vector<16xf32>
      %gather3A_2227 = tpu.vector_load_idx %arg7[%add3A_1818, %select_n3A_2177] : memref<128x200xi32, #tpu.memory_space<vmem>>[vector<16xi32>, vector<16xi32>], vector<16xi32>,
      %shift_left3A_2228 = arith.constant 4 : i32
      %shift_left3A_2229 = vector.broadcast %shift_left3A_2228 : i32 to vector<16xi32>
      %shift_left3A_2230 = arith.shli %gather3A_2227, %shift_left3A_2229 : vector<16xi32>
      %add3A_2231 = arith.addi %shift_left3A_2230, %iota3A : vector<16xi32>
      %gather3A_2232 = tpu.vector_load_idx %arg11[%add3A_2231] : memref<2048xf32, #tpu.memory_space<vmem>>[vector<16xi32>], vector<16xf32>,
      %add3A_2233 = arith.addf %add3A_2166, %gather3A_2232 : vector<16xf32>
      %add3A_2234 = arith.constant 4 : i32
      %add3A_2235 = arith.addi %mul3A_1970, %add3A_2234 : i32
      %add3A_2236 = vector.broadcast %add3A_2235 : i32 to vector<16xi32>
      %add3A_2237 = arith.addi %mul3A_1821, %add3A_2236 : vector<16xi32>
      %ge3A_2238 = arith.constant 200 : i32
      %ge3A_2239 = vector.broadcast %ge3A_2238 : i32 to vector<16xi32>
      %ge3A_2240 = arith.cmpi sge, %add3A_2237, %ge3A_2239 : vector<16xi32>
      %sub3A_2241 = arith.constant 200 : i32
      %sub3A_2242 = vector.broadcast %sub3A_2241 : i32 to vector<16xi32>
      %sub3A_2243 = arith.subi %add3A_2237, %sub3A_2242 : vector<16xi32>
      %select_n3A_2244 = arith.select %ge3A_2240, %sub3A_2243, %add3A_2237 : vector<16xi1>, vector<16xi32>
      %gather3A_2245 = tpu.vector_load_idx %arg7[%add3A_1797, %select_n3A_2244] : memref<128x200xi32, #tpu.memory_space<vmem>>[vector<16xi32>, vector<16xi32>], vector<16xi32>,
      %shift_left3A_2246 = arith.constant 4 : i32
      %shift_left3A_2247 = vector.broadcast %shift_left3A_2246 : i32 to vector<16xi32>
      %shift_left3A_2248 = arith.shli %gather3A_2245, %shift_left3A_2247 : vector<16xi32>
      %add3A_2249 = arith.addi %shift_left3A_2248, %iota3A : vector<16xi32>
      %gather3A_2250 = tpu.vector_load_idx %arg11[%add3A_2249] : memref<2048xf32, #tpu.memory_space<vmem>>[vector<16xi32>], vector<16xf32>,
      %add3A_2251 = arith.addf %add3A_2184, %gather3A_2250 : vector<16xf32>
      %gather3A_2252 = tpu.vector_load_idx %arg7[%add3A_1800, %select_n3A_2244] : memref<128x200xi32, #tpu.memory_space<vmem>>[vector<16xi32>, vector<16xi32>], vector<16xi32>,
      %shift_left3A_2253 = arith.constant 4 : i32
      %shift_left3A_2254 = vector.broadcast %shift_left3A_2253 : i32 to vector<16xi32>
      %shift_left3A_2255 = arith.shli %gather3A_2252, %shift_left3A_2254 : vector<16xi32>
      %add3A_2256 = arith.addi %shift_left3A_2255, %iota3A : vector<16xi32>
      %gather3A_2257 = tpu.vector_load_idx %arg11[%add3A_2256] : memref<2048xf32, #tpu.memory_space<vmem>>[vector<16xi32>], vector<16xf32>,
      %add3A_2258 = arith.addf %add3A_2191, %gather3A_2257 : vector<16xf32>
      %gather3A_2259 = tpu.vector_load_idx %arg7[%add3A_1803, %select_n3A_2244] : memref<128x200xi32, #tpu.memory_space<vmem>>[vector<16xi32>, vector<16xi32>], vector<16xi32>,
      %shift_left3A_2260 = arith.constant 4 : i32
      %shift_left3A_2261 = vector.broadcast %shift_left3A_2260 : i32 to vector<16xi32>
      %shift_left3A_2262 = arith.shli %gather3A_2259, %shift_left3A_2261 : vector<16xi32>
      %add3A_2263 = arith.addi %shift_left3A_2262, %iota3A : vector<16xi32>
      %gather3A_2264 = tpu.vector_load_idx %arg11[%add3A_2263] : memref<2048xf32, #tpu.memory_space<vmem>>[vector<16xi32>], vector<16xf32>,
      %add3A_2265 = arith.addf %add3A_2198, %gather3A_2264 : vector<16xf32>
      %gather3A_2266 = tpu.vector_load_idx %arg7[%add3A_1806, %select_n3A_2244] : memref<128x200xi32, #tpu.memory_space<vmem>>[vector<16xi32>, vector<16xi32>], vector<16xi32>,
      %shift_left3A_2267 = arith.constant 4 : i32
      %shift_left3A_2268 = vector.broadcast %shift_left3A_2267 : i32 to vector<16xi32>
      %shift_left3A_2269 = arith.shli %gather3A_2266, %shift_left3A_2268 : vector<16xi32>
      %add3A_2270 = arith.addi %shift_left3A_2269, %iota3A : vector<16xi32>
      %gather3A_2271 = tpu.vector_load_idx %arg11[%add3A_2270] : memref<2048xf32, #tpu.memory_space<vmem>>[vector<16xi32>], vector<16xf32>,
      %add3A_2272 = arith.addf %add3A_2205, %gather3A_2271 : vector<16xf32>
      %gather3A_2273 = tpu.vector_load_idx %arg7[%add3A_1809, %select_n3A_2244] : memref<128x200xi32, #tpu.memory_space<vmem>>[vector<16xi32>, vector<16xi32>], vector<16xi32>,
      %shift_left3A_2274 = arith.constant 4 : i32
      %shift_left3A_2275 = vector.broadcast %shift_left3A_2274 : i32 to vector<16xi32>
      %shift_left3A_2276 = arith.shli %gather3A_2273, %shift_left3A_2275 : vector<16xi32>
      %add3A_2277 = arith.addi %shift_left3A_2276, %iota3A : vector<16xi32>
      %gather3A_2278 = tpu.vector_load_idx %arg11[%add3A_2277] : memref<2048xf32, #tpu.memory_space<vmem>>[vector<16xi32>], vector<16xf32>,
      %add3A_2279 = arith.addf %add3A_2212, %gather3A_2278 : vector<16xf32>
      %gather3A_2280 = tpu.vector_load_idx %arg7[%add3A_1812, %select_n3A_2244] : memref<128x200xi32, #tpu.memory_space<vmem>>[vector<16xi32>, vector<16xi32>], vector<16xi32>,
      %shift_left3A_2281 = arith.constant 4 : i32
      %shift_left3A_2282 = vector.broadcast %shift_left3A_2281 : i32 to vector<16xi32>
      %shift_left3A_2283 = arith.shli %gather3A_2280, %shift_left3A_2282 : vector<16xi32>
      %add3A_2284 = arith.addi %shift_left3A_2283, %iota3A : vector<16xi32>
      %gather3A_2285 = tpu.vector_load_idx %arg11[%add3A_2284] : memref<2048xf32, #tpu.memory_space<vmem>>[vector<16xi32>], vector<16xf32>,
      %add3A_2286 = arith.addf %add3A_2219, %gather3A_2285 : vector<16xf32>
      %gather3A_2287 = tpu.vector_load_idx %arg7[%add3A_1815, %select_n3A_2244] : memref<128x200xi32, #tpu.memory_space<vmem>>[vector<16xi32>, vector<16xi32>], vector<16xi32>,
      %shift_left3A_2288 = arith.constant 4 : i32
      %shift_left3A_2289 = vector.broadcast %shift_left3A_2288 : i32 to vector<16xi32>
      %shift_left3A_2290 = arith.shli %gather3A_2287, %shift_left3A_2289 : vector<16xi32>
      %add3A_2291 = arith.addi %shift_left3A_2290, %iota3A : vector<16xi32>
      %gather3A_2292 = tpu.vector_load_idx %arg11[%add3A_2291] : memref<2048xf32, #tpu.memory_space<vmem>>[vector<16xi32>], vector<16xf32>,
      %add3A_2293 = arith.addf %add3A_2226, %gather3A_2292 : vector<16xf32>
      %gather3A_2294 = tpu.vector_load_idx %arg7[%add3A_1818, %select_n3A_2244] : memref<128x200xi32, #tpu.memory_space<vmem>>[vector<16xi32>, vector<16xi32>], vector<16xi32>,
      %shift_left3A_2295 = arith.constant 4 : i32
      %shift_left3A_2296 = vector.broadcast %shift_left3A_2295 : i32 to vector<16xi32>
      %shift_left3A_2297 = arith.shli %gather3A_2294, %shift_left3A_2296 : vector<16xi32>
      %add3A_2298 = arith.addi %shift_left3A_2297, %iota3A : vector<16xi32>
      %gather3A_2299 = tpu.vector_load_idx %arg11[%add3A_2298] : memref<2048xf32, #tpu.memory_space<vmem>>[vector<16xi32>], vector<16xf32>,
      %add3A_2300 = arith.addf %add3A_2233, %gather3A_2299 : vector<16xf32>
      %add3A_2301 = arith.constant 5 : i32
      %add3A_2302 = arith.addi %mul3A_1970, %add3A_2301 : i32
      %add3A_2303 = vector.broadcast %add3A_2302 : i32 to vector<16xi32>
      %add3A_2304 = arith.addi %mul3A_1821, %add3A_2303 : vector<16xi32>
      %ge3A_2305 = arith.constant 200 : i32
      %ge3A_2306 = vector.broadcast %ge3A_2305 : i32 to vector<16xi32>
      %ge3A_2307 = arith.cmpi sge, %add3A_2304, %ge3A_2306 : vector<16xi32>
      %sub3A_2308 = arith.constant 200 : i32
      %sub3A_2309 = vector.broadcast %sub3A_2308 : i32 to vector<16xi32>
      %sub3A_2310 = arith.subi %add3A_2304, %sub3A_2309 : vector<16xi32>
      %select_n3A_2311 = arith.select %ge3A_2307, %sub3A_2310, %add3A_2304 : vector<16xi1>, vector<16xi32>
      %gather3A_2312 = tpu.vector_load_idx %arg7[%add3A_1797, %select_n3A_2311] : memref<128x200xi32, #tpu.memory_space<vmem>>[vector<16xi32>, vector<16xi32>], vector<16xi32>,
      %shift_left3A_2313 = arith.constant 4 : i32
      %shift_left3A_2314 = vector.broadcast %shift_left3A_2313 : i32 to vector<16xi32>
      %shift_left3A_2315 = arith.shli %gather3A_2312, %shift_left3A_2314 : vector<16xi32>
      %add3A_2316 = arith.addi %shift_left3A_2315, %iota3A : vector<16xi32>
      %gather3A_2317 = tpu.vector_load_idx %arg11[%add3A_2316] : memref<2048xf32, #tpu.memory_space<vmem>>[vector<16xi32>], vector<16xf32>,
      %add3A_2318 = arith.addf %add3A_2251, %gather3A_2317 : vector<16xf32>
      %gather3A_2319 = tpu.vector_load_idx %arg7[%add3A_1800, %select_n3A_2311] : memref<128x200xi32, #tpu.memory_space<vmem>>[vector<16xi32>, vector<16xi32>], vector<16xi32>,
      %shift_left3A_2320 = arith.constant 4 : i32
      %shift_left3A_2321 = vector.broadcast %shift_left3A_2320 : i32 to vector<16xi32>
      %shift_left3A_2322 = arith.shli %gather3A_2319, %shift_left3A_2321 : vector<16xi32>
      %add3A_2323 = arith.addi %shift_left3A_2322, %iota3A : vector<16xi32>
      %gather3A_2324 = tpu.vector_load_idx %arg11[%add3A_2323] : memref<2048xf32, #tpu.memory_space<vmem>>[vector<16xi32>], vector<16xf32>,
      %add3A_2325 = arith.addf %add3A_2258, %gather3A_2324 : vector<16xf32>
      %gather3A_2326 = tpu.vector_load_idx %arg7[%add3A_1803, %select_n3A_2311] : memref<128x200xi32, #tpu.memory_space<vmem>>[vector<16xi32>, vector<16xi32>], vector<16xi32>,
      %shift_left3A_2327 = arith.constant 4 : i32
      %shift_left3A_2328 = vector.broadcast %shift_left3A_2327 : i32 to vector<16xi32>
      %shift_left3A_2329 = arith.shli %gather3A_2326, %shift_left3A_2328 : vector<16xi32>
      %add3A_2330 = arith.addi %shift_left3A_2329, %iota3A : vector<16xi32>
      %gather3A_2331 = tpu.vector_load_idx %arg11[%add3A_2330] : memref<2048xf32, #tpu.memory_space<vmem>>[vector<16xi32>], vector<16xf32>,
      %add3A_2332 = arith.addf %add3A_2265, %gather3A_2331 : vector<16xf32>
      %gather3A_2333 = tpu.vector_load_idx %arg7[%add3A_1806, %select_n3A_2311] : memref<128x200xi32, #tpu.memory_space<vmem>>[vector<16xi32>, vector<16xi32>], vector<16xi32>,
      %shift_left3A_2334 = arith.constant 4 : i32
      %shift_left3A_2335 = vector.broadcast %shift_left3A_2334 : i32 to vector<16xi32>
      %shift_left3A_2336 = arith.shli %gather3A_2333, %shift_left3A_2335 : vector<16xi32>
      %add3A_2337 = arith.addi %shift_left3A_2336, %iota3A : vector<16xi32>
      %gather3A_2338 = tpu.vector_load_idx %arg11[%add3A_2337] : memref<2048xf32, #tpu.memory_space<vmem>>[vector<16xi32>], vector<16xf32>,
      %add3A_2339 = arith.addf %add3A_2272, %gather3A_2338 : vector<16xf32>
      %gather3A_2340 = tpu.vector_load_idx %arg7[%add3A_1809, %select_n3A_2311] : memref<128x200xi32, #tpu.memory_space<vmem>>[vector<16xi32>, vector<16xi32>], vector<16xi32>,
      %shift_left3A_2341 = arith.constant 4 : i32
      %shift_left3A_2342 = vector.broadcast %shift_left3A_2341 : i32 to vector<16xi32>
      %shift_left3A_2343 = arith.shli %gather3A_2340, %shift_left3A_2342 : vector<16xi32>
      %add3A_2344 = arith.addi %shift_left3A_2343, %iota3A : vector<16xi32>
      %gather3A_2345 = tpu.vector_load_idx %arg11[%add3A_2344] : memref<2048xf32, #tpu.memory_space<vmem>>[vector<16xi32>], vector<16xf32>,
      %add3A_2346 = arith.addf %add3A_2279, %gather3A_2345 : vector<16xf32>
      %gather3A_2347 = tpu.vector_load_idx %arg7[%add3A_1812, %select_n3A_2311] : memref<128x200xi32, #tpu.memory_space<vmem>>[vector<16xi32>, vector<16xi32>], vector<16xi32>,
      %shift_left3A_2348 = arith.constant 4 : i32
      %shift_left3A_2349 = vector.broadcast %shift_left3A_2348 : i32 to vector<16xi32>
      %shift_left3A_2350 = arith.shli %gather3A_2347, %shift_left3A_2349 : vector<16xi32>
      %add3A_2351 = arith.addi %shift_left3A_2350, %iota3A : vector<16xi32>
      %gather3A_2352 = tpu.vector_load_idx %arg11[%add3A_2351] : memref<2048xf32, #tpu.memory_space<vmem>>[vector<16xi32>], vector<16xf32>,
      %add3A_2353 = arith.addf %add3A_2286, %gather3A_2352 : vector<16xf32>
      %gather3A_2354 = tpu.vector_load_idx %arg7[%add3A_1815, %select_n3A_2311] : memref<128x200xi32, #tpu.memory_space<vmem>>[vector<16xi32>, vector<16xi32>], vector<16xi32>,
      %shift_left3A_2355 = arith.constant 4 : i32
      %shift_left3A_2356 = vector.broadcast %shift_left3A_2355 : i32 to vector<16xi32>
      %shift_left3A_2357 = arith.shli %gather3A_2354, %shift_left3A_2356 : vector<16xi32>
      %add3A_2358 = arith.addi %shift_left3A_2357, %iota3A : vector<16xi32>
      %gather3A_2359 = tpu.vector_load_idx %arg11[%add3A_2358] : memref<2048xf32, #tpu.memory_space<vmem>>[vector<16xi32>], vector<16xf32>,
      %add3A_2360 = arith.addf %add3A_2293, %gather3A_2359 : vector<16xf32>
      %gather3A_2361 = tpu.vector_load_idx %arg7[%add3A_1818, %select_n3A_2311] : memref<128x200xi32, #tpu.memory_space<vmem>>[vector<16xi32>, vector<16xi32>], vector<16xi32>,
      %shift_left3A_2362 = arith.constant 4 : i32
      %shift_left3A_2363 = vector.broadcast %shift_left3A_2362 : i32 to vector<16xi32>
      %shift_left3A_2364 = arith.shli %gather3A_2361, %shift_left3A_2363 : vector<16xi32>
      %add3A_2365 = arith.addi %shift_left3A_2364, %iota3A : vector<16xi32>
      %gather3A_2366 = tpu.vector_load_idx %arg11[%add3A_2365] : memref<2048xf32, #tpu.memory_space<vmem>>[vector<16xi32>], vector<16xf32>,
      %add3A_2367 = arith.addf %add3A_2300, %gather3A_2366 : vector<16xf32>
      %add3A_2368 = arith.constant 6 : i32
      %add3A_2369 = arith.addi %mul3A_1970, %add3A_2368 : i32
      %add3A_2370 = vector.broadcast %add3A_2369 : i32 to vector<16xi32>
      %add3A_2371 = arith.addi %mul3A_1821, %add3A_2370 : vector<16xi32>
      %ge3A_2372 = arith.constant 200 : i32
      %ge3A_2373 = vector.broadcast %ge3A_2372 : i32 to vector<16xi32>
      %ge3A_2374 = arith.cmpi sge, %add3A_2371, %ge3A_2373 : vector<16xi32>
      %sub3A_2375 = arith.constant 200 : i32
      %sub3A_2376 = vector.broadcast %sub3A_2375 : i32 to vector<16xi32>
      %sub3A_2377 = arith.subi %add3A_2371, %sub3A_2376 : vector<16xi32>
      %select_n3A_2378 = arith.select %ge3A_2374, %sub3A_2377, %add3A_2371 : vector<16xi1>, vector<16xi32>
      %gather3A_2379 = tpu.vector_load_idx %arg7[%add3A_1797, %select_n3A_2378] : memref<128x200xi32, #tpu.memory_space<vmem>>[vector<16xi32>, vector<16xi32>], vector<16xi32>,
      %shift_left3A_2380 = arith.constant 4 : i32
      %shift_left3A_2381 = vector.broadcast %shift_left3A_2380 : i32 to vector<16xi32>
      %shift_left3A_2382 = arith.shli %gather3A_2379, %shift_left3A_2381 : vector<16xi32>
      %add3A_2383 = arith.addi %shift_left3A_2382, %iota3A : vector<16xi32>
      %gather3A_2384 = tpu.vector_load_idx %arg11[%add3A_2383] : memref<2048xf32, #tpu.memory_space<vmem>>[vector<16xi32>], vector<16xf32>,
      %add3A_2385 = arith.addf %add3A_2318, %gather3A_2384 : vector<16xf32>
      %gather3A_2386 = tpu.vector_load_idx %arg7[%add3A_1800, %select_n3A_2378] : memref<128x200xi32, #tpu.memory_space<vmem>>[vector<16xi32>, vector<16xi32>], vector<16xi32>,
      %shift_left3A_2387 = arith.constant 4 : i32
      %shift_left3A_2388 = vector.broadcast %shift_left3A_2387 : i32 to vector<16xi32>
      %shift_left3A_2389 = arith.shli %gather3A_2386, %shift_left3A_2388 : vector<16xi32>
      %add3A_2390 = arith.addi %shift_left3A_2389, %iota3A : vector<16xi32>
      %gather3A_2391 = tpu.vector_load_idx %arg11[%add3A_2390] : memref<2048xf32, #tpu.memory_space<vmem>>[vector<16xi32>], vector<16xf32>,
      %add3A_2392 = arith.addf %add3A_2325, %gather3A_2391 : vector<16xf32>
      %gather3A_2393 = tpu.vector_load_idx %arg7[%add3A_1803, %select_n3A_2378] : memref<128x200xi32, #tpu.memory_space<vmem>>[vector<16xi32>, vector<16xi32>], vector<16xi32>,
      %shift_left3A_2394 = arith.constant 4 : i32
      %shift_left3A_2395 = vector.broadcast %shift_left3A_2394 : i32 to vector<16xi32>
      %shift_left3A_2396 = arith.shli %gather3A_2393, %shift_left3A_2395 : vector<16xi32>
      %add3A_2397 = arith.addi %shift_left3A_2396, %iota3A : vector<16xi32>
      %gather3A_2398 = tpu.vector_load_idx %arg11[%add3A_2397] : memref<2048xf32, #tpu.memory_space<vmem>>[vector<16xi32>], vector<16xf32>,
      %add3A_2399 = arith.addf %add3A_2332, %gather3A_2398 : vector<16xf32>
      %gather3A_2400 = tpu.vector_load_idx %arg7[%add3A_1806, %select_n3A_2378] : memref<128x200xi32, #tpu.memory_space<vmem>>[vector<16xi32>, vector<16xi32>], vector<16xi32>,
      %shift_left3A_2401 = arith.constant 4 : i32
      %shift_left3A_2402 = vector.broadcast %shift_left3A_2401 : i32 to vector<16xi32>
      %shift_left3A_2403 = arith.shli %gather3A_2400, %shift_left3A_2402 : vector<16xi32>
      %add3A_2404 = arith.addi %shift_left3A_2403, %iota3A : vector<16xi32>
      %gather3A_2405 = tpu.vector_load_idx %arg11[%add3A_2404] : memref<2048xf32, #tpu.memory_space<vmem>>[vector<16xi32>], vector<16xf32>,
      %add3A_2406 = arith.addf %add3A_2339, %gather3A_2405 : vector<16xf32>
      %gather3A_2407 = tpu.vector_load_idx %arg7[%add3A_1809, %select_n3A_2378] : memref<128x200xi32, #tpu.memory_space<vmem>>[vector<16xi32>, vector<16xi32>], vector<16xi32>,
      %shift_left3A_2408 = arith.constant 4 : i32
      %shift_left3A_2409 = vector.broadcast %shift_left3A_2408 : i32 to vector<16xi32>
      %shift_left3A_2410 = arith.shli %gather3A_2407, %shift_left3A_2409 : vector<16xi32>
      %add3A_2411 = arith.addi %shift_left3A_2410, %iota3A : vector<16xi32>
      %gather3A_2412 = tpu.vector_load_idx %arg11[%add3A_2411] : memref<2048xf32, #tpu.memory_space<vmem>>[vector<16xi32>], vector<16xf32>,
      %add3A_2413 = arith.addf %add3A_2346, %gather3A_2412 : vector<16xf32>
      %gather3A_2414 = tpu.vector_load_idx %arg7[%add3A_1812, %select_n3A_2378] : memref<128x200xi32, #tpu.memory_space<vmem>>[vector<16xi32>, vector<16xi32>], vector<16xi32>,
      %shift_left3A_2415 = arith.constant 4 : i32
      %shift_left3A_2416 = vector.broadcast %shift_left3A_2415 : i32 to vector<16xi32>
      %shift_left3A_2417 = arith.shli %gather3A_2414, %shift_left3A_2416 : vector<16xi32>
      %add3A_2418 = arith.addi %shift_left3A_2417, %iota3A : vector<16xi32>
      %gather3A_2419 = tpu.vector_load_idx %arg11[%add3A_2418] : memref<2048xf32, #tpu.memory_space<vmem>>[vector<16xi32>], vector<16xf32>,
      %add3A_2420 = arith.addf %add3A_2353, %gather3A_2419 : vector<16xf32>
      %gather3A_2421 = tpu.vector_load_idx %arg7[%add3A_1815, %select_n3A_2378] : memref<128x200xi32, #tpu.memory_space<vmem>>[vector<16xi32>, vector<16xi32>], vector<16xi32>,
      %shift_left3A_2422 = arith.constant 4 : i32
      %shift_left3A_2423 = vector.broadcast %shift_left3A_2422 : i32 to vector<16xi32>
      %shift_left3A_2424 = arith.shli %gather3A_2421, %shift_left3A_2423 : vector<16xi32>
      %add3A_2425 = arith.addi %shift_left3A_2424, %iota3A : vector<16xi32>
      %gather3A_2426 = tpu.vector_load_idx %arg11[%add3A_2425] : memref<2048xf32, #tpu.memory_space<vmem>>[vector<16xi32>], vector<16xf32>,
      %add3A_2427 = arith.addf %add3A_2360, %gather3A_2426 : vector<16xf32>
      %gather3A_2428 = tpu.vector_load_idx %arg7[%add3A_1818, %select_n3A_2378] : memref<128x200xi32, #tpu.memory_space<vmem>>[vector<16xi32>, vector<16xi32>], vector<16xi32>,
      %shift_left3A_2429 = arith.constant 4 : i32
      %shift_left3A_2430 = vector.broadcast %shift_left3A_2429 : i32 to vector<16xi32>
      %shift_left3A_2431 = arith.shli %gather3A_2428, %shift_left3A_2430 : vector<16xi32>
      %add3A_2432 = arith.addi %shift_left3A_2431, %iota3A : vector<16xi32>
      %gather3A_2433 = tpu.vector_load_idx %arg11[%add3A_2432] : memref<2048xf32, #tpu.memory_space<vmem>>[vector<16xi32>], vector<16xf32>,
      %add3A_2434 = arith.addf %add3A_2367, %gather3A_2433 : vector<16xf32>
      %add3A_2435 = arith.constant 7 : i32
      %add3A_2436 = arith.addi %mul3A_1970, %add3A_2435 : i32
      %add3A_2437 = vector.broadcast %add3A_2436 : i32 to vector<16xi32>
      %add3A_2438 = arith.addi %mul3A_1821, %add3A_2437 : vector<16xi32>
      %ge3A_2439 = arith.constant 200 : i32
      %ge3A_2440 = vector.broadcast %ge3A_2439 : i32 to vector<16xi32>
      %ge3A_2441 = arith.cmpi sge, %add3A_2438, %ge3A_2440 : vector<16xi32>
      %sub3A_2442 = arith.constant 200 : i32
      %sub3A_2443 = vector.broadcast %sub3A_2442 : i32 to vector<16xi32>
      %sub3A_2444 = arith.subi %add3A_2438, %sub3A_2443 : vector<16xi32>
      %select_n3A_2445 = arith.select %ge3A_2441, %sub3A_2444, %add3A_2438 : vector<16xi1>, vector<16xi32>
      %gather3A_2446 = tpu.vector_load_idx %arg7[%add3A_1797, %select_n3A_2445] : memref<128x200xi32, #tpu.memory_space<vmem>>[vector<16xi32>, vector<16xi32>], vector<16xi32>,
      %shift_left3A_2447 = arith.constant 4 : i32
      %shift_left3A_2448 = vector.broadcast %shift_left3A_2447 : i32 to vector<16xi32>
      %shift_left3A_2449 = arith.shli %gather3A_2446, %shift_left3A_2448 : vector<16xi32>
      %add3A_2450 = arith.addi %shift_left3A_2449, %iota3A : vector<16xi32>
      %gather3A_2451 = tpu.vector_load_idx %arg11[%add3A_2450] : memref<2048xf32, #tpu.memory_space<vmem>>[vector<16xi32>], vector<16xf32>,
      %add3A_2452 = arith.addf %add3A_2385, %gather3A_2451 : vector<16xf32>
      %gather3A_2453 = tpu.vector_load_idx %arg7[%add3A_1800, %select_n3A_2445] : memref<128x200xi32, #tpu.memory_space<vmem>>[vector<16xi32>, vector<16xi32>], vector<16xi32>,
      %shift_left3A_2454 = arith.constant 4 : i32
      %shift_left3A_2455 = vector.broadcast %shift_left3A_2454 : i32 to vector<16xi32>
      %shift_left3A_2456 = arith.shli %gather3A_2453, %shift_left3A_2455 : vector<16xi32>
      %add3A_2457 = arith.addi %shift_left3A_2456, %iota3A : vector<16xi32>
      %gather3A_2458 = tpu.vector_load_idx %arg11[%add3A_2457] : memref<2048xf32, #tpu.memory_space<vmem>>[vector<16xi32>], vector<16xf32>,
      %add3A_2459 = arith.addf %add3A_2392, %gather3A_2458 : vector<16xf32>
      %gather3A_2460 = tpu.vector_load_idx %arg7[%add3A_1803, %select_n3A_2445] : memref<128x200xi32, #tpu.memory_space<vmem>>[vector<16xi32>, vector<16xi32>], vector<16xi32>,
      %shift_left3A_2461 = arith.constant 4 : i32
      %shift_left3A_2462 = vector.broadcast %shift_left3A_2461 : i32 to vector<16xi32>
      %shift_left3A_2463 = arith.shli %gather3A_2460, %shift_left3A_2462 : vector<16xi32>
      %add3A_2464 = arith.addi %shift_left3A_2463, %iota3A : vector<16xi32>
      %gather3A_2465 = tpu.vector_load_idx %arg11[%add3A_2464] : memref<2048xf32, #tpu.memory_space<vmem>>[vector<16xi32>], vector<16xf32>,
      %add3A_2466 = arith.addf %add3A_2399, %gather3A_2465 : vector<16xf32>
      %gather3A_2467 = tpu.vector_load_idx %arg7[%add3A_1806, %select_n3A_2445] : memref<128x200xi32, #tpu.memory_space<vmem>>[vector<16xi32>, vector<16xi32>], vector<16xi32>,
      %shift_left3A_2468 = arith.constant 4 : i32
      %shift_left3A_2469 = vector.broadcast %shift_left3A_2468 : i32 to vector<16xi32>
      %shift_left3A_2470 = arith.shli %gather3A_2467, %shift_left3A_2469 : vector<16xi32>
      %add3A_2471 = arith.addi %shift_left3A_2470, %iota3A : vector<16xi32>
      %gather3A_2472 = tpu.vector_load_idx %arg11[%add3A_2471] : memref<2048xf32, #tpu.memory_space<vmem>>[vector<16xi32>], vector<16xf32>,
      %add3A_2473 = arith.addf %add3A_2406, %gather3A_2472 : vector<16xf32>
      %gather3A_2474 = tpu.vector_load_idx %arg7[%add3A_1809, %select_n3A_2445] : memref<128x200xi32, #tpu.memory_space<vmem>>[vector<16xi32>, vector<16xi32>], vector<16xi32>,
      %shift_left3A_2475 = arith.constant 4 : i32
      %shift_left3A_2476 = vector.broadcast %shift_left3A_2475 : i32 to vector<16xi32>
      %shift_left3A_2477 = arith.shli %gather3A_2474, %shift_left3A_2476 : vector<16xi32>
      %add3A_2478 = arith.addi %shift_left3A_2477, %iota3A : vector<16xi32>
      %gather3A_2479 = tpu.vector_load_idx %arg11[%add3A_2478] : memref<2048xf32, #tpu.memory_space<vmem>>[vector<16xi32>], vector<16xf32>,
      %add3A_2480 = arith.addf %add3A_2413, %gather3A_2479 : vector<16xf32>
      %gather3A_2481 = tpu.vector_load_idx %arg7[%add3A_1812, %select_n3A_2445] : memref<128x200xi32, #tpu.memory_space<vmem>>[vector<16xi32>, vector<16xi32>], vector<16xi32>,
      %shift_left3A_2482 = arith.constant 4 : i32
      %shift_left3A_2483 = vector.broadcast %shift_left3A_2482 : i32 to vector<16xi32>
      %shift_left3A_2484 = arith.shli %gather3A_2481, %shift_left3A_2483 : vector<16xi32>
      %add3A_2485 = arith.addi %shift_left3A_2484, %iota3A : vector<16xi32>
      %gather3A_2486 = tpu.vector_load_idx %arg11[%add3A_2485] : memref<2048xf32, #tpu.memory_space<vmem>>[vector<16xi32>], vector<16xf32>,
      %add3A_2487 = arith.addf %add3A_2420, %gather3A_2486 : vector<16xf32>
      %gather3A_2488 = tpu.vector_load_idx %arg7[%add3A_1815, %select_n3A_2445] : memref<128x200xi32, #tpu.memory_space<vmem>>[vector<16xi32>, vector<16xi32>], vector<16xi32>,
      %shift_left3A_2489 = arith.constant 4 : i32
      %shift_left3A_2490 = vector.broadcast %shift_left3A_2489 : i32 to vector<16xi32>
      %shift_left3A_2491 = arith.shli %gather3A_2488, %shift_left3A_2490 : vector<16xi32>
      %add3A_2492 = arith.addi %shift_left3A_2491, %iota3A : vector<16xi32>
      %gather3A_2493 = tpu.vector_load_idx %arg11[%add3A_2492] : memref<2048xf32, #tpu.memory_space<vmem>>[vector<16xi32>], vector<16xf32>,
      %add3A_2494 = arith.addf %add3A_2427, %gather3A_2493 : vector<16xf32>
      %gather3A_2495 = tpu.vector_load_idx %arg7[%add3A_1818, %select_n3A_2445] : memref<128x200xi32, #tpu.memory_space<vmem>>[vector<16xi32>, vector<16xi32>], vector<16xi32>,
      %shift_left3A_2496 = arith.constant 4 : i32
      %shift_left3A_2497 = vector.broadcast %shift_left3A_2496 : i32 to vector<16xi32>
      %shift_left3A_2498 = arith.shli %gather3A_2495, %shift_left3A_2497 : vector<16xi32>
      %add3A_2499 = arith.addi %shift_left3A_2498, %iota3A : vector<16xi32>
      %gather3A_2500 = tpu.vector_load_idx %arg11[%add3A_2499] : memref<2048xf32, #tpu.memory_space<vmem>>[vector<16xi32>], vector<16xf32>,
      %add3A_2501 = arith.addf %add3A_2434, %gather3A_2500 : vector<16xf32>
      scf.yield %add3A_2452, %add3A_2459, %add3A_2466, %add3A_2473, %add3A_2480, %add3A_2487, %add3A_2494, %add3A_2501 : vector<16xf32>, vector<16xf32>, vector<16xf32>, vector<16xf32>, vector<16xf32>, vector<16xf32>, vector<16xf32>, vector<16xf32>
    }
    %scan3A_1830 = arith.constant 25 : i32
    %get3A_1831 = arith.constant 0 : index
    %get3A_1832 = tpu.vector_load %arg10[%get3A_1831] {strides = array<i32>} : memref<16xf32, #tpu.memory_space<vmem>>, vector<16xf32>,
    %mul3A_1833 = arith.constant 5.000000e-03 : f32
    %mul3A_1834 = vector.broadcast %mul3A_1833 : f32 to vector<16xf32>
    %mul3A_1835 = arith.mulf %scan3A_1829#0, %mul3A_1834 : vector<16xf32>
    %add3A_1836 = arith.addf %mul3A_1835, %get3A_1832 : vector<16xf32>
    %neg3A = arith.constant 0.000000e+00 : f32
    %neg3A_1837 = vector.broadcast %neg3A : f32 to vector<16xf32>
    %neg3A_1838 = arith.subf %neg3A_1837, %add3A_1836 : vector<16xf32>
    %exp3A = math.exp %neg3A_1838 : vector<16xf32>
    %add3A_1839 = arith.constant 1.000000e+00 : f32
    %add3A_1840 = vector.broadcast %add3A_1839 : f32 to vector<16xf32>
    %add3A_1841 = arith.addf %add3A_1840, %exp3A : vector<16xf32>
    %div3A = arith.constant 1.000000e+00 : f32
    %div3A_1842 = vector.broadcast %div3A : f32 to vector<16xf32>
    %div3A_1843 = arith.divf %div3A_1842, %add3A_1841 : vector<16xf32>
    %swap3A_1844 = arith.constant 0 : index
    %swap3A_1845 = tpu.vector_load %arg12[%swap3A_1844] {strides = array<i32>} : memref<128xf32, #tpu.memory_space<vmem>>, vector<16xf32>,
    tpu.vector_store %arg12[%swap3A_1844], %div3A_1843 {strides = array<i32>} : memref<128xf32, #tpu.memory_space<vmem>>, vector<16xf32>,
    %mul3A_1846 = arith.constant 5.000000e-03 : f32
    %mul3A_1847 = vector.broadcast %mul3A_1846 : f32 to vector<16xf32>
    %mul3A_1848 = arith.mulf %scan3A_1829#1, %mul3A_1847 : vector<16xf32>
    %add3A_1849 = arith.addf %mul3A_1848, %get3A_1832 : vector<16xf32>
    %neg3A_1850 = arith.constant 0.000000e+00 : f32
    %neg3A_1851 = vector.broadcast %neg3A_1850 : f32 to vector<16xf32>
    %neg3A_1852 = arith.subf %neg3A_1851, %add3A_1849 : vector<16xf32>
    %exp3A_1853 = math.exp %neg3A_1852 : vector<16xf32>
    %add3A_1854 = arith.constant 1.000000e+00 : f32
    %add3A_1855 = vector.broadcast %add3A_1854 : f32 to vector<16xf32>
    %add3A_1856 = arith.addf %add3A_1855, %exp3A_1853 : vector<16xf32>
    %div3A_1857 = arith.constant 1.000000e+00 : f32
    %div3A_1858 = vector.broadcast %div3A_1857 : f32 to vector<16xf32>
    %div3A_1859 = arith.divf %div3A_1858, %add3A_1856 : vector<16xf32>
    %swap3A_1860 = arith.constant 16 : index
    %swap3A_1861 = tpu.vector_load %arg12[%swap3A_1860] {strides = array<i32>} : memref<128xf32, #tpu.memory_space<vmem>>, vector<16xf32>,
    tpu.vector_store %arg12[%swap3A_1860], %div3A_1859 {strides = array<i32>} : memref<128xf32, #tpu.memory_space<vmem>>, vector<16xf32>,
    %mul3A_1862 = arith.constant 5.000000e-03 : f32
    %mul3A_1863 = vector.broadcast %mul3A_1862 : f32 to vector<16xf32>
    %mul3A_1864 = arith.mulf %scan3A_1829#2, %mul3A_1863 : vector<16xf32>
    %add3A_1865 = arith.addf %mul3A_1864, %get3A_1832 : vector<16xf32>
    %neg3A_1866 = arith.constant 0.000000e+00 : f32
    %neg3A_1867 = vector.broadcast %neg3A_1866 : f32 to vector<16xf32>
    %neg3A_1868 = arith.subf %neg3A_1867, %add3A_1865 : vector<16xf32>
    %exp3A_1869 = math.exp %neg3A_1868 : vector<16xf32>
    %add3A_1870 = arith.constant 1.000000e+00 : f32
    %add3A_1871 = vector.broadcast %add3A_1870 : f32 to vector<16xf32>
    %add3A_1872 = arith.addf %add3A_1871, %exp3A_1869 : vector<16xf32>
    %div3A_1873 = arith.constant 1.000000e+00 : f32
    %div3A_1874 = vector.broadcast %div3A_1873 : f32 to vector<16xf32>
    %div3A_1875 = arith.divf %div3A_1874, %add3A_1872 : vector<16xf32>
    %swap3A_1876 = arith.constant 32 : index
    %swap3A_1877 = tpu.vector_load %arg12[%swap3A_1876] {strides = array<i32>} : memref<128xf32, #tpu.memory_space<vmem>>, vector<16xf32>,
    tpu.vector_store %arg12[%swap3A_1876], %div3A_1875 {strides = array<i32>} : memref<128xf32, #tpu.memory_space<vmem>>, vector<16xf32>,
    %mul3A_1878 = arith.constant 5.000000e-03 : f32
    %mul3A_1879 = vector.broadcast %mul3A_1878 : f32 to vector<16xf32>
    %mul3A_1880 = arith.mulf %scan3A_1829#3, %mul3A_1879 : vector<16xf32>
    %add3A_1881 = arith.addf %mul3A_1880, %get3A_1832 : vector<16xf32>
    %neg3A_1882 = arith.constant 0.000000e+00 : f32
    %neg3A_1883 = vector.broadcast %neg3A_1882 : f32 to vector<16xf32>
    %neg3A_1884 = arith.subf %neg3A_1883, %add3A_1881 : vector<16xf32>
    %exp3A_1885 = math.exp %neg3A_1884 : vector<16xf32>
    %add3A_1886 = arith.constant 1.000000e+00 : f32
    %add3A_1887 = vector.broadcast %add3A_1886 : f32 to vector<16xf32>
    %add3A_1888 = arith.addf %add3A_1887, %exp3A_1885 : vector<16xf32>
    %div3A_1889 = arith.constant 1.000000e+00 : f32
    %div3A_1890 = vector.broadcast %div3A_1889 : f32 to vector<16xf32>
    %div3A_1891 = arith.divf %div3A_1890, %add3A_1888 : vector<16xf32>
    %swap3A_1892 = arith.constant 48 : index
    %swap3A_1893 = tpu.vector_load %arg12[%swap3A_1892] {strides = array<i32>} : memref<128xf32, #tpu.memory_space<vmem>>, vector<16xf32>,
    tpu.vector_store %arg12[%swap3A_1892], %div3A_1891 {strides = array<i32>} : memref<128xf32, #tpu.memory_space<vmem>>, vector<16xf32>,
    %mul3A_1894 = arith.constant 5.000000e-03 : f32
    %mul3A_1895 = vector.broadcast %mul3A_1894 : f32 to vector<16xf32>
    %mul3A_1896 = arith.mulf %scan3A_1829#4, %mul3A_1895 : vector<16xf32>
    %add3A_1897 = arith.addf %mul3A_1896, %get3A_1832 : vector<16xf32>
    %neg3A_1898 = arith.constant 0.000000e+00 : f32
    %neg3A_1899 = vector.broadcast %neg3A_1898 : f32 to vector<16xf32>
    %neg3A_1900 = arith.subf %neg3A_1899, %add3A_1897 : vector<16xf32>
    %exp3A_1901 = math.exp %neg3A_1900 : vector<16xf32>
    %add3A_1902 = arith.constant 1.000000e+00 : f32
    %add3A_1903 = vector.broadcast %add3A_1902 : f32 to vector<16xf32>
    %add3A_1904 = arith.addf %add3A_1903, %exp3A_1901 : vector<16xf32>
    %div3A_1905 = arith.constant 1.000000e+00 : f32
    %div3A_1906 = vector.broadcast %div3A_1905 : f32 to vector<16xf32>
    %div3A_1907 = arith.divf %div3A_1906, %add3A_1904 : vector<16xf32>
    %swap3A_1908 = arith.constant 64 : index
    %swap3A_1909 = tpu.vector_load %arg12[%swap3A_1908] {strides = array<i32>} : memref<128xf32, #tpu.memory_space<vmem>>, vector<16xf32>,
    tpu.vector_store %arg12[%swap3A_1908], %div3A_1907 {strides = array<i32>} : memref<128xf32, #tpu.memory_space<vmem>>, vector<16xf32>,
    %mul3A_1910 = arith.constant 5.000000e-03 : f32
    %mul3A_1911 = vector.broadcast %mul3A_1910 : f32 to vector<16xf32>
    %mul3A_1912 = arith.mulf %scan3A_1829#5, %mul3A_1911 : vector<16xf32>
    %add3A_1913 = arith.addf %mul3A_1912, %get3A_1832 : vector<16xf32>
    %neg3A_1914 = arith.constant 0.000000e+00 : f32
    %neg3A_1915 = vector.broadcast %neg3A_1914 : f32 to vector<16xf32>
    %neg3A_1916 = arith.subf %neg3A_1915, %add3A_1913 : vector<16xf32>
    %exp3A_1917 = math.exp %neg3A_1916 : vector<16xf32>
    %add3A_1918 = arith.constant 1.000000e+00 : f32
    %add3A_1919 = vector.broadcast %add3A_1918 : f32 to vector<16xf32>
    %add3A_1920 = arith.addf %add3A_1919, %exp3A_1917 : vector<16xf32>
    %div3A_1921 = arith.constant 1.000000e+00 : f32
    %div3A_1922 = vector.broadcast %div3A_1921 : f32 to vector<16xf32>
    %div3A_1923 = arith.divf %div3A_1922, %add3A_1920 : vector<16xf32>
    %swap3A_1924 = arith.constant 80 : index
    %swap3A_1925 = tpu.vector_load %arg12[%swap3A_1924] {strides = array<i32>} : memref<128xf32, #tpu.memory_space<vmem>>, vector<16xf32>,
    tpu.vector_store %arg12[%swap3A_1924], %div3A_1923 {strides = array<i32>} : memref<128xf32, #tpu.memory_space<vmem>>, vector<16xf32>,
    %mul3A_1926 = arith.constant 5.000000e-03 : f32
    %mul3A_1927 = vector.broadcast %mul3A_1926 : f32 to vector<16xf32>
    %mul3A_1928 = arith.mulf %scan3A_1829#6, %mul3A_1927 : vector<16xf32>
    %add3A_1929 = arith.addf %mul3A_1928, %get3A_1832 : vector<16xf32>
    %neg3A_1930 = arith.constant 0.000000e+00 : f32
    %neg3A_1931 = vector.broadcast %neg3A_1930 : f32 to vector<16xf32>
    %neg3A_1932 = arith.subf %neg3A_1931, %add3A_1929 : vector<16xf32>
    %exp3A_1933 = math.exp %neg3A_1932 : vector<16xf32>
    %add3A_1934 = arith.constant 1.000000e+00 : f32
    %add3A_1935 = vector.broadcast %add3A_1934 : f32 to vector<16xf32>
    %add3A_1936 = arith.addf %add3A_1935, %exp3A_1933 : vector<16xf32>
    %div3A_1937 = arith.constant 1.000000e+00 : f32
    %div3A_1938 = vector.broadcast %div3A_1937 : f32 to vector<16xf32>
    %div3A_1939 = arith.divf %div3A_1938, %add3A_1936 : vector<16xf32>
    %swap3A_1940 = arith.constant 96 : index
    %swap3A_1941 = tpu.vector_load %arg12[%swap3A_1940] {strides = array<i32>} : memref<128xf32, #tpu.memory_space<vmem>>, vector<16xf32>,
    tpu.vector_store %arg12[%swap3A_1940], %div3A_1939 {strides = array<i32>} : memref<128xf32, #tpu.memory_space<vmem>>, vector<16xf32>,
    %mul3A_1942 = arith.constant 5.000000e-03 : f32
    %mul3A_1943 = vector.broadcast %mul3A_1942 : f32 to vector<16xf32>
    %mul3A_1944 = arith.mulf %scan3A_1829#7, %mul3A_1943 : vector<16xf32>
    %add3A_1945 = arith.addf %mul3A_1944, %get3A_1832 : vector<16xf32>
    %neg3A_1946 = arith.constant 0.000000e+00 : f32
    %neg3A_1947 = vector.broadcast %neg3A_1946 : f32 to vector<16xf32>
    %neg3A_1948 = arith.subf %neg3A_1947, %add3A_1945 : vector<16xf32>
    %exp3A_1949 = math.exp %neg3A_1948 : vector<16xf32>
    %add3A_1950 = arith.constant 1.000000e+00 : f32
    %add3A_1951 = vector.broadcast %add3A_1950 : f32 to vector<16xf32>
    %add3A_1952 = arith.addf %add3A_1951, %exp3A_1949 : vector<16xf32>
    %div3A_1953 = arith.constant 1.000000e+00 : f32
    %div3A_1954 = vector.broadcast %div3A_1953 : f32 to vector<16xf32>
    %div3A_1955 = arith.divf %div3A_1954, %add3A_1952 : vector<16xf32>
    %swap3A_1956 = arith.constant 112 : index
    %swap3A_1957 = tpu.vector_load %arg12[%swap3A_1956] {strides = array<i32>} : memref<128xf32, #tpu.memory_space<vmem>>, vector<16xf32>,
    tpu.vector_store %arg12[%swap3A_1956], %div3A_1955 {strides = array<i32>} : memref<128xf32, #tpu.memory_space<vmem>>, vector<16xf32>,
    %mul3A_1958 = arith.constant 128 : i32
    %mul3A_1959 = arith.muli %add3A, %mul3A_1958 : i32
    "tpu.region"() ({
      %run_scoped3A = tpu.sem_alloc : memref<!tpu.dma_semaphore, #tpu.memory_space<semaphore_mem>>
      %dma_start3A = tpu.memref_slice %arg6[%mul3A_1959] : memref<4096xf32, #tpu.memory_space<hbm>> -> memref<128xf32, #tpu.memory_space<hbm>>
      %dma_start3A_1960 = tpu.memref_slice %arg6[%mul3A_1959] : memref<4096xf32, #tpu.memory_space<hbm>> -> memref<128xf32, #tpu.memory_space<hbm>>
      tpu.enqueue_dma source(%arg12 : memref<128xf32, #tpu.memory_space<vmem>>) target(%dma_start3A_1960 : memref<128xf32, #tpu.memory_space<hbm>>) target_semaphore(%run_scoped3A : memref<!tpu.dma_semaphore, #tpu.memory_space<semaphore_mem>>)
      %dma_wait3A = tpu.memref_slice %arg6[%mul3A_1959] : memref<4096xf32, #tpu.memory_space<hbm>> -> memref<128xf32, #tpu.memory_space<hbm>>
      %dma_wait3A_1961 = tpu.memref_slice %arg6[%mul3A_1959] : memref<4096xf32, #tpu.memory_space<hbm>> -> memref<128xf32, #tpu.memory_space<hbm>>
      tpu.wait_dma2 semaphore(%run_scoped3A : memref<!tpu.dma_semaphore, #tpu.memory_space<semaphore_mem>>) src(%arg12 : memref<128xf32, #tpu.memory_space<vmem>>) dst(%dma_wait3A_1961 : memref<128xf32, #tpu.memory_space<hbm>>)
      tpu.yield
    }) : () -> ()
    return
  }
}

</mosaic_0001>

<sc_bundles>
// kernel: kernel.3.cloned.1.call-start
scs
__scs_entry_jumppad:
0x0: {  	(pc) =	sbr.rel $0x88, $3  }
0x1: {  	(tag) =	ssettag $0x0;
	lr =	simm.s32 $0x1  }
0x2: {  	[smem:$0x3F9D] =	sst lr;
	_ =	strace $0xD0000000  }
0x3: {  	_ = 	snop  }
0x4: {  	_ = 	snop  }
0x5: {  	_ = 	snop  }
0x6: {  	_ = 	snop  }
0x7: {  	_ = 	snop  }
__scs_overlays_trampoline_lowered:
0x8: {  	[smem:$0x3FAC] =	sst s0  }
0x9: {  	[smem:$0x3FAD] =	sst s1  }
0xa: {  	[smem:$0x3FAE] =	sst s2  }
0xb: {  	[smem:$0x3FAF] =	sst s3  }
0xc: {  	[smem:$0x3FB0] =	sst s4  }
0xd: {  	[smem:$0x3FB1] =	sst s5  }
0xe: {  	[smem:$0x3FB2] =	sst s6  }
0xf: {  	[smem:$0x3FB3] =	sst s7  }
0x10: {  	[smem:$0x3FB4] =	sst s8  }
0x11: {  	[smem:$0x3FB5] =	sst s9;
	s0 =	simm.s32 @!p0 $0x0  }
0x12: {  	s1 =	sld [smem:$0x3F9B];
	s0 =	simm.s32 @p0 $0x1  }
0x13: {  	[smem:$0x3FB6] =	sst s0;
	s0 =	simm.s32 @!p1 $0x0  }
0x14: {  	s2 =	sld [smem:$0x3F9A];
	s0 =	simm.s32 @p1 $0x1  }
0x15: {  	[smem:$0x3FB7] =	sst s0;
	s0 =	simm.s32 @!p2 $0x0  }
0x16: {  	s3 =	sld [smem:$0x3FDB];
	s0 =	simm.s32 @p2 $0x1  }
0x17: {  	s4 =	simm.s32 $0x1BF5;
	[smem:$0x3FB9] =	sst s0  }
0x18: {  	s0 =	sld [smem:$0x3F9C];
	_ =	swait.ge [sflag:s4], $0x0  }
0x19: {  	s7 =	sld [smem:$0x3F9D]  }
0x1a: {  	s8 =	sadd.s32 $0xFFFFE003, lr  }
0x1b: {  	s9 =	sadd.s32 $0xFFFFFEF7, lr;
	s5 =	simm.s32 $0xFFFFFFFF;
	p2 =	slt.u32 s8, $0xFFFFF086  }
0x1c: {  	p1 =	slt.u32 s9, $0xF7A;
	s5 =	simm.s32 @!p2 $0x0  }
0x1d: {  	s5 =	simm.s32 @p1 $0x1;
	p0 =	seq.s32 s7, s2  }
0x1e: {  	s7 =	smul.u32 @!p0 $0xF7A, s2;
	p2 =	seq.s32 @!p0 s5, $0x0  }
0x1f: {  	s9 =	smul.u32 $0xF7A, s1;
	s8 =	simm.s32 @!p0 $0x1BF5;
	p2 =	por !p2, p0  }
0x20: {  	[sflag:s8] =	ssyncset.s32 @!p0 $0xFFFFF086;
	s6 =	sadd.s32 @!p0 s3, s7;
	s7 =	simm.s32 @!p0 $0x108  }
0x21: {  	s3 =	sadd.s32 s3, s9;
	s6 =	sadd.s32 @!p0 $0x88, s6;
	s7 =	simm.s32 @p2 $0x1082  }
0x22: {  	[simem:s7], [sflag:s8] =	dma.local @!p0 [hbm:s6], $0xF7A  }
0x23: {  	s9 =	sor.u32 $0xD0000000, s2;
	s6 =	simm.s32 $0x108;
	_ =	swait.ge @!p0 [sflag:s8], $0x0  }
0x24: {  	s3 =	sadd.s32 $0x88, s3;
	s6 =	simm.s32 @!p1 $0x1082;
	[sflag:s4] =	ssyncset.s32 $0xFFFFF086  }
0x25: {  	[simem:s6], [sflag:s4] =	dma.local [hbm:s3], $0xF7A  }
0x26: {  	[smem:$0x3F9D] =	sst s1;
	(tag) =	ssettag s2;
	_ =	strace s9  }
0x27: {  	s1 =	sld [smem:$0x3FAD]  }
0x28: {  	s2 =	sld [smem:$0x3FAE]  }
0x29: {  	s4 =	sld [smem:$0x3FB0]  }
0x2a: {  	p0 =	seq.s32 s5, $0x0;
	s5 =	sld [smem:$0x3FB1]  }
0x2b: {  	s6 =	sld [smem:$0x3FB2]  }
0x2c: {  	s7 =	sld [smem:$0x3FB3]  }
0x2d: {  	s3 =	simm.s32 $0x108;
	s8 =	sld [smem:$0x3FB4]  }
0x2e: {  	s3 =	simm.s32 @!p0 $0x1082;
	s9 =	sld [smem:$0x3FB5]  }
0x2f: {  	lr =	sadd.s32 s0, s3;
	s0 =	sld [smem:$0x3FAC]  }
0x30: {  	s3 =	sld [smem:$0x3FAF]  }
0x31: {  	[smem:$0x3FB8] =	sst s10  }
0x32: {  	s10 =	sld [smem:$0x3FB6];
	_ =	sdelay $0x3  }
0x33: {  	p0 =	seq.s32 s10, $0x1;
	s10 =	sld [smem:$0x3FB8];
	_ =	sdelay $0x3  }
0x34: {  	[smem:$0x3FB8] =	sst s10  }
0x35: {  	s10 =	sld [smem:$0x3FB7];
	_ =	sdelay $0x3  }
0x36: {  	p1 =	seq.s32 s10, $0x1;
	s10 =	sld [smem:$0x3FB8];
	_ =	sdelay $0x3  }
0x37: {  	[smem:$0x3FB8] =	sst s10  }
0x38: {  	s10 =	sld [smem:$0x3FB9]  }
0x39: {  	_ = 	snop;
	(pc) =	sbr.ind lr, $3  }
0x3a: {  	_ = 	snop  }
0x3b: {  	_ = 	snop  }
0x3c: {  	p2 =	seq.s32 s10, $0x1;
	s10 =	sld [smem:$0x3FB8]  }
0x3d: {  	_ =	shalt  }
0x3e: {  	_ =	shalt  }
0x3f: {  	_ =	shalt  }
0x40: {  	_ =	shalt  }
0x41: {  	_ =	shalt  }
0x42: {  	_ =	shalt  }
0x43: {  	_ =	shalt  }
0x44: {  	_ =	shalt  }
0x45: {  	_ =	shalt  }
0x46: {  	_ =	shalt  }
0x47: {  	_ =	shalt  }
0x48: {  	_ =	shalt  }
0x49: {  	_ =	shalt  }
0x4a: {  	_ =	shalt  }
0x4b: {  	_ =	shalt  }
0x4c: {  	_ =	shalt  }
0x4d: {  	_ =	shalt  }
0x4e: {  	_ =	shalt  }
0x4f: {  	_ =	shalt  }
0x50: {  	_ =	shalt  }
0x51: {  	_ =	shalt  }
0x52: {  	_ =	shalt  }
0x53: {  	_ =	shalt  }
0x54: {  	_ =	shalt  }
0x55: {  	_ =	shalt  }
0x56: {  	_ =	shalt  }
0x57: {  	_ =	shalt  }
0x58: {  	_ =	shalt  }
0x59: {  	_ =	shalt  }
0x5a: {  	_ =	shalt  }
0x5b: {  	_ =	shalt  }
0x5c: {  	_ =	shalt  }
0x5d: {  	_ =	shalt  }
0x5e: {  	_ =	shalt  }
0x5f: {  	_ =	shalt  }
0x60: {  	_ =	shalt  }
0x61: {  	_ =	shalt  }
0x62: {  	_ =	shalt  }
0x63: {  	_ =	shalt  }
0x64: {  	_ =	shalt  }
0x65: {  	_ =	shalt  }
0x66: {  	_ =	shalt  }
0x67: {  	_ =	shalt  }
0x68: {  	_ =	shalt  }
0x69: {  	_ =	shalt  }
0x6a: {  	_ =	shalt  }
0x6b: {  	_ =	shalt  }
0x6c: {  	_ =	shalt  }
0x6d: {  	_ =	shalt  }
0x6e: {  	_ =	shalt  }
0x6f: {  	_ =	shalt  }
0x70: {  	_ =	shalt  }
0x71: {  	_ =	shalt  }
0x72: {  	_ =	shalt  }
0x73: {  	_ =	shalt  }
0x74: {  	_ =	shalt  }
0x75: {  	_ =	shalt  }
0x76: {  	_ =	shalt  }
0x77: {  	_ =	shalt  }
0x78: {  	_ =	shalt  }
0x79: {  	_ =	shalt  }
0x7a: {  	_ =	shalt  }
0x7b: {  	_ =	shalt  }
0x7c: {  	_ =	shalt  }
0x7d: {  	_ =	shalt  }
0x7e: {  	_ =	shalt  }
0x7f: {  	_ =	shalt  }
0x80: {  	_ =	shalt  }
0x81: {  	_ =	shalt  }
0x82: {  	_ =	shalt  }
0x83: {  	_ =	shalt  }
0x84: {  	_ =	shalt  }
0x85: {  	_ =	shalt  }
0x86: {  	_ =	shalt  }
0x87: {  	_ =	shalt  }
.Lfunc_end0:
.L_simem_size_0:
called_computation_lowered:
.L_overlay_start_0:
0x88: {  	s2 =	sld [smem:$0x3FD9]  }
0x89: {  	s3 =	sld [smem:$0x3FFE];
	_ =	sdelay $0x1  }
0x8a: {  	s1 =	srdreg.scid  }
0x8b: {  	s0 =	sand.u32 $0x1, s1  }
0x8c: {  	s17 =	sshll.u32 s0, $0xA;
	s2 =	sadd.s32 s3, s2  }
0x8d: {  	s2 =	sadd.s32 s2, s17  }
0x8e: {  	[smem:$0x3FC4] =	sst s2  }
0x8f: {  	_ = 	snop  }
0x90: {  	s2 =	sld [smem:$0x3FC7]  }
0x91: {  	s18 =	sld [smem:$0x3FD0];
	(tm) =	ssettm $0x1  }
0x92: {  	s4 =	sld [smem:$0x3FFB];
	_ =	sdelay $0x3  }
0x93: {  	_ =	strace s4  }
0x94: {  	s4 =	sld [smem:$0x3FFC];
	_ =	sdelay $0x3  }
0x95: {  	_ =	strace s4  }
0x96: {  	s4 =	sld [smem:$0x3FFD];
	_ =	sdelay $0x3  }
0x97: {  	_ =	strace s4  }
0x98: {  	_ =	strace $0x8FFFFFFF  }
0x99: {  	s19 =	sld [smem:$0x3FDB];
	_ =	sdelay $0x1  }
0x9a: {  	s5 =	simm.s32 $_scs_section_size  }
0x9b: {  	s6 =	simm.s32 $_size__tile_overlayer_lowered;
	s7 =	simm.s32 $_tile_overlayer_lowered  }
0x9c: {  	s22 =	simm.s32 $0x1BFF;
	s21 =	sshll.u32 s7, $0x1;
	s4 =	sadd.s32 s5, s19  }
0x9d: {  	s8 =	simm.s32 $0x0;
	s20 =	sshll.u32 s6, $0x1;
	s6 =	sadd.s32 s21, s4  }
0x9e: {  	[timem:s8], [sflag:s22] =	dma.local [hbm:s6], s20  }
0x9f: {  	_ =	swait.ge [sflag:s22], s20  }
0xa0: {  	s5 =	ssub.s32 $0x0, s20;
	[sflag:s22] =	ssyncset.done $0x0  }
0xa1: {  	[sflag:s22] =	ssyncadd.s32 s5;
	_ =	sdelay $0x1  }
0xa2: {  	s23 =	simm.s32 $0x1B8B  }
0xa3: {  	_ =	swait.ge [sflag:s23], $0x1  }
0xa4: {  	[sflag:s23] =	ssyncset.done $0x0  }
0xa5: {  	s25 =	simm.s32 $0x1B8E;
	s24 =	sld [smem:$0x3FFE];
	[sflag:s23] =	ssyncadd.s32 $0xFFFFFFFF  }
0xa6: {  	s26 =	simm.s32 $execute0_lowered;
	[smem:$0x3FD2] =	sst s25  }
0xa7: {  	s6 =	sshll.u32 s26, $0x1;
	_ =	strace $0x80000046;
	[dreg:$0x1] =	wrdreg $0xFFFFFFFF  }
0xa8: {  	s28 =	simm.s32 $_size_execute0_lowered;
	s4 =	sadd.s32 s4, s6;
	[dreg:$0x0] =	wrdreg $0x0  }
0xa9: {  	s6 =	sshll.u32 s28, $0x1;
	[dreg:$0x2] =	wrdreg s4  }
0xaa: {  	[dreg:$0x3] =	wrdreg s6  }
0xab: {  	[dreg:$0x4] =	wrdreg $0xC0  }
0xac: {  	_ =	task [dreg:s8], $0x5FFFF  }
0xad: {  	[dreg:$0x1] =	wrdreg $0xFFFFFFFF  }
0xae: {  	[dreg:$0x0] =	wrdreg $0x60  }
0xaf: {  	[dreg:$0x2] =	wrdreg s24  }
0xb0: {  	[dreg:$0x3] =	wrdreg s2  }
0xb1: {  	[dreg:$0x4] =	wrdreg s18  }
0xb2: {  	[dreg:$0x5] =	wrdreg $0x9  }
0xb3: {  	_ =	task.clear_ibuf [dreg:s8], $0x6FFFF;
	_ =	strace $0x90000046  }
0xb4: {  	s29 =	simm.s32 $0x9;
	_ =	strace $0x80000048  }
0xb5: {  	_ =	swait.ge [sflag:s29], $0x1  }
0xb6: {  	[sflag:s29] =	ssyncadd.s32 $0xFFFFFFFF  }
0xb7: {  	_ =	strace $0x90000048  }
0xb8: {  	_ =	sfence  }
0xb9: {  	s30 =	sld [smem:$0x0];
	_ =	sdelay $0x2  }
0xba: {  	s31 =	sshll.u32 s1, $0xD;
	s1 =	sshrl.u32 s1, $0x2  }
0xbb: {  	s3 =	sand.u32 $0x4000, s31;
	s1 =	sadd.s32 s1, s30  }
0xbc: {  	s0 =	sor.u32 s3, s0;
	s1 =	sshll.u32 s1, $0x11  }
0xbd: {  	s0 =	sor.u32 s1, s0  }
0xbe: {  	s0 =	sadd.s32 $0x8F2B, s0  }
0xbf: {  	[sflag:s0] =	ssyncadd.remote.s32 $0x1  }
0xc0: {  	_ =	sfence.sel $0xFFFF  }
0xc1: {  	[dreg:$0x0] =	wrdreg $0xFFFFFFFF;
	(pc) =	sbr.abs _section_cstart, $3  }
0xc2: {  	[dreg:$0x1] =	wrdreg $0xFFFFFFFF  }
0xc3: {  	_ =	task.clear_ibuf [dreg:s8], $0x2FFFF;
	_ =	strace $0x9FFFFFFF  }
0xc4: {  	(tm) =	ssettm $0x7FFFFFFF  }
0xc5: {  	_ =	shalt  }
tec
execute0_lowered:
.L_overlay_start_1:
0x0: {  	(tag) =	ssettag $0x1  }
0x1: {  	v0 =	vimm.s32 $0xB80  }
0x2: {  	vm11 =	vcmask $0x300;
	v1 =	vimm.s32 $0x1B80;
	vm12 =	vcmask $0x704  }
0x3: {  	vm13 =	vcmask $0xB08;
	vm14 =	vcmask $0xF0C;
	vm10 =	vcmask $0x1310  }
0x4: {  	vm9 =	vcmask $0x1714;
	vm8 =	vcmask $0x1B18;
	vm7 =	vcmask $0x1F1C  }
0x5: {  	vm6 =	vcmask $0x2320;
	vm5 =	vcmask $0x2724;
	v0 =	vsel vm11, $0x0, v0  }
0x6: {  	vm4 =	vcmask $0x2B28;
	v1 =	vsel vm11, $0x1000, v1;
	v0 =	vsel vm12, $0x80, v0  }
0x7: {  	vm3 =	vcmask $0x2F2C;
	v1 =	vsel vm12, $0x1080, v1;
	v0 =	vsel vm13, $0x100, v0  }
0x8: {  	vm2 =	vcmask $0x3330;
	v1 =	vsel vm13, $0x1100, v1;
	v0 =	vsel vm14, $0x180, v0  }
0x9: {  	vm1 =	vcmask $0x3734;
	v1 =	vsel vm14, $0x1180, v1;
	v0 =	vsel vm10, $0x200, v0  }
0xa: {  	vm0 =	vcmask $0x3B38;
	v1 =	vsel vm10, $0x1200, v1;
	v0 =	vsel vm9, $0x280, v0  }
0xb: {  	v3 =	vimm.s32 $0x4B80;
	v1 =	vsel vm9, $0x1280, v1;
	v0 =	vsel vm8, $0x300, v0  }
0xc: {  	v3 =	vsel vm11, $0x4000, v3;
	v1 =	vsel vm8, $0x1300, v1;
	v0 =	vsel vm7, $0x380, v0  }
0xd: {  	v3 =	vsel vm12, $0x4080, v3;
	v1 =	vsel vm7, $0x1380, v1;
	v0 =	vsel vm6, $0x800, v0  }
0xe: {  	v3 =	vsel vm13, $0x4100, v3;
	v1 =	vsel vm6, $0x1800, v1;
	v0 =	vsel vm5, $0x880, v0  }
0xf: {  	v3 =	vsel vm14, $0x4180, v3;
	v1 =	vsel vm5, $0x1880, v1;
	v0 =	vsel vm4, $0x900, v0  }
0x10: {  	v3 =	vsel vm10, $0x4200, v3;
	v1 =	vsel vm4, $0x1900, v1;
	v0 =	vsel vm3, $0x980, v0  }
0x11: {  	v3 =	vsel vm9, $0x4280, v3;
	v1 =	vsel vm3, $0x1980, v1;
	v0 =	vsel vm2, $0xA00, v0  }
0x12: {  	v3 =	vsel vm8, $0x4300, v3;
	v1 =	vsel vm2, $0x1A00, v1;
	v2 =	vsel vm1, $0xA80, v0  }
0x13: {  	v1 =	vsel vm1, $0x1A80, v1;
	v48 =	vsel vm0, $0xB00, v2;
	v2 =	vimm.s32 $0x3B80  }
0x14: {  	v49 =	vsel vm0, $0x1B00, v1;
	v1 =	vimm.s32 $0x2B80;
	v2 =	vsel vm11, $0x3000, v2  }
0x15: {  	v3 =	vsel vm7, $0x4380, v3;
	v1 =	vsel vm11, $0x2000, v1;
	v2 =	vsel vm12, $0x3080, v2  }
0x16: {  	v3 =	vsel vm6, $0x4800, v3;
	v1 =	vsel vm12, $0x2080, v1;
	v2 =	vsel vm13, $0x3100, v2  }
0x17: {  	v3 =	vsel vm5, $0x4880, v3;
	v1 =	vsel vm13, $0x2100, v1;
	v2 =	vsel vm14, $0x3180, v2  }
0x18: {  	v3 =	vsel vm4, $0x4900, v3;
	v1 =	vsel vm14, $0x2180, v1;
	v2 =	vsel vm10, $0x3200, v2  }
0x19: {  	v3 =	vsel vm3, $0x4980, v3;
	v1 =	vsel vm10, $0x2200, v1;
	v2 =	vsel vm9, $0x3280, v2  }
0x1a: {  	v3 =	vsel vm2, $0x4A00, v3;
	v1 =	vsel vm9, $0x2280, v1;
	v2 =	vsel vm8, $0x3300, v2  }
0x1b: {  	v3 =	vsel vm1, $0x4A80, v3;
	v1 =	vsel vm8, $0x2300, v1;
	v2 =	vsel vm7, $0x3380, v2  }
0x1c: {  	v56 =	vsel vm0, $0x4B00, v3;
	v1 =	vsel vm7, $0x2380, v1;
	v2 =	vsel vm6, $0x3800, v2  }
0x1d: {  	v3 =	vimm.s32 $0x7B80;
	v1 =	vsel vm6, $0x2800, v1;
	v2 =	vsel vm5, $0x3880, v2  }
0x1e: {  	v3 =	vsel vm11, $0x7000, v3;
	v1 =	vsel vm5, $0x2880, v1;
	v2 =	vsel vm4, $0x3900, v2  }
0x1f: {  	v3 =	vsel vm12, $0x7080, v3;
	v1 =	vsel vm4, $0x2900, v1;
	v2 =	vsel vm3, $0x3980, v2  }
0x20: {  	v3 =	vsel vm13, $0x7100, v3;
	v1 =	vsel vm3, $0x2980, v1;
	v2 =	vsel vm2, $0x3A00, v2  }
0x21: {  	v3 =	vsel vm14, $0x7180, v3;
	v1 =	vsel vm2, $0x2A00, v1;
	v2 =	vsel vm1, $0x3A80, v2  }
0x22: {  	v1 =	vsel vm1, $0x2A80, v1;
	v55 =	vsel vm0, $0x3B00, v2;
	v2 =	vimm.s32 $0x6B80  }
0x23: {  	v54 =	vsel vm0, $0x2B00, v1;
	v1 =	vimm.s32 $0x5B80;
	v2 =	vsel vm11, $0x6000, v2  }
0x24: {  	v3 =	vsel vm10, $0x7200, v3;
	v1 =	vsel vm11, $0x5000, v1;
	v2 =	vsel vm12, $0x6080, v2  }
0x25: {  	v3 =	vsel vm9, $0x7280, v3;
	v1 =	vsel vm12, $0x5080, v1;
	v2 =	vsel vm13, $0x6100, v2  }
0x26: {  	v3 =	vsel vm8, $0x7300, v3;
	v1 =	vsel vm13, $0x5100, v1;
	v2 =	vsel vm14, $0x6180, v2  }
0x27: {  	v3 =	vsel vm7, $0x7380, v3;
	v1 =	vsel vm14, $0x5180, v1;
	v2 =	vsel vm10, $0x6200, v2  }
0x28: {  	s5 =	rddreg [dreg:$0x0];
	v3 =	vsel vm6, $0x7800, v3;
	v1 =	vsel vm10, $0x5200, v1;
	v2 =	vsel vm9, $0x6280, v2  }
0x29: {  	s1 =	rddreg [dreg:$0x1];
	v3 =	vsel vm5, $0x7880, v3;
	v1 =	vsel vm9, $0x5280, v1;
	v2 =	vsel vm8, $0x6300, v2  }
0x2a: {  	s7 =	rddreg [dreg:$0x2];
	s3 =	simm.s32 $0x0;
	v3 =	vsel vm4, $0x7900, v3;
	v1 =	vsel vm8, $0x5300, v1;
	v2 =	vsel vm7, $0x6380, v2  }
0x2b: {  	s2 =	srdreg.scid;
	s11 =	simm.s32 $0x9000;
	[smem:$0x7FF] =	sst s3;
	v3 =	vsel vm3, $0x7980, v3;
	v1 =	vsel vm7, $0x5380, v1;
	v2 =	vsel vm6, $0x6800, v2  }
0x2c: {  	s4 =	sand.u32 $0x1, s2;
	s2 =	rddreg [dreg:$0x3];
	_ =	strace $0x80000047;
	[tilespmem:$0x1FFA0] =	vst v48;
	v3 =	vsel vm2, $0x7A00, v3;
	v1 =	vsel vm6, $0x5800, v1;
	v2 =	vsel vm5, $0x6880, v2  }
0x2d: {  	s0 =	stileid.u32;
	s12 =	simm.s32 $0x9080;
	s13 =	simm.s32 $0x9100;
	[tilespmem:$0x1FFB0] =	vst v49;
	v3 =	vsel vm1, $0x7A80, v3;
	v1 =	vsel vm5, $0x5880, v1;
	v2 =	vsel vm4, $0x6900, v2  }
0x2e: {  	s14 =	simm.s32 $0x9900;
	s6 =	sshll.u32 s0, $0x8;
	s8 =	sshll.u32 s4, $0x7;
	[tilespmem:$0x1FFD0] =	vst v56;
	v43 =	vsel vm0, $0x7B00, v3;
	v1 =	vsel vm4, $0x5900, v1;
	v2 =	vsel vm3, $0x6980, v2  }
0x2f: {  	s15 =	simm.s32 $0x0;
	s9 =	ssub.s32 $0x2, s4;
	s8 =	sor.u32 s8, s6;
	[tilespmem:$0x1FF80] =	vst v43;
	v1 =	vsel vm3, $0x5980, v1;
	v2 =	vsel vm2, $0x6A00, v2  }
0x30: {  	s4 =	sadd.s32 $0x400, s5;
	s10 =	sshrl.u32 s9, $0x1;
	s6 =	sshll.u32 s8, $0x5;
	[tilespmem:$0x1FFC0] =	vst v54;
	v1 =	vsel vm2, $0x5A00, v1;
	v2 =	vsel vm1, $0x6A80, v2  }
0x31: {  	s9 =	ssub.s32 s9, s10;
	s8 =	sshrl.u32 s8, $0x3;
	s10 =	simm.s32 $0x8000;
	[tilespmem:$0x1FFE0] =	vst v55;
	v1 =	vsel vm1, $0x5A80, v1;
	v42 =	vsel vm0, $0x6B00, v2  }
0x32: {  	s6 =	sadd.s32 s6, s5;
	s5 =	sadd.s32 $0x20600, s5;
	s7 =	sadd.s32 s7, s8;
	v58 =	vsel vm0, $0x5B00, v1;
	[tilespmem:$0x1FF90] =	vst v42  }
0x33: {  	s8 =	smax.u32 s9, $0x1;
	s9 =	simm.s32 $0x1;
	s6 =	sadd.s32 $0x600, s6;
	v0 =	vlaneseq.u32;
	[tilespmem:$0x1FFF0] =	vst v58  }
.LBB2_1:
0x34: {  	[tilespmem:s3], [sflag:$0x1] =	stream.linear.gather [hbm4b:s6+s3], $0x8000, $0x38;
	[tilespmem:$0x9980] =	vst v63  }
0x35: {  	_ =	swait.ge [sflag:s9], $0x8000  }
0x36: {  	[sflag:s9] =	ssyncset.done $0x0  }
0x37: {  	[sflag:s9] =	ssyncadd.s32 $0xFFFF8000  }
0x38: {  	[tilespmem:s10], [sflag:$0x1] =	stream.linear.gather [hbm4b:s4+s3], $0x1000, $0x38;
	[tilespmem:$0x9980] =	vst v63  }
0x39: {  	_ =	swait.ge [sflag:s9], $0x1000  }
0x3a: {  	[sflag:s9] =	ssyncset.done $0x0  }
0x3b: {  	[sflag:s9] =	ssyncadd.s32 $0xFFFFF000  }
0x3c: {  	[tilespmem:s11], [sflag:$0x1] =	stream.linear.gather [hbm4b:s1+s3], $0x80, $0x38;
	[tilespmem:$0x9980] =	vst v63  }
0x3d: {  	_ =	swait.ge [sflag:s9], $0x80  }
0x3e: {  	[sflag:s9] =	ssyncset.done $0x0  }
0x3f: {  	[sflag:s9] =	ssyncadd.s32 $0xFFFFFF80  }
0x40: {  	[tilespmem:s12], [sflag:$0x1] =	stream.linear.gather [hbm4b:s5+s3], $0x80, $0x38;
	[tilespmem:$0x9980] =	vst v63  }
0x41: {  	_ =	swait.ge [sflag:s9], $0x80  }
0x42: {  	[sflag:s9] =	ssyncset.done $0x0  }
0x43: {  	[sflag:s9] =	ssyncadd.s32 $0xFFFFFF80  }
0x44: {  	v9 =	vld [tilespmem:$0x9000]  }
0x45: {  	v10 =	vld [tilespmem:$0x9010]  }
0x46: {  	v1 =	vld [tilespmem:$0x8000]  }
0x47: {  	v2 =	vld [tilespmem:$0x8010]  }
0x48: {  	v3 =	vld [tilespmem:$0x8020]  }
0x49: {  	v4 =	vld [tilespmem:$0x8030]  }
0x4a: {  	v5 =	vld [tilespmem:$0x8040]  }
0x4b: {  	v6 =	vld [tilespmem:$0x8050]  }
0x4c: {  	v7 =	vld [tilespmem:$0x8060]  }
0x4d: {  	v8 =	vld [tilespmem:$0x8070]  }
0x4e: {  	v11 =	vld [tilespmem:$0x8080]  }
0x4f: {  	v12 =	vld [tilespmem:$0x8090]  }
0x50: {  	v13 =	vld [tilespmem:$0x80A0]  }
0x51: {  	v14 =	vld [tilespmem:$0x80B0]  }
0x52: {  	v15 =	vld [tilespmem:$0x80C0]  }
0x53: {  	v16 =	vld [tilespmem:$0x80D0]  }
0x54: {  	v17 =	vld [tilespmem:$0x80E0]  }
0x55: {  	v18 =	vld [tilespmem:$0x80F0]  }
0x56: {  	v19 =	vld [tilespmem:$0x8100]  }
0x57: {  	v20 =	vld [tilespmem:$0x8110]  }
0x58: {  	v21 =	vld [tilespmem:$0x8120]  }
0x59: {  	v22 =	vld [tilespmem:$0x8130]  }
0x5a: {  	v23 =	vld [tilespmem:$0x8140]  }
0x5b: {  	v24 =	vld [tilespmem:$0x8150]  }
0x5c: {  	v25 =	vld [tilespmem:$0x8160]  }
0x5d: {  	v27 =	vld [tilespmem:$0x8290];
	v1 =	vmul.f32 v1, v9;
	v2 =	vmul.f32 v2, v10  }
0x5e: {  	v28 =	vld [tilespmem:$0x82A0];
	v3 =	vmul.f32 v3, v9;
	v4 =	vmul.f32 v4, v10  }
0x5f: {  	v29 =	vld [tilespmem:$0x82B0];
	v1 =	vadd.f32 v2, v1;
	v2 =	vmul.f32 v5, v9;
	v5 =	vmul.f32 v6, v10  }
0x60: {  	v30 =	vld [tilespmem:$0x82C0];
	v3 =	vadd.f32 v4, v3;
	v4 =	vmul.f32 v7, v9;
	v7 =	vmul.f32 v8, v10  }
0x61: {  	v31 =	vld [tilespmem:$0x82D0];
	(xrf2) =	vadd.scan.msk.f32 $0xffff, v1;
	v1 =	vadd.f32 v5, v2;
	v2 =	vmul.f32 v11, v9;
	v5 =	vmul.f32 v12, v10  }
0x62: {  	v6 =	vld [tilespmem:$0x8170];
	(xrf2) =	vadd.scan.msk.f32 $0xffff, v3;
	v3 =	vadd.f32 v7, v4;
	v4 =	vmul.f32 v13, v9;
	v7 =	vmul.f32 v14, v10  }
0x63: {  	v32 =	vld [tilespmem:$0x82E0];
	(xrf2) =	vadd.scan.msk.f32 $0xffff, v1;
	v1 =	vadd.f32 v5, v2;
	v2 =	vmul.f32 v15, v9;
	v5 =	vmul.f32 v16, v10  }
0x64: {  	v8 =	vld [tilespmem:$0x8180];
	(xrf2) =	vadd.scan.msk.f32 $0xffff, v3;
	v3 =	vadd.f32 v7, v4;
	v4 =	vmul.f32 v17, v9;
	v7 =	vmul.f32 v18, v10  }
0x65: {  	v11 =	vld [tilespmem:$0x8190];
	(xrf2) =	vadd.scan.msk.f32 $0xffff, v1;
	v1 =	vadd.f32 v5, v2;
	v2 =	vmul.f32 v19, v9;
	v5 =	vmul.f32 v20, v10  }
0x66: {  	v12 =	vld [tilespmem:$0x81A0];
	(xrf2) =	vadd.scan.msk.f32 $0xffff, v3;
	v3 =	vadd.f32 v7, v4  }
0x67: {  	v13 =	vld [tilespmem:$0x81B0];
	v6 =	vmul.f32 v6, v10;
	(xrf2) =	vadd.scan.msk.f32 $0xffff, v1;
	v1 =	vadd.f32 v5, v2;
	v5 =	vmul.f32 v24, v10  }
0x68: {  	v14 =	vld [tilespmem:$0x81C0];
	v4 =	vmul.f32 v21, v9;
	v7 =	vmul.f32 v22, v10;
	(xrf2) =	vadd.scan.msk.f32 $0xffff, v3  }
0x69: {  	v15 =	vld [tilespmem:$0x81D0];
	v2 =	vmul.f32 v23, v9;
	(xrf2) =	vadd.scan.msk.f32 $0xffff, v1  }
0x6a: {  	v16 =	vld [tilespmem:$0x81E0];
	v3 =	vadd.f32 v7, v4;
	v4 =	vmul.f32 v25, v9  }
0x6b: {  	v17 =	vld [tilespmem:$0x81F0];
	v1 =	vadd.f32 v5, v2;
	v5, _, _ =	vpop (xrf2)  }
0x6c: {  	v2 =	vld [tilespmem:$0x8210];
	(xrf2) =	vadd.scan.msk.f32 $0xffff, v3;
	v3 =	vadd.f32 v6, v4;
	v6, _, _ =	vpop (xrf2)  }
0x6d: {  	v12 =	vmul.f32 v12, v9;
	v4 =	vld [tilespmem:$0x8220];
	(xrf2) =	vadd.scan.msk.f32 $0xffff, v1;
	v18, _, _ =	vpop (xrf2)  }
0x6e: {  	v13 =	vmul.f32 v13, v10;
	v1 =	vld [tilespmem:$0x8230];
	v5 =	vbroadcast v5, $0xF;
	v20, _, _ =	vpop (xrf2)  }
0x6f: {  	v19 =	vld [tilespmem:$0x8250];
	v6 =	vbroadcast v6, $0xF;
	v22, _, _ =	vpop (xrf2)  }
0x70: {  	v21 =	vld [tilespmem:$0x8260];
	v12 =	vadd.f32 v13, v12;
	v13 =	vmul.f32 v16, v9;
	[tilespmem:$0x9100] =	vst v5;
	v5 =	vbroadcast v18, $0xF;
	v24, _, _ =	vpop (xrf2)  }
0x71: {  	(xrf2) =	vadd.scan.msk.f32 $0xffff, v3;
	v3 =	vld [tilespmem:$0x8240];
	v2 =	vmul.f32 v2, v10;
	[tilespmem:$0x9110] =	vst v6;
	v6 =	vbroadcast v20, $0xF;
	v26, _, _ =	vpop (xrf2)  }
0x72: {  	v23 =	vld [tilespmem:$0x8270];
	v4 =	vmul.f32 v4, v9;
	[tilespmem:$0x9120] =	vst v5;
	v5 =	vbroadcast v22, $0xF;
	v18, _, _ =	vpop (xrf2)  }
0x73: {  	v7 =	vld [tilespmem:$0x8200];
	v1 =	vmul.f32 v1, v10;
	[tilespmem:$0x9130] =	vst v6;
	v6 =	vbroadcast v26, $0xF;
	v20, _, _ =	vpop (xrf2)  }
0x74: {  	v25 =	vld [tilespmem:$0x8280];
	[tilespmem:$0x9140] =	vst v5;
	v18 =	vbroadcast v18, $0xF;
	v5 =	vbroadcast v20, $0xF  }
0x75: {  	v16 =	vld [tilespmem:$0x8330];
	[tilespmem:$0x9160] =	vst v6;
	v6 =	vmul.f32 v8, v9;
	v8 =	vmul.f32 v11, v10  }
0x76: {  	v22 =	vbroadcast v24, $0xF;
	v3 =	vmul.f32 v3, v9;
	v24, _, _ =	vpop (xrf2);
	v11 =	vld [tilespmem:$0x8300];
	[tilespmem:$0x9170] =	vst v18  }
0x77: {  	v26, _, _ =	vpop (xrf2);
	v18 =	vld [tilespmem:$0x8310];
	[tilespmem:$0x9180] =	vst v5;
	v5 =	vadd.f32 v8, v6;
	v6 =	vmul.f32 v14, v9;
	v8 =	vmul.f32 v15, v10  }
0x78: {  	[tilespmem:$0x9150] =	vst v22;
	v22 =	vbroadcast v26, $0xF;
	v26 =	vld [tilespmem:$0x82F0];
	v15 =	vmul.f32 v17, v10  }
0x79: {  	v20 =	vbroadcast v24, $0xF;
	v14 =	vld [tilespmem:$0x8320];
	(xrf2) =	vadd.scan.msk.f32 $0xffff, v5;
	v5 =	vadd.f32 v8, v6;
	v6 =	vmul.f32 v7, v9  }
0x7a: {  	v1 =	vadd.f32 v1, v4;
	v4 =	vmul.f32 v21, v9;
	v17 =	vld [tilespmem:$0x8390];
	v8 =	vadd.f32 v15, v13;
	(xrf2) =	vadd.scan.msk.f32 $0xffff, v12  }
0x7b: {  	v24, _, _ =	vpop (xrf2);
	[tilespmem:$0x9190] =	vst v20;
	v20 =	vld [tilespmem:$0x83B0];
	(xrf2) =	vadd.scan.msk.f32 $0xffff, v5;
	v2 =	vadd.f32 v2, v6;
	v5 =	vmul.f32 v19, v10  }
0x7c: {  	v24 =	vbroadcast v24, $0xF;
	v7 =	vld [tilespmem:$0x8340];
	(xrf2) =	vadd.scan.msk.f32 $0xffff, v8;
	v8 =	vmul.f32 v23, v10  }
0x7d: {  	v13 =	vld [tilespmem:$0x8370];
	(xrf2) =	vadd.scan.msk.f32 $0xffff, v2;
	v2 =	vadd.f32 v5, v3;
	v3 =	vmul.f32 v25, v9;
	v5 =	vmul.f32 v27, v10  }
0x7e: {  	v12 =	vld [tilespmem:$0x8350];
	(xrf2) =	vadd.scan.msk.f32 $0xffff, v1;
	v1 =	vadd.f32 v8, v4;
	v4 =	vmul.f32 v28, v9;
	v8 =	vmul.f32 v29, v10  }
0x7f: {  	v6 =	vld [tilespmem:$0x8360];
	(xrf2) =	vadd.scan.msk.f32 $0xffff, v2;
	v2 =	vadd.f32 v5, v3;
	v3 =	vmul.f32 v30, v9;
	v5 =	vmul.f32 v31, v10  }
0x80: {  	v15 =	vld [tilespmem:$0x8380];
	(xrf2) =	vadd.scan.msk.f32 $0xffff, v1;
	v1 =	vadd.f32 v8, v4;
	v4 =	vmul.f32 v32, v9;
	v8 =	vmul.f32 v26, v10  }
0x81: {  	v19 =	vld [tilespmem:$0x83A0];
	(xrf2) =	vadd.scan.msk.f32 $0xffff, v2;
	v2 =	vadd.f32 v5, v3;
	v3 =	vmul.f32 v11, v9;
	v5 =	vmul.f32 v18, v10  }
0x82: {  	v11 =	vld [tilespmem:$0x83C0];
	(xrf2) =	vadd.scan.msk.f32 $0xffff, v1;
	v1 =	vadd.f32 v8, v4;
	v4 =	vmul.f32 v14, v9;
	v8 =	vmul.f32 v16, v10  }
0x83: {  	v14 =	vld [tilespmem:$0x83D0];
	v16, _, _ =	vpop (xrf2);
	(xrf2) =	vadd.scan.msk.f32 $0xffff, v2;
	v2 =	vadd.f32 v5, v3;
	v3 =	vmul.f32 v7, v9;
	v5 =	vmul.f32 v12, v10  }
0x84: {  	v12, _, _ =	vpop (xrf2);
	(xrf2) =	vadd.scan.msk.f32 $0xffff, v1;
	v1 =	vadd.f32 v8, v4;
	v4 =	vmul.f32 v6, v9;
	v6 =	vmul.f32 v13, v10  }
0x85: {  	v13, _, _ =	vpop (xrf2);
	(xrf2) =	vadd.scan.msk.f32 $0xffff, v2;
	v2 =	vadd.f32 v5, v3;
	v3 =	vmul.f32 v15, v9;
	v5 =	vmul.f32 v17, v10  }
0x86: {  	v21 =	vld [tilespmem:$0x8490];
	[tilespmem:$0x91A0] =	vst v22;
	v17, _, _ =	vpop (xrf2);
	(xrf2) =	vadd.scan.msk.f32 $0xffff, v1;
	v1 =	vadd.f32 v6, v4;
	v4 =	vmul.f32 v19, v9  }
0x87: {  	v22 =	vld [tilespmem:$0x84A0];
	v6 =	vmul.f32 v20, v10;
	v19, _, _ =	vpop (xrf2);
	(xrf2) =	vadd.scan.msk.f32 $0xffff, v2;
	v2 =	vadd.f32 v5, v3;
	v3 =	vmul.f32 v11, v9  }
0x88: {  	[tilespmem:$0x91B0] =	vst v24;
	v24 =	vld [tilespmem:$0x84C0];
	v5 =	vmul.f32 v14, v10;
	v14 =	vbroadcast v16, $0xF  }
0x89: {  	v23 =	vld [tilespmem:$0x84B0];
	v16, _, _ =	vpop (xrf2);
	(xrf2) =	vadd.scan.msk.f32 $0xffff, v1;
	v1 =	vadd.f32 v6, v4;
	v6 =	vbroadcast v12, $0xF  }
0x8a: {  	v25 =	vld [tilespmem:$0x84D0];
	v12, _, _ =	vpop (xrf2);
	(xrf2) =	vadd.scan.msk.f32 $0xffff, v2;
	v2 =	vadd.f32 v5, v3;
	[tilespmem:$0x91C0] =	vst v14;
	v5 =	vbroadcast v13, $0xF  }
0x8b: {  	v27 =	vld [tilespmem:$0x84F0];
	[tilespmem:$0x91D0] =	vst v6;
	v6 =	vbroadcast v17, $0xF  }
0x8c: {  	v28 =	vld [tilespmem:$0x8500];
	[tilespmem:$0x91E0] =	vst v5;
	v5 =	vbroadcast v19, $0xF  }
0x8d: {  	v18 =	vld [tilespmem:$0x8410];
	v13, _, _ =	vpop (xrf2);
	[tilespmem:$0x91F0] =	vst v6;
	v6 =	vbroadcast v16, $0xF  }
0x8e: {  	v4 =	vld [tilespmem:$0x8430];
	(xrf2) =	vadd.scan.msk.f32 $0xffff, v1;
	v14, _, _ =	vpop (xrf2);
	[tilespmem:$0x9200] =	vst v5;
	v5 =	vbroadcast v12, $0xF  }
0x8f: {  	v3 =	vld [tilespmem:$0x8440];
	v17, _, _ =	vpop (xrf2);
	[tilespmem:$0x9210] =	vst v6;
	v6 =	vbroadcast v13, $0xF  }
0x90: {  	v1 =	vld [tilespmem:$0x8450];
	v16, _, _ =	vpop (xrf2);
	[tilespmem:$0x9220] =	vst v5;
	v5 =	vbroadcast v14, $0xF  }
0x91: {  	v7 =	vld [tilespmem:$0x83E0];
	v12, _, _ =	vpop (xrf2);
	[tilespmem:$0x9230] =	vst v6;
	v6 =	vbroadcast v17, $0xF  }
0x92: {  	v8 =	vld [tilespmem:$0x83F0];
	(xrf2) =	vadd.scan.msk.f32 $0xffff, v2;
	v13, _, _ =	vpop (xrf2);
	[tilespmem:$0x9240] =	vst v5;
	v5 =	vbroadcast v16, $0xF  }
0x93: {  	v15 =	vld [tilespmem:$0x8400];
	v4 =	vmul.f32 v4, v10;
	v14, _, _ =	vpop (xrf2);
	[tilespmem:$0x9250] =	vst v6;
	v6 =	vbroadcast v12, $0xF  }
0x94: {  	v11 =	vld [tilespmem:$0x8420];
	v3 =	vmul.f32 v3, v9;
	v17, _, _ =	vpop (xrf2);
	v12 =	vbroadcast v13, $0xF;
	[tilespmem:$0x9260] =	vst v5  }
0x95: {  	v2 =	vld [tilespmem:$0x8460];
	v1 =	vmul.f32 v1, v10;
	v16, _, _ =	vpop (xrf2);
	v5 =	vbroadcast v14, $0xF;
	[tilespmem:$0x9270] =	vst v6  }
0x96: {  	v19 =	vld [tilespmem:$0x8470];
	v14 =	vbroadcast v17, $0xF;
	v6 =	vbroadcast v16, $0xF;
	[tilespmem:$0x9280] =	vst v12  }
0x97: {  	v20 =	vld [tilespmem:$0x8480];
	v13, _, _ =	vpop (xrf2);
	[tilespmem:$0x9290] =	vst v5;
	v5 =	vmul.f32 v7, v9;
	v7 =	vmul.f32 v8, v10  }
0x98: {  	v26 =	vld [tilespmem:$0x84E0];
	v17, _, _ =	vpop (xrf2);
	[tilespmem:$0x92A0] =	vst v14;
	v14 =	vmul.f32 v15, v9;
	v15 =	vmul.f32 v18, v10  }
0x99: {  	v12 =	vbroadcast v17, $0xF;
	v17 =	vld [tilespmem:$0x8510];
	[tilespmem:$0x92B0] =	vst v6;
	v6 =	vmul.f32 v11, v9;
	v5 =	vadd.f32 v7, v5  }
0x9a: {  	v2 =	vmul.f32 v2, v9;
	v13 =	vbroadcast v13, $0xF;
	v8 =	vld [tilespmem:$0x8520];
	v11 =	vadd.f32 v15, v14  }
0x9b: {  	v1 =	vadd.f32 v1, v3;
	v18 =	vld [tilespmem:$0x8530];
	v4 =	vadd.f32 v4, v6;
	(xrf2) =	vadd.scan.msk.f32 $0xffff, v5;
	v5 =	vmul.f32 v19, v10  }
0x9c: {  	v3 =	vmul.f32 v20, v9;
	v16, _, _ =	vpop (xrf2);
	[tilespmem:$0x92C0] =	vst v13;
	v13 =	vld [tilespmem:$0x8550];
	(xrf2) =	vadd.scan.msk.f32 $0xffff, v11;
	v11 =	vmul.f32 v21, v10  }
0x9d: {  	v7 =	vld [tilespmem:$0x8540];
	(xrf2) =	vadd.scan.msk.f32 $0xffff, v4;
	v2 =	vadd.f32 v5, v2;
	v4 =	vmul.f32 v22, v9;
	v5 =	vmul.f32 v23, v10  }
0x9e: {  	v14 =	vld [tilespmem:$0x8570];
	(xrf2) =	vadd.scan.msk.f32 $0xffff, v1;
	v1 =	vadd.f32 v11, v3;
	v3 =	vmul.f32 v24, v9;
	v11 =	vmul.f32 v25, v10  }
0x9f: {  	v15 =	vld [tilespmem:$0x8580];
	(xrf2) =	vadd.scan.msk.f32 $0xffff, v2;
	v2 =	vadd.f32 v5, v4  }
0xa0: {  	v6 =	vld [tilespmem:$0x8560];
	(xrf2) =	vadd.scan.msk.f32 $0xffff, v1;
	v1 =	vadd.f32 v11, v3;
	v3 =	vmul.f32 v28, v9;
	v11 =	vmul.f32 v17, v10  }
0xa1: {  	v19 =	vld [tilespmem:$0x8590];
	v4 =	vmul.f32 v26, v9;
	v5 =	vmul.f32 v27, v10;
	(xrf2) =	vadd.scan.msk.f32 $0xffff, v2  }
0xa2: {  	v17 =	vld [tilespmem:$0x85B0];
	(xrf2) =	vadd.scan.msk.f32 $0xffff, v1;
	v1 =	vadd.f32 v11, v3;
	v3 =	vmul.f32 v7, v9;
	v7 =	vmul.f32 v13, v10  }
0xa3: {  	v20 =	vld [tilespmem:$0x85A0];
	v2 =	vadd.f32 v5, v4;
	v4 =	vmul.f32 v8, v9;
	v5 =	vmul.f32 v18, v10  }
0xa4: {  	v29 =	vld [tilespmem:$0x8760];
	v16 =	vbroadcast v16, $0xF;
	[tilespmem:$0x92D0] =	vst v12  }
0xa5: {  	v30 =	vld [tilespmem:$0x8770];
	(xrf2) =	vadd.scan.msk.f32 $0xffff, v2;
	v2 =	vadd.f32 v5, v4;
	v4 =	vmul.f32 v6, v9;
	v5 =	vmul.f32 v14, v10  }
0xa6: {  	v31 =	vld [tilespmem:$0x8780];
	v6 =	vmul.f32 v19, v10;
	(xrf2) =	vadd.scan.msk.f32 $0xffff, v1;
	v1 =	vadd.f32 v7, v3;
	v3 =	vmul.f32 v15, v9;
	v7, _, _ =	vpop (xrf2)  }
0xa7: {  	v12 =	vld [tilespmem:$0x8650];
	[tilespmem:$0x92E0] =	vst v16;
	(xrf2) =	vadd.scan.msk.f32 $0xffff, v2;
	v2 =	vadd.f32 v5, v4;
	v5 =	vmul.f32 v17, v10;
	v8, _, _ =	vpop (xrf2)  }
0xa8: {  	v16 =	vld [tilespmem:$0x8690];
	v4 =	vmul.f32 v20, v9;
	(xrf2) =	vadd.scan.msk.f32 $0xffff, v1;
	v1 =	vadd.f32 v6, v3;
	v3 =	vbroadcast v8, $0xF  }
0xa9: {  	v21 =	vld [tilespmem:$0x86E0]  }
0xaa: {  	v22 =	vld [tilespmem:$0x86F0];
	v6, _, _ =	vpop (xrf2);
	(xrf2) =	vadd.scan.msk.f32 $0xffff, v2;
	v2 =	vadd.f32 v5, v4  }
0xab: {  	v23 =	vld [tilespmem:$0x8700];
	v4 =	vbroadcast v6, $0xF;
	v5, _, _ =	vpop (xrf2);
	(xrf2) =	vadd.scan.msk.f32 $0xffff, v1  }
0xac: {  	v24 =	vld [tilespmem:$0x8710];
	[tilespmem:$0x9300] =	vst v3;
	v1 =	vbroadcast v5, $0xF;
	v3, _, _ =	vpop (xrf2);
	(xrf2) =	vadd.scan.msk.f32 $0xffff, v2  }
0xad: {  	v25 =	vld [tilespmem:$0x8720];
	[tilespmem:$0x9310] =	vst v4;
	v2 =	vbroadcast v3, $0xF;
	v3, _, _ =	vpop (xrf2)  }
0xae: {  	v26 =	vld [tilespmem:$0x8730];
	[tilespmem:$0x9320] =	vst v1;
	v1 =	vbroadcast v3, $0xF;
	v3, _, _ =	vpop (xrf2)  }
0xaf: {  	v27 =	vld [tilespmem:$0x8740];
	[tilespmem:$0x9330] =	vst v2;
	v2 =	vbroadcast v3, $0xF;
	v3, _, _ =	vpop (xrf2)  }
0xb0: {  	v28 =	vld [tilespmem:$0x8750];
	[tilespmem:$0x9340] =	vst v1;
	v1 =	vbroadcast v3, $0xF;
	v3, _, _ =	vpop (xrf2)  }
0xb1: {  	v18 =	vld [tilespmem:$0x86B0];
	[tilespmem:$0x9350] =	vst v2;
	v2 =	vbroadcast v3, $0xF;
	v3, _, _ =	vpop (xrf2)  }
0xb2: {  	v11 =	vld [tilespmem:$0x8640];
	[tilespmem:$0x9360] =	vst v1;
	v1 =	vbroadcast v3, $0xF;
	v3, _, _ =	vpop (xrf2)  }
0xb3: {  	v13 =	vld [tilespmem:$0x8660];
	[tilespmem:$0x9370] =	vst v2;
	v2 =	vbroadcast v3, $0xF;
	v3, _, _ =	vpop (xrf2)  }
0xb4: {  	v14 =	vld [tilespmem:$0x8670];
	[tilespmem:$0x9380] =	vst v1;
	v1 =	vbroadcast v3, $0xF;
	v3, _, _ =	vpop (xrf2)  }
0xb5: {  	v8 =	vld [tilespmem:$0x8630];
	[tilespmem:$0x9390] =	vst v2;
	v2 =	vbroadcast v3, $0xF;
	v3, _, _ =	vpop (xrf2)  }
0xb6: {  	v4 =	vld [tilespmem:$0x85F0];
	[tilespmem:$0x93A0] =	vst v1;
	v1 =	vbroadcast v3, $0xF;
	v3, _, _ =	vpop (xrf2)  }
0xb7: {  	[tilespmem:$0x93B0] =	vst v2;
	v2 =	vbroadcast v3, $0xF;
	v3 =	vld [tilespmem:$0x85E0]  }
0xb8: {  	[tilespmem:$0x93C0] =	vst v1;
	v1 =	vld [tilespmem:$0x85C0]  }
0xb9: {  	v7 =	vbroadcast v7, $0xF;
	[tilespmem:$0x93D0] =	vst v2;
	v2 =	vld [tilespmem:$0x85D0]  }
0xba: {  	v6 =	vld [tilespmem:$0x8610]  }
0xbb: {  	[tilespmem:$0x92F0] =	vst v7;
	v7 =	vld [tilespmem:$0x8620]  }
0xbc: {  	v5 =	vld [tilespmem:$0x8600]  }
0xbd: {  	v19 =	vld [tilespmem:$0x86C0];
	v4 =	vmul.f32 v4, v10;
	v3 =	vmul.f32 v3, v9  }
0xbe: {  	v15 =	vld [tilespmem:$0x8680];
	v1 =	vmul.f32 v1, v9;
	v2 =	vmul.f32 v2, v10  }
0xbf: {  	v17 =	vld [tilespmem:$0x86A0];
	v3 =	vadd.f32 v4, v3  }
0xc0: {  	v20 =	vld [tilespmem:$0x86D0];
	v4 =	vmul.f32 v7, v9;
	v7 =	vmul.f32 v8, v10;
	v1 =	vadd.f32 v2, v1  }
0xc1: {  	v8 =	vld [tilespmem:$0x87A0];
	v2 =	vmul.f32 v5, v9;
	v5 =	vmul.f32 v6, v10  }
0xc2: {  	v6 =	vld [tilespmem:$0x8790];
	(xrf2) =	vadd.scan.msk.f32 $0xffff, v1  }
0xc3: {  	v1 =	vadd.f32 v5, v2;
	v2 =	vmul.f32 v11, v9;
	v11 =	vld [tilespmem:$0x87B0]  }
0xc4: {  	v5 =	vmul.f32 v12, v10;
	v12 =	vld [tilespmem:$0x87C0]  }
0xc5: {  	(xrf2) =	vadd.scan.msk.f32 $0xffff, v3;
	v3 =	vadd.f32 v7, v4;
	v4 =	vmul.f32 v13, v9;
	v13 =	vld [tilespmem:$0x87D0]  }
0xc6: {  	v7 =	vmul.f32 v14, v10;
	v14 =	vld [tilespmem:$0x87E0]  }
0xc7: {  	v33 =	vld [tilespmem:$0x8890]  }
0xc8: {  	v35 =	vld [tilespmem:$0x88A0]  }
0xc9: {  	v37 =	vld [tilespmem:$0x88B0]  }
0xca: {  	v38 =	vld [tilespmem:$0x88C0]  }
0xcb: {  	v39 =	vld [tilespmem:$0x88D0];
	(xrf2) =	vadd.scan.msk.f32 $0xffff, v1;
	v1 =	vadd.f32 v5, v2;
	v2 =	vmul.f32 v15, v9;
	v5 =	vmul.f32 v16, v10  }
0xcc: {  	v40 =	vld [tilespmem:$0x88E0];
	(xrf2) =	vadd.scan.msk.f32 $0xffff, v3;
	v3 =	vadd.f32 v7, v4;
	v4 =	vmul.f32 v17, v9;
	v7 =	vmul.f32 v18, v10  }
0xcd: {  	v41 =	vld [tilespmem:$0x88F0];
	(xrf2) =	vadd.scan.msk.f32 $0xffff, v1;
	v1 =	vadd.f32 v5, v2;
	v2 =	vmul.f32 v19, v9;
	v5 =	vmul.f32 v20, v10  }
0xce: {  	v59 =	vld [tilespmem:$0x8AC0];
	(xrf2) =	vadd.scan.msk.f32 $0xffff, v3;
	v3 =	vadd.f32 v7, v4;
	v4 =	vmul.f32 v21, v9;
	v7 =	vmul.f32 v22, v10  }
0xcf: {  	v60 =	vld [tilespmem:$0x8AD0];
	(xrf2) =	vadd.scan.msk.f32 $0xffff, v1;
	v1 =	vadd.f32 v5, v2  }
0xd0: {  	v61 =	vld [tilespmem:$0x8AE0];
	(xrf2) =	vadd.scan.msk.f32 $0xffff, v3;
	v2 =	vadd.f32 v7, v4  }
0xd1: {  	v62 =	vld [tilespmem:$0x8AF0]  }
0xd2: {  	v15 =	vld [tilespmem:$0x87F0]  }
0xd3: {  	v8 =	vmul.f32 v8, v9;
	v16 =	vld [tilespmem:$0x8800];
	v11 =	vmul.f32 v11, v10;
	(xrf2) =	vadd.scan.msk.f32 $0xffff, v1;
	v1, _, _ =	vpop (xrf2)  }
0xd4: {  	v63 =	vld [tilespmem:$0x8B00];
	v12 =	vmul.f32 v12, v9;
	(xrf2) =	vadd.scan.msk.f32 $0xffff, v2;
	v2, _, _ =	vpop (xrf2);
	v1 =	vbroadcast v1, $0xF  }
0xd5: {  	v17 =	vld [tilespmem:$0x8840];
	v13 =	vmul.f32 v13, v10;
	v3, _, _ =	vpop (xrf2);
	v2 =	vbroadcast v2, $0xF  }
0xd6: {  	v18 =	vld [tilespmem:$0x8850];
	v8 =	vadd.f32 v11, v8;
	v11 =	vmul.f32 v14, v9;
	v21, _, _ =	vpop (xrf2);
	[tilespmem:$0x93E0] =	vst v1;
	v1 =	vbroadcast v3, $0xF  }
0xd7: {  	v19 =	vld [tilespmem:$0x8860];
	v14 =	vmul.f32 v15, v10;
	v51, _, _ =	vpop (xrf2);
	v3 =	vbroadcast v21, $0xF;
	[tilespmem:$0x93F0] =	vst v2  }
0xd8: {  	v20 =	vld [tilespmem:$0x8870];
	v12 =	vadd.f32 v13, v12;
	v13 =	vmul.f32 v16, v9;
	v34, _, _ =	vpop (xrf2);
	v2 =	vbroadcast v51, $0xF;
	[tilespmem:$0x9400] =	vst v1  }
0xd9: {  	v4 =	vld [tilespmem:$0x8820];
	v36, _, _ =	vpop (xrf2);
	[tilespmem:$0x9410] =	vst v3;
	v3 =	vmul.f32 v24, v10;
	v24 =	vmul.f32 v25, v9  }
0xda: {  	v7 =	vld [tilespmem:$0x8830];
	v21, _, _ =	vpop (xrf2);
	v1 =	vbroadcast v36, $0xF;
	[tilespmem:$0x9420] =	vst v2;
	v2 =	vmul.f32 v23, v9  }
0xdb: {  	v22 =	vld [tilespmem:$0x8880];
	v25 =	vmul.f32 v26, v10;
	v21 =	vbroadcast v21, $0xF  }
0xdc: {  	v5 =	vld [tilespmem:$0x8810];
	[tilespmem:$0x9440] =	vst v1;
	v1 =	vadd.f32 v3, v2;
	v2 =	vmul.f32 v27, v9;
	v3 =	vmul.f32 v28, v10  }
0xdd: {  	v15 =	vld [tilespmem:$0x89B0];
	[tilespmem:$0x9450] =	vst v21;
	v21 =	vadd.f32 v25, v24;
	v24 =	vmul.f32 v29, v9;
	v25 =	vmul.f32 v30, v10  }
0xde: {  	v16 =	vld [tilespmem:$0x89C0];
	(xrf2) =	vadd.scan.msk.f32 $0xffff, v1;
	v1 =	vadd.f32 v3, v2;
	v2 =	vmul.f32 v31, v9;
	v3 =	vmul.f32 v6, v10  }
0xdf: {  	v4 =	vmul.f32 v4, v9;
	v7 =	vmul.f32 v7, v10;
	v53, _, _ =	vpop (xrf2);
	v6 =	vld [tilespmem:$0x8940];
	(xrf2) =	vadd.scan.msk.f32 $0xffff, v21;
	v21 =	vadd.f32 v25, v24  }
0xe0: {  	v57, _, _ =	vpop (xrf2);
	(xrf2) =	vadd.scan.msk.f32 $0xffff, v1;
	v3 =	vadd.f32 v3, v2;
	v1 =	vld [tilespmem:$0x8960]  }
0xe1: {  	v5 =	vmul.f32 v5, v10;
	v4 =	vadd.f32 v7, v4;
	v7 =	vmul.f32 v19, v9;
	v19 =	vld [tilespmem:$0x89E0];
	(xrf2) =	vadd.scan.msk.f32 $0xffff, v21  }
0xe2: {  	v26 =	vld [tilespmem:$0x8910];
	(xrf2) =	vadd.scan.msk.f32 $0xffff, v3  }
0xe3: {  	v5 =	vadd.f32 v5, v13;
	v13 =	vmul.f32 v18, v10;
	v23 =	vld [tilespmem:$0x8900];
	(xrf2) =	vadd.scan.msk.f32 $0xffff, v8;
	v8 =	vadd.f32 v14, v11  }
0xe4: {  	v27 =	vld [tilespmem:$0x8920];
	v6 =	vmul.f32 v6, v9;
	(xrf2) =	vadd.scan.msk.f32 $0xffff, v12;
	v12 =	vmul.f32 v17, v9  }
0xe5: {  	v28 =	vld [tilespmem:$0x8930];
	(xrf2) =	vadd.scan.msk.f32 $0xffff, v8;
	v8 =	vmul.f32 v20, v10;
	v1 =	vmul.f32 v1, v9  }
0xe6: {  	v29 =	vld [tilespmem:$0x8A90];
	(xrf2) =	vadd.scan.msk.f32 $0xffff, v5;
	v5 =	vadd.f32 v13, v12;
	v12 =	vmul.f32 v22, v9;
	v13 =	vmul.f32 v33, v10  }
0xe7: {  	v24 =	vld [tilespmem:$0x8950];
	(xrf2) =	vadd.scan.msk.f32 $0xffff, v4;
	v4 =	vadd.f32 v8, v7;
	v7 =	vmul.f32 v35, v9;
	v8 =	vmul.f32 v37, v10  }
0xe8: {  	v2 =	vld [tilespmem:$0x8970];
	v18, _, _ =	vpop (xrf2);
	(xrf2) =	vadd.scan.msk.f32 $0xffff, v5;
	v5 =	vadd.f32 v13, v12;
	v12 =	vmul.f32 v38, v9;
	v13 =	vmul.f32 v39, v10  }
0xe9: {  	v30 =	vld [tilespmem:$0x8AA0];
	v20, _, _ =	vpop (xrf2);
	(xrf2) =	vadd.scan.msk.f32 $0xffff, v4;
	v4 =	vadd.f32 v8, v7;
	v7 =	vmul.f32 v40, v9;
	v8 =	vmul.f32 v41, v10  }
0xea: {  	v31 =	vld [tilespmem:$0x8AB0];
	v22, _, _ =	vpop (xrf2);
	(xrf2) =	vadd.scan.msk.f32 $0xffff, v5;
	v5 =	vadd.f32 v13, v12;
	v12 =	vmul.f32 v23, v9;
	v13 =	vmul.f32 v26, v10  }
0xeb: {  	v14 =	vld [tilespmem:$0x89A0];
	v25, _, _ =	vpop (xrf2);
	(xrf2) =	vadd.scan.msk.f32 $0xffff, v4;
	v4 =	vadd.f32 v8, v7;
	v7 =	vmul.f32 v27, v9;
	v8 =	vmul.f32 v28, v10  }
0xec: {  	v21 =	vld [tilespmem:$0x89F0];
	v18 =	vbroadcast v18, $0xF;
	v27, _, _ =	vpop (xrf2);
	(xrf2) =	vadd.scan.msk.f32 $0xffff, v5;
	v5 =	vadd.f32 v13, v12;
	v12 =	vmul.f32 v24, v10  }
0xed: {  	v3 =	vld [tilespmem:$0x8980];
	v2 =	vmul.f32 v2, v10;
	v24, _, _ =	vpop (xrf2);
	(xrf2) =	vadd.scan.msk.f32 $0xffff, v4;
	v4 =	vadd.f32 v8, v7;
	v8 =	vbroadcast v20, $0xF  }
0xee: {  	v11 =	vld [tilespmem:$0x8990];
	[tilespmem:$0x9480] =	vst v18;
	v20, _, _ =	vpop (xrf2);
	(xrf2) =	vadd.scan.msk.f32 $0xffff, v5;
	v5 =	vadd.f32 v12, v6;
	v12 =	vbroadcast v22, $0xF  }
0xef: {  	v17 =	vld [tilespmem:$0x89D0];
	v1 =	vadd.f32 v2, v1;
	[tilespmem:$0x9490] =	vst v8;
	v8 =	vbroadcast v25, $0xF  }
0xf0: {  	v2 =	vmul.f32 v14, v9;
	v14 =	vld [tilespmem:$0x8B40];
	v18, _, _ =	vpop (xrf2);
	(xrf2) =	vadd.scan.msk.f32 $0xffff, v4;
	[tilespmem:$0x94A0] =	vst v12;
	v12 =	vbroadcast v27, $0xF  }
0xf1: {  	v38 =	vld [tilespmem:$0x8D20];
	v22, _, _ =	vpop (xrf2);
	(xrf2) =	vadd.scan.msk.f32 $0xffff, v5;
	[tilespmem:$0x94B0] =	vst v8;
	v8 =	vbroadcast v24, $0xF  }
0xf2: {  	v7 =	vld [tilespmem:$0x8A30];
	v25, _, _ =	vpop (xrf2);
	[tilespmem:$0x94C0] =	vst v12;
	v12 =	vbroadcast v20, $0xF  }
0xf3: {  	v3 =	vmul.f32 v3, v9;
	v6 =	vld [tilespmem:$0x8A40];
	v24, _, _ =	vpop (xrf2);
	[tilespmem:$0x94D0] =	vst v8;
	v8 =	vbroadcast v18, $0xF  }
0xf4: {  	v11 =	vmul.f32 v11, v10;
	v23 =	vld [tilespmem:$0x8A00];
	v20, _, _ =	vpop (xrf2);
	[tilespmem:$0x94E0] =	vst v12;
	v12 =	vbroadcast v22, $0xF  }
0xf5: {  	v26 =	vld [tilespmem:$0x8A10];
	v18, _, _ =	vpop (xrf2);
	[tilespmem:$0x94F0] =	vst v8;
	v8 =	vbroadcast v25, $0xF  }
0xf6: {  	v3 =	vadd.f32 v11, v3;
	v11 =	vmul.f32 v16, v9;
	v16 =	vld [tilespmem:$0x8B50];
	v22, _, _ =	vpop (xrf2);
	[tilespmem:$0x9500] =	vst v12;
	v12 =	vbroadcast v24, $0xF  }
0xf7: {  	v28 =	vld [tilespmem:$0x8A80];
	v7 =	vmul.f32 v7, v10;
	v25, _, _ =	vpop (xrf2);
	[tilespmem:$0x9510] =	vst v8;
	v8 =	vbroadcast v20, $0xF  }
0xf8: {  	v13 =	vld [tilespmem:$0x8A20];
	v6 =	vmul.f32 v6, v9;
	v18 =	vbroadcast v18, $0xF;
	v24, _, _ =	vpop (xrf2);
	[tilespmem:$0x9520] =	vst v12  }
0xf9: {  	v4 =	vld [tilespmem:$0x8A50];
	v20, _, _ =	vpop (xrf2);
	v12 =	vbroadcast v22, $0xF;
	[tilespmem:$0x9530] =	vst v8;
	v8 =	vbroadcast v24, $0xF  }
0xfa: {  	v5 =	vld [tilespmem:$0x8A60];
	[tilespmem:$0x9540] =	vst v18;
	v22 =	vbroadcast v25, $0xF;
	v25, _, _ =	vpop (xrf2);
	v20 =	vbroadcast v20, $0xF  }
0xfb: {  	v27 =	vld [tilespmem:$0x8A70];
	(xrf2) =	vadd.scan.msk.f32 $0xffff, v1;
	v24, _, _ =	vpop (xrf2);
	v18 =	vbroadcast v25, $0xF;
	[tilespmem:$0x9570] =	vst v8;
	v8 =	vmul.f32 v15, v10  }
0xfc: {  	(xrf2) =	vadd.scan.msk.f32 $0xffff, v3;
	v25 =	vld [tilespmem:$0x8B10];
	v24 =	vbroadcast v24, $0xF;
	v15 =	vmul.f32 v17, v10  }
0xfd: {  	[tilespmem:$0x9550] =	vst v12;
	v12 =	vld [tilespmem:$0x8B20];
	v1 =	vadd.f32 v8, v2;
	v2 =	vmul.f32 v19, v9;
	v8 =	vmul.f32 v21, v10  }
0xfe: {  	[tilespmem:$0x9560] =	vst v22;
	v22 =	vld [tilespmem:$0x8B30];
	v3 =	vadd.f32 v15, v11;
	v11 =	vmul.f32 v23, v9;
	v15 =	vmul.f32 v26, v10  }
0xff: {  	[tilespmem:$0x9580] =	vst v20;
	v17 =	vld [tilespmem:$0x8B60];
	(xrf2) =	vadd.scan.msk.f32 $0xffff, v1;
	v1 =	vadd.f32 v8, v2;
	v2 =	vmul.f32 v13, v9  }
0x100: {  	v4 =	vmul.f32 v4, v10;
	v20 =	vld [tilespmem:$0x8BD0];
	[tilespmem:$0x95A0] =	vst v24;
	(xrf2) =	vadd.scan.msk.f32 $0xffff, v3;
	v3 =	vadd.f32 v15, v11  }
0x101: {  	v19 =	vld [tilespmem:$0x8B70];
	(xrf2) =	vadd.scan.msk.f32 $0xffff, v1;
	v1 =	vadd.f32 v7, v2;
	v2 =	vmul.f32 v5, v9;
	v5 =	vmul.f32 v27, v10  }
0x102: {  	v21 =	vld [tilespmem:$0x8BE0];
	(xrf2) =	vadd.scan.msk.f32 $0xffff, v3;
	v3 =	vadd.f32 v4, v6;
	v4 =	vmul.f32 v28, v9;
	v6 =	vmul.f32 v29, v10  }
0x103: {  	v23 =	vld [tilespmem:$0x8BF0];
	(xrf2) =	vadd.scan.msk.f32 $0xffff, v1;
	v1 =	vadd.f32 v5, v2;
	v2 =	vmul.f32 v30, v9;
	v5 =	vmul.f32 v31, v10  }
0x104: {  	v8 =	vld [tilespmem:$0x8B80];
	(xrf2) =	vadd.scan.msk.f32 $0xffff, v3;
	v3 =	vadd.f32 v6, v4;
	v4 =	vmul.f32 v59, v9;
	v6 =	vmul.f32 v60, v10  }
0x105: {  	v11 =	vld [tilespmem:$0x8B90];
	(xrf2) =	vadd.scan.msk.f32 $0xffff, v1;
	v1 =	vadd.f32 v5, v2;
	v2 =	vmul.f32 v61, v9;
	v5 =	vmul.f32 v62, v10  }
0x106: {  	v7 =	vld [tilespmem:$0x8BA0];
	(xrf2) =	vadd.scan.msk.f32 $0xffff, v3;
	v3 =	vadd.f32 v6, v4;
	v4 =	vmul.f32 v63, v9;
	v6 =	vmul.f32 v25, v10  }
0x107: {  	v13 =	vld [tilespmem:$0x8BB0];
	v25, _, _ =	vpop (xrf2);
	(xrf2) =	vadd.scan.msk.f32 $0xffff, v1;
	v1 =	vadd.f32 v5, v2;
	v2 =	vmul.f32 v12, v9;
	v5 =	vmul.f32 v22, v10  }
0x108: {  	v24 =	vld [tilespmem:$0x8CA0];
	v22, _, _ =	vpop (xrf2);
	(xrf2) =	vadd.scan.msk.f32 $0xffff, v3;
	v3 =	vadd.f32 v6, v4;
	v4 =	vmul.f32 v14, v9;
	v6 =	vmul.f32 v16, v10  }
0x109: {  	v26 =	vld [tilespmem:$0x8CC0];
	v16, _, _ =	vpop (xrf2);
	(xrf2) =	vadd.scan.msk.f32 $0xffff, v1;
	v1 =	vadd.f32 v5, v2;
	v2 =	vmul.f32 v17, v9;
	v5 =	vmul.f32 v19, v10  }
0x10a: {  	v15 =	vld [tilespmem:$0x8BC0];
	v19, _, _ =	vpop (xrf2);
	(xrf2) =	vadd.scan.msk.f32 $0xffff, v3;
	v3 =	vadd.f32 v6, v4;
	v4 =	vmul.f32 v8, v9  }
0x10b: {  	v27 =	vld [tilespmem:$0x8CD0];
	v6 =	vmul.f32 v11, v10;
	v11, _, _ =	vpop (xrf2);
	(xrf2) =	vadd.scan.msk.f32 $0xffff, v1;
	v1 =	vadd.f32 v5, v2;
	v2 =	vmul.f32 v7, v9  }
0x10c: {  	v28 =	vld [tilespmem:$0x8CE0];
	v5 =	vmul.f32 v13, v10;
	v13 =	vbroadcast v25, $0xF  }
0x10d: {  	[tilespmem:$0x9590] =	vst v18;
	v29 =	vld [tilespmem:$0x8CF0];
	v18, _, _ =	vpop (xrf2);
	(xrf2) =	vadd.scan.msk.f32 $0xffff, v3;
	v3 =	vadd.f32 v6, v4;
	v6 =	vbroadcast v22, $0xF  }
0x10e: {  	v30 =	vld [tilespmem:$0x8D00];
	v22, _, _ =	vpop (xrf2);
	(xrf2) =	vadd.scan.msk.f32 $0xffff, v1;
	v1 =	vadd.f32 v5, v2;
	[tilespmem:$0x95B0] =	vst v13;
	v5 =	vbroadcast v16, $0xF  }
0x10f: {  	v31 =	vld [tilespmem:$0x8D10];
	[tilespmem:$0x95C0] =	vst v6;
	v6 =	vbroadcast v19, $0xF  }
0x110: {  	v12 =	vld [tilespmem:$0x8C00];
	v13, _, _ =	vpop (xrf2);
	[tilespmem:$0x95D0] =	vst v5;
	v5 =	vbroadcast v11, $0xF  }
0x111: {  	v8 =	vld [tilespmem:$0x8C30];
	(xrf2) =	vadd.scan.msk.f32 $0xffff, v3;
	v16, _, _ =	vpop (xrf2);
	[tilespmem:$0x95E0] =	vst v6;
	v6 =	vbroadcast v18, $0xF  }
0x112: {  	v4 =	vld [tilespmem:$0x8C50];
	v11, _, _ =	vpop (xrf2);
	[tilespmem:$0x95F0] =	vst v5;
	v5 =	vbroadcast v22, $0xF  }
0x113: {  	v14 =	vld [tilespmem:$0x8C10];
	(xrf2) =	vadd.scan.msk.f32 $0xffff, v1;
	v18, _, _ =	vpop (xrf2);
	[tilespmem:$0x9600] =	vst v6;
	v6 =	vbroadcast v13, $0xF  }
0x114: {  	v17 =	vld [tilespmem:$0x8C20];
	v22, _, _ =	vpop (xrf2);
	[tilespmem:$0x9610] =	vst v5;
	v5 =	vbroadcast v16, $0xF  }
0x115: {  	v7 =	vld [tilespmem:$0x8C40];
	v13, _, _ =	vpop (xrf2);
	[tilespmem:$0x9620] =	vst v6;
	v6 =	vbroadcast v11, $0xF  }
0x116: {  	v25 =	vld [tilespmem:$0x8CB0];
	v8 =	vmul.f32 v8, v10;
	v16, _, _ =	vpop (xrf2);
	[tilespmem:$0x9630] =	vst v5;
	v5 =	vbroadcast v18, $0xF  }
0x117: {  	v2 =	vld [tilespmem:$0x8C60];
	v4 =	vmul.f32 v4, v10;
	v11, _, _ =	vpop (xrf2);
	[tilespmem:$0x9640] =	vst v6;
	v6 =	vbroadcast v22, $0xF  }
0x118: {  	v19 =	vld [tilespmem:$0x8C90];
	v13 =	vbroadcast v13, $0xF;
	v18, _, _ =	vpop (xrf2);
	[tilespmem:$0x9650] =	vst v5;
	v5 =	vbroadcast v16, $0xF  }
0x119: {  	v3 =	vld [tilespmem:$0x8C70];
	v11 =	vbroadcast v11, $0xF;
	v22, _, _ =	vpop (xrf2);
	[tilespmem:$0x9660] =	vst v6;
	v6 =	vbroadcast v18, $0xF  }
0x11a: {  	v1 =	vld [tilespmem:$0x8C80];
	v18 =	vbroadcast v22, $0xF;
	[tilespmem:$0x9680] =	vst v5;
	v5 =	vmul.f32 v15, v9  }
0x11b: {  	v16, _, _ =	vpop (xrf2);
	v15 =	vmul.f32 v20, v10;
	v20 =	vld [tilespmem:$0x8D40];
	[tilespmem:$0x9690] =	vst v11;
	v11 =	vmul.f32 v21, v9  }
0x11c: {  	[tilespmem:$0x9670] =	vst v13;
	v21 =	vmul.f32 v23, v10;
	v23 =	vld [tilespmem:$0x8D50];
	v13 =	vbroadcast v16, $0xF  }
0x11d: {  	v22, _, _ =	vpop (xrf2);
	[tilespmem:$0x96A0] =	vst v6;
	v6 =	vmul.f32 v12, v9;
	v12 =	vmul.f32 v14, v10;
	v14 =	vld [tilespmem:$0x8D60];
	v5 =	vadd.f32 v15, v5  }
0x11e: {  	v16 =	vbroadcast v22, $0xF;
	v22 =	vld [tilespmem:$0x8D30];
	v11 =	vadd.f32 v21, v11;
	v15 =	vmul.f32 v17, v9  }
0x11f: {  	v2 =	vmul.f32 v2, v9;
	v17 =	vld [tilespmem:$0x8D70];
	(xrf2) =	vadd.scan.msk.f32 $0xffff, v5;
	v5 =	vadd.f32 v12, v6;
	v6 =	vmul.f32 v7, v9  }
0x120: {  	v3 =	vmul.f32 v3, v10;
	[tilespmem:$0x96B0] =	vst v18;
	v18 =	vld [tilespmem:$0x8DD0];
	v8 =	vadd.f32 v8, v15;
	(xrf2) =	vadd.scan.msk.f32 $0xffff, v11  }
0x121: {  	v1 =	vmul.f32 v1, v9;
	v21 =	vld [tilespmem:$0x8DF0];
	(xrf2) =	vadd.scan.msk.f32 $0xffff, v5;
	v4 =	vadd.f32 v4, v6;
	v5 =	vmul.f32 v19, v10  }
0x122: {  	v2 =	vadd.f32 v3, v2;
	v3 =	vmul.f32 v24, v9;
	v7 =	vld [tilespmem:$0x8D80];
	(xrf2) =	vadd.scan.msk.f32 $0xffff, v8;
	v8 =	vmul.f32 v25, v10  }
0x123: {  	v12 =	vld [tilespmem:$0x8DB0];
	(xrf2) =	vadd.scan.msk.f32 $0xffff, v4;
	v1 =	vadd.f32 v5, v1;
	v4 =	vmul.f32 v26, v9;
	v5 =	vmul.f32 v27, v10  }
0x124: {  	v11 =	vld [tilespmem:$0x8D90];
	(xrf2) =	vadd.scan.msk.f32 $0xffff, v2;
	v2 =	vadd.f32 v8, v3;
	v3 =	vmul.f32 v28, v9;
	v8 =	vmul.f32 v29, v10  }
0x125: {  	v6 =	vld [tilespmem:$0x8DA0];
	(xrf2) =	vadd.scan.msk.f32 $0xffff, v1;
	v1 =	vadd.f32 v5, v4;
	v4 =	vmul.f32 v30, v9;
	v5 =	vmul.f32 v31, v10  }
0x126: {  	v15 =	vld [tilespmem:$0x8DC0];
	(xrf2) =	vadd.scan.msk.f32 $0xffff, v2;
	v2 =	vadd.f32 v8, v3;
	v3 =	vmul.f32 v38, v9;
	v8 =	vmul.f32 v22, v10  }
0x127: {  	v19 =	vld [tilespmem:$0x8DE0];
	(xrf2) =	vadd.scan.msk.f32 $0xffff, v1;
	v1 =	vadd.f32 v5, v4;
	v4 =	vmul.f32 v20, v9;
	v5 =	vmul.f32 v23, v10  }
0x128: {  	v20 =	vld [tilespmem:$0x8E00];
	(xrf2) =	vadd.scan.msk.f32 $0xffff, v2;
	v2 =	vadd.f32 v8, v3;
	v3 =	vmul.f32 v14, v9;
	v8 =	vmul.f32 v17, v10  }
0x129: {  	v14 =	vld [tilespmem:$0x8E10];
	v17, _, _ =	vpop (xrf2);
	(xrf2) =	vadd.scan.msk.f32 $0xffff, v1;
	v1 =	vadd.f32 v5, v4;
	v4 =	vmul.f32 v7, v9  }
0x12a: {  	v5 =	vmul.f32 v11, v10;
	v11, _, _ =	vpop (xrf2);
	(xrf2) =	vadd.scan.msk.f32 $0xffff, v2;
	v2 =	vadd.f32 v8, v3;
	v3 =	vmul.f32 v6, v9  }
0x12b: {  	v24 =	vld [tilespmem:$0x8F00];
	[tilespmem:$0x96C0] =	vst v13;
	v6 =	vmul.f32 v12, v10;
	v13 =	vbroadcast v17, $0xF  }
0x12c: {  	v25 =	vld [tilespmem:$0x8F10];
	v12, _, _ =	vpop (xrf2);
	(xrf2) =	vadd.scan.msk.f32 $0xffff, v1;
	v1 =	vadd.f32 v5, v4;
	v4 =	vmul.f32 v15, v9;
	v5 =	vmul.f32 v18, v10  }
0x12d: {  	v26 =	vld [tilespmem:$0x8F20];
	v18, _, _ =	vpop (xrf2);
	(xrf2) =	vadd.scan.msk.f32 $0xffff, v2;
	v2 =	vadd.f32 v6, v3;
	v3 =	vmul.f32 v19, v9;
	v6 =	vmul.f32 v21, v10  }
0x12e: {  	v27 =	vld [tilespmem:$0x8F30];
	v21, _, _ =	vpop (xrf2);
	(xrf2) =	vadd.scan.msk.f32 $0xffff, v1;
	v1 =	vadd.f32 v5, v4;
	v4 =	vmul.f32 v20, v9;
	v5 =	vmul.f32 v14, v10  }
0x12f: {  	[tilespmem:$0x96D0] =	vst v16;
	v28 =	vld [tilespmem:$0x8F40];
	v17, _, _ =	vpop (xrf2);
	(xrf2) =	vadd.scan.msk.f32 $0xffff, v2;
	v2 =	vadd.f32 v6, v3;
	v6 =	vbroadcast v11, $0xF  }
0x130: {  	v22 =	vld [tilespmem:$0x8EE0];
	[tilespmem:$0x96E0] =	vst v13;
	v11, _, _ =	vpop (xrf2);
	(xrf2) =	vadd.scan.msk.f32 $0xffff, v1;
	v1 =	vadd.f32 v5, v4;
	v5 =	vbroadcast v12, $0xF  }
0x131: {  	v23 =	vld [tilespmem:$0x8EF0];
	[tilespmem:$0x96F0] =	vst v6;
	v6 =	vbroadcast v18, $0xF  }
0x132: {  	v7 =	vld [tilespmem:$0x8E20];
	v12, _, _ =	vpop (xrf2);
	[tilespmem:$0x9700] =	vst v5;
	v5 =	vbroadcast v21, $0xF  }
0x133: {  	v8 =	vld [tilespmem:$0x8E30];
	v13, _, _ =	vpop (xrf2);
	[tilespmem:$0x9710] =	vst v6;
	v6 =	vbroadcast v17, $0xF  }
0x134: {  	v3 =	vld [tilespmem:$0x8E70];
	(xrf2) =	vadd.scan.msk.f32 $0xffff, v2;
	v16, _, _ =	vpop (xrf2);
	[tilespmem:$0x9720] =	vst v5;
	v5 =	vbroadcast v11, $0xF  }
0x135: {  	v4 =	vld [tilespmem:$0x8E80];
	(xrf2) =	vadd.scan.msk.f32 $0xffff, v1;
	v17, _, _ =	vpop (xrf2);
	[tilespmem:$0x9730] =	vst v6;
	v6 =	vbroadcast v12, $0xF  }
0x136: {  	v15 =	vld [tilespmem:$0x8E40];
	v11, _, _ =	vpop (xrf2);
	[tilespmem:$0x9740] =	vst v5;
	v5 =	vbroadcast v13, $0xF  }
0x137: {  	v19 =	vld [tilespmem:$0x8E50];
	v12, _, _ =	vpop (xrf2);
	[tilespmem:$0x9750] =	vst v6;
	v6 =	vbroadcast v16, $0xF  }
0x138: {  	v14 =	vld [tilespmem:$0x8E60];
	v13, _, _ =	vpop (xrf2);
	[tilespmem:$0x9760] =	vst v5;
	v5 =	vbroadcast v17, $0xF  }
0x139: {  	v20 =	vld [tilespmem:$0x8EC0];
	v3 =	vmul.f32 v3, v10;
	v16, _, _ =	vpop (xrf2);
	[tilespmem:$0x9770] =	vst v6;
	v6 =	vbroadcast v11, $0xF  }
0x13a: {  	v2 =	vld [tilespmem:$0x8E90];
	v4 =	vmul.f32 v4, v9;
	v17, _, _ =	vpop (xrf2);
	v11 =	vbroadcast v12, $0xF;
	[tilespmem:$0x9780] =	vst v5  }
0x13b: {  	v18 =	vld [tilespmem:$0x8EB0];
	v12, _, _ =	vpop (xrf2);
	v5 =	vbroadcast v13, $0xF;
	v13 =	vbroadcast v16, $0xF;
	[tilespmem:$0x9790] =	vst v6  }
0x13c: {  	v1 =	vld [tilespmem:$0x8EA0];
	v6 =	vbroadcast v17, $0xF;
	v12 =	vbroadcast v12, $0xF;
	[tilespmem:$0x97A0] =	vst v11  }
0x13d: {  	v21 =	vld [tilespmem:$0x8ED0];
	[tilespmem:$0x97B0] =	vst v5;
	v5 =	vmul.f32 v7, v9;
	v7 =	vmul.f32 v8, v10  }
0x13e: {  	v16, _, _ =	vpop (xrf2);
	v8 =	vld [tilespmem:$0x8F60];
	[tilespmem:$0x97C0] =	vst v13;
	v13 =	vmul.f32 v15, v9;
	v15 =	vmul.f32 v19, v10  }
0x13f: {  	v2 =	vmul.f32 v2, v10;
	v17, _, _ =	vpop (xrf2);
	v19 =	vld [tilespmem:$0x8F70];
	[tilespmem:$0x97D0] =	vst v6;
	v6 =	vmul.f32 v14, v9;
	v5 =	vadd.f32 v7, v5  }
0x140: {  	v11 =	vbroadcast v16, $0xF;
	v16 =	vbroadcast v17, $0xF;
	v17 =	vld [tilespmem:$0x8F50];
	[tilespmem:$0x97E0] =	vst v12;
	v12 =	vadd.f32 v15, v13  }
0x141: {  	v1 =	vmul.f32 v1, v9;
	v14 =	vld [tilespmem:$0x8FB0];
	v3 =	vadd.f32 v3, v6;
	(xrf2) =	vadd.scan.msk.f32 $0xffff, v5;
	v5 =	vmul.f32 v18, v10  }
0x142: {  	v2 =	vadd.f32 v2, v4;
	v4 =	vmul.f32 v20, v9;
	v7 =	vld [tilespmem:$0x8F80];
	(xrf2) =	vadd.scan.msk.f32 $0xffff, v12;
	v12 =	vmul.f32 v21, v10  }
0x143: {  	v13 =	vld [tilespmem:$0x8F90];
	(xrf2) =	vadd.scan.msk.f32 $0xffff, v3;
	v1 =	vadd.f32 v5, v1;
	v3 =	vmul.f32 v22, v9;
	v5 =	vmul.f32 v23, v10  }
0x144: {  	v15 =	vld [tilespmem:$0x8FC0];
	(xrf2) =	vadd.scan.msk.f32 $0xffff, v2;
	v2 =	vadd.f32 v12, v4;
	v4 =	vmul.f32 v24, v9;
	v12 =	vmul.f32 v25, v10  }
0x145: {  	v6 =	vld [tilespmem:$0x8FA0];
	(xrf2) =	vadd.scan.msk.f32 $0xffff, v1;
	v1 =	vadd.f32 v5, v3;
	v3 =	vmul.f32 v26, v9;
	v5 =	vmul.f32 v27, v10  }
0x146: {  	v18 =	vld [tilespmem:$0x8FD0];
	(xrf2) =	vadd.scan.msk.f32 $0xffff, v2;
	v2 =	vadd.f32 v12, v4;
	v4 =	vmul.f32 v28, v9;
	v12 =	vmul.f32 v17, v10  }
0x147: {  	v17 =	vld [tilespmem:$0x8FF0];
	(xrf2) =	vadd.scan.msk.f32 $0xffff, v1;
	v1 =	vadd.f32 v5, v3;
	v3 =	vmul.f32 v8, v9;
	v5 =	vmul.f32 v19, v10  }
0x148: {  	v20 =	vld [tilespmem:$0x8FE0];
	(xrf2) =	vadd.scan.msk.f32 $0xffff, v2;
	v2 =	vadd.f32 v12, v4;
	v4 =	vmul.f32 v7, v9;
	v7 =	vmul.f32 v13, v10  }
0x149: {  	v52 =	vbroadcast v34, $0xF  }
0x14a: {  	(xrf2) =	vadd.scan.msk.f32 $0xffff, v1;
	v1 =	vadd.f32 v5, v3;
	v3 =	vmul.f32 v6, v9;
	v5 =	vmul.f32 v14, v10  }
0x14b: {  	v34 =	vbroadcast v53, $0xF;
	v6 =	vmul.f32 v18, v10;
	(xrf2) =	vadd.scan.msk.f32 $0xffff, v2;
	v2 =	vadd.f32 v7, v4  }
0x14c: {  	v4 =	vmul.f32 v15, v9;
	v7, _, _ =	vpop (xrf2);
	(xrf2) =	vadd.scan.msk.f32 $0xffff, v1;
	v1 =	vadd.f32 v5, v3;
	v5 =	vmul.f32 v17, v10  }
0x14d: {  	[tilespmem:$0x9430] =	vst v52;
	v36 =	vbroadcast v57, $0xF;
	v3 =	vmul.f32 v20, v9;
	v8, _, _ =	vpop (xrf2)  }
0x14e: {  	[tilespmem:$0x9460] =	vst v34;
	(xrf2) =	vadd.scan.msk.f32 $0xffff, v2;
	v2 =	vadd.f32 v6, v4;
	v4 =	vbroadcast v8, $0xF  }
0x14f: {  	[tilespmem:$0x9470] =	vst v36;
	v6, _, _ =	vpop (xrf2);
	(xrf2) =	vadd.scan.msk.f32 $0xffff, v1;
	v1 =	vadd.f32 v5, v3  }
0x150: {  	[tilespmem:$0x97F0] =	vst v11;
	v5, _, _ =	vpop (xrf2)  }
0x151: {  	[tilespmem:$0x9800] =	vst v16;
	v3 =	vbroadcast v6, $0xF;
	(xrf2) =	vadd.scan.msk.f32 $0xffff, v2;
	v2 =	vbroadcast v5, $0xF  }
0x152: {  	[tilespmem:$0x9820] =	vst v4;
	v4, _, _ =	vpop (xrf2)  }
0x153: {  	v9 =	vmul.u32 $0xD, v0;
	[tilespmem:$0x9830] =	vst v3;
	(xrf2) =	vadd.scan.msk.f32 $0xffff, v1;
	v1, _, _ =	vpop (xrf2);
	v3 =	vbroadcast v4, $0xF  }
0x154: {  	s16 =	simm.s32 $0x7;
	v7 =	vbroadcast v7, $0xF;
	[tilespmem:$0x9840] =	vst v2;
	v4, _, _ =	vpop (xrf2);
	v1 =	vbroadcast v1, $0xF  }
0x155: {  	v10 =	vadd.s32 $0xFFFFFF38, v9;
	v2, _, _ =	vpop (xrf2);
	[tilespmem:$0x9850] =	vst v3;
	v3 =	vbroadcast v4, $0xF;
	v4 =	vadd.s32 s16, v9  }
0x156: {  	[tilespmem:$0x9860] =	vst v1;
	v1 =	vbroadcast v2, $0xF;
	vm0 =	vgt.u32 v4, $0xC7;
	v2 =	vadd.s32 s16, v10  }
0x157: {  	[tilespmem:$0x9810] =	vst v7;
	v5, _, _ =	vpop (xrf2);
	v2 =	vsel vm0, v2, v4  }
0x158: {  	v6, _, _ =	vpop (xrf2);
	[tilespmem:$0x9870] =	vst v3;
	v3 =	vbroadcast v5, $0xF;
	v5 =	vshll.u32 v2, $0x3  }
0x159: {  	v4, _, _ =	vpop (xrf2);
	[tilespmem:$0x9880] =	vst v1;
	v1 =	vbroadcast v6, $0xF;
	v2 =	vand.u32 $0x7F, v2  }
0x15a: {  	v6, _, _ =	vpop (xrf2);
	[tilespmem:$0x9890] =	vst v3;
	v3 =	vbroadcast v4, $0xF;
	v4 =	vand.u32 $0xFFFFFC00, v5  }
0x15b: {  	[tilespmem:$0x98A0] =	vst v1;
	v1 =	vbroadcast v6, $0xF;
	v7 =	vor.u32 v2, v4;
	v5, _, _ =	vpop (xrf2)  }
0x15c: {  	[tilespmem:$0x98B0] =	vst v3;
	v4 =	vadd.s32 v48, v7;
	v2, _, _ =	vpop (xrf2);
	v3 =	vbroadcast v5, $0xF  }
0x15d: {  	[tilespmem:$0x98C0] =	vst v1;
	v5 =	vadd.s32 v49, v7;
	v1 =	vbroadcast v2, $0xF;
	v2, _, _ =	vpop (xrf2)  }
0x15e: {  	[tilespmem:$0x98D0] =	vst v3;
	v2 =	vbroadcast v2, $0xF  }
0x15f: {  	s24 =	simm.s32 $0x6;
	[tilespmem:$0x98E0] =	vst v1  }
0x160: {  	v3 =	vadd.s32 s24, v9;
	[tilespmem:$0x98F0] =	vst v2  }
0x161: {  	v8 =	vadd.s32 v55, v7;
	vm9 =	vgt.u32 v3, $0xC7;
	v1 =	vadd.s32 s24, v10;
	v2 =	vld.idx.msk [tilespmem:v4+s3+$0x0], $0xffff  }
0x162: {  	v1 =	vsel vm9, v1, v3;
	v4 =	vld.idx.msk [tilespmem:v5+s3+$0x0], $0xffff;
	v5 =	vadd.s32 v42, v7  }
0x163: {  	v12 =	vadd.s32 v58, v7;
	v11 =	vshll.u32 v1, $0x3  }
0x164: {  	v13 =	vadd.s32 v43, v7;
	v1 =	vand.u32 $0x7F, v1;
	v11 =	vand.u32 $0xFFFFFC00, v11  }
0x165: {  	v3 =	vadd.s32 v56, v7;
	v1 =	vor.u32 v1, v11  }
0x166: {  	v11 =	vld.idx.msk [tilespmem:v8+s3+$0x0], $0xffff;
	v8 =	vadd.s32 v49, v1  }
0x167: {  	v5 =	vld.idx.msk [tilespmem:v5+s3+$0x0], $0xffff  }
0x168: {  	s25 =	simm.s32 $0x5;
	v15 =	vld.idx.msk [tilespmem:v12+s3+$0x0], $0xffff  }
0x169: {  	v6 =	vadd.s32 v54, v7;
	v12 =	vadd.s32 s25, v10;
	v7 =	vld.idx.msk [tilespmem:v13+s3+$0x0], $0xffff  }
0x16a: {  	v16 =	vadd.s32 v48, v1;
	v17 =	vadd.s32 v54, v1;
	v37 =	vld.idx.msk [tilespmem:v3+s3+$0x0], $0xffff;
	v3 =	vadd.s32 s25, v9  }
0x16b: {  	v19 =	vadd.s32 v55, v1;
	v13 =	vadd.s32 v58, v1;
	vm10 =	vgt.u32 v3, $0xC7;
	v50 =	vld.idx.msk [tilespmem:v8+s3+$0x0], $0xffff  }
0x16c: {  	v8 =	vadd.s32 v42, v1;
	[tilespmem:$0x1FEA0] =	vst v5;
	v5 =	vadd.s32 v56, v1;
	v1 =	vadd.s32 v43, v1  }
0x16d: {  	v3 =	vsel vm10, v12, v3  }
0x16e: {  	v12 =	vshll.u32 v3, $0x3  }
0x16f: {  	v3 =	vand.u32 $0x7F, v3;
	v18 =	vld.idx.msk [tilespmem:v16+s3+$0x0], $0xffff;
	v12 =	vand.u32 $0xFFFFFC00, v12  }
0x170: {  	v53 =	vld.idx.msk [tilespmem:v17+s3+$0x0], $0xffff;
	v3 =	vor.u32 v3, v12  }
0x171: {  	v12 =	vadd.s32 v48, v3;
	v1 =	vld.idx.msk [tilespmem:v1+s3+$0x0], $0xffff  }
0x172: {  	s26 =	simm.s32 $0x4;
	v28 =	vld.idx.msk [tilespmem:v13+s3+$0x0], $0xffff  }
0x173: {  	v13 =	vadd.s32 s26, v10;
	v25 =	vld.idx.msk [tilespmem:v5+s3+$0x0], $0xffff;
	v5 =	vadd.s32 s26, v9  }
0x174: {  	[tilespmem:$0x1FEB0] =	vst v7;
	v22 =	vld.idx.msk [tilespmem:v19+s3+$0x0], $0xffff;
	v16 =	vadd.s32 v49, v3;
	v17 =	vadd.s32 v54, v3;
	vm11 =	vgt.u32 v5, $0xC7  }
0x175: {  	v19 =	vadd.s32 v55, v3;
	v7 =	vld.idx.msk [tilespmem:v8+s3+$0x0], $0xffff;
	v8 =	vadd.s32 v56, v3;
	v5 =	vsel vm11, v13, v5  }
0x176: {  	v26 =	vld.idx.msk [tilespmem:v12+s3+$0x0], $0xffff;
	v12 =	vadd.s32 v58, v3;
	v13 =	vadd.s32 v42, v3;
	[tilespmem:$0x1FED0] =	vst v1;
	v1 =	vshll.u32 v5, $0x3  }
0x177: {  	v3 =	vadd.s32 v43, v3;
	v5 =	vand.u32 $0x7F, v5;
	v1 =	vand.u32 $0xFFFFFC00, v1  }
0x178: {  	v1 =	vor.u32 v5, v1  }
0x179: {  	v62 =	vld.idx.msk [tilespmem:v16+s3+$0x0], $0xffff;
	v5 =	vadd.s32 v48, v1  }
0x17a: {  	v41 =	vld.idx.msk [tilespmem:v17+s3+$0x0], $0xffff;
	v17 =	vadd.s32 v49, v1  }
0x17b: {  	v44 =	vld.idx.msk [tilespmem:v8+s3+$0x0], $0xffff  }
0x17c: {  	v3 =	vld.idx.msk [tilespmem:v3+s3+$0x0], $0xffff;
	v24 =	vadd.s32 v55, v1  }
0x17d: {  	s28 =	simm.s32 $0x3;
	[tilespmem:$0x1FEC0] =	vst v7;
	v7 =	vld.idx.msk [tilespmem:v13+s3+$0x0], $0xffff;
	v13 =	vadd.s32 v56, v1  }
0x17e: {  	v8 =	vadd.s32 s28, v9;
	v51 =	vld.idx.msk [tilespmem:v5+s3+$0x0], $0xffff;
	v5 =	vadd.s32 v58, v1  }
0x17f: {  	v32 =	vmovc v43;
	v16 =	vadd.s32 s28, v10;
	vm12 =	vgt.u32 v8, $0xC7;
	v52 =	vld.idx.msk [tilespmem:v17+s3+$0x0], $0xffff;
	v17 =	vadd.s32 v42, v1  }
0x180: {  	v43 =	vld.idx.msk [tilespmem:v19+s3+$0x0], $0xffff;
	v8 =	vsel vm12, v16, v8;
	v19 =	vadd.s32 v54, v1;
	v1 =	vadd.s32 v32, v1  }
0x181: {  	[tilespmem:$0x1FEF0] =	vst v3;
	v3 =	vshll.u32 v8, $0x3;
	v63 =	vld.idx.msk [tilespmem:v24+s3+$0x0], $0xffff  }
0x182: {  	s29 =	simm.s32 $0x2;
	v8 =	vand.u32 $0x7F, v8;
	v3 =	vand.u32 $0xFFFFFC00, v3;
	v59 =	vld.idx.msk [tilespmem:v13+s3+$0x0], $0xffff  }
0x183: {  	v13 =	vadd.s32 s29, v9;
	v3 =	vor.u32 v8, v3;
	v24 =	vld.idx.msk [tilespmem:v5+s3+$0x0], $0xffff  }
0x184: {  	[tilespmem:$0x1FEE0] =	vst v7;
	vm13 =	vgt.u32 v13, $0xC7;
	v8 =	vadd.s32 v48, v3;
	v5 =	vadd.s32 s29, v10;
	v7 =	vld.idx.msk [tilespmem:v17+s3+$0x0], $0xffff  }
0x185: {  	v1 =	vld.idx.msk [tilespmem:v1+s3+$0x0], $0xffff;
	v5 =	vsel vm13, v5, v13;
	v13 =	vadd.s32 v56, v3;
	_ =	sdelay $0x3  }
0x186: {  	v27 =	vadd.s32 v49, v3;
	[tilespmem:$0x1FF00] =	vst v7;
	v7 =	vld.idx.msk [tilespmem:v8+s3+$0x0], $0xffff  }
0x187: {  	[tilespmem:$0x1FDF0] =	vst v1;
	v8 =	vadd.s32 v58, v3;
	v1 =	vld.idx.msk [tilespmem:v13+s3+$0x0], $0xffff  }
0x188: {  	v29 =	vadd.s32 v54, v3;
	_ =	sdelay $0x1  }
0x189: {  	v30 =	vadd.s32 v55, v3;
	v17 =	vshll.u32 v5, $0x3  }
0x18a: {  	v5 =	vand.u32 $0x7F, v5;
	v60 =	vld.idx.msk [tilespmem:v27+s3+$0x0], $0xffff;
	v17 =	vand.u32 $0xFFFFFC00, v17  }
0x18b: {  	v27 =	vadd.s32 v42, v3;
	v5 =	vor.u32 v5, v17;
	[tilespmem:$0x1FE00] =	vst v1;
	v1 =	vld.idx.msk [tilespmem:v8+s3+$0x0], $0xffff  }
0x18c: {  	v35 =	vld.idx.msk [tilespmem:v29+s3+$0x0], $0xffff;
	v29 =	vadd.s32 v49, v5  }
0x18d: {  	s30 =	simm.s32 $0x1  }
0x18e: {  	v31 =	vld.idx.msk [tilespmem:v30+s3+$0x0], $0xffff;
	v30 =	vadd.s32 s30, v9  }
0x18f: {  	vm14 =	vgt.u32 v30, $0xC7;
	v3 =	vadd.s32 v32, v3  }
0x190: {  	v17 =	vadd.s32 v48, v5;
	v39 =	vadd.s32 v54, v5;
	v8 =	vadd.s32 s30, v10;
	[tilespmem:$0x1FE10] =	vst v1;
	v1 =	vld.idx.msk [tilespmem:v27+s3+$0x0], $0xffff  }
0x191: {  	v40 =	vadd.s32 v55, v5;
	v14 =	vld.idx.msk [tilespmem:v29+s3+$0x0], $0xffff;
	v29 =	vadd.s32 v42, v5;
	v8 =	vsel vm14, v8, v30  }
0x192: {  	v30 =	vadd.s32 v58, v5;
	v27 =	vadd.s32 v56, v5;
	v5 =	vadd.s32 v32, v5;
	_ =	sdelay $0x2  }
0x193: {  	[tilespmem:$0x1FE20] =	vst v1;
	v1 =	vld.idx.msk [tilespmem:v3+s3+$0x0], $0xffff;
	v3 =	vshll.u32 v8, $0x3  }
0x194: {  	v8 =	vand.u32 $0x7F, v8;
	v3 =	vand.u32 $0xFFFFFC00, v3  }
0x195: {  	v5 =	vld.idx.msk [tilespmem:v5+s3+$0x0], $0xffff;
	v3 =	vor.u32 v8, v3  }
0x196: {  	s31 =	simm.s32 $0x0;
	v6 =	vld.idx.msk [tilespmem:v6+s3+$0x0], $0xffff;
	v8 =	vadd.s32 v48, v3  }
0x197: {  	v45 =	vld.idx.msk [tilespmem:v39+s3+$0x0], $0xffff;
	v39 =	vadd.s32 s31, v9;
	v33 =	vadd.s32 v49, v3  }
0x198: {  	v61 =	vadd.s32 s31, v10;
	vm15 =	vgt.u32 v39, $0xC7;
	v34 =	vld.idx.msk [tilespmem:v27+s3+$0x0], $0xffff;
	v57 =	vadd.s32 v54, v3  }
0x199: {  	v27 =	vld.idx.msk [tilespmem:v29+s3+$0x0], $0xffff;
	v29 =	vsel vm15, v61, v39;
	v46 =	vadd.s32 v55, v3  }
0x19a: {  	v38 =	vld.idx.msk [tilespmem:v40+s3+$0x0], $0xffff;
	v39 =	vadd.s32 v56, v3;
	[tilespmem:$0x1FE50] =	vst v5;
	v5 =	vshll.u32 v29, $0x3  }
0x19b: {  	[tilespmem:$0x1FE30] =	vst v1;
	v1 =	vmovc v42;
	v29 =	vand.u32 $0x7F, v29;
	v5 =	vand.u32 $0xFFFFFC00, v5;
	v20 =	vld.idx.msk [tilespmem:v8+s3+$0x0], $0xffff;
	v8 =	vadd.s32 v58, v3  }
0x19c: {  	v42 =	vor.u32 v29, v5;
	v21 =	vld.idx.msk [tilespmem:v33+s3+$0x0], $0xffff;
	v33 =	vadd.s32 v1, v3;
	v3 =	vadd.s32 v32, v3  }
0x19d: {  	v61 =	vld.idx.msk [tilespmem:v57+s3+$0x0], $0xffff;
	v5 =	vadd.s32 v48, v42  }
0x19e: {  	v57 =	vld.idx.msk [tilespmem:v46+s3+$0x0], $0xffff;
	v36 =	vadd.s32 v1, v42  }
0x19f: {  	v40 =	vadd.s32 v49, v42;
	v48 =	vld.idx.msk [tilespmem:v39+s3+$0x0], $0xffff  }
0x1a0: {  	v2 =	vshll.u32 v2, $0x4;
	v49 =	vadd.s32 v55, v42;
	v39 =	vld.idx.msk [tilespmem:v8+s3+$0x0], $0xffff  }
0x1a1: {  	v2 =	vor.u32 v0, v2;
	v46 =	vadd.s32 v54, v42;
	v55 =	vadd.s32 v58, v42;
	v29 =	vld.idx.msk [tilespmem:v3+s3+$0x0], $0xffff  }
0x1a2: {  	v54 =	vadd.s32 v56, v42;
	v58 =	vadd.s32 v32, v42;
	v32 =	vshll.u32 v37, $0x4;
	v56 =	vld.idx.msk [tilespmem:v5+s3+$0x0], $0xffff  }
0x1a3: {  	v42 =	vld.idx.msk [tilespmem:v36+s3+$0x0], $0xffff;
	v36 =	vor.u32 v0, v32  }
0x1a4: {  	v4 =	vshll.u32 v4, $0x4;
	v8 =	vld.idx.msk [tilespmem:v40+s3+$0x0], $0xffff  }
0x1a5: {  	v6 =	vshll.u32 v6, $0x4;
	v4 =	vor.u32 v0, v4;
	v3 =	vld.idx.msk [tilespmem:v49+s3+$0x0], $0xffff  }
0x1a6: {  	v6 =	vor.u32 v0, v6;
	v11 =	vshll.u32 v11, $0x4;
	v49 =	vld.idx.msk [tilespmem:v55+s3+$0x0], $0xffff  }
0x1a7: {  	v15 =	vshll.u32 v15, $0x4;
	v11 =	vor.u32 v0, v11;
	v55 =	vld.idx.msk [tilespmem:v2+s13+$0x0], $0xffff  }
0x1a8: {  	v2 =	vor.u32 v0, v15;
	v1 =	vld.idx.msk [tilespmem:v36+s13+$0x0], $0xffff  }
0x1a9: {  	v18 =	vshll.u32 v18, $0x4;
	v5 =	vld.idx.msk [tilespmem:v46+s3+$0x0], $0xffff  }
0x1aa: {  	v15 =	vor.u32 v0, v18;
	v18 =	vshll.u32 v50, $0x4;
	v50 =	vld.idx.msk [tilespmem:v4+s13+$0x0], $0xffff  }
0x1ab: {  	v46 =	vld.idx.msk [tilespmem:v6+s13+$0x0], $0xffff;
	v4 =	vor.u32 v0, v18;
	v18 =	vshll.u32 v53, $0x4  }
0x1ac: {  	v40 =	vld.idx.msk [tilespmem:v11+s13+$0x0], $0xffff;
	v6 =	vor.u32 v0, v18;
	v18 =	vshll.u32 v22, $0x4  }
0x1ad: {  	v11 =	vor.u32 v0, v18;
	v18 =	vshll.u32 v25, $0x4;
	[tilespmem:$0x1FE60] =	vst v1;
	v1 =	vld.idx.msk [tilespmem:v2+s13+$0x0], $0xffff  }
0x1ae: {  	v18 =	vor.u32 v0, v18  }
0x1af: {  	v47 =	vld.idx.msk [tilespmem:v12+s3+$0x0], $0xffff  }
0x1b0: {  	v23 =	vld.idx.msk [tilespmem:v19+s3+$0x0], $0xffff  }
0x1b1: {  	v17 =	vld.idx.msk [tilespmem:v17+s3+$0x0], $0xffff  }
0x1b2: {  	v28 =	vshll.u32 v28, $0x4;
	v2 =	vld.idx.msk [tilespmem:v15+s13+$0x0], $0xffff;
	[tilespmem:$0x1FE70] =	vst v1;
	v1 =	vshll.u32 v26, $0x4  }
0x1b3: {  	v15 =	vor.u32 v0, v28;
	v32 =	vor.u32 v0, v1;
	v1 =	vld.idx.msk [tilespmem:v18+s13+$0x0], $0xffff  }
0x1b4: {  	[tilespmem:$0x1FE40] =	vst v9;
	v9 =	vld [tilespmem:$0x1FEA0]  }
0x1b5: {  	v30 =	vld.idx.msk [tilespmem:v30+s3+$0x0], $0xffff  }
0x1b6: {  	v37 =	vld.idx.msk [tilespmem:v58+s3+$0x0], $0xffff  }
0x1b7: {  	v58 =	vld.idx.msk [tilespmem:v6+s13+$0x0], $0xffff;
	v6 =	vshll.u32 v43, $0x4  }
0x1b8: {  	v43 =	vor.u32 v0, v6;
	[tilespmem:$0x1FE80] =	vst v1;
	v1 =	vld.idx.msk [tilespmem:v15+s13+$0x0], $0xffff  }
0x1b9: {  	v6 =	vshll.u32 v44, $0x4;
	v44 =	vshll.u32 v9, $0x4;
	v9 =	vld [tilespmem:$0x1FEB0];
	v28 =	vshll.u32 v62, $0x4  }
0x1ba: {  	v62 =	vld.idx.msk [tilespmem:v4+s13+$0x0], $0xffff;
	v4 =	vor.u32 v0, v28;
	v28 =	vshll.u32 v41, $0x4  }
0x1bb: {  	v53 =	vld.idx.msk [tilespmem:v11+s13+$0x0], $0xffff;
	v11 =	vshll.u32 v47, $0x4;
	v41 =	vor.u32 v0, v28  }
0x1bc: {  	v33 =	vld.idx.msk [tilespmem:v33+s3+$0x0], $0xffff;
	v47 =	vshll.u32 v52, $0x4;
	v15 =	vor.u32 v0, v11  }
0x1bd: {  	v54 =	vld.idx.msk [tilespmem:v54+s3+$0x0], $0xffff;
	[tilespmem:$0x1FE90] =	vst v1;
	v1 =	vor.u32 v0, v47  }
0x1be: {  	v36 =	vshll.u32 v9, $0x4;
	v9 =	vld [tilespmem:$0x1FEC0];
	v18 =	vor.u32 v0, v6;
	v6 =	vshll.u32 v51, $0x4  }
0x1bf: {  	v51 =	vor.u32 v0, v6;
	v6 =	vld.idx.msk [tilespmem:v4+s13+$0x0], $0xffff  }
0x1c0: {  	v52 =	vshll.u32 v63, $0x4;
	v4 =	vld.idx.msk [tilespmem:v41+s13+$0x0], $0xffff  }
0x1c1: {  	v59 =	vshll.u32 v59, $0x4;
	v12 =	vor.u32 v0, v52;
	v41 =	vld.idx.msk [tilespmem:v15+s13+$0x0], $0xffff;
	v15 =	vshll.u32 v17, $0x4  }
0x1c2: {  	v16 =	vor.u32 v0, v59;
	v7 =	vshll.u32 v7, $0x4;
	v17 =	vor.u32 v0, v15;
	v15 =	vld.idx.msk [tilespmem:v1+s13+$0x0], $0xffff  }
0x1c3: {  	v26 =	vor.u32 v0, v7;
	v1 =	vld [tilespmem:$0x1FED0]  }
0x1c4: {  	v52 =	vshll.u32 v9, $0x4;
	v9 =	vld [tilespmem:$0x1FEE0]  }
0x1c5: {  	v23 =	vshll.u32 v23, $0x4;
	v63 =	vld.idx.msk [tilespmem:v43+s13+$0x0], $0xffff  }
0x1c6: {  	v23 =	vor.u32 v0, v23;
	v24 =	vshll.u32 v24, $0x4;
	v12 =	vld.idx.msk [tilespmem:v12+s13+$0x0], $0xffff  }
0x1c7: {  	v19 =	vor.u32 v0, v24;
	v13 =	vimm.f32 $0.0e+00;
	v7 =	vshll.u32 v60, $0x4;
	v60 =	vld.idx.msk [tilespmem:v16+s13+$0x0], $0xffff  }
0x1c8: {  	[tilespmem:$0x1FF20] =	vst v13;
	v13 =	vimm.f32 $0.0e+00;
	v16 =	vld.idx.msk [tilespmem:v26+s13+$0x0], $0xffff;
	v43 =	vshll.u32 v1, $0x4;
	v1 =	vshll.u32 v20, $0x4  }
0x1c9: {  	v59 =	vshll.u32 v9, $0x4;
	v9 =	vld [tilespmem:$0x1FEF0];
	v24 =	vor.u32 v0, v1;
	v1 =	vshll.u32 v21, $0x4  }
0x1ca: {  	[tilespmem:$0x1FF30] =	vst v13;
	v13 =	vimm.f32 $0.0e+00;
	v21 =	vor.u32 v0, v1;
	v1 =	vld [tilespmem:$0x1FF00]  }
0x1cb: {  	[tilespmem:$0x1FF40] =	vst v13;
	v13 =	vimm.f32 $0.0e+00;
	v11 =	vld.idx.msk [tilespmem:v32+s13+$0x0], $0xffff  }
0x1cc: {  	[tilespmem:$0x1FF50] =	vst v13;
	v13 =	vimm.f32 $0.0e+00;
	v47 =	vld.idx.msk [tilespmem:v18+s13+$0x0], $0xffff  }
0x1cd: {  	[tilespmem:$0x1FF60] =	vst v13;
	v13 =	vimm.f32 $0.0e+00;
	v14 =	vshll.u32 v14, $0x4;
	v7 =	vor.u32 v0, v7;
	v18 =	vld.idx.msk [tilespmem:v51+s13+$0x0], $0xffff  }
0x1ce: {  	[tilespmem:$0x1FF70] =	vst v13;
	v51 =	vshll.u32 v9, $0x4;
	v9 =	vimm.f32 $0.0e+00;
	v20 =	vor.u32 v0, v14;
	v14 =	vld.idx.msk [tilespmem:v23+s13+$0x0], $0xffff  }
0x1cf: {  	s16 =	simm.s32 $0xF;
	v32 =	vimm.f32 $0.0e+00;
	[tilespmem:$0x1FF10] =	vst v9;
	v23 =	vshll.u32 v56, $0x4;
	v56 =	vld.idx.msk [tilespmem:v19+s13+$0x0], $0xffff;
	v1 =	vshll.u32 v1, $0x4  }
.LBB2_2:
0x1d0: {  	v9 =	vld [tilespmem:$0x1FE00];
	_ =	sdelay $0x4  }
0x1d1: {  	v13 =	vshll.u32 v9, $0x4;
	v9 =	vld [tilespmem:$0x1FE10];
	_ =	sdelay $0x3  }
0x1d2: {  	v61 =	vshll.u32 v61, $0x4  }
0x1d3: {  	v26 =	vshll.u32 v35, $0x4;
	v35 =	vor.u32 v0, v61;
	v61 =	vshll.u32 v9, $0x4;
	v9 =	vld [tilespmem:$0x1FE20];
	_ =	sdelay $0x3  }
0x1d4: {  	v19 =	vor.u32 v0, v23  }
0x1d5: {  	v22 =	vshll.u32 v9, $0x4;
	v9 =	vld [tilespmem:$0x1FE50];
	_ =	sdelay $0x2  }
0x1d6: {  	v8 =	vshll.u32 v8, $0x4  }
0x1d7: {  	v8 =	vor.u32 v0, v8;
	v19 =	vld.idx.msk [tilespmem:v19+s13+$0x0], $0xffff  }
0x1d8: {  	v5 =	vshll.u32 v5, $0x4;
	v28 =	vshll.u32 v9, $0x4;
	v9 =	vld [tilespmem:$0x1FF10]  }
0x1d9: {  	v23 =	vld.idx.msk [tilespmem:v7+s13+$0x0], $0xffff;
	v5 =	vor.u32 v0, v5  }
0x1da: {  	v17 =	vld.idx.msk [tilespmem:v17+s13+$0x0], $0xffff  }
0x1db: {  	v3 =	vshll.u32 v3, $0x4;
	v24 =	vld.idx.msk [tilespmem:v24+s13+$0x0], $0xffff  }
0x1dc: {  	v3 =	vor.u32 v0, v3;
	v8 =	vld.idx.msk [tilespmem:v8+s13+$0x0], $0xffff  }
0x1dd: {  	v45 =	vshll.u32 v45, $0x4;
	v19 =	vadd.f32 v19, v9;
	v9 =	vld [tilespmem:$0x1FF20]  }
0x1de: {  	v45 =	vor.u32 v0, v45;
	v5 =	vld.idx.msk [tilespmem:v5+s13+$0x0], $0xffff  }
0x1df: {  	v21 =	vld.idx.msk [tilespmem:v21+s13+$0x0], $0xffff  }
0x1e0: {  	v20 =	vld.idx.msk [tilespmem:v20+s13+$0x0], $0xffff;
	v26 =	vor.u32 v0, v26;
	v57 =	vshll.u32 v57, $0x4  }
0x1e1: {  	v57 =	vor.u32 v0, v57;
	v3 =	vld.idx.msk [tilespmem:v3+s13+$0x0], $0xffff  }
0x1e2: {  	v38 =	vshll.u32 v38, $0x4;
	v35 =	vld.idx.msk [tilespmem:v35+s13+$0x0], $0xffff;
	v19 =	vadd.f32 v24, v19;
	v8 =	vadd.f32 v8, v9  }
0x1e3: {  	v38 =	vor.u32 v0, v38;
	v45 =	vld.idx.msk [tilespmem:v45+s13+$0x0], $0xffff;
	v5 =	vadd.f32 v5, v32  }
0x1e4: {  	v31 =	vshll.u32 v31, $0x4;
	v32 =	vld [tilespmem:$0x1FF30];
	v17 =	vadd.f32 v17, v19;
	v8 =	vadd.f32 v21, v8  }
0x1e5: {  	v31 =	vor.u32 v0, v31;
	v26 =	vld.idx.msk [tilespmem:v26+s13+$0x0], $0xffff  }
0x1e6: {  	v57 =	vld.idx.msk [tilespmem:v57+s13+$0x0], $0xffff;
	v16 =	vadd.f32 v16, v17;
	v8 =	vadd.f32 v20, v8  }
0x1e7: {  	v5 =	vadd.f32 v35, v5  }
0x1e8: {  	v38 =	vld.idx.msk [tilespmem:v38+s13+$0x0], $0xffff;
	v16 =	vadd.f32 v18, v16;
	v8 =	vadd.f32 v23, v8  }
0x1e9: {  	v5 =	vadd.f32 v45, v5;
	v3 =	vadd.f32 v3, v32  }
0x1ea: {  	v42 =	vshll.u32 v42, $0x4;
	v31 =	vld.idx.msk [tilespmem:v31+s13+$0x0], $0xffff;
	v11 =	vadd.f32 v11, v16;
	v8 =	vadd.f32 v15, v8  }
0x1eb: {  	v61 =	vor.u32 v0, v61;
	v5 =	vadd.f32 v26, v5;
	v3 =	vadd.f32 v57, v3  }
0x1ec: {  	v20 =	vor.u32 v0, v42;
	v2 =	vadd.f32 v2, v11;
	v6 =	vadd.f32 v6, v8  }
0x1ed: {  	v5 =	vadd.f32 v14, v5;
	v3 =	vadd.f32 v38, v3;
	v14 =	vor.u32 v0, v28  }
0x1ee: {  	v7 =	vld [tilespmem:$0x1FDF0];
	v16 =	vor.u32 v0, v22;
	v2 =	vadd.f32 v55, v2;
	v6 =	vadd.f32 v62, v6  }
0x1ef: {  	v25 =	vld [tilespmem:$0x1FE30];
	v4 =	vadd.f32 v4, v5;
	v3 =	vadd.f32 v31, v3  }
0x1f0: {  	v54 =	vshll.u32 v54, $0x4;
	v49 =	vshll.u32 v49, $0x4;
	v57 =	vld.idx.msk [tilespmem:v61+s13+$0x0], $0xffff;
	[tilespmem:$0x1FF10] =	vst v2;
	v2 =	vadd.f32 v50, v6  }
0x1f1: {  	v4 =	vadd.f32 v58, v4;
	v3 =	vadd.f32 v12, v3;
	v24 =	vor.u32 v0, v54;
	v12 =	vld.idx.msk [tilespmem:v20+s13+$0x0], $0xffff  }
0x1f2: {  	v37 =	vshll.u32 v37, $0x4;
	v61 =	vor.u32 v0, v49;
	[tilespmem:$0x1FF20] =	vst v2;
	v2 =	vld.idx.msk [tilespmem:v14+s13+$0x0], $0xffff  }
0x1f3: {  	v4 =	vadd.f32 v46, v4;
	v42 =	vor.u32 v0, v37;
	v14 =	vld.idx.msk [tilespmem:v16+s13+$0x0], $0xffff  }
0x1f4: {  	v16 =	vld [tilespmem:$0x1FF60]  }
0x1f5: {  	v29 =	vshll.u32 v29, $0x4;
	[tilespmem:$0x1FDB0] =	vst v4;
	v4 =	vld [tilespmem:$0x1FF50]  }
0x1f6: {  	v3 =	vadd.f32 v63, v3;
	v23 =	vld.idx.msk [tilespmem:v24+s13+$0x0], $0xffff;
	v24 =	vor.u32 v0, v29  }
0x1f7: {  	v15 =	vld.idx.msk [tilespmem:v61+s13+$0x0], $0xffff  }
0x1f8: {  	v48 =	vshll.u32 v48, $0x4;
	v13 =	vor.u32 v0, v13;
	v3 =	vadd.f32 v53, v3;
	v8 =	vld.idx.msk [tilespmem:v42+s13+$0x0], $0xffff  }
0x1f9: {  	v48 =	vor.u32 v0, v48;
	v25 =	vshll.u32 v25, $0x4;
	v12 =	vadd.f32 v12, v16;
	v16 =	vld [tilespmem:$0x1FF70]  }
0x1fa: {  	v34 =	vshll.u32 v34, $0x4;
	v3 =	vadd.f32 v40, v3;
	v20 =	vor.u32 v0, v25  }
0x1fb: {  	v34 =	vor.u32 v0, v34;
	v7 =	vshll.u32 v7, $0x4;
	v11 =	vld.idx.msk [tilespmem:v24+s13+$0x0], $0xffff  }
0x1fc: {  	v39 =	vshll.u32 v39, $0x4;
	v7 =	vor.u32 v0, v7;
	[tilespmem:$0x1FF30] =	vst v3;
	v3 =	vld [tilespmem:$0x1FF40]  }
0x1fd: {  	v13 =	vld.idx.msk [tilespmem:v13+s13+$0x0], $0xffff;
	v21 =	vor.u32 v0, v39  }
0x1fe: {  	v45 =	vld.idx.msk [tilespmem:v48+s13+$0x0], $0xffff;
	v4 =	vadd.f32 v15, v4;
	v15 =	vor.u32 v0, v51;
	v8 =	vadd.f32 v8, v16  }
0x1ff: {  	v30 =	vshll.u32 v30, $0x4;
	v16 =	vld.idx.msk [tilespmem:v20+s13+$0x0], $0xffff  }
0x200: {  	v30 =	vor.u32 v0, v30;
	v19 =	vld.idx.msk [tilespmem:v34+s13+$0x0], $0xffff;
	v8 =	vadd.f32 v11, v8  }
0x201: {  	v7 =	vld.idx.msk [tilespmem:v7+s13+$0x0], $0xffff;
	v3 =	vadd.f32 v23, v3  }
0x202: {  	v17 =	vld.idx.msk [tilespmem:v21+s13+$0x0], $0xffff;
	v2 =	vadd.f32 v2, v8  }
0x203: {  	v3 =	vadd.f32 v45, v3;
	v8 =	vld.idx.msk [tilespmem:v15+s13+$0x0], $0xffff  }
0x204: {  	v2 =	vadd.f32 v16, v2  }
0x205: {  	v30 =	vld.idx.msk [tilespmem:v30+s13+$0x0], $0xffff;
	v3 =	vadd.f32 v19, v3  }
0x206: {  	v33 =	vshll.u32 v33, $0x4;
	v2 =	vadd.f32 v7, v2  }
0x207: {  	v21 =	vor.u32 v0, v33;
	v3 =	vadd.f32 v13, v3  }
0x208: {  	v27 =	vshll.u32 v27, $0x4;
	v4 =	vadd.f32 v17, v4;
	v2 =	vadd.f32 v8, v2;
	v8 =	vld [tilespmem:$0x1FE80]  }
0x209: {  	v18 =	vor.u32 v0, v27;
	v3 =	vadd.f32 v60, v3  }
0x20a: {  	v4 =	vadd.f32 v30, v4  }
0x20b: {  	v3 =	vadd.f32 v47, v3  }
0x20c: {  	v1 =	vor.u32 v0, v1;
	v5 =	vld.idx.msk [tilespmem:v21+s13+$0x0], $0xffff;
	v4 =	vadd.f32 v57, v4  }
0x20d: {  	v3 =	vadd.f32 v8, v3;
	v8 =	vld [tilespmem:$0x1FE90]  }
0x20e: {  	v18 =	vld.idx.msk [tilespmem:v18+s13+$0x0], $0xffff;
	v4 =	vadd.f32 v56, v4  }
0x20f: {  	v6 =	vor.u32 v0, v59  }
0x210: {  	v4 =	vadd.f32 v41, v4  }
0x211: {  	v1 =	vld.idx.msk [tilespmem:v1+s13+$0x0], $0xffff;
	v5 =	vadd.f32 v5, v12;
	v20 =	vor.u32 v0, v52  }
0x212: {  	v17 =	vor.u32 v0, v43;
	v4 =	vadd.f32 v8, v4;
	v8 =	vld [tilespmem:$0x1FE60]  }
0x213: {  	v32 =	vld [tilespmem:$0x1FFF0];
	v5 =	vadd.f32 v18, v5;
	v11 =	vor.u32 v0, v44  }
0x214: {  	v6 =	vld.idx.msk [tilespmem:v6+s13+$0x0], $0xffff  }
0x215: {  	v9 =	vld [tilespmem:$0x1FE40];
	v12 =	vor.u32 v0, v36;
	v5 =	vadd.f32 v14, v5  }
0x216: {  	v13 =	vld.idx.msk [tilespmem:v20+s13+$0x0], $0xffff  }
0x217: {  	v14 =	vld.idx.msk [tilespmem:v17+s13+$0x0], $0xffff;
	v1 =	vadd.f32 v1, v5;
	v3 =	vadd.f32 v8, v3  }
0x218: {  	v11 =	vld.idx.msk [tilespmem:v11+s13+$0x0], $0xffff  }
0x219: {  	v1 =	vadd.f32 v6, v1;
	[tilespmem:$0x1FF40] =	vst v3;
	v3 =	vld [tilespmem:$0x1FE70]  }
0x21a: {  	v5 =	vld.idx.msk [tilespmem:v12+s13+$0x0], $0xffff  }
0x21b: {  	v49 =	vld [tilespmem:$0x1FFC0];
	v15 =	vadd.s32 s16, v9;
	v1 =	vadd.f32 v13, v1  }
0x21c: {  	v42 =	vld [tilespmem:$0x1FFA0];
	vm0 =	vgt.u32 v15, $0xC7;
	v7 =	vadd.s32 s16, v10  }
0x21d: {  	v46 =	vld [tilespmem:$0x1FFB0];
	v7 =	vsel vm0, v7, v15;
	v2 =	vadd.f32 v14, v2;
	v1 =	vadd.f32 v11, v1  }
0x21e: {  	v54 =	vld [tilespmem:$0x1FF80];
	v6 =	vand.u32 $0x7F, v7;
	v7 =	vshll.u32 v7, $0x3;
	v3 =	vadd.f32 v3, v4  }
0x21f: {  	v62 =	vld [tilespmem:$0x1FFE0];
	v7 =	vand.u32 $0xFFFFFC00, v7;
	[tilespmem:$0x1FF60] =	vst v1;
	v1 =	vadd.f32 v5, v2  }
0x220: {  	v50 =	vld [tilespmem:$0x1FFD0];
	[tilespmem:$0x1FF50] =	vst v3;
	v3 =	vor.u32 v6, v7  }
0x221: {  	s17 =	sadd.s32 $0xFFFFFFFF, s16;
	v55 =	vld [tilespmem:$0x1FF90];
	[tilespmem:$0x1FF70] =	vst v1;
	v1 =	vadd.s32 v42, v3  }
0x222: {  	v2 =	vadd.s32 s17, v9  }
0x223: {  	vm9 =	vgt.u32 v2, $0xC7  }
0x224: {  	v6 =	vadd.s32 s17, v10;
	v4 =	vadd.s32 v46, v3;
	v5 =	vadd.s32 v49, v3  }
0x225: {  	v7 =	vadd.s32 v62, v3;
	v6 =	vsel vm9, v6, v2;
	v8 =	vadd.s32 v50, v3  }
0x226: {  	v13 =	vadd.s32 v55, v3;
	v2 =	vld.idx.msk [tilespmem:v1+s3+$0x0], $0xffff;
	v1 =	vadd.s32 v32, v3;
	v3 =	vadd.s32 v54, v3;
	_ =	sdelay $0x4  }
0x227: {  	v3 =	vld.idx.msk [tilespmem:v3+s3+$0x0], $0xffff  }
0x228: {  	s25 =	sadd.s32 $0xFFFFFFFE, s16;
	v11 =	vshll.u32 v6, $0x3  }
0x229: {  	v6 =	vand.u32 $0x7F, v6;
	v11 =	vand.u32 $0xFFFFFC00, v11;
	v12 =	vld.idx.msk [tilespmem:v8+s3+$0x0], $0xffff;
	v8 =	vadd.s32 s25, v9  }
0x22a: {  	v14 =	vor.u32 v6, v11;
	vm10 =	vgt.u32 v8, $0xC7;
	v22 =	vld.idx.msk [tilespmem:v1+s3+$0x0], $0xffff;
	v1 =	vadd.s32 s25, v10  }
0x22b: {  	v15 =	vadd.s32 v49, v14;
	v1 =	vsel vm10, v1, v8  }
0x22c: {  	v6 =	vld.idx.msk [tilespmem:v5+s3+$0x0], $0xffff;
	v5 =	vadd.s32 v42, v14;
	[tilespmem:$0x1FDC0] =	vst v3;
	v3 =	vshll.u32 v1, $0x3  }
0x22d: {  	v11 =	vld.idx.msk [tilespmem:v7+s3+$0x0], $0xffff;
	v7 =	vadd.s32 v46, v14;
	v1 =	vand.u32 $0x7F, v1;
	v3 =	vand.u32 $0xFFFFFC00, v3  }
0x22e: {  	v1 =	vor.u32 v1, v3;
	v3 =	vadd.s32 v54, v14  }
0x22f: {  	v16 =	vadd.s32 v62, v14;
	v36 =	vld.idx.msk [tilespmem:v13+s3+$0x0], $0xffff  }
0x230: {  	v58 =	vld.idx.msk [tilespmem:v15+s3+$0x0], $0xffff;
	v8 =	vadd.s32 v50, v14  }
0x231: {  	v25 =	vld.idx.msk [tilespmem:v5+s3+$0x0], $0xffff;
	v5 =	vadd.s32 v32, v14  }
0x232: {  	v28 =	vld.idx.msk [tilespmem:v7+s3+$0x0], $0xffff;
	v7 =	vadd.s32 v55, v14  }
0x233: {  	v13 =	vadd.s32 v42, v1;
	v3 =	vld.idx.msk [tilespmem:v3+s3+$0x0], $0xffff  }
0x234: {  	s26 =	sadd.s32 $0xFFFFFFFD, s16;
	v40 =	vld.idx.msk [tilespmem:v16+s3+$0x0], $0xffff;
	v15 =	vadd.s32 v46, v1  }
0x235: {  	v41 =	vld.idx.msk [tilespmem:v8+s3+$0x0], $0xffff;
	v8 =	vadd.s32 s26, v9;
	v16 =	vadd.s32 v49, v1  }
0x236: {  	v44 =	vld.idx.msk [tilespmem:v5+s3+$0x0], $0xffff;
	v5 =	vadd.s32 s26, v10;
	vm11 =	vgt.u32 v8, $0xC7;
	v17 =	vadd.s32 v62, v1  }
0x237: {  	v43 =	vld.idx.msk [tilespmem:v7+s3+$0x0], $0xffff;
	v5 =	vsel vm11, v5, v8;
	v7 =	vadd.s32 v50, v1  }
0x238: {  	v8 =	vadd.s32 v32, v1;
	v14 =	vld.idx.msk [tilespmem:v13+s3+$0x0], $0xffff;
	[tilespmem:$0x1FDD0] =	vst v3;
	v3 =	vshll.u32 v5, $0x3  }
0x239: {  	v47 =	vld.idx.msk [tilespmem:v15+s3+$0x0], $0xffff;
	v13 =	vadd.s32 v55, v1;
	v5 =	vand.u32 $0x7F, v5;
	v3 =	vand.u32 $0xFFFFFC00, v3  }
0x23a: {  	v52 =	vld.idx.msk [tilespmem:v16+s3+$0x0], $0xffff;
	v1 =	vadd.s32 v54, v1;
	v3 =	vor.u32 v5, v3  }
0x23b: {  	v53 =	vld.idx.msk [tilespmem:v17+s3+$0x0], $0xffff;
	v5 =	vadd.s32 v42, v3  }
0x23c: {  	s28 =	sadd.s32 $0xFFFFFFFC, s16;
	v59 =	vld.idx.msk [tilespmem:v7+s3+$0x0], $0xffff;
	v15 =	vadd.s32 v46, v3  }
0x23d: {  	v7 =	vadd.s32 s28, v9;
	v60 =	vld.idx.msk [tilespmem:v8+s3+$0x0], $0xffff;
	v16 =	vadd.s32 v49, v3  }
0x23e: {  	v8 =	vadd.s32 s28, v10;
	vm12 =	vgt.u32 v7, $0xC7;
	v56 =	vld.idx.msk [tilespmem:v13+s3+$0x0], $0xffff;
	v17 =	vadd.s32 v62, v3  }
0x23f: {  	v7 =	vsel vm12, v8, v7;
	v51 =	vld.idx.msk [tilespmem:v1+s3+$0x0], $0xffff;
	v8 =	vadd.s32 v50, v3  }
0x240: {  	v1 =	vshll.u32 v7, $0x3;
	v63 =	vld.idx.msk [tilespmem:v5+s3+$0x0], $0xffff;
	v5 =	vadd.s32 v32, v3  }
0x241: {  	v13 =	vand.u32 $0xFFFFFC00, v1;
	v19 =	vadd.s32 v55, v3;
	v1 =	vld.idx.msk [tilespmem:v15+s3+$0x0], $0xffff;
	v3 =	vadd.s32 v54, v3  }
0x242: {  	v7 =	vand.u32 $0x7F, v7;
	v15 =	vld.idx.msk [tilespmem:v16+s3+$0x0], $0xffff  }
0x243: {  	s29 =	sadd.s32 $0xFFFFFFFB, s16;
	v7 =	vor.u32 v7, v13;
	v16 =	vld.idx.msk [tilespmem:v17+s3+$0x0], $0xffff  }
0x244: {  	v13 =	vadd.s32 v42, v7;
	v17 =	vld.idx.msk [tilespmem:v8+s3+$0x0], $0xffff;
	v8 =	vadd.s32 s29, v9  }
0x245: {  	v26 =	vadd.s32 v32, v7;
	vm13 =	vgt.u32 v8, $0xC7;
	v18 =	vld.idx.msk [tilespmem:v5+s3+$0x0], $0xffff;
	v5 =	vadd.s32 s29, v10  }
0x246: {  	v3 =	vld.idx.msk [tilespmem:v3+s3+$0x0], $0xffff;
	v5 =	vsel vm13, v5, v8;
	v8 =	vadd.s32 v50, v7  }
0x247: {  	v21 =	vadd.s32 v46, v7;
	v19 =	vld.idx.msk [tilespmem:v19+s3+$0x0], $0xffff;
	_ =	sdelay $0x1  }
0x248: {  	v23 =	vadd.s32 v49, v7;
	v20 =	vld.idx.msk [tilespmem:v13+s3+$0x0], $0xffff  }
0x249: {  	v13 =	vld.idx.msk [tilespmem:v26+s3+$0x0], $0xffff  }
0x24a: {  	v24 =	vadd.s32 v62, v7;
	[tilespmem:$0x1FDF0] =	vst v3;
	v3 =	vshll.u32 v5, $0x3;
	v8 =	vld.idx.msk [tilespmem:v8+s3+$0x0], $0xffff  }
0x24b: {  	[tilespmem:$0x1FDE0] =	vst v19;
	v19 =	vld.idx.msk [tilespmem:v21+s3+$0x0], $0xffff;
	v21 =	vadd.s32 v55, v7;
	v5 =	vand.u32 $0x7F, v5;
	v3 =	vand.u32 $0xFFFFFC00, v3  }
0x24c: {  	v3 =	vor.u32 v5, v3;
	v5 =	vadd.s32 v54, v7  }
0x24d: {  	v35 =	vld.idx.msk [tilespmem:v23+s3+$0x0], $0xffff;
	v23 =	vadd.s32 v46, v3  }
0x24e: {  	s30 =	sadd.s32 $0xFFFFFFFA, s16  }
0x24f: {  	v31 =	vld.idx.msk [tilespmem:v24+s3+$0x0], $0xffff;
	v26 =	vadd.s32 s30, v10;
	[tilespmem:$0x1FE00] =	vst v8;
	v8 =	vadd.s32 s30, v9  }
0x250: {  	[tilespmem:$0x1FE10] =	vst v13;
	v13 =	vld.idx.msk [tilespmem:v21+s3+$0x0], $0xffff;
	v7 =	vadd.s32 v42, v3;
	v24 =	vadd.s32 v49, v3;
	vm14 =	vgt.u32 v8, $0xC7  }
0x251: {  	v27 =	vadd.s32 v62, v3;
	v29 =	vadd.s32 v32, v3;
	v5 =	vld.idx.msk [tilespmem:v5+s3+$0x0], $0xffff;
	v8 =	vsel vm14, v26, v8  }
0x252: {  	v26 =	vadd.s32 v50, v3;
	v21 =	vld.idx.msk [tilespmem:v23+s3+$0x0], $0xffff;
	v23 =	vadd.s32 v55, v3;
	v3 =	vadd.s32 v54, v3;
	_ =	sdelay $0x2  }
0x253: {  	v4 =	vld.idx.msk [tilespmem:v4+s3+$0x0], $0xffff  }
0x254: {  	v45 =	vld.idx.msk [tilespmem:v24+s3+$0x0], $0xffff;
	[tilespmem:$0x1FE30] =	vst v5;
	v5 =	vshll.u32 v8, $0x3  }
0x255: {  	v12 =	vshll.u32 v12, $0x4;
	v8 =	vand.u32 $0x7F, v8;
	v5 =	vand.u32 $0xFFFFFC00, v5;
	v3 =	vld.idx.msk [tilespmem:v3+s3+$0x0], $0xffff  }
0x256: {  	s31 =	sadd.s32 $0xFFFFFFF9, s16;
	v12 =	vor.u32 v0, v12;
	v38 =	vld.idx.msk [tilespmem:v27+s3+$0x0], $0xffff;
	v5 =	vor.u32 v8, v5  }
0x257: {  	v24 =	vadd.s32 s31, v9;
	v30 =	vld.idx.msk [tilespmem:v29+s3+$0x0], $0xffff;
	v8 =	vadd.s32 v42, v5  }
0x258: {  	v29 =	vadd.s32 s31, v10;
	vm15 =	vgt.u32 v24, $0xC7;
	v34 =	vld.idx.msk [tilespmem:v26+s3+$0x0], $0xffff;
	v48 =	vadd.s32 v46, v5  }
0x259: {  	v27 =	vld.idx.msk [tilespmem:v23+s3+$0x0], $0xffff;
	v23 =	vsel vm15, v29, v24;
	v26 =	vadd.s32 v49, v5  }
0x25a: {  	v7 =	vld.idx.msk [tilespmem:v7+s3+$0x0], $0xffff;
	v57 =	vadd.s32 v62, v5;
	[tilespmem:$0x1FE50] =	vst v3;
	v3 =	vshll.u32 v23, $0x3  }
0x25b: {  	v9 =	vld.idx.msk [tilespmem:v12+s13+$0x0], $0xffff;
	v61 =	vand.u32 $0x7F, v23;
	v29 =	vadd.s32 v50, v5;
	v3 =	vand.u32 $0xFFFFFC00, v3  }
0x25c: {  	v24 =	vld.idx.msk [tilespmem:v8+s3+$0x0], $0xffff;
	v8 =	vadd.s32 v32, v5;
	v3 =	vor.u32 v61, v3  }
0x25d: {  	v23 =	vld.idx.msk [tilespmem:v48+s3+$0x0], $0xffff;
	v37 =	vadd.s32 v46, v3  }
0x25e: {  	v61 =	vld.idx.msk [tilespmem:v26+s3+$0x0], $0xffff;
	v46 =	vadd.s32 v62, v3  }
0x25f: {  	v57 =	vld.idx.msk [tilespmem:v57+s3+$0x0], $0xffff;
	v26 =	vadd.s32 v42, v3;
	v42 =	vadd.s32 v49, v3;
	v49 =	vadd.s32 v50, v3  }
0x260: {  	v2 =	vshll.u32 v2, $0x4;
	v48 =	vld.idx.msk [tilespmem:v29+s3+$0x0], $0xffff;
	v50 =	vadd.s32 v32, v3  }
0x261: {  	v4 =	vshll.u32 v4, $0x4;
	v2 =	vor.u32 v0, v2;
	v39 =	vld.idx.msk [tilespmem:v8+s3+$0x0], $0xffff  }
0x262: {  	v6 =	vshll.u32 v6, $0x4;
	v11 =	vshll.u32 v11, $0x4;
	v4 =	vor.u32 v0, v4;
	v8 =	vld.idx.msk [tilespmem:v37+s3+$0x0], $0xffff  }
0x263: {  	v6 =	vor.u32 v0, v6;
	v62 =	vadd.s32 v54, v3;
	v37 =	vadd.s32 v55, v3;
	v3 =	vld.idx.msk [tilespmem:v46+s3+$0x0], $0xffff  }
0x264: {  	v11 =	vor.u32 v0, v11;
	v33 =	vadd.s32 v55, v5;
	v5 =	vadd.s32 v54, v5;
	v54 =	vld.idx.msk [tilespmem:v49+s3+$0x0], $0xffff  }
0x265: {  	v22 =	vshll.u32 v22, $0x4;
	v25 =	vshll.u32 v25, $0x4;
	v49 =	vld.idx.msk [tilespmem:v50+s3+$0x0], $0xffff  }
0x266: {  	v55 =	vld.idx.msk [tilespmem:v2+s13+$0x0], $0xffff;
	v2 =	vor.u32 v0, v22;
	v22 =	vor.u32 v0, v25;
	v25 =	vshll.u32 v28, $0x4  }
0x267: {  	v50 =	vld.idx.msk [tilespmem:v4+s13+$0x0], $0xffff;
	v4 =	vor.u32 v0, v25;
	v25 =	vshll.u32 v58, $0x4  }
0x268: {  	v46 =	vld.idx.msk [tilespmem:v6+s13+$0x0], $0xffff;
	v6 =	vor.u32 v0, v25;
	v25 =	vshll.u32 v40, $0x4  }
0x269: {  	v40 =	vld.idx.msk [tilespmem:v11+s13+$0x0], $0xffff;
	v11 =	vor.u32 v0, v25;
	v25 =	vshll.u32 v41, $0x4  }
0x26a: {  	v29 =	vld.idx.msk [tilespmem:v5+s3+$0x0], $0xffff;
	v12 =	vor.u32 v0, v25  }
0x26b: {  	v2 =	vld.idx.msk [tilespmem:v2+s13+$0x0], $0xffff  }
0x26c: {  	v5 =	vld.idx.msk [tilespmem:v42+s3+$0x0], $0xffff  }
0x26d: {  	v42 =	vld.idx.msk [tilespmem:v37+s3+$0x0], $0xffff  }
0x26e: {  	v14 =	vshll.u32 v14, $0x4;
	v37 =	vld.idx.msk [tilespmem:v62+s3+$0x0], $0xffff  }
0x26f: {  	v14 =	vor.u32 v0, v14;
	[tilespmem:$0x1FE60] =	vst v9;
	v25 =	vshll.u32 v44, $0x4;
	v9 =	vld.idx.msk [tilespmem:v12+s13+$0x0], $0xffff  }
0x270: {  	[tilespmem:$0x1FE70] =	vst v2;
	v2 =	vld.idx.msk [tilespmem:v22+s13+$0x0], $0xffff;
	v22 =	vor.u32 v0, v25;
	v25 =	vshll.u32 v47, $0x4  }
0x271: {  	v62 =	vld.idx.msk [tilespmem:v4+s13+$0x0], $0xffff;
	v4 =	vor.u32 v0, v25;
	v25 =	vshll.u32 v52, $0x4  }
0x272: {  	v58 =	vld.idx.msk [tilespmem:v6+s13+$0x0], $0xffff;
	v6 =	vshll.u32 v53, $0x4;
	v25 =	vor.u32 v0, v25  }
0x273: {  	v1 =	vshll.u32 v1, $0x4;
	v53 =	vld.idx.msk [tilespmem:v11+s13+$0x0], $0xffff;
	v28 =	vor.u32 v0, v6  }
0x274: {  	v1 =	vor.u32 v0, v1;
	v6 =	vshll.u32 v59, $0x4;
	v11 =	vld.idx.msk [tilespmem:v14+s13+$0x0], $0xffff  }
0x275: {  	v12 =	vor.u32 v0, v6;
	v6 =	vshll.u32 v60, $0x4;
	[tilespmem:$0x1FE80] =	vst v9;
	v9 =	vld.idx.msk [tilespmem:v22+s13+$0x0], $0xffff  }
0x276: {  	v15 =	vshll.u32 v15, $0x4;
	v14 =	vor.u32 v0, v6;
	v6 =	vld.idx.msk [tilespmem:v4+s13+$0x0], $0xffff  }
0x277: {  	v4 =	vld.idx.msk [tilespmem:v25+s13+$0x0], $0xffff;
	v25 =	vor.u32 v0, v15;
	v15 =	vshll.u32 v16, $0x4  }
0x278: {  	v22 =	vshll.u32 v63, $0x4;
	v63 =	vld.idx.msk [tilespmem:v28+s13+$0x0], $0xffff;
	v16 =	vor.u32 v0, v15;
	v15 =	vshll.u32 v17, $0x4  }
0x279: {  	v28 =	vor.u32 v0, v15;
	v15 =	vld.idx.msk [tilespmem:v1+s13+$0x0], $0xffff  }
0x27a: {  	v1 =	vld [tilespmem:$0x1FDC0]  }
0x27b: {  	v33 =	vld.idx.msk [tilespmem:v33+s3+$0x0], $0xffff  }
0x27c: {  	v32 =	vld [tilespmem:$0x1FDB0];
	v22 =	vor.u32 v0, v22  }
0x27d: {  	v26 =	vld.idx.msk [tilespmem:v26+s3+$0x0], $0xffff  }
0x27e: {  	v44 =	vshll.u32 v36, $0x4;
	v47 =	vld.idx.msk [tilespmem:v12+s13+$0x0], $0xffff  }
0x27f: {  	v12 =	vshll.u32 v18, $0x4;
	v41 =	vld.idx.msk [tilespmem:v14+s13+$0x0], $0xffff;
	v36 =	vshll.u32 v1, $0x4;
	v1 =	vshll.u32 v7, $0x4  }
0x280: {  	v14 =	vshll.u32 v20, $0x4;
	[tilespmem:$0x1FE90] =	vst v9;
	v9 =	vld [tilespmem:$0x1FDD0];
	v17 =	vor.u32 v0, v1;
	v1 =	vshll.u32 v21, $0x4  }
0x281: {  	[tilespmem:$0x1FE20] =	vst v13;
	v13 =	vor.u32 v0, v14;
	v18 =	vld.idx.msk [tilespmem:v22+s13+$0x0], $0xffff;
	v20 =	vor.u32 v0, v1;
	v1 =	vshll.u32 v23, $0x4  }
0x282: {  	p0 =	sne.s32 s16, $0xC7;
	v22 =	vor.u32 v0, v12;
	v21 =	vor.u32 v0, v1;
	v1 =	vld [tilespmem:$0x1FDE0]  }
.Ltmp0:
0x283: {  	v12 =	vshll.u32 v19, $0x4;
	v14 =	vld.idx.msk [tilespmem:v25+s13+$0x0], $0xffff;
	(pc) =	sbr.rel @p0 .LBB2_2-.Ltmp0, $4  }
0x284: {  	v7 =	vor.u32 v0, v12;
	v12 =	vld.idx.msk [tilespmem:v16+s13+$0x0], $0xffff  }
0x285: {  	v51 =	vshll.u32 v51, $0x4;
	v16 =	vshll.u32 v24, $0x4;
	v60 =	vld.idx.msk [tilespmem:v28+s13+$0x0], $0xffff  }
0x286: {  	v59 =	vshll.u32 v56, $0x4;
	v52 =	vshll.u32 v43, $0x4;
	v24 =	vor.u32 v0, v16;
	v16 =	vld.idx.msk [tilespmem:v13+s13+$0x0], $0xffff  }
0x287: {  	s16 =	sadd.s32 $0x8, s16;
	v43 =	vshll.u32 v9, $0x4;
	v56 =	vld.idx.msk [tilespmem:v22+s13+$0x0], $0xffff;
	v23 =	vshll.u32 v26, $0x4;
	v1 =	vshll.u32 v1, $0x4  }
0x288: {  	v9 =	vor.u32 v0, v23;
	_ =	sdelay $0x3  }
0x289: {  	v28 =	vld [tilespmem:$0x1FF10]  }
0x28a: {  	v9 =	vld.idx.msk [tilespmem:v9+s13+$0x0], $0xffff;
	_ =	sdelay $0x1  }
0x28b: {  	v10 =	vld.idx.msk [tilespmem:v24+s13+$0x0], $0xffff;
	_ =	sdelay $0x1  }
0x28c: {  	v13 =	vld.idx.msk [tilespmem:v17+s13+$0x0], $0xffff  }
0x28d: {  	v9 =	vadd.f32 v9, v28;
	_ =	sdelay $0x1  }
0x28e: {  	v9 =	vadd.f32 v10, v9;
	_ =	sdelay $0x1  }
0x28f: {  	v9 =	vadd.f32 v13, v9  }
0x290: {  	v8 =	vshll.u32 v8, $0x4  }
0x291: {  	v8 =	vor.u32 v0, v8;
	v9 =	vadd.f32 v16, v9;
	_ =	sdelay $0x1  }
0x292: {  	v9 =	vadd.f32 v18, v9;
	_ =	sdelay $0x1  }
0x293: {  	v9 =	vadd.f32 v11, v9  }
0x294: {  	v8 =	vld.idx.msk [tilespmem:v8+s13+$0x0], $0xffff  }
0x295: {  	v9 =	vadd.f32 v2, v9;
	v2 =	vld [tilespmem:$0x1FF20];
	_ =	sdelay $0x1  }
0x296: {  	v18 =	vld.idx.msk [tilespmem:v21+s13+$0x0], $0xffff;
	_ =	sdelay $0x1  }
0x297: {  	v19 =	vld.idx.msk [tilespmem:v20+s13+$0x0], $0xffff  }
0x298: {  	v8 =	vadd.f32 v8, v2;
	v2 =	vld [tilespmem:$0x9080]  }
0x299: {  	v7 =	vld.idx.msk [tilespmem:v7+s13+$0x0], $0xffff;
	v9 =	vadd.f32 v55, v9  }
0x29a: {  	v5 =	vshll.u32 v5, $0x4;
	v8 =	vadd.f32 v18, v8  }
0x29b: {  	v5 =	vor.u32 v0, v5;
	v9 =	vmul.f32 $4.999999890e-03, v9  }
0x29c: {  	v20 =	vshll.u32 v61, $0x4;
	v8 =	vadd.f32 v19, v8  }
0x29d: {  	v10 =	vor.u32 v0, v20;
	v9 =	vadd.f32 v2, v9  }
0x29e: {  	v21 =	vshll.u32 v45, $0x4;
	v7 =	vadd.f32 v7, v8  }
0x29f: {  	v8 =	vor.u32 v0, v21;
	v9 =	vsub.f32 $0.0e+00, v9  }
0x2a0: {  	v22 =	vshll.u32 v35, $0x4;
	v5 =	vld.idx.msk [tilespmem:v5+s13+$0x0], $0xffff;
	v7 =	vadd.f32 v15, v7  }
0x2a1: {  	v11 =	vor.u32 v0, v22;
	v9 =	vmul.f32 $1.442695020e+00, v9  }
0x2a2: {  	v23 =	vld.idx.msk [tilespmem:v10+s13+$0x0], $0xffff;
	v6 =	vadd.f32 v6, v7  }
0x2a3: {  	(erf) = vpow2.f32 v9  }
0x2a4: {  	v8 =	vld.idx.msk [tilespmem:v8+s13+$0x0], $0xffff;
	v6 =	vadd.f32 v62, v6  }
0x2a5: {  	v3 =	vshll.u32 v3, $0x4;
	v5 =	vadd.f32 v5, v32  }
0x2a6: {  	v3 =	vor.u32 v0, v3;
	v24 =	vld.idx.msk [tilespmem:v11+s13+$0x0], $0xffff;
	v6 =	vadd.f32 v50, v6  }
0x2a7: {  	v25 =	vshll.u32 v57, $0x4;
	v5 =	vadd.f32 v23, v5  }
0x2a8: {  	v7 =	vor.u32 v0, v25;
	v6 =	vmul.f32 $4.999999890e-03, v6  }
0x2a9: {  	v26 =	vshll.u32 v38, $0x4;
	v5 =	vadd.f32 v8, v5  }
0x2aa: {  	v38 =	vld [tilespmem:$0x1FF30];
	v8 =	vor.u32 v0, v26;
	v6 =	vadd.f32 v2, v6  }
0x2ab: {  	v3 =	vld.idx.msk [tilespmem:v3+s13+$0x0], $0xffff;
	v5 =	vadd.f32 v24, v5  }
0x2ac: {  	v28 =	vpop (erf);
	v6 =	vsub.f32 $0.0e+00, v6  }
0x2ad: {  	v31 =	vshll.u32 v31, $0x4;
	v32 =	vld.idx.msk [tilespmem:v7+s13+$0x0], $0xffff;
	v5 =	vadd.f32 v14, v5;
	v9 =	vadd.f32 $1.000000000e+00, v28  }
0x2ae: {  	v10 =	vor.u32 v0, v31;
	v6 =	vmul.f32 $1.442695020e+00, v6  }
0x2af: {  	v35 =	vld.idx.msk [tilespmem:v8+s13+$0x0], $0xffff;
	v4 =	vadd.f32 v4, v5;
	(erf) = vrcp.f32 v9  }
0x2b0: {  	v3 =	vadd.f32 v3, v38;
	(erf) = vpow2.f32 v6  }
0x2b1: {  	v4 =	vadd.f32 v58, v4  }
0x2b2: {  	v3 =	vadd.f32 v32, v3  }
0x2b3: {  	v45 =	vld.idx.msk [tilespmem:v10+s13+$0x0], $0xffff;
	v4 =	vadd.f32 v46, v4  }
0x2b4: {  	v46 =	vshll.u32 v54, $0x4;
	v3 =	vadd.f32 v35, v3  }
0x2b5: {  	v57 =	vld [tilespmem:$0x1FE00];
	v5 =	vor.u32 v0, v46;
	v4 =	vmul.f32 $4.999999890e-03, v4  }
0x2b6: {  	v48 =	vshll.u32 v48, $0x4  }
0x2b7: {  	v50 =	vor.u32 v0, v48;
	v4 =	vadd.f32 v2, v4  }
0x2b8: {  	v54 =	vshll.u32 v34, $0x4;
	v7 =	vadd.f32 v45, v3;
	v3 =	vpop (erf)  }
0x2b9: {  	v62 =	vld [tilespmem:$0x1FF40];
	v8 =	vor.u32 v0, v54;
	v4 =	vsub.f32 $0.0e+00, v4;
	v55 =	vpop (erf)  }
0x2ba: {  	v10 =	vshll.u32 v57, $0x4;
	v7 =	vadd.f32 v12, v7;
	v5 =	vld.idx.msk [tilespmem:v5+s13+$0x0], $0xffff;
	v9 =	vadd.f32 $1.000000000e+00, v55  }
0x2bb: {  	v10 =	vor.u32 v0, v10;
	v4 =	vmul.f32 $1.442695020e+00, v4  }
0x2bc: {  	v6 =	vld.idx.msk [tilespmem:v50+s13+$0x0], $0xffff;
	v7 =	vadd.f32 v63, v7;
	(erf) = vrcp.f32 v9  }
0x2bd: {  	(erf) = vpow2.f32 v4  }
0x2be: {  	v61 =	vld.idx.msk [tilespmem:v8+s13+$0x0], $0xffff;
	v58 =	vadd.f32 v53, v7  }
0x2bf: {  	v5 =	vadd.f32 v5, v62  }
0x2c0: {  	v63 =	vld.idx.msk [tilespmem:v10+s13+$0x0], $0xffff;
	v4 =	vadd.f32 v40, v58  }
0x2c1: {  	v12 =	vshll.u32 v49, $0x4;
	v5 =	vadd.f32 v6, v5  }
0x2c2: {  	v17 =	vld [tilespmem:$0x1FE10];
	v6 =	vor.u32 v0, v12;
	v4 =	vmul.f32 $4.999999890e-03, v4  }
0x2c3: {  	v13 =	vshll.u32 v39, $0x4;
	v5 =	vadd.f32 v61, v5  }
0x2c4: {  	v14 =	vor.u32 v0, v13;
	v4 =	vadd.f32 v2, v4  }
0x2c5: {  	v20 =	vld [tilespmem:$0x1FF50];
	v15 =	vshll.u32 v30, $0x4;
	v5 =	vadd.f32 v63, v5;
	v8 =	vpop (erf)  }
0x2c6: {  	v18 =	vld [tilespmem:$0x1FE80];
	v9 =	vor.u32 v0, v15;
	v4 =	vsub.f32 $0.0e+00, v4;
	v16 =	vpop (erf)  }
0x2c7: {  	v11 =	vshll.u32 v17, $0x4;
	v6 =	vld.idx.msk [tilespmem:v6+s13+$0x0], $0xffff;
	v5 =	vadd.f32 v60, v5;
	v10 =	vadd.f32 $1.000000000e+00, v16  }
0x2c8: {  	v11 =	vor.u32 v0, v11;
	v21 =	vld [tilespmem:$0x1FE60];
	v4 =	vmul.f32 $1.442695020e+00, v4  }
0x2c9: {  	v7 =	vld.idx.msk [tilespmem:v14+s13+$0x0], $0xffff;
	v5 =	vadd.f32 v47, v5;
	(erf) = vrcp.f32 v10  }
0x2ca: {  	(erf) = vpow2.f32 v4  }
0x2cb: {  	v19 =	vld.idx.msk [tilespmem:v9+s13+$0x0], $0xffff;
	v4 =	vadd.f32 v18, v5  }
0x2cc: {  	v6 =	vadd.f32 v6, v20  }
0x2cd: {  	v22 =	vld.idx.msk [tilespmem:v11+s13+$0x0], $0xffff;
	v4 =	vadd.f32 v21, v4  }
0x2ce: {  	v23 =	vshll.u32 v42, $0x4;
	v6 =	vadd.f32 v7, v6  }
0x2cf: {  	v30 =	vld [tilespmem:$0x1FE20];
	v7 =	vor.u32 v0, v23;
	v4 =	vmul.f32 $4.999999890e-03, v4  }
0x2d0: {  	v24 =	vshll.u32 v33, $0x4;
	v5 =	vadd.f32 v19, v6  }
0x2d1: {  	v25 =	vor.u32 v0, v24;
	v4 =	vadd.f32 v2, v4  }
0x2d2: {  	v31 =	vld [tilespmem:$0x1FE90];
	v26 =	vshll.u32 v27, $0x4;
	v5 =	vadd.f32 v22, v5;
	v27 =	vpop (erf)  }
0x2d3: {  	v33 =	vld [tilespmem:$0x1FF60];
	v10 =	vor.u32 v0, v26;
	v4 =	vsub.f32 $0.0e+00, v4;
	v28 =	vpop (erf)  }
0x2d4: {  	v12 =	vshll.u32 v30, $0x4;
	v7 =	vld.idx.msk [tilespmem:v7+s13+$0x0], $0xffff;
	v5 =	vadd.f32 v56, v5;
	v11 =	vadd.f32 $1.000000000e+00, v28  }
0x2d5: {  	v35 =	vld [tilespmem:$0x1FE70];
	v12 =	vor.u32 v0, v12;
	v4 =	vmul.f32 $1.442695020e+00, v4  }
0x2d6: {  	v1 =	vor.u32 v0, v1;
	v6 =	vld.idx.msk [tilespmem:v25+s13+$0x0], $0xffff;
	v5 =	vadd.f32 v41, v5;
	(erf) = vrcp.f32 v11  }
0x2d7: {  	(erf) = vpow2.f32 v4  }
0x2d8: {  	v32 =	vld.idx.msk [tilespmem:v10+s13+$0x0], $0xffff;
	v4 =	vadd.f32 v31, v5  }
0x2d9: {  	v34 =	vor.u32 v0, v59;
	v45 =	vld [tilespmem:$0x1FE50];
	v7 =	vadd.f32 v7, v33  }
0x2da: {  	v38 =	vld.idx.msk [tilespmem:v12+s13+$0x0], $0xffff;
	v4 =	vadd.f32 v35, v4  }
0x2db: {  	v1 =	vld.idx.msk [tilespmem:v1+s13+$0x0], $0xffff;
	v39 =	vshll.u32 v37, $0x4;
	v40 =	vor.u32 v0, v52;
	v6 =	vadd.f32 v6, v7  }
0x2dc: {  	v48 =	vld [tilespmem:$0x1FE30];
	v7 =	vor.u32 v0, v39;
	v4 =	vmul.f32 $4.999999890e-03, v4  }
0x2dd: {  	v42 =	vor.u32 v0, v44;
	v49 =	vld [tilespmem:$0x1FDF0];
	v41 =	vshll.u32 v29, $0x4;
	v5 =	vadd.f32 v32, v6  }
0x2de: {  	v10 =	vld.idx.msk [tilespmem:v34+s13+$0x0], $0xffff;
	v44 =	vor.u32 v0, v41;
	v4 =	vadd.f32 v2, v4  }
0x2df: {  	v13 =	vshll.u32 v45, $0x4;
	v53 =	vld [tilespmem:$0x1FF70];
	v5 =	vadd.f32 v38, v5;
	v46 =	vpop (erf)  }
0x2e0: {  	v13 =	vor.u32 v0, v13;
	v12 =	vld.idx.msk [tilespmem:v40+s13+$0x0], $0xffff;
	v4 =	vsub.f32 $0.0e+00, v4;
	v47 =	vpop (erf)  }
0x2e1: {  	v7 =	vld.idx.msk [tilespmem:v7+s13+$0x0], $0xffff;
	v1 =	vadd.f32 v1, v5;
	v5 =	vshll.u32 v48, $0x4;
	v15 =	vadd.f32 $1.000000000e+00, v47  }
0x2e2: {  	v14 =	vld.idx.msk [tilespmem:v42+s13+$0x0], $0xffff;
	v5 =	vor.u32 v0, v5;
	v4 =	vmul.f32 $1.442695020e+00, v4  }
0x2e3: {  	v6 =	vld.idx.msk [tilespmem:v44+s13+$0x0], $0xffff;
	v1 =	vadd.f32 v10, v1;
	v10 =	vshll.u32 v49, $0x4;
	(erf) = vrcp.f32 v15  }
0x2e4: {  	v50 =	vor.u32 v0, v10;
	(erf) = vpow2.f32 v4  }
0x2e5: {  	v52 =	vld.idx.msk [tilespmem:v13+s13+$0x0], $0xffff;
	v1 =	vadd.f32 v12, v1  }
0x2e6: {  	v54 =	vor.u32 v0, v51;
	v7 =	vadd.f32 v7, v53  }
0x2e7: {  	v1 =	vadd.f32 v14, v1;
	v5 =	vld.idx.msk [tilespmem:v5+s13+$0x0], $0xffff  }
0x2e8: {  	v55 =	vor.u32 v0, v43;
	v6 =	vadd.f32 v6, v7  }
0x2e9: {  	v4 =	vld.idx.msk [tilespmem:v50+s13+$0x0], $0xffff;
	v1 =	vmul.f32 $4.999999890e-03, v1  }
0x2ea: {  	v56 =	vor.u32 v0, v36;
	v6 =	vadd.f32 v52, v6  }
0x2eb: {  	v57 =	vld.idx.msk [tilespmem:v54+s13+$0x0], $0xffff;
	v1 =	vadd.f32 v2, v1  }
0x2ec: {  	v5 =	vadd.f32 v5, v6;
	v58 =	vpop (erf)  }
0x2ed: {  	v7 =	vld.idx.msk [tilespmem:v55+s13+$0x0], $0xffff;
	v1 =	vsub.f32 $0.0e+00, v1;
	v59 =	vpop (erf)  }
0x2ee: {  	v4 =	vadd.f32 v4, v5;
	v60 =	vadd.f32 $1.000000000e+00, v59  }
0x2ef: {  	v61 =	vld.idx.msk [tilespmem:v56+s13+$0x0], $0xffff;
	v1 =	vmul.f32 $1.442695020e+00, v1  }
0x2f0: {  	v4 =	vadd.f32 v57, v4;
	(erf) = vrcp.f32 v60  }
0x2f1: {  	(erf) = vpow2.f32 v1  }
0x2f2: {  	v1 =	vadd.f32 v7, v4;
	_ =	sdelay $0x1  }
0x2f3: {  	v1 =	vadd.f32 v61, v1;
	_ =	sdelay $0x1  }
0x2f4: {  	v1 =	vmul.f32 $4.999999890e-03, v1;
	_ =	sdelay $0x1  }
0x2f5: {  	v1 =	vadd.f32 v2, v1  }
0x2f6: {  	v2 =	vpop (erf)  }
0x2f7: {  	v1 =	vsub.f32 $0.0e+00, v1;
	v62 =	vpop (erf)  }
0x2f8: {  	v4 =	vadd.f32 $1.000000000e+00, v62  }
0x2f9: {  	v1 =	vmul.f32 $1.442695020e+00, v1  }
0x2fa: {  	(erf) = vrcp.f32 v4  }
0x2fb: {  	(erf) = vpow2.f32 v1;
	_ =	sdelay $0x7  }
0x2fc: {  	v1 =	vpop (erf)  }
0x2fd: {  	v63 =	vpop (erf)  }
0x2fe: {  	v4 =	vadd.f32 $1.000000000e+00, v63;
	_ =	sdelay $0x1  }
0x2ff: {  	(erf) = vrcp.f32 v4;
	_ =	sdelay $0x2  }
0x300: {  	[tilespmem:$0x9900] =	vst v3  }
0x301: {  	[tilespmem:$0x9910] =	vst v8  }
0x302: {  	[tilespmem:$0x9920] =	vst v27  }
0x303: {  	[tilespmem:$0x9930] =	vst v46  }
0x304: {  	[tilespmem:$0x9940] =	vst v58  }
0x305: {  	[tilespmem:$0x9950] =	vst v2  }
0x306: {  	[tilespmem:$0x9960] =	vst v1;
	v1 =	vpop (erf)  }
0x307: {  	[tilespmem:$0x9970] =	vst v1  }
0x308: {  	[hbm4b:s7+s3] =	stream.linear.scatter [tilespmem:s14], [sflag:$0x1], $0x80, $0x38;
	[tilespmem:$0x9980] =	vst v63  }
0x309: {  	_ =	swait.ge [sflag:s9], $0x80  }
0x30a: {  	v48 =	vld [tilespmem:$0x1FFA0]  }
0x30b: {  	s15 =	sadd.s32 $0x1, s15;
	v49 =	vld [tilespmem:$0x1FFB0]  }
0x30c: {  	p0 =	sne.s32 s15, s8;
	v54 =	vld [tilespmem:$0x1FFC0]  }
.Ltmp1:
0x30d: {  	v55 =	vld [tilespmem:$0x1FFE0];
	(pc) =	sbr.rel @p0 .LBB2_1-.Ltmp1, $4  }
0x30e: {  	v56 =	vld [tilespmem:$0x1FFD0]  }
0x30f: {  	v58 =	vld [tilespmem:$0x1FFF0]  }
0x310: {  	[sflag:s9] =	ssyncset.done $0x0;
	v42 =	vld [tilespmem:$0x1FF90]  }
0x311: {  	v43 =	vld [tilespmem:$0x1FF80];
	[sflag:s9] =	ssyncadd.s32 $0xFFFFFF80  }
0x312: {  	_ =	sfence.sel $0x180000  }
0x313: {  	[bflag:$0x0] =	sbarrier.arrive $0xFFFF  }
0x314: {  	p0 =	sne.s32 s0, $0x0;
	_ =	strace $0x90000047  }
0x315: {  	s0 =	sadd.s32 @!p0 $0x100000, s2;
	[bflag:$0x2] =	sbarrier.arrive $0xFFFF  }
0x316: {  	[sflag:s0] =	ssyncadd.tile.s32 @!p0 $0x1;
	_ =	shalt  }
.Lfunc_end2:
_tile_overlayer_lowered:
.L_overlay_start_2:
0x317: {  	(tag) =	ssettag $0x2  }
0x318: {  	s0 =	rddreg [dreg:$0x0];
	s2 =	stileid.u32  }
0x319: {  	s1 =	rddreg [dreg:$0x1];
	p0 =	sne.s32 s2, $0x0  }
0x31a: {  	s3 =	rddreg [dreg:$0x2];
	[bflag:$0x3] =	sbarrier.arrive $0xFFFF;
	s2 =	simm.s32 @!p0 $0x1C01  }
0x31b: {  	[timem:s3], [sflag:s2] =	dma.local @!p0 [hbm:s0], s1  }
0x31c: {  	s0 =	simm.s32 @!p0 $0x1  }
0x31d: {  	_ =	swait.ge @!p0 [sflag:s0], s1  }
0x31e: {  	s1 =	ssub.s32 @!p0 $0x0, s1;
	[sflag:s0] =	ssyncset.done @!p0 $0x0  }
0x31f: {  	[sflag:s0] =	ssyncadd.s32 @!p0 s1  }
0x320: {  	[bflag:$0x3] =	sbarrier.arrive $0xFFFF  }
0x321: {  	_ =	shalt  }

</sc_bundles>
